<compile_context>
chip_gen: v7x
topology: tpu7x:2x2x1
jax: 0.10.2.dev20260603
libtpu: 0.0.44.dev20260713+nightly
codegen_flags: <defaults>
</compile_context>

<pallas_src>
import jax
import jax.numpy as jnp
from jax import lax
from jax.experimental import pallas as pl
from jax.experimental.pallas import tpu as pltpu
from jax.experimental.pallas import tpu_sc as plsc

N = 10000
E = 160000
C = 128
NSPH = 4
NEL = 10
AVG_NEIGH = 16.0

NCHUNK = 4
CW = C // NCHUNK
B = 80
NBATCH = E // B
NBATCH_P = 2048
E_P = NBATCH_P * B
BATCH_PER_TILE = NBATCH_P // 16
EDGES_PER_TILE = BATCH_PER_TILE * B
N_P = 10112
NODE_ROWS_PER_TILE = N_P // 16
ZCH = 88


def _up_body(x_ref, w_ref, out_ref):
    out_ref[...] = jnp.dot(x_ref[...], w_ref[...],
                           preferred_element_type=jnp.float32)


def _linear_up(node_feats, w_up):
    blk = 1000
    return pl.pallas_call(
        _up_body,
        grid=(N // blk,),
        in_specs=[
            pl.BlockSpec((blk, C), lambda i: (i, 0)),
            pl.BlockSpec((C, C), lambda i: (0, 0)),
        ],
        out_specs=pl.BlockSpec((blk, C), lambda i: (i, 0)),
        out_shape=jax.ShapeDtypeStruct((N, C), jnp.float32),
    )(node_feats, w_up)


def _eft_body(x_ref, out_ref):
    x = x_ref[...]
    for cc in range(NCHUNK):
        out_ref[cc, :, 0:CW] = x[:, cc * CW:(cc + 1) * CW]
        out_ref[cc, :, CW:2 * CW] = x[:, C + cc * CW:C + (cc + 1) * CW]


def _transpose_ef(edge_feats):
    blk = 640
    return pl.pallas_call(
        _eft_body,
        grid=(E // blk,),
        in_specs=[pl.BlockSpec((blk, 2 * C), lambda i: (i, 0))],
        out_specs=pl.BlockSpec((NCHUNK, blk, 2 * CW), lambda i: (0, i, 0)),
        out_shape=jax.ShapeDtypeStruct((NCHUNK, E, 2 * CW), jnp.float32),
    )(edge_feats)


def _w2_body(wl_ref, ws_ref, out_ref):
    out_ref[0, 0] = jnp.dot(
        wl_ref[0], ws_ref[0, 0], preferred_element_type=jnp.float32
    ) * (1.0 / AVG_NEIGH)


def _combine_weights(w_lin, w_skip):
    return pl.pallas_call(
        _w2_body,
        grid=(NEL, 2),
        in_specs=[
            pl.BlockSpec((1, C, C), lambda e, l: (l, 0, 0)),
            pl.BlockSpec((1, 1, C, C), lambda e, l: (e, l, 0, 0)),
        ],
        out_specs=pl.BlockSpec((1, 1, C, C), lambda e, l: (e, l, 0, 0)),
        out_shape=jax.ShapeDtypeStruct((NEL, 2, C, C), jnp.float32),
    )(w_lin, w_skip)


def _sc_body(h, attrs, eft, send2d, recv2d, msg,
             send_v, recv_v, a_v, ef_v, g_v, stage_v, acc, gsem):
    core = lax.axis_index("c")
    t = lax.axis_index("s")

    limit = jnp.where(t == 15, BATCH_PER_TILE - 48, BATCH_PER_TILE)

    for cc in range(2):
        ccg = 2 * core + cc
        col0 = ccg * CW

        def _zb(i, carry):
            for hh in range(8):
                stage_v[i, pl.ds(hh * 16, 16)] = jnp.zeros((16,), jnp.float32)
            return carry
        lax.fori_loop(0, B, _zb, 0)
        for k in range(7):
            pltpu.sync_copy(
                stage_v, acc.at[pl.ds(t * NODE_ROWS_PER_TILE + k * B, B)])
        pltpu.sync_copy(
            stage_v.at[pl.ds(0, NODE_ROWS_PER_TILE - 7 * B)],
            acc.at[pl.ds(t * NODE_ROWS_PER_TILE + 7 * B,
                         NODE_ROWS_PER_TILE - 7 * B)])
        plsc.subcore_barrier()

        def _batch(b, carry):
            e0 = t * EDGES_PER_TILE + b * B

            @pl.when(b % 32 == 0)
            def _():
                j = b // 32
                pltpu.sync_copy(
                    recv2d.at[pl.ds(t * BATCH_PER_TILE + j * 32, 32)], recv_v)
                pltpu.sync_copy(
                    send2d.at[pl.ds(t * BATCH_PER_TILE + j * 32, 32)], send_v)

            @pl.when(b % 16 == 0)
            def _():
                j = b // 16
                pltpu.sync_copy(attrs.at[pl.ds(t * 320 + j * 40, 40)], a_v)

            bl = b % 32
            pltpu.async_copy(h.at[send_v.at[bl]], g_v, gsem).wait()
            pltpu.sync_copy(eft.at[ccg, pl.ds(e0, B), :], ef_v)

            def _group(grp, c2):
                i_grp = (b % 16) * (B // 4) + grp
                arow = a_v[i_grp >> 3, pl.ds((i_grp & 7) * 16, 16)]
                for k in range(4):
                    e = grp * 4 + k
                    a0 = arow[4 * k + 0]
                    a1 = arow[4 * k + 1]
                    a2 = arow[4 * k + 2]
                    a3 = arow[4 * k + 3]
                    for hh in range(2):
                        sl = pl.ds(hh * 16, 16)
                        g = g_v[e, pl.ds(col0 + hh * 16, 16)]
                        u0 = ef_v[e, sl] * g
                        u1 = ef_v[e, pl.ds(CW + hh * 16, 16)] * g
                        stage_v[e, sl] = a0 * u0
                        stage_v[e, pl.ds(CW + hh * 16, 16)] = a1 * u1
                        stage_v[e, pl.ds(2 * CW + hh * 16, 16)] = a2 * u1
                        stage_v[e, pl.ds(3 * CW + hh * 16, 16)] = a3 * u1
                return c2
            lax.fori_loop(0, B // 4, _group, 0)

            pltpu.sync_copy(stage_v, acc.at[recv_v.at[bl]], add=True)
            return carry
        lax.fori_loop(0, limit, _batch, 0)

        plsc.subcore_barrier()
        pltpu.sync_copy(
            acc.at[pl.ds(t * NODE_ROWS_PER_TILE, NODE_ROWS_PER_TILE)],
            msg.at[ccg, pl.ds(t * NODE_ROWS_PER_TILE, NODE_ROWS_PER_TILE), :])
        plsc.subcore_barrier()


def _message_passing(h, attrs, eft, send2d, recv2d):
    mesh = plsc.VectorSubcoreMesh(core_axis_name="c", subcore_axis_name="s")
    return pl.kernel(
        _sc_body,
        out_type=jax.ShapeDtypeStruct((NCHUNK, N_P, C), jnp.float32),
        mesh=mesh,
        scratch_types=[
            pltpu.VMEM((32, B), jnp.int32),
            pltpu.VMEM((32, B), jnp.int32),
            pltpu.VMEM((40, 128), jnp.float32),
            pltpu.VMEM((B, 2 * CW), jnp.float32),
            pltpu.VMEM((B, C), jnp.float32),
            pltpu.VMEM((B, C), jnp.float32),
            pltpu.VMEM_SHARED((N_P, C), jnp.float32),
            pltpu.SemaphoreType.DMA,
        ],
    )(h, attrs, eft, send2d, recv2d)


def _out_body(msg_ref, na_ref, w2_ref, out_ref):
    na = na_ref[...]
    maxv = jnp.max(na, axis=1, keepdims=True)
    iota = lax.broadcasted_iota(jnp.int32, na.shape, 1)
    elem = jnp.min(jnp.where(na == maxv, iota, NEL), axis=1, keepdims=True)
    for m in range(NSPH):
        l = 0 if m == 0 else 1
        x_m = jnp.concatenate(
            [msg_ref[cc, :, m * CW:(m + 1) * CW] for cc in range(NCHUNK)],
            axis=-1)
        acc = jnp.zeros(x_m.shape, jnp.float32)
        for e in range(NEL):
            sel = (elem == e).astype(jnp.float32)
            acc = acc + sel * jnp.dot(
                x_m, w2_ref[e, l], preferred_element_type=jnp.float32)
        out_ref[:, m, :] = acc


def _skip_mix(msg, node_attrs, w2):
    blk = 1000
    return pl.pallas_call(
        _out_body,
        grid=(N // blk,),
        in_specs=[
            pl.BlockSpec((NCHUNK, blk, C), lambda i: (0, i, 0)),
            pl.BlockSpec((blk, NEL), lambda i: (i, 0)),
            pl.BlockSpec((NEL, 2, C, C), lambda i: (0, 0, 0, 0)),
        ],
        out_specs=pl.BlockSpec((blk, NSPH, C), lambda i: (i, 0, 0)),
        out_shape=jax.ShapeDtypeStruct((N, NSPH, C), jnp.float32),
    )(msg, node_attrs, w2)


def kernel(node_attrs, node_feats, edge_attrs, edge_feats, W_up, W_lin,
           W_skip, edge_index):
    sender = edge_index[1]
    receiver = edge_index[0]
    npad = E_P - E
    sender_p = jnp.concatenate(
        [sender, jnp.zeros((npad,), jnp.int32)])
    receiver_p = jnp.concatenate(
        [receiver,
         N + (jnp.arange(npad, dtype=jnp.int32) % 16)])
    send2d = sender_p.reshape(NBATCH_P, B)
    recv2d = receiver_p.reshape(NBATCH_P, B)
    attrs = jnp.concatenate(
        [edge_attrs.reshape(E * NSPH),
         jnp.zeros((npad * NSPH,), jnp.float32)]).reshape(E_P // 32, 128)

    h = _linear_up(node_feats, W_up)
    eft = _transpose_ef(edge_feats)
    w2 = _combine_weights(W_lin, W_skip)
    msg = _message_passing(h, attrs, eft, send2d, recv2d)
    return _skip_mix(msg, node_attrs, w2)

# --- scband reference (transcript-rebuilt; emitter-appended) ---
"""Pipeline reference for scband-optimized-invariant-mace-5738076308128 (READ-ONLY COPY).

The authoritative reference and input builder live on the scoring server;
editing this copy changes nothing except your own understanding.
"""

import jax, jax.numpy as jnp
import numpy as np

N = 10000
E = 160000
C = 128
LMAX = 1
L = LMAX + 1
NSPH = (LMAX + 1) ** 2  # 4
NEL = 10
AVG_NEIGH = 16.0


def setup_inputs(seed: int = 0) -> dict:
    key = jax.random.key(seed)
    ks = jax.random.split(key, 8)
    node_attrs = jax.random.uniform(ks[0], (N, NEL), dtype=jnp.float32)
    node_feats = jax.random.normal(ks[1], (N, C), dtype=jnp.float32)
    edge_attrs = jax.random.normal(ks[2], (E, NSPH), dtype=jnp.float32)
    edge_feats = jax.random.normal(ks[3], (E, L * C), dtype=jnp.float32)
    edge_index = jax.random.randint(ks[4], (2, E), 0, N, dtype=jnp.int32)
    # learned parameters
    W_up = jax.random.normal(ks[5], (C, C), dtype=jnp.float32) / jnp.sqrt(C)
    W_lin = jax.random.normal(ks[6], (L, C, C), dtype=jnp.float32) / jnp.sqrt(C)
    W_skip = jax.random.normal(ks[7], (NEL, L, C, C), dtype=jnp.float32) / jnp.sqrt(C * NEL)
    return {
        'node_attrs': node_attrs,
        'node_feats': node_feats,
        'edge_attrs': edge_attrs,
        'edge_feats': edge_feats,
        'W_up': W_up,
        'W_lin': W_lin,
        'W_skip': W_skip,
        'edge_index': edge_index,
    }


def reference(node_attrs, node_feats, edge_attrs, edge_feats, W_up, W_lin, W_skip, edge_index):
    # Faithful jax translation of InvariantInteraction.forward (MACE invariant interaction block)
    sender = edge_index[1]
    receiver = edge_index[0]
    n_nodes = node_feats.shape[0]
    n_edges = edge_attrs.shape[0]
    # map spherical-harmonic component m -> angular momentum l (lmax=1: [0,1,1,1])
    l_of_m = jnp.concatenate([jnp.full((2 * l + 1,), l, dtype=jnp.int32) for l in range(LMAX + 1)])
    # linear_up: channel-mixing matmul on invariant node features
    h = node_feats @ W_up  # [N, C]
    # InvariantMessagePassingTP: per-edge tensor product + scatter-sum to receiver
    ef = edge_feats.reshape(n_edges, L, C)  # radial weights per l
    gathered = jnp.take(h, sender, axis=0)  # [E, C] gather (memory-bound)
    per_edge = edge_attrs[:, :, None] * ef[:, l_of_m, :] * gathered[:, None, :]  # [E, NSPH, C]
    message = jax.ops.segment_sum(per_edge, receiver, num_segments=n_nodes)  # [N, NSPH, C] scatter-add
    # linear: per-l channel mixing, then normalize by avg num neighbors
    mixed = jnp.einsum('nmc,mcd->nmd', message, W_lin[l_of_m]) / AVG_NEIGH  # [N, NSPH, C]
    # skip_tp (ElementalLinear): per-element, per-l channel mixing selected by argmax of node_attrs
    elem = jnp.argmax(node_attrs, axis=-1)  # [N] int
    onehot = jax.nn.one_hot(elem, NEL, dtype=mixed.dtype)  # [N, NEL]
    Wm = W_skip[:, l_of_m]  # [NEL, NSPH, C, C] (small)
    tmp = jnp.einsum('nmc,emcd->enmd', mixed, Wm)  # [NEL, N, NSPH, C]
    out = jnp.einsum('ne,enmd->nmd', onehot, tmp)  # [N, NSPH, C]
    return out

if __name__ == "__main__":
    import jax
    _d = setup_inputs()
    print(jax.jit(kernel)(*tuple(_d.values())))

</pallas_src>

<mosaic_0001>
#map = affine_map<(d0, d1) -> (0, 0)>
#map1 = affine_map<(d0, d1) -> (0, 0, 0)>
module attributes {stable_mosaic.version = 14 : i64} {
  func.func @_sc_body(%arg0: i32, %arg1: i32, %arg2: memref<10000x128xf32, #tpu.memory_space<hbm>>, %arg3: memref<5120x128xf32, #tpu.memory_space<hbm>>, %arg4: memref<4x160000x64xf32, #tpu.memory_space<hbm>>, %arg5: memref<2048x80xi32, #tpu.memory_space<hbm>>, %arg6: memref<2048x80xi32, #tpu.memory_space<hbm>>, %arg7: memref<4x10112x128xf32, #tpu.memory_space<hbm>>, %arg8: memref<32x80xi32, #tpu.memory_space<vmem>>, %arg9: memref<32x80xi32, #tpu.memory_space<vmem>>, %arg10: memref<40x128xf32, #tpu.memory_space<vmem>>, %arg11: memref<80x64xf32, #tpu.memory_space<vmem>>, %arg12: memref<80x128xf32, #tpu.memory_space<vmem>>, %arg13: memref<80x128xf32, #tpu.memory_space<vmem>>, %arg14: memref<10112x128xf32, #tpu.memory_space<vmem_shared>>, %arg15: memref<!tpu.dma_semaphore, #tpu.memory_space<semaphore_mem>>) attributes {dimension_semantics = [#tpu.dimension_semantics<core_parallel>, #tpu.dimension_semantics<subcore_parallel>], iteration_bounds = array<i64: 2, 16>, scalar_prefetch = 0 : i64, scratch_operands = 8 : i64, tpu.core_type = #tpu.core_type<sc_vector_subcore>, window_params = [{transform_indices = #map}, {transform_indices = #map}, {transform_indices = #map1}, {transform_indices = #map}, {transform_indices = #map}, {transform_indices = #map1}]} {
    %eq3A = arith.constant 15 : i32
    %eq3A_0 = arith.cmpi eq, %arg1, %eq3A : i32
    %jit3A = arith.constant 80 : i32
    %jit3A_1 = arith.constant 128 : i32
    %select_n3A = arith.select %eq3A_0, %jit3A, %jit3A_1 : i32
    %mul3A = arith.constant 2 : i32
    %mul3A_2 = arith.muli %mul3A, %arg0 : i32
    %add3A = arith.constant 0 : i32
    %add3A_3 = arith.addi %mul3A_2, %add3A : i32
    %mul3A_4 = arith.constant 32 : i32
    %mul3A_5 = arith.muli %add3A_3, %mul3A_4 : i32
    %scan3A = arith.constant 0 : i32
    %scan3A_6 = arith.constant 0 : i32
    %scan3A_7 = arith.constant 80 : i32
    %scan3A_8 = arith.addi %scan3A_6, %scan3A_7 : i32
    %scan3A_9 = arith.constant 1 : i32
    scf.for %scan3A_119 = %scan3A_6 to %scan3A_8 step %scan3A_9  : i32 {
      %broadcast_in_dim3A = arith.constant 0.000000e+00 : f32
      %broadcast_in_dim3A_120 = vector.broadcast %broadcast_in_dim3A : f32 to vector<16xf32>
      %swap3A = arith.index_cast %scan3A_119 : i32 to index
      %swap3A_121 = arith.constant 0 : index
      %swap3A_122 = tpu.vector_load %arg13[%swap3A, %swap3A_121] {strides = array<i32>} : memref<80x128xf32, #tpu.memory_space<vmem>>, vector<1x16xf32>,
      %swap3A_123 = vector.shape_cast %swap3A_122 : vector<1x16xf32> to vector<16xf32>
      %swap3A_124 = vector.shape_cast %broadcast_in_dim3A_120 : vector<16xf32> to vector<1x16xf32>
      tpu.vector_store %arg13[%swap3A, %swap3A_121], %swap3A_124 {strides = array<i32>} : memref<80x128xf32, #tpu.memory_space<vmem>>, vector<1x16xf32>,
      %broadcast_in_dim3A_125 = arith.constant 0.000000e+00 : f32
      %broadcast_in_dim3A_126 = vector.broadcast %broadcast_in_dim3A_125 : f32 to vector<16xf32>
      %swap3A_127 = arith.index_cast %scan3A_119 : i32 to index
      %swap3A_128 = arith.constant 16 : index
      %swap3A_129 = tpu.vector_load %arg13[%swap3A_127, %swap3A_128] {strides = array<i32>} : memref<80x128xf32, #tpu.memory_space<vmem>>, vector<1x16xf32>,
      %swap3A_130 = vector.shape_cast %swap3A_129 : vector<1x16xf32> to vector<16xf32>
      %swap3A_131 = vector.shape_cast %broadcast_in_dim3A_126 : vector<16xf32> to vector<1x16xf32>
      tpu.vector_store %arg13[%swap3A_127, %swap3A_128], %swap3A_131 {strides = array<i32>} : memref<80x128xf32, #tpu.memory_space<vmem>>, vector<1x16xf32>,
      %broadcast_in_dim3A_132 = arith.constant 0.000000e+00 : f32
      %broadcast_in_dim3A_133 = vector.broadcast %broadcast_in_dim3A_132 : f32 to vector<16xf32>
      %swap3A_134 = arith.index_cast %scan3A_119 : i32 to index
      %swap3A_135 = arith.constant 32 : index
      %swap3A_136 = tpu.vector_load %arg13[%swap3A_134, %swap3A_135] {strides = array<i32>} : memref<80x128xf32, #tpu.memory_space<vmem>>, vector<1x16xf32>,
      %swap3A_137 = vector.shape_cast %swap3A_136 : vector<1x16xf32> to vector<16xf32>
      %swap3A_138 = vector.shape_cast %broadcast_in_dim3A_133 : vector<16xf32> to vector<1x16xf32>
      tpu.vector_store %arg13[%swap3A_134, %swap3A_135], %swap3A_138 {strides = array<i32>} : memref<80x128xf32, #tpu.memory_space<vmem>>, vector<1x16xf32>,
      %broadcast_in_dim3A_139 = arith.constant 0.000000e+00 : f32
      %broadcast_in_dim3A_140 = vector.broadcast %broadcast_in_dim3A_139 : f32 to vector<16xf32>
      %swap3A_141 = arith.index_cast %scan3A_119 : i32 to index
      %swap3A_142 = arith.constant 48 : index
      %swap3A_143 = tpu.vector_load %arg13[%swap3A_141, %swap3A_142] {strides = array<i32>} : memref<80x128xf32, #tpu.memory_space<vmem>>, vector<1x16xf32>,
      %swap3A_144 = vector.shape_cast %swap3A_143 : vector<1x16xf32> to vector<16xf32>
      %swap3A_145 = vector.shape_cast %broadcast_in_dim3A_140 : vector<16xf32> to vector<1x16xf32>
      tpu.vector_store %arg13[%swap3A_141, %swap3A_142], %swap3A_145 {strides = array<i32>} : memref<80x128xf32, #tpu.memory_space<vmem>>, vector<1x16xf32>,
      %broadcast_in_dim3A_146 = arith.constant 0.000000e+00 : f32
      %broadcast_in_dim3A_147 = vector.broadcast %broadcast_in_dim3A_146 : f32 to vector<16xf32>
      %swap3A_148 = arith.index_cast %scan3A_119 : i32 to index
      %swap3A_149 = arith.constant 64 : index
      %swap3A_150 = tpu.vector_load %arg13[%swap3A_148, %swap3A_149] {strides = array<i32>} : memref<80x128xf32, #tpu.memory_space<vmem>>, vector<1x16xf32>,
      %swap3A_151 = vector.shape_cast %swap3A_150 : vector<1x16xf32> to vector<16xf32>
      %swap3A_152 = vector.shape_cast %broadcast_in_dim3A_147 : vector<16xf32> to vector<1x16xf32>
      tpu.vector_store %arg13[%swap3A_148, %swap3A_149], %swap3A_152 {strides = array<i32>} : memref<80x128xf32, #tpu.memory_space<vmem>>, vector<1x16xf32>,
      %broadcast_in_dim3A_153 = arith.constant 0.000000e+00 : f32
      %broadcast_in_dim3A_154 = vector.broadcast %broadcast_in_dim3A_153 : f32 to vector<16xf32>
      %swap3A_155 = arith.index_cast %scan3A_119 : i32 to index
      %swap3A_156 = arith.constant 80 : index
      %swap3A_157 = tpu.vector_load %arg13[%swap3A_155, %swap3A_156] {strides = array<i32>} : memref<80x128xf32, #tpu.memory_space<vmem>>, vector<1x16xf32>,
      %swap3A_158 = vector.shape_cast %swap3A_157 : vector<1x16xf32> to vector<16xf32>
      %swap3A_159 = vector.shape_cast %broadcast_in_dim3A_154 : vector<16xf32> to vector<1x16xf32>
      tpu.vector_store %arg13[%swap3A_155, %swap3A_156], %swap3A_159 {strides = array<i32>} : memref<80x128xf32, #tpu.memory_space<vmem>>, vector<1x16xf32>,
      %broadcast_in_dim3A_160 = arith.constant 0.000000e+00 : f32
      %broadcast_in_dim3A_161 = vector.broadcast %broadcast_in_dim3A_160 : f32 to vector<16xf32>
      %swap3A_162 = arith.index_cast %scan3A_119 : i32 to index
      %swap3A_163 = arith.constant 96 : index
      %swap3A_164 = tpu.vector_load %arg13[%swap3A_162, %swap3A_163] {strides = array<i32>} : memref<80x128xf32, #tpu.memory_space<vmem>>, vector<1x16xf32>,
      %swap3A_165 = vector.shape_cast %swap3A_164 : vector<1x16xf32> to vector<16xf32>
      %swap3A_166 = vector.shape_cast %broadcast_in_dim3A_161 : vector<16xf32> to vector<1x16xf32>
      tpu.vector_store %arg13[%swap3A_162, %swap3A_163], %swap3A_166 {strides = array<i32>} : memref<80x128xf32, #tpu.memory_space<vmem>>, vector<1x16xf32>,
      %broadcast_in_dim3A_167 = arith.constant 0.000000e+00 : f32
      %broadcast_in_dim3A_168 = vector.broadcast %broadcast_in_dim3A_167 : f32 to vector<16xf32>
      %swap3A_169 = arith.index_cast %scan3A_119 : i32 to index
      %swap3A_170 = arith.constant 112 : index
      %swap3A_171 = tpu.vector_load %arg13[%swap3A_169, %swap3A_170] {strides = array<i32>} : memref<80x128xf32, #tpu.memory_space<vmem>>, vector<1x16xf32>,
      %swap3A_172 = vector.shape_cast %swap3A_171 : vector<1x16xf32> to vector<16xf32>
      %swap3A_173 = vector.shape_cast %broadcast_in_dim3A_168 : vector<16xf32> to vector<1x16xf32>
      tpu.vector_store %arg13[%swap3A_169, %swap3A_170], %swap3A_173 {strides = array<i32>} : memref<80x128xf32, #tpu.memory_space<vmem>>, vector<1x16xf32>,
    }
    %scan3A_10 = arith.constant 80 : i32
    %mul3A_11 = arith.constant 632 : i32
    %mul3A_12 = arith.muli %arg1, %mul3A_11 : i32
    %add3A_13 = arith.constant 0 : i32
    %add3A_14 = arith.addi %mul3A_12, %add3A_13 : i32
    "tpu.region"() ({
      %run_scoped3A = tpu.sem_alloc : memref<!tpu.dma_semaphore, #tpu.memory_space<semaphore_mem>>
      %dma_start3A = arith.constant 0 : i32
      %dma_start3A_119 = tpu.memref_slice %arg14[%add3A_14, %dma_start3A] : memref<10112x128xf32, #tpu.memory_space<vmem_shared>> -> memref<80x128xf32, #tpu.memory_space<vmem_shared>>
      %dma_start3A_120 = arith.constant 0 : i32
      %dma_start3A_121 = tpu.memref_slice %arg14[%add3A_14, %dma_start3A_120] : memref<10112x128xf32, #tpu.memory_space<vmem_shared>> -> memref<80x128xf32, #tpu.memory_space<vmem_shared>>
      tpu.enqueue_dma source(%arg13 : memref<80x128xf32, #tpu.memory_space<vmem>>) target(%dma_start3A_121 : memref<80x128xf32, #tpu.memory_space<vmem_shared>>) target_semaphore(%run_scoped3A : memref<!tpu.dma_semaphore, #tpu.memory_space<semaphore_mem>>)
      %dma_wait3A = arith.constant 0 : i32
      %dma_wait3A_122 = tpu.memref_slice %arg14[%add3A_14, %dma_wait3A] : memref<10112x128xf32, #tpu.memory_space<vmem_shared>> -> memref<80x128xf32, #tpu.memory_space<vmem_shared>>
      %dma_wait3A_123 = arith.constant 0 : i32
      %dma_wait3A_124 = tpu.memref_slice %arg14[%add3A_14, %dma_wait3A_123] : memref<10112x128xf32, #tpu.memory_space<vmem_shared>> -> memref<80x128xf32, #tpu.memory_space<vmem_shared>>
      tpu.wait_dma2 semaphore(%run_scoped3A : memref<!tpu.dma_semaphore, #tpu.memory_space<semaphore_mem>>) src(%arg13 : memref<80x128xf32, #tpu.memory_space<vmem>>) dst(%dma_wait3A_124 : memref<80x128xf32, #tpu.memory_space<vmem_shared>>)
      tpu.yield
    }) : () -> ()
    %mul3A_15 = arith.constant 632 : i32
    %mul3A_16 = arith.muli %arg1, %mul3A_15 : i32
    %add3A_17 = arith.constant 80 : i32
    %add3A_18 = arith.addi %mul3A_16, %add3A_17 : i32
    "tpu.region"() ({
      %run_scoped3A = tpu.sem_alloc : memref<!tpu.dma_semaphore, #tpu.memory_space<semaphore_mem>>
      %dma_start3A = arith.constant 0 : i32
      %dma_start3A_119 = tpu.memref_slice %arg14[%add3A_18, %dma_start3A] : memref<10112x128xf32, #tpu.memory_space<vmem_shared>> -> memref<80x128xf32, #tpu.memory_space<vmem_shared>>
      %dma_start3A_120 = arith.constant 0 : i32
      %dma_start3A_121 = tpu.memref_slice %arg14[%add3A_18, %dma_start3A_120] : memref<10112x128xf32, #tpu.memory_space<vmem_shared>> -> memref<80x128xf32, #tpu.memory_space<vmem_shared>>
      tpu.enqueue_dma source(%arg13 : memref<80x128xf32, #tpu.memory_space<vmem>>) target(%dma_start3A_121 : memref<80x128xf32, #tpu.memory_space<vmem_shared>>) target_semaphore(%run_scoped3A : memref<!tpu.dma_semaphore, #tpu.memory_space<semaphore_mem>>)
      %dma_wait3A = arith.constant 0 : i32
      %dma_wait3A_122 = tpu.memref_slice %arg14[%add3A_18, %dma_wait3A] : memref<10112x128xf32, #tpu.memory_space<vmem_shared>> -> memref<80x128xf32, #tpu.memory_space<vmem_shared>>
      %dma_wait3A_123 = arith.constant 0 : i32
      %dma_wait3A_124 = tpu.memref_slice %arg14[%add3A_18, %dma_wait3A_123] : memref<10112x128xf32, #tpu.memory_space<vmem_shared>> -> memref<80x128xf32, #tpu.memory_space<vmem_shared>>
      tpu.wait_dma2 semaphore(%run_scoped3A : memref<!tpu.dma_semaphore, #tpu.memory_space<semaphore_mem>>) src(%arg13 : memref<80x128xf32, #tpu.memory_space<vmem>>) dst(%dma_wait3A_124 : memref<80x128xf32, #tpu.memory_space<vmem_shared>>)
      tpu.yield
    }) : () -> ()
    %mul3A_19 = arith.constant 632 : i32
    %mul3A_20 = arith.muli %arg1, %mul3A_19 : i32
    %add3A_21 = arith.constant 160 : i32
    %add3A_22 = arith.addi %mul3A_20, %add3A_21 : i32
    "tpu.region"() ({
      %run_scoped3A = tpu.sem_alloc : memref<!tpu.dma_semaphore, #tpu.memory_space<semaphore_mem>>
      %dma_start3A = arith.constant 0 : i32
      %dma_start3A_119 = tpu.memref_slice %arg14[%add3A_22, %dma_start3A] : memref<10112x128xf32, #tpu.memory_space<vmem_shared>> -> memref<80x128xf32, #tpu.memory_space<vmem_shared>>
      %dma_start3A_120 = arith.constant 0 : i32
      %dma_start3A_121 = tpu.memref_slice %arg14[%add3A_22, %dma_start3A_120] : memref<10112x128xf32, #tpu.memory_space<vmem_shared>> -> memref<80x128xf32, #tpu.memory_space<vmem_shared>>
      tpu.enqueue_dma source(%arg13 : memref<80x128xf32, #tpu.memory_space<vmem>>) target(%dma_start3A_121 : memref<80x128xf32, #tpu.memory_space<vmem_shared>>) target_semaphore(%run_scoped3A : memref<!tpu.dma_semaphore, #tpu.memory_space<semaphore_mem>>)
      %dma_wait3A = arith.constant 0 : i32
      %dma_wait3A_122 = tpu.memref_slice %arg14[%add3A_22, %dma_wait3A] : memref<10112x128xf32, #tpu.memory_space<vmem_shared>> -> memref<80x128xf32, #tpu.memory_space<vmem_shared>>
      %dma_wait3A_123 = arith.constant 0 : i32
      %dma_wait3A_124 = tpu.memref_slice %arg14[%add3A_22, %dma_wait3A_123] : memref<10112x128xf32, #tpu.memory_space<vmem_shared>> -> memref<80x128xf32, #tpu.memory_space<vmem_shared>>
      tpu.wait_dma2 semaphore(%run_scoped3A : memref<!tpu.dma_semaphore, #tpu.memory_space<semaphore_mem>>) src(%arg13 : memref<80x128xf32, #tpu.memory_space<vmem>>) dst(%dma_wait3A_124 : memref<80x128xf32, #tpu.memory_space<vmem_shared>>)
      tpu.yield
    }) : () -> ()
    %mul3A_23 = arith.constant 632 : i32
    %mul3A_24 = arith.muli %arg1, %mul3A_23 : i32
    %add3A_25 = arith.constant 240 : i32
    %add3A_26 = arith.addi %mul3A_24, %add3A_25 : i32
    "tpu.region"() ({
      %run_scoped3A = tpu.sem_alloc : memref<!tpu.dma_semaphore, #tpu.memory_space<semaphore_mem>>
      %dma_start3A = arith.constant 0 : i32
      %dma_start3A_119 = tpu.memref_slice %arg14[%add3A_26, %dma_start3A] : memref<10112x128xf32, #tpu.memory_space<vmem_shared>> -> memref<80x128xf32, #tpu.memory_space<vmem_shared>>
      %dma_start3A_120 = arith.constant 0 : i32
      %dma_start3A_121 = tpu.memref_slice %arg14[%add3A_26, %dma_start3A_120] : memref<10112x128xf32, #tpu.memory_space<vmem_shared>> -> memref<80x128xf32, #tpu.memory_space<vmem_shared>>
      tpu.enqueue_dma source(%arg13 : memref<80x128xf32, #tpu.memory_space<vmem>>) target(%dma_start3A_121 : memref<80x128xf32, #tpu.memory_space<vmem_shared>>) target_semaphore(%run_scoped3A : memref<!tpu.dma_semaphore, #tpu.memory_space<semaphore_mem>>)
      %dma_wait3A = arith.constant 0 : i32
      %dma_wait3A_122 = tpu.memref_slice %arg14[%add3A_26, %dma_wait3A] : memref<10112x128xf32, #tpu.memory_space<vmem_shared>> -> memref<80x128xf32, #tpu.memory_space<vmem_shared>>
      %dma_wait3A_123 = arith.constant 0 : i32
      %dma_wait3A_124 = tpu.memref_slice %arg14[%add3A_26, %dma_wait3A_123] : memref<10112x128xf32, #tpu.memory_space<vmem_shared>> -> memref<80x128xf32, #tpu.memory_space<vmem_shared>>
      tpu.wait_dma2 semaphore(%run_scoped3A : memref<!tpu.dma_semaphore, #tpu.memory_space<semaphore_mem>>) src(%arg13 : memref<80x128xf32, #tpu.memory_space<vmem>>) dst(%dma_wait3A_124 : memref<80x128xf32, #tpu.memory_space<vmem_shared>>)
      tpu.yield
    }) : () -> ()
    %mul3A_27 = arith.constant 632 : i32
    %mul3A_28 = arith.muli %arg1, %mul3A_27 : i32
    %add3A_29 = arith.constant 320 : i32
    %add3A_30 = arith.addi %mul3A_28, %add3A_29 : i32
    "tpu.region"() ({
      %run_scoped3A = tpu.sem_alloc : memref<!tpu.dma_semaphore, #tpu.memory_space<semaphore_mem>>
      %dma_start3A = arith.constant 0 : i32
      %dma_start3A_119 = tpu.memref_slice %arg14[%add3A_30, %dma_start3A] : memref<10112x128xf32, #tpu.memory_space<vmem_shared>> -> memref<80x128xf32, #tpu.memory_space<vmem_shared>>
      %dma_start3A_120 = arith.constant 0 : i32
      %dma_start3A_121 = tpu.memref_slice %arg14[%add3A_30, %dma_start3A_120] : memref<10112x128xf32, #tpu.memory_space<vmem_shared>> -> memref<80x128xf32, #tpu.memory_space<vmem_shared>>
      tpu.enqueue_dma source(%arg13 : memref<80x128xf32, #tpu.memory_space<vmem>>) target(%dma_start3A_121 : memref<80x128xf32, #tpu.memory_space<vmem_shared>>) target_semaphore(%run_scoped3A : memref<!tpu.dma_semaphore, #tpu.memory_space<semaphore_mem>>)
      %dma_wait3A = arith.constant 0 : i32
      %dma_wait3A_122 = tpu.memref_slice %arg14[%add3A_30, %dma_wait3A] : memref<10112x128xf32, #tpu.memory_space<vmem_shared>> -> memref<80x128xf32, #tpu.memory_space<vmem_shared>>
      %dma_wait3A_123 = arith.constant 0 : i32
      %dma_wait3A_124 = tpu.memref_slice %arg14[%add3A_30, %dma_wait3A_123] : memref<10112x128xf32, #tpu.memory_space<vmem_shared>> -> memref<80x128xf32, #tpu.memory_space<vmem_shared>>
      tpu.wait_dma2 semaphore(%run_scoped3A : memref<!tpu.dma_semaphore, #tpu.memory_space<semaphore_mem>>) src(%arg13 : memref<80x128xf32, #tpu.memory_space<vmem>>) dst(%dma_wait3A_124 : memref<80x128xf32, #tpu.memory_space<vmem_shared>>)
      tpu.yield
    }) : () -> ()
    %mul3A_31 = arith.constant 632 : i32
    %mul3A_32 = arith.muli %arg1, %mul3A_31 : i32
    %add3A_33 = arith.constant 400 : i32
    %add3A_34 = arith.addi %mul3A_32, %add3A_33 : i32
    "tpu.region"() ({
      %run_scoped3A = tpu.sem_alloc : memref<!tpu.dma_semaphore, #tpu.memory_space<semaphore_mem>>
      %dma_start3A = arith.constant 0 : i32
      %dma_start3A_119 = tpu.memref_slice %arg14[%add3A_34, %dma_start3A] : memref<10112x128xf32, #tpu.memory_space<vmem_shared>> -> memref<80x128xf32, #tpu.memory_space<vmem_shared>>
      %dma_start3A_120 = arith.constant 0 : i32
      %dma_start3A_121 = tpu.memref_slice %arg14[%add3A_34, %dma_start3A_120] : memref<10112x128xf32, #tpu.memory_space<vmem_shared>> -> memref<80x128xf32, #tpu.memory_space<vmem_shared>>
      tpu.enqueue_dma source(%arg13 : memref<80x128xf32, #tpu.memory_space<vmem>>) target(%dma_start3A_121 : memref<80x128xf32, #tpu.memory_space<vmem_shared>>) target_semaphore(%run_scoped3A : memref<!tpu.dma_semaphore, #tpu.memory_space<semaphore_mem>>)
      %dma_wait3A = arith.constant 0 : i32
      %dma_wait3A_122 = tpu.memref_slice %arg14[%add3A_34, %dma_wait3A] : memref<10112x128xf32, #tpu.memory_space<vmem_shared>> -> memref<80x128xf32, #tpu.memory_space<vmem_shared>>
      %dma_wait3A_123 = arith.constant 0 : i32
      %dma_wait3A_124 = tpu.memref_slice %arg14[%add3A_34, %dma_wait3A_123] : memref<10112x128xf32, #tpu.memory_space<vmem_shared>> -> memref<80x128xf32, #tpu.memory_space<vmem_shared>>
      tpu.wait_dma2 semaphore(%run_scoped3A : memref<!tpu.dma_semaphore, #tpu.memory_space<semaphore_mem>>) src(%arg13 : memref<80x128xf32, #tpu.memory_space<vmem>>) dst(%dma_wait3A_124 : memref<80x128xf32, #tpu.memory_space<vmem_shared>>)
      tpu.yield
    }) : () -> ()
    %mul3A_35 = arith.constant 632 : i32
    %mul3A_36 = arith.muli %arg1, %mul3A_35 : i32
    %add3A_37 = arith.constant 480 : i32
    %add3A_38 = arith.addi %mul3A_36, %add3A_37 : i32
    "tpu.region"() ({
      %run_scoped3A = tpu.sem_alloc : memref<!tpu.dma_semaphore, #tpu.memory_space<semaphore_mem>>
      %dma_start3A = arith.constant 0 : i32
      %dma_start3A_119 = tpu.memref_slice %arg14[%add3A_38, %dma_start3A] : memref<10112x128xf32, #tpu.memory_space<vmem_shared>> -> memref<80x128xf32, #tpu.memory_space<vmem_shared>>
      %dma_start3A_120 = arith.constant 0 : i32
      %dma_start3A_121 = tpu.memref_slice %arg14[%add3A_38, %dma_start3A_120] : memref<10112x128xf32, #tpu.memory_space<vmem_shared>> -> memref<80x128xf32, #tpu.memory_space<vmem_shared>>
      tpu.enqueue_dma source(%arg13 : memref<80x128xf32, #tpu.memory_space<vmem>>) target(%dma_start3A_121 : memref<80x128xf32, #tpu.memory_space<vmem_shared>>) target_semaphore(%run_scoped3A : memref<!tpu.dma_semaphore, #tpu.memory_space<semaphore_mem>>)
      %dma_wait3A = arith.constant 0 : i32
      %dma_wait3A_122 = tpu.memref_slice %arg14[%add3A_38, %dma_wait3A] : memref<10112x128xf32, #tpu.memory_space<vmem_shared>> -> memref<80x128xf32, #tpu.memory_space<vmem_shared>>
      %dma_wait3A_123 = arith.constant 0 : i32
      %dma_wait3A_124 = tpu.memref_slice %arg14[%add3A_38, %dma_wait3A_123] : memref<10112x128xf32, #tpu.memory_space<vmem_shared>> -> memref<80x128xf32, #tpu.memory_space<vmem_shared>>
      tpu.wait_dma2 semaphore(%run_scoped3A : memref<!tpu.dma_semaphore, #tpu.memory_space<semaphore_mem>>) src(%arg13 : memref<80x128xf32, #tpu.memory_space<vmem>>) dst(%dma_wait3A_124 : memref<80x128xf32, #tpu.memory_space<vmem_shared>>)
      tpu.yield
    }) : () -> ()
    %mul3A_39 = arith.constant 632 : i32
    %mul3A_40 = arith.muli %arg1, %mul3A_39 : i32
    %add3A_41 = arith.constant 560 : i32
    %add3A_42 = arith.addi %mul3A_40, %add3A_41 : i32
    "tpu.region"() ({
      %run_scoped3A = tpu.sem_alloc : memref<!tpu.dma_semaphore, #tpu.memory_space<semaphore_mem>>
      %dma_start3A = arith.constant 0 : i32
      %dma_start3A_119 = arith.constant 0 : i32
      %dma_start3A_120 = tpu.memref_slice %arg13[%dma_start3A, %dma_start3A_119] : memref<80x128xf32, #tpu.memory_space<vmem>> -> memref<72x128xf32, #tpu.memory_space<vmem>>
      %dma_start3A_121 = arith.constant 0 : i32
      %dma_start3A_122 = tpu.memref_slice %arg14[%add3A_42, %dma_start3A_121] : memref<10112x128xf32, #tpu.memory_space<vmem_shared>> -> memref<72x128xf32, #tpu.memory_space<vmem_shared>>
      %dma_start3A_123 = arith.constant 0 : i32
      %dma_start3A_124 = tpu.memref_slice %arg14[%add3A_42, %dma_start3A_123] : memref<10112x128xf32, #tpu.memory_space<vmem_shared>> -> memref<72x128xf32, #tpu.memory_space<vmem_shared>>
      %dma_start3A_125 = arith.constant 0 : i32
      %dma_start3A_126 = arith.constant 0 : i32
      %dma_start3A_127 = tpu.memref_slice %arg13[%dma_start3A_125, %dma_start3A_126] : memref<80x128xf32, #tpu.memory_space<vmem>> -> memref<72x128xf32, #tpu.memory_space<vmem>>
      tpu.enqueue_dma source(%dma_start3A_127 : memref<72x128xf32, #tpu.memory_space<vmem>>) target(%dma_start3A_124 : memref<72x128xf32, #tpu.memory_space<vmem_shared>>) target_semaphore(%run_scoped3A : memref<!tpu.dma_semaphore, #tpu.memory_space<semaphore_mem>>)
      %dma_wait3A = arith.constant 0 : i32
      %dma_wait3A_128 = arith.constant 0 : i32
      %dma_wait3A_129 = tpu.memref_slice %arg13[%dma_wait3A, %dma_wait3A_128] : memref<80x128xf32, #tpu.memory_space<vmem>> -> memref<72x128xf32, #tpu.memory_space<vmem>>
      %dma_wait3A_130 = arith.constant 0 : i32
      %dma_wait3A_131 = tpu.memref_slice %arg14[%add3A_42, %dma_wait3A_130] : memref<10112x128xf32, #tpu.memory_space<vmem_shared>> -> memref<72x128xf32, #tpu.memory_space<vmem_shared>>
      %dma_wait3A_132 = arith.constant 0 : i32
      %dma_wait3A_133 = tpu.memref_slice %arg14[%add3A_42, %dma_wait3A_132] : memref<10112x128xf32, #tpu.memory_space<vmem_shared>> -> memref<72x128xf32, #tpu.memory_space<vmem_shared>>
      %dma_wait3A_134 = arith.constant 0 : i32
      %dma_wait3A_135 = arith.constant 0 : i32
      %dma_wait3A_136 = tpu.memref_slice %arg13[%dma_wait3A_134, %dma_wait3A_135] : memref<80x128xf32, #tpu.memory_space<vmem>> -> memref<72x128xf32, #tpu.memory_space<vmem>>
      tpu.wait_dma2 semaphore(%run_scoped3A : memref<!tpu.dma_semaphore, #tpu.memory_space<semaphore_mem>>) src(%dma_wait3A_136 : memref<72x128xf32, #tpu.memory_space<vmem>>) dst(%dma_wait3A_133 : memref<72x128xf32, #tpu.memory_space<vmem_shared>>)
      tpu.yield
    }) : () -> ()
    %barrier3A = arith.constant 0 : index
    tpu.barrier barrier_id(%barrier3A)
    %while3A = arith.constant 0 : i32
    %while3A_43 = arith.constant 0 : i32
    %while3A_44 = arith.subi %select_n3A, %while3A_43 : i32
    %while3A_45 = arith.addi %while3A_43, %while3A_44 : i32
    %while3A_46 = arith.constant 1 : i32
    %while3A_47 = arith.divsi %while3A_44, %while3A_46 : i32
    %while3A_48 = arith.muli %while3A_47, %while3A_46 : i32
    %while3A_49 = arith.addi %while3A_43, %while3A_48 : i32
    %while3A_50 = arith.constant 1 : i32
    scf.for %while3A_119 = %while3A_43 to %while3A_49 step %while3A_50  : i32 {
      %mul3A_120 = arith.constant 10240 : i32
      %mul3A_121 = arith.muli %arg1, %mul3A_120 : i32
      %mul3A_122 = arith.constant 80 : i32
      %mul3A_123 = arith.muli %while3A_119, %mul3A_122 : i32
      %add3A_124 = arith.addi %mul3A_121, %mul3A_123 : i32
      %jit3A_125 = arith.constant 32 : i32
      %eq3A_126 = arith.constant 0 : i32
      %eq3A_127 = arith.cmpi eq, %jit3A_125, %eq3A_126 : i32
      %jit3A_128 = arith.constant 1 : i32
      %select_n3A_129 = arith.select %eq3A_127, %jit3A_128, %jit3A_125 : i32
      %rem3A = arith.remsi %while3A_119, %select_n3A_129 : i32
      %ne3A = arith.constant 0 : i32
      %ne3A_130 = arith.cmpi ne, %rem3A, %ne3A : i32
      %lt3A = arith.constant 0 : i32
      %lt3A_131 = arith.cmpi slt, %rem3A, %lt3A : i32
      %lt3A_132 = arith.constant 0 : i32
      %lt3A_133 = arith.cmpi slt, %select_n3A_129, %lt3A_132 : i32
      %ne3A_134 = arith.xori %lt3A_131, %lt3A_133 : i1
      %and3A = arith.andi %ne3A_134, %ne3A_130 : i1
      %add3A_135 = arith.addi %rem3A, %select_n3A_129 : i32
      %select_n3A_136 = arith.select %and3A, %add3A_135, %rem3A : i32
      %eq3A_137 = arith.constant 0 : i32
      %eq3A_138 = arith.cmpi eq, %select_n3A_136, %eq3A_137 : i32
      %convert_element_type3A = arith.extui %eq3A_138 : i1 to i32
      %cond3A = arith.constant 0 : i32
      %cond3A_139 = arith.cmpi ne, %convert_element_type3A, %cond3A : i32
      scf.if %cond3A_139 {
        %jit3A_193 = arith.constant 32 : i32
        %div3A = arith.divsi %while3A_119, %jit3A_193 : i32
        %sign3A = arith.constant 0 : i32
        %sign3A_194 = arith.cmpi sgt, %while3A_119, %sign3A : i32
        %sign3A_195 = arith.extui %sign3A_194 : i1 to i32
        %sign3A_196 = arith.constant 0 : i32
        %sign3A_197 = arith.cmpi slt, %while3A_119, %sign3A_196 : i32
        %sign3A_198 = arith.extui %sign3A_197 : i1 to i32
        %sign3A_199 = arith.subi %sign3A_195, %sign3A_198 : i32
        %sign3A_200 = arith.constant 0 : i32
        %sign3A_201 = arith.cmpi sgt, %jit3A_193, %sign3A_200 : i32
        %sign3A_202 = arith.extui %sign3A_201 : i1 to i32
        %sign3A_203 = arith.constant 0 : i32
        %sign3A_204 = arith.cmpi slt, %jit3A_193, %sign3A_203 : i32
        %sign3A_205 = arith.extui %sign3A_204 : i1 to i32
        %sign3A_206 = arith.subi %sign3A_202, %sign3A_205 : i32
        %ne3A_207 = arith.cmpi ne, %sign3A_199, %sign3A_206 : i32
        %rem3A_208 = arith.remsi %while3A_119, %jit3A_193 : i32
        %ne3A_209 = arith.constant 0 : i32
        %ne3A_210 = arith.cmpi ne, %rem3A_208, %ne3A_209 : i32
        %and3A_211 = arith.andi %ne3A_207, %ne3A_210 : i1
        %sub3A = arith.constant 1 : i32
        %sub3A_212 = arith.subi %div3A, %sub3A : i32
        %select_n3A_213 = arith.select %and3A_211, %sub3A_212, %div3A : i32
        %mul3A_214 = arith.constant 128 : i32
        %mul3A_215 = arith.muli %arg1, %mul3A_214 : i32
        %mul3A_216 = arith.constant 32 : i32
        %mul3A_217 = arith.muli %select_n3A_213, %mul3A_216 : i32
        %add3A_218 = arith.addi %mul3A_215, %mul3A_217 : i32
        "tpu.region"() ({
          %run_scoped3A = tpu.sem_alloc : memref<!tpu.dma_semaphore, #tpu.memory_space<semaphore_mem>>
          %dma_start3A_224 = arith.constant 0 : i32
          %dma_start3A_225 = tpu.memref_slice %arg6[%add3A_218, %dma_start3A_224] : memref<2048x80xi32, #tpu.memory_space<hbm>> -> memref<32x80xi32, #tpu.memory_space<hbm>>
          %dma_start3A_226 = arith.constant 0 : i32
          %dma_start3A_227 = tpu.memref_slice %arg6[%add3A_218, %dma_start3A_226] : memref<2048x80xi32, #tpu.memory_space<hbm>> -> memref<32x80xi32, #tpu.memory_space<hbm>>
          tpu.enqueue_dma source(%dma_start3A_227 : memref<32x80xi32, #tpu.memory_space<hbm>>) target(%arg9 : memref<32x80xi32, #tpu.memory_space<vmem>>) target_semaphore(%run_scoped3A : memref<!tpu.dma_semaphore, #tpu.memory_space<semaphore_mem>>)
          %dma_wait3A_228 = arith.constant 0 : i32
          %dma_wait3A_229 = tpu.memref_slice %arg6[%add3A_218, %dma_wait3A_228] : memref<2048x80xi32, #tpu.memory_space<hbm>> -> memref<32x80xi32, #tpu.memory_space<hbm>>
          %dma_wait3A_230 = arith.constant 0 : i32
          %dma_wait3A_231 = tpu.memref_slice %arg6[%add3A_218, %dma_wait3A_230] : memref<2048x80xi32, #tpu.memory_space<hbm>> -> memref<32x80xi32, #tpu.memory_space<hbm>>
          tpu.wait_dma2 semaphore(%run_scoped3A : memref<!tpu.dma_semaphore, #tpu.memory_space<semaphore_mem>>) src(%dma_wait3A_231 : memref<32x80xi32, #tpu.memory_space<hbm>>) dst(%arg9 : memref<32x80xi32, #tpu.memory_space<vmem>>)
          tpu.yield
        }) : () -> ()
        %mul3A_219 = arith.constant 128 : i32
        %mul3A_220 = arith.muli %arg1, %mul3A_219 : i32
        %mul3A_221 = arith.constant 32 : i32
        %mul3A_222 = arith.muli %select_n3A_213, %mul3A_221 : i32
        %add3A_223 = arith.addi %mul3A_220, %mul3A_222 : i32
        "tpu.region"() ({
          %run_scoped3A = tpu.sem_alloc : memref<!tpu.dma_semaphore, #tpu.memory_space<semaphore_mem>>
          %dma_start3A_224 = arith.constant 0 : i32
          %dma_start3A_225 = tpu.memref_slice %arg5[%add3A_223, %dma_start3A_224] : memref<2048x80xi32, #tpu.memory_space<hbm>> -> memref<32x80xi32, #tpu.memory_space<hbm>>
          %dma_start3A_226 = arith.constant 0 : i32
          %dma_start3A_227 = tpu.memref_slice %arg5[%add3A_223, %dma_start3A_226] : memref<2048x80xi32, #tpu.memory_space<hbm>> -> memref<32x80xi32, #tpu.memory_space<hbm>>
          tpu.enqueue_dma source(%dma_start3A_227 : memref<32x80xi32, #tpu.memory_space<hbm>>) target(%arg8 : memref<32x80xi32, #tpu.memory_space<vmem>>) target_semaphore(%run_scoped3A : memref<!tpu.dma_semaphore, #tpu.memory_space<semaphore_mem>>)
          %dma_wait3A_228 = arith.constant 0 : i32
          %dma_wait3A_229 = tpu.memref_slice %arg5[%add3A_223, %dma_wait3A_228] : memref<2048x80xi32, #tpu.memory_space<hbm>> -> memref<32x80xi32, #tpu.memory_space<hbm>>
          %dma_wait3A_230 = arith.constant 0 : i32
          %dma_wait3A_231 = tpu.memref_slice %arg5[%add3A_223, %dma_wait3A_230] : memref<2048x80xi32, #tpu.memory_space<hbm>> -> memref<32x80xi32, #tpu.memory_space<hbm>>
          tpu.wait_dma2 semaphore(%run_scoped3A : memref<!tpu.dma_semaphore, #tpu.memory_space<semaphore_mem>>) src(%dma_wait3A_231 : memref<32x80xi32, #tpu.memory_space<hbm>>) dst(%arg8 : memref<32x80xi32, #tpu.memory_space<vmem>>)
          tpu.yield
        }) : () -> ()
      } else {
      }
      %jit3A_140 = arith.constant 16 : i32
      %eq3A_141 = arith.constant 0 : i32
      %eq3A_142 = arith.cmpi eq, %jit3A_140, %eq3A_141 : i32
      %jit3A_143 = arith.constant 1 : i32
      %select_n3A_144 = arith.select %eq3A_142, %jit3A_143, %jit3A_140 : i32
      %rem3A_145 = arith.remsi %while3A_119, %select_n3A_144 : i32
      %ne3A_146 = arith.constant 0 : i32
      %ne3A_147 = arith.cmpi ne, %rem3A_145, %ne3A_146 : i32
      %lt3A_148 = arith.constant 0 : i32
      %lt3A_149 = arith.cmpi slt, %rem3A_145, %lt3A_148 : i32
      %lt3A_150 = arith.constant 0 : i32
      %lt3A_151 = arith.cmpi slt, %select_n3A_144, %lt3A_150 : i32
      %ne3A_152 = arith.xori %lt3A_149, %lt3A_151 : i1
      %and3A_153 = arith.andi %ne3A_152, %ne3A_147 : i1
      %add3A_154 = arith.addi %rem3A_145, %select_n3A_144 : i32
      %select_n3A_155 = arith.select %and3A_153, %add3A_154, %rem3A_145 : i32
      %eq3A_156 = arith.constant 0 : i32
      %eq3A_157 = arith.cmpi eq, %select_n3A_155, %eq3A_156 : i32
      %convert_element_type3A_158 = arith.extui %eq3A_157 : i1 to i32
      %cond3A_159 = arith.constant 0 : i32
      %cond3A_160 = arith.cmpi ne, %convert_element_type3A_158, %cond3A_159 : i32
      scf.if %cond3A_160 {
        %jit3A_193 = arith.constant 16 : i32
        %div3A = arith.divsi %while3A_119, %jit3A_193 : i32
        %sign3A = arith.constant 0 : i32
        %sign3A_194 = arith.cmpi sgt, %while3A_119, %sign3A : i32
        %sign3A_195 = arith.extui %sign3A_194 : i1 to i32
        %sign3A_196 = arith.constant 0 : i32
        %sign3A_197 = arith.cmpi slt, %while3A_119, %sign3A_196 : i32
        %sign3A_198 = arith.extui %sign3A_197 : i1 to i32
        %sign3A_199 = arith.subi %sign3A_195, %sign3A_198 : i32
        %sign3A_200 = arith.constant 0 : i32
        %sign3A_201 = arith.cmpi sgt, %jit3A_193, %sign3A_200 : i32
        %sign3A_202 = arith.extui %sign3A_201 : i1 to i32
        %sign3A_203 = arith.constant 0 : i32
        %sign3A_204 = arith.cmpi slt, %jit3A_193, %sign3A_203 : i32
        %sign3A_205 = arith.extui %sign3A_204 : i1 to i32
        %sign3A_206 = arith.subi %sign3A_202, %sign3A_205 : i32
        %ne3A_207 = arith.cmpi ne, %sign3A_199, %sign3A_206 : i32
        %rem3A_208 = arith.remsi %while3A_119, %jit3A_193 : i32
        %ne3A_209 = arith.constant 0 : i32
        %ne3A_210 = arith.cmpi ne, %rem3A_208, %ne3A_209 : i32
        %and3A_211 = arith.andi %ne3A_207, %ne3A_210 : i1
        %sub3A = arith.constant 1 : i32
        %sub3A_212 = arith.subi %div3A, %sub3A : i32
        %select_n3A_213 = arith.select %and3A_211, %sub3A_212, %div3A : i32
        %mul3A_214 = arith.constant 320 : i32
        %mul3A_215 = arith.muli %arg1, %mul3A_214 : i32
        %mul3A_216 = arith.constant 40 : i32
        %mul3A_217 = arith.muli %select_n3A_213, %mul3A_216 : i32
        %add3A_218 = arith.addi %mul3A_215, %mul3A_217 : i32
        "tpu.region"() ({
          %run_scoped3A = tpu.sem_alloc : memref<!tpu.dma_semaphore, #tpu.memory_space<semaphore_mem>>
          %dma_start3A_219 = arith.constant 0 : i32
          %dma_start3A_220 = tpu.memref_slice %arg3[%add3A_218, %dma_start3A_219] : memref<5120x128xf32, #tpu.memory_space<hbm>> -> memref<40x128xf32, #tpu.memory_space<hbm>>
          %dma_start3A_221 = arith.constant 0 : i32
          %dma_start3A_222 = tpu.memref_slice %arg3[%add3A_218, %dma_start3A_221] : memref<5120x128xf32, #tpu.memory_space<hbm>> -> memref<40x128xf32, #tpu.memory_space<hbm>>
          tpu.enqueue_dma source(%dma_start3A_222 : memref<40x128xf32, #tpu.memory_space<hbm>>) target(%arg10 : memref<40x128xf32, #tpu.memory_space<vmem>>) target_semaphore(%run_scoped3A : memref<!tpu.dma_semaphore, #tpu.memory_space<semaphore_mem>>)
          %dma_wait3A_223 = arith.constant 0 : i32
          %dma_wait3A_224 = tpu.memref_slice %arg3[%add3A_218, %dma_wait3A_223] : memref<5120x128xf32, #tpu.memory_space<hbm>> -> memref<40x128xf32, #tpu.memory_space<hbm>>
          %dma_wait3A_225 = arith.constant 0 : i32
          %dma_wait3A_226 = tpu.memref_slice %arg3[%add3A_218, %dma_wait3A_225] : memref<5120x128xf32, #tpu.memory_space<hbm>> -> memref<40x128xf32, #tpu.memory_space<hbm>>
          tpu.wait_dma2 semaphore(%run_scoped3A : memref<!tpu.dma_semaphore, #tpu.memory_space<semaphore_mem>>) src(%dma_wait3A_226 : memref<40x128xf32, #tpu.memory_space<hbm>>) dst(%arg10 : memref<40x128xf32, #tpu.memory_space<vmem>>)
          tpu.yield
        }) : () -> ()
      } else {
      }
      %jit3A_161 = arith.constant 32 : i32
      %eq3A_162 = arith.constant 0 : i32
      %eq3A_163 = arith.cmpi eq, %jit3A_161, %eq3A_162 : i32
      %jit3A_164 = arith.constant 1 : i32
      %select_n3A_165 = arith.select %eq3A_163, %jit3A_164, %jit3A_161 : i32
      %rem3A_166 = arith.remsi %while3A_119, %select_n3A_165 : i32
      %ne3A_167 = arith.constant 0 : i32
      %ne3A_168 = arith.cmpi ne, %rem3A_166, %ne3A_167 : i32
      %lt3A_169 = arith.constant 0 : i32
      %lt3A_170 = arith.cmpi slt, %rem3A_166, %lt3A_169 : i32
      %lt3A_171 = arith.constant 0 : i32
      %lt3A_172 = arith.cmpi slt, %select_n3A_165, %lt3A_171 : i32
      %ne3A_173 = arith.xori %lt3A_170, %lt3A_172 : i1
      %and3A_174 = arith.andi %ne3A_173, %ne3A_168 : i1
      %add3A_175 = arith.addi %rem3A_166, %select_n3A_165 : i32
      %select_n3A_176 = arith.select %and3A_174, %add3A_175, %rem3A_166 : i32
      %dma_start3A = arith.constant 0 : i32
      %dma_start3A_177 = tpu.memref_slice %arg8[%select_n3A_176, %dma_start3A] : memref<32x80xi32, #tpu.memory_space<vmem>> -> memref<1x80xi32, #tpu.memory_space<vmem>>
      %dma_start3A_178 = tpu.memref_squeeze %dma_start3A_177 : memref<1x80xi32, #tpu.memory_space<vmem>> -> memref<80xi32, #tpu.memory_space<vmem>>
      %dma_start3A_179 = arith.constant 0 : i32
      %dma_start3A_180 = arith.constant 0 : i32
      %dma_start3A_181 = tpu.memref_slice %arg2[%dma_start3A_179, %dma_start3A_180] : memref<10000x128xf32, #tpu.memory_space<hbm>> -> memref<10000x128xf32, #tpu.memory_space<hbm>>
      tpu.enqueue_indirect_dma source(%dma_start3A_181 : memref<10000x128xf32, #tpu.memory_space<hbm>>) target(%arg12 : memref<80x128xf32, #tpu.memory_space<vmem>>) offsets(%dma_start3A_178 : memref<80xi32, #tpu.memory_space<vmem>>) semaphore(%arg15 : memref<!tpu.dma_semaphore, #tpu.memory_space<semaphore_mem>>)
      %dma_wait3A = arith.constant 0 : i32
      %dma_wait3A_182 = tpu.memref_slice %arg8[%select_n3A_176, %dma_wait3A] : memref<32x80xi32, #tpu.memory_space<vmem>> -> memref<1x80xi32, #tpu.memory_space<vmem>>
      %dma_wait3A_183 = tpu.memref_squeeze %dma_wait3A_182 : memref<1x80xi32, #tpu.memory_space<vmem>> -> memref<80xi32, #tpu.memory_space<vmem>>
      %dma_wait3A_184 = arith.constant 0 : i32
      %dma_wait3A_185 = arith.constant 0 : i32
      %dma_wait3A_186 = tpu.memref_slice %arg2[%dma_wait3A_184, %dma_wait3A_185] : memref<10000x128xf32, #tpu.memory_space<hbm>> -> memref<10000x128xf32, #tpu.memory_space<hbm>>
      tpu.wait_indirect_dma semaphore(%arg15 : memref<!tpu.dma_semaphore, #tpu.memory_space<semaphore_mem>>) src(%dma_wait3A_186 : memref<10000x128xf32, #tpu.memory_space<hbm>>) dst(%arg12 : memref<80x128xf32, #tpu.memory_space<vmem>>)
      "tpu.region"() ({
        %run_scoped3A = tpu.sem_alloc : memref<!tpu.dma_semaphore, #tpu.memory_space<semaphore_mem>>
        %dma_start3A_193 = arith.constant 0 : i32
        %dma_start3A_194 = tpu.memref_slice %arg4[%add3A_3, %add3A_124, %dma_start3A_193] : memref<4x160000x64xf32, #tpu.memory_space<hbm>> -> memref<1x80x64xf32, #tpu.memory_space<hbm>>
        %dma_start3A_195 = tpu.memref_squeeze %dma_start3A_194 : memref<1x80x64xf32, #tpu.memory_space<hbm>> -> memref<80x64xf32, #tpu.memory_space<hbm>>
        %dma_start3A_196 = arith.constant 0 : i32
        %dma_start3A_197 = tpu.memref_slice %arg4[%add3A_3, %add3A_124, %dma_start3A_196] : memref<4x160000x64xf32, #tpu.memory_space<hbm>> -> memref<1x80x64xf32, #tpu.memory_space<hbm>>
        %dma_start3A_198 = tpu.memref_squeeze %dma_start3A_197 : memref<1x80x64xf32, #tpu.memory_space<hbm>> -> memref<80x64xf32, #tpu.memory_space<hbm>>
        tpu.enqueue_dma source(%dma_start3A_198 : memref<80x64xf32, #tpu.memory_space<hbm>>) target(%arg11 : memref<80x64xf32, #tpu.memory_space<vmem>>) target_semaphore(%run_scoped3A : memref<!tpu.dma_semaphore, #tpu.memory_space<semaphore_mem>>)
        %dma_wait3A_199 = arith.constant 0 : i32
        %dma_wait3A_200 = tpu.memref_slice %arg4[%add3A_3, %add3A_124, %dma_wait3A_199] : memref<4x160000x64xf32, #tpu.memory_space<hbm>> -> memref<1x80x64xf32, #tpu.memory_space<hbm>>
        %dma_wait3A_201 = tpu.memref_squeeze %dma_wait3A_200 : memref<1x80x64xf32, #tpu.memory_space<hbm>> -> memref<80x64xf32, #tpu.memory_space<hbm>>
        %dma_wait3A_202 = arith.constant 0 : i32
        %dma_wait3A_203 = tpu.memref_slice %arg4[%add3A_3, %add3A_124, %dma_wait3A_202] : memref<4x160000x64xf32, #tpu.memory_space<hbm>> -> memref<1x80x64xf32, #tpu.memory_space<hbm>>
        %dma_wait3A_204 = tpu.memref_squeeze %dma_wait3A_203 : memref<1x80x64xf32, #tpu.memory_space<hbm>> -> memref<80x64xf32, #tpu.memory_space<hbm>>
        tpu.wait_dma2 semaphore(%run_scoped3A : memref<!tpu.dma_semaphore, #tpu.memory_space<semaphore_mem>>) src(%dma_wait3A_204 : memref<80x64xf32, #tpu.memory_space<hbm>>) dst(%arg11 : memref<80x64xf32, #tpu.memory_space<vmem>>)
        tpu.yield
      }) : () -> ()
      %scan3A_187 = arith.constant 0 : i32
      %scan3A_188 = arith.constant 0 : i32
      %scan3A_189 = arith.constant 20 : i32
      %scan3A_190 = arith.addi %scan3A_188, %scan3A_189 : i32
      %scan3A_191 = arith.constant 1 : i32
      scf.for %scan3A_193 = %scan3A_188 to %scan3A_190 step %scan3A_191  : i32 {
        %jit3A_194 = arith.constant 16 : i32
        %eq3A_195 = arith.constant 0 : i32
        %eq3A_196 = arith.cmpi eq, %jit3A_194, %eq3A_195 : i32
        %jit3A_197 = arith.constant 1 : i32
        %select_n3A_198 = arith.select %eq3A_196, %jit3A_197, %jit3A_194 : i32
        %rem3A_199 = arith.remsi %while3A_119, %select_n3A_198 : i32
        %ne3A_200 = arith.constant 0 : i32
        %ne3A_201 = arith.cmpi ne, %rem3A_199, %ne3A_200 : i32
        %lt3A_202 = arith.constant 0 : i32
        %lt3A_203 = arith.cmpi slt, %rem3A_199, %lt3A_202 : i32
        %lt3A_204 = arith.constant 0 : i32
        %lt3A_205 = arith.cmpi slt, %select_n3A_198, %lt3A_204 : i32
        %ne3A_206 = arith.xori %lt3A_203, %lt3A_205 : i1
        %and3A_207 = arith.andi %ne3A_206, %ne3A_201 : i1
        %add3A_208 = arith.addi %rem3A_199, %select_n3A_198 : i32
        %select_n3A_209 = arith.select %and3A_207, %add3A_208, %rem3A_199 : i32
        %mul3A_210 = arith.constant 20 : i32
        %mul3A_211 = arith.muli %select_n3A_209, %mul3A_210 : i32
        %add3A_212 = arith.addi %mul3A_211, %scan3A_193 : i32
        %shift_right_arithmetic3A = arith.constant 3 : i32
        %shift_right_arithmetic3A_213 = arith.shrsi %add3A_212, %shift_right_arithmetic3A : i32
        %and3A_214 = arith.constant 7 : i32
        %and3A_215 = arith.andi %add3A_212, %and3A_214 : i32
        %mul3A_216 = arith.constant 16 : i32
        %mul3A_217 = arith.muli %and3A_215, %mul3A_216 : i32
        %get3A = arith.index_cast %shift_right_arithmetic3A_213 : i32 to index
        %get3A_218 = arith.index_cast %mul3A_217 : i32 to index
        %get3A_219 = tpu.vector_load %arg10[%get3A, %get3A_218] {strides = array<i32>} : memref<40x128xf32, #tpu.memory_space<vmem>>, vector<1x16xf32>,
        %get3A_220 = vector.shape_cast %get3A_219 : vector<1x16xf32> to vector<16xf32>
        %mul3A_221 = arith.constant 4 : i32
        %mul3A_222 = arith.muli %scan3A_193, %mul3A_221 : i32
        %add3A_223 = arith.constant 0 : i32
        %add3A_224 = arith.addi %mul3A_222, %add3A_223 : i32
        %slice3A = vector.extract_strided_slice %get3A_220 {offsets = [0], sizes = [1], strides = [1]} : vector<16xf32> to vector<1xf32>
        %squeeze3A = vector.extract %slice3A[0] : f32 from vector<1xf32>
        %slice3A_225 = vector.extract_strided_slice %get3A_220 {offsets = [1], sizes = [1], strides = [1]} : vector<16xf32> to vector<1xf32>
        %squeeze3A_226 = vector.extract %slice3A_225[0] : f32 from vector<1xf32>
        %slice3A_227 = vector.extract_strided_slice %get3A_220 {offsets = [2], sizes = [1], strides = [1]} : vector<16xf32> to vector<1xf32>
        %squeeze3A_228 = vector.extract %slice3A_227[0] : f32 from vector<1xf32>
        %slice3A_229 = vector.extract_strided_slice %get3A_220 {offsets = [3], sizes = [1], strides = [1]} : vector<16xf32> to vector<1xf32>
        %squeeze3A_230 = vector.extract %slice3A_229[0] : f32 from vector<1xf32>
        %add3A_231 = arith.constant 0 : i32
        %add3A_232 = arith.addi %mul3A_5, %add3A_231 : i32
        %get3A_233 = arith.index_cast %add3A_224 : i32 to index
        %get3A_234 = arith.index_cast %add3A_232 : i32 to index
        %get3A_235 = tpu.vector_load %arg12[%get3A_233, %get3A_234] {strides = array<i32>} : memref<80x128xf32, #tpu.memory_space<vmem>>, vector<1x16xf32>,
        %get3A_236 = vector.shape_cast %get3A_235 : vector<1x16xf32> to vector<16xf32>
        %get3A_237 = arith.index_cast %add3A_224 : i32 to index
        %get3A_238 = arith.constant 0 : index
        %get3A_239 = tpu.vector_load %arg11[%get3A_237, %get3A_238] {strides = array<i32>} : memref<80x64xf32, #tpu.memory_space<vmem>>, vector<1x16xf32>,
        %get3A_240 = vector.shape_cast %get3A_239 : vector<1x16xf32> to vector<16xf32>
        %mul3A_241 = arith.mulf %get3A_240, %get3A_236 : vector<16xf32>
        %get3A_242 = arith.index_cast %add3A_224 : i32 to index
        %get3A_243 = arith.constant 32 : index
        %get3A_244 = tpu.vector_load %arg11[%get3A_242, %get3A_243] {strides = array<i32>} : memref<80x64xf32, #tpu.memory_space<vmem>>, vector<1x16xf32>,
        %get3A_245 = vector.shape_cast %get3A_244 : vector<1x16xf32> to vector<16xf32>
        %mul3A_246 = arith.mulf %get3A_245, %get3A_236 : vector<16xf32>
        %mul3A_247 = vector.broadcast %squeeze3A : f32 to vector<16xf32>
        %mul3A_248 = arith.mulf %mul3A_247, %mul3A_241 : vector<16xf32>
        %swap3A = arith.index_cast %add3A_224 : i32 to index
        %swap3A_249 = arith.constant 0 : index
        %swap3A_250 = tpu.vector_load %arg13[%swap3A, %swap3A_249] {strides = array<i32>} : memref<80x128xf32, #tpu.memory_space<vmem>>, vector<1x16xf32>,
        %swap3A_251 = vector.shape_cast %swap3A_250 : vector<1x16xf32> to vector<16xf32>
        %swap3A_252 = vector.shape_cast %mul3A_248 : vector<16xf32> to vector<1x16xf32>
        tpu.vector_store %arg13[%swap3A, %swap3A_249], %swap3A_252 {strides = array<i32>} : memref<80x128xf32, #tpu.memory_space<vmem>>, vector<1x16xf32>,
        %mul3A_253 = vector.broadcast %squeeze3A_226 : f32 to vector<16xf32>
        %mul3A_254 = arith.mulf %mul3A_253, %mul3A_246 : vector<16xf32>
        %swap3A_255 = arith.index_cast %add3A_224 : i32 to index
        %swap3A_256 = arith.constant 32 : index
        %swap3A_257 = tpu.vector_load %arg13[%swap3A_255, %swap3A_256] {strides = array<i32>} : memref<80x128xf32, #tpu.memory_space<vmem>>, vector<1x16xf32>,
        %swap3A_258 = vector.shape_cast %swap3A_257 : vector<1x16xf32> to vector<16xf32>
        %swap3A_259 = vector.shape_cast %mul3A_254 : vector<16xf32> to vector<1x16xf32>
        tpu.vector_store %arg13[%swap3A_255, %swap3A_256], %swap3A_259 {strides = array<i32>} : memref<80x128xf32, #tpu.memory_space<vmem>>, vector<1x16xf32>,
        %mul3A_260 = vector.broadcast %squeeze3A_228 : f32 to vector<16xf32>
        %mul3A_261 = arith.mulf %mul3A_260, %mul3A_246 : vector<16xf32>
        %swap3A_262 = arith.index_cast %add3A_224 : i32 to index
        %swap3A_263 = arith.constant 64 : index
        %swap3A_264 = tpu.vector_load %arg13[%swap3A_262, %swap3A_263] {strides = array<i32>} : memref<80x128xf32, #tpu.memory_space<vmem>>, vector<1x16xf32>,
        %swap3A_265 = vector.shape_cast %swap3A_264 : vector<1x16xf32> to vector<16xf32>
        %swap3A_266 = vector.shape_cast %mul3A_261 : vector<16xf32> to vector<1x16xf32>
        tpu.vector_store %arg13[%swap3A_262, %swap3A_263], %swap3A_266 {strides = array<i32>} : memref<80x128xf32, #tpu.memory_space<vmem>>, vector<1x16xf32>,
        %mul3A_267 = vector.broadcast %squeeze3A_230 : f32 to vector<16xf32>
        %mul3A_268 = arith.mulf %mul3A_267, %mul3A_246 : vector<16xf32>
        %swap3A_269 = arith.index_cast %add3A_224 : i32 to index
        %swap3A_270 = arith.constant 96 : index
        %swap3A_271 = tpu.vector_load %arg13[%swap3A_269, %swap3A_270] {strides = array<i32>} : memref<80x128xf32, #tpu.memory_space<vmem>>, vector<1x16xf32>,
        %swap3A_272 = vector.shape_cast %swap3A_271 : vector<1x16xf32> to vector<16xf32>
        %swap3A_273 = vector.shape_cast %mul3A_268 : vector<16xf32> to vector<1x16xf32>
        tpu.vector_store %arg13[%swap3A_269, %swap3A_270], %swap3A_273 {strides = array<i32>} : memref<80x128xf32, #tpu.memory_space<vmem>>, vector<1x16xf32>,
        %add3A_274 = arith.constant 16 : i32
        %add3A_275 = arith.addi %mul3A_5, %add3A_274 : i32
        %get3A_276 = arith.index_cast %add3A_224 : i32 to index
        %get3A_277 = arith.index_cast %add3A_275 : i32 to index
        %get3A_278 = tpu.vector_load %arg12[%get3A_276, %get3A_277] {strides = array<i32>} : memref<80x128xf32, #tpu.memory_space<vmem>>, vector<1x16xf32>,
        %get3A_279 = vector.shape_cast %get3A_278 : vector<1x16xf32> to vector<16xf32>
        %get3A_280 = arith.index_cast %add3A_224 : i32 to index
        %get3A_281 = arith.constant 16 : index
        %get3A_282 = tpu.vector_load %arg11[%get3A_280, %get3A_281] {strides = array<i32>} : memref<80x64xf32, #tpu.memory_space<vmem>>, vector<1x16xf32>,
        %get3A_283 = vector.shape_cast %get3A_282 : vector<1x16xf32> to vector<16xf32>
        %mul3A_284 = arith.mulf %get3A_283, %get3A_279 : vector<16xf32>
        %get3A_285 = arith.index_cast %add3A_224 : i32 to index
        %get3A_286 = arith.constant 48 : index
        %get3A_287 = tpu.vector_load %arg11[%get3A_285, %get3A_286] {strides = array<i32>} : memref<80x64xf32, #tpu.memory_space<vmem>>, vector<1x16xf32>,
        %get3A_288 = vector.shape_cast %get3A_287 : vector<1x16xf32> to vector<16xf32>
        %mul3A_289 = arith.mulf %get3A_288, %get3A_279 : vector<16xf32>
        %mul3A_290 = vector.broadcast %squeeze3A : f32 to vector<16xf32>
        %mul3A_291 = arith.mulf %mul3A_290, %mul3A_284 : vector<16xf32>
        %swap3A_292 = arith.index_cast %add3A_224 : i32 to index
        %swap3A_293 = arith.constant 16 : index
        %swap3A_294 = tpu.vector_load %arg13[%swap3A_292, %swap3A_293] {strides = array<i32>} : memref<80x128xf32, #tpu.memory_space<vmem>>, vector<1x16xf32>,
        %swap3A_295 = vector.shape_cast %swap3A_294 : vector<1x16xf32> to vector<16xf32>
        %swap3A_296 = vector.shape_cast %mul3A_291 : vector<16xf32> to vector<1x16xf32>
        tpu.vector_store %arg13[%swap3A_292, %swap3A_293], %swap3A_296 {strides = array<i32>} : memref<80x128xf32, #tpu.memory_space<vmem>>, vector<1x16xf32>,
        %mul3A_297 = vector.broadcast %squeeze3A_226 : f32 to vector<16xf32>
        %mul3A_298 = arith.mulf %mul3A_297, %mul3A_289 : vector<16xf32>
        %swap3A_299 = arith.index_cast %add3A_224 : i32 to index
        %swap3A_300 = arith.constant 48 : index
        %swap3A_301 = tpu.vector_load %arg13[%swap3A_299, %swap3A_300] {strides = array<i32>} : memref<80x128xf32, #tpu.memory_space<vmem>>, vector<1x16xf32>,
        %swap3A_302 = vector.shape_cast %swap3A_301 : vector<1x16xf32> to vector<16xf32>
        %swap3A_303 = vector.shape_cast %mul3A_298 : vector<16xf32> to vector<1x16xf32>
        tpu.vector_store %arg13[%swap3A_299, %swap3A_300], %swap3A_303 {strides = array<i32>} : memref<80x128xf32, #tpu.memory_space<vmem>>, vector<1x16xf32>,
        %mul3A_304 = vector.broadcast %squeeze3A_228 : f32 to vector<16xf32>
        %mul3A_305 = arith.mulf %mul3A_304, %mul3A_289 : vector<16xf32>
        %swap3A_306 = arith.index_cast %add3A_224 : i32 to index
        %swap3A_307 = arith.constant 80 : index
        %swap3A_308 = tpu.vector_load %arg13[%swap3A_306, %swap3A_307] {strides = array<i32>} : memref<80x128xf32, #tpu.memory_space<vmem>>, vector<1x16xf32>,
        %swap3A_309 = vector.shape_cast %swap3A_308 : vector<1x16xf32> to vector<16xf32>
        %swap3A_310 = vector.shape_cast %mul3A_305 : vector<16xf32> to vector<1x16xf32>
        tpu.vector_store %arg13[%swap3A_306, %swap3A_307], %swap3A_310 {strides = array<i32>} : memref<80x128xf32, #tpu.memory_space<vmem>>, vector<1x16xf32>,
        %mul3A_311 = vector.broadcast %squeeze3A_230 : f32 to vector<16xf32>
        %mul3A_312 = arith.mulf %mul3A_311, %mul3A_289 : vector<16xf32>
        %swap3A_313 = arith.index_cast %add3A_224 : i32 to index
        %swap3A_314 = arith.constant 112 : index
        %swap3A_315 = tpu.vector_load %arg13[%swap3A_313, %swap3A_314] {strides = array<i32>} : memref<80x128xf32, #tpu.memory_space<vmem>>, vector<1x16xf32>,
        %swap3A_316 = vector.shape_cast %swap3A_315 : vector<1x16xf32> to vector<16xf32>
        %swap3A_317 = vector.shape_cast %mul3A_312 : vector<16xf32> to vector<1x16xf32>
        tpu.vector_store %arg13[%swap3A_313, %swap3A_314], %swap3A_317 {strides = array<i32>} : memref<80x128xf32, #tpu.memory_space<vmem>>, vector<1x16xf32>,
        %mul3A_318 = arith.constant 4 : i32
        %mul3A_319 = arith.muli %scan3A_193, %mul3A_318 : i32
        %add3A_320 = arith.constant 1 : i32
        %add3A_321 = arith.addi %mul3A_319, %add3A_320 : i32
        %slice3A_322 = vector.extract_strided_slice %get3A_220 {offsets = [4], sizes = [1], strides = [1]} : vector<16xf32> to vector<1xf32>
        %squeeze3A_323 = vector.extract %slice3A_322[0] : f32 from vector<1xf32>
        %slice3A_324 = vector.extract_strided_slice %get3A_220 {offsets = [5], sizes = [1], strides = [1]} : vector<16xf32> to vector<1xf32>
        %squeeze3A_325 = vector.extract %slice3A_324[0] : f32 from vector<1xf32>
        %slice3A_326 = vector.extract_strided_slice %get3A_220 {offsets = [6], sizes = [1], strides = [1]} : vector<16xf32> to vector<1xf32>
        %squeeze3A_327 = vector.extract %slice3A_326[0] : f32 from vector<1xf32>
        %slice3A_328 = vector.extract_strided_slice %get3A_220 {offsets = [7], sizes = [1], strides = [1]} : vector<16xf32> to vector<1xf32>
        %squeeze3A_329 = vector.extract %slice3A_328[0] : f32 from vector<1xf32>
        %add3A_330 = arith.constant 0 : i32
        %add3A_331 = arith.addi %mul3A_5, %add3A_330 : i32
        %get3A_332 = arith.index_cast %add3A_321 : i32 to index
        %get3A_333 = arith.index_cast %add3A_331 : i32 to index
        %get3A_334 = tpu.vector_load %arg12[%get3A_332, %get3A_333] {strides = array<i32>} : memref<80x128xf32, #tpu.memory_space<vmem>>, vector<1x16xf32>,
        %get3A_335 = vector.shape_cast %get3A_334 : vector<1x16xf32> to vector<16xf32>
        %get3A_336 = arith.index_cast %add3A_321 : i32 to index
        %get3A_337 = arith.constant 0 : index
        %get3A_338 = tpu.vector_load %arg11[%get3A_336, %get3A_337] {strides = array<i32>} : memref<80x64xf32, #tpu.memory_space<vmem>>, vector<1x16xf32>,
        %get3A_339 = vector.shape_cast %get3A_338 : vector<1x16xf32> to vector<16xf32>
        %mul3A_340 = arith.mulf %get3A_339, %get3A_335 : vector<16xf32>
        %get3A_341 = arith.index_cast %add3A_321 : i32 to index
        %get3A_342 = arith.constant 32 : index
        %get3A_343 = tpu.vector_load %arg11[%get3A_341, %get3A_342] {strides = array<i32>} : memref<80x64xf32, #tpu.memory_space<vmem>>, vector<1x16xf32>,
        %get3A_344 = vector.shape_cast %get3A_343 : vector<1x16xf32> to vector<16xf32>
        %mul3A_345 = arith.mulf %get3A_344, %get3A_335 : vector<16xf32>
        %mul3A_346 = vector.broadcast %squeeze3A_323 : f32 to vector<16xf32>
        %mul3A_347 = arith.mulf %mul3A_346, %mul3A_340 : vector<16xf32>
        %swap3A_348 = arith.index_cast %add3A_321 : i32 to index
        %swap3A_349 = arith.constant 0 : index
        %swap3A_350 = tpu.vector_load %arg13[%swap3A_348, %swap3A_349] {strides = array<i32>} : memref<80x128xf32, #tpu.memory_space<vmem>>, vector<1x16xf32>,
        %swap3A_351 = vector.shape_cast %swap3A_350 : vector<1x16xf32> to vector<16xf32>
        %swap3A_352 = vector.shape_cast %mul3A_347 : vector<16xf32> to vector<1x16xf32>
        tpu.vector_store %arg13[%swap3A_348, %swap3A_349], %swap3A_352 {strides = array<i32>} : memref<80x128xf32, #tpu.memory_space<vmem>>, vector<1x16xf32>,
        %mul3A_353 = vector.broadcast %squeeze3A_325 : f32 to vector<16xf32>
        %mul3A_354 = arith.mulf %mul3A_353, %mul3A_345 : vector<16xf32>
        %swap3A_355 = arith.index_cast %add3A_321 : i32 to index
        %swap3A_356 = arith.constant 32 : index
        %swap3A_357 = tpu.vector_load %arg13[%swap3A_355, %swap3A_356] {strides = array<i32>} : memref<80x128xf32, #tpu.memory_space<vmem>>, vector<1x16xf32>,
        %swap3A_358 = vector.shape_cast %swap3A_357 : vector<1x16xf32> to vector<16xf32>
        %swap3A_359 = vector.shape_cast %mul3A_354 : vector<16xf32> to vector<1x16xf32>
        tpu.vector_store %arg13[%swap3A_355, %swap3A_356], %swap3A_359 {strides = array<i32>} : memref<80x128xf32, #tpu.memory_space<vmem>>, vector<1x16xf32>,
        %mul3A_360 = vector.broadcast %squeeze3A_327 : f32 to vector<16xf32>
        %mul3A_361 = arith.mulf %mul3A_360, %mul3A_345 : vector<16xf32>
        %swap3A_362 = arith.index_cast %add3A_321 : i32 to index
        %swap3A_363 = arith.constant 64 : index
        %swap3A_364 = tpu.vector_load %arg13[%swap3A_362, %swap3A_363] {strides = array<i32>} : memref<80x128xf32, #tpu.memory_space<vmem>>, vector<1x16xf32>,
        %swap3A_365 = vector.shape_cast %swap3A_364 : vector<1x16xf32> to vector<16xf32>
        %swap3A_366 = vector.shape_cast %mul3A_361 : vector<16xf32> to vector<1x16xf32>
        tpu.vector_store %arg13[%swap3A_362, %swap3A_363], %swap3A_366 {strides = array<i32>} : memref<80x128xf32, #tpu.memory_space<vmem>>, vector<1x16xf32>,
        %mul3A_367 = vector.broadcast %squeeze3A_329 : f32 to vector<16xf32>
        %mul3A_368 = arith.mulf %mul3A_367, %mul3A_345 : vector<16xf32>
        %swap3A_369 = arith.index_cast %add3A_321 : i32 to index
        %swap3A_370 = arith.constant 96 : index
        %swap3A_371 = tpu.vector_load %arg13[%swap3A_369, %swap3A_370] {strides = array<i32>} : memref<80x128xf32, #tpu.memory_space<vmem>>, vector<1x16xf32>,
        %swap3A_372 = vector.shape_cast %swap3A_371 : vector<1x16xf32> to vector<16xf32>
        %swap3A_373 = vector.shape_cast %mul3A_368 : vector<16xf32> to vector<1x16xf32>
        tpu.vector_store %arg13[%swap3A_369, %swap3A_370], %swap3A_373 {strides = array<i32>} : memref<80x128xf32, #tpu.memory_space<vmem>>, vector<1x16xf32>,
        %add3A_374 = arith.constant 16 : i32
        %add3A_375 = arith.addi %mul3A_5, %add3A_374 : i32
        %get3A_376 = arith.index_cast %add3A_321 : i32 to index
        %get3A_377 = arith.index_cast %add3A_375 : i32 to index
        %get3A_378 = tpu.vector_load %arg12[%get3A_376, %get3A_377] {strides = array<i32>} : memref<80x128xf32, #tpu.memory_space<vmem>>, vector<1x16xf32>,
        %get3A_379 = vector.shape_cast %get3A_378 : vector<1x16xf32> to vector<16xf32>
        %get3A_380 = arith.index_cast %add3A_321 : i32 to index
        %get3A_381 = arith.constant 16 : index
        %get3A_382 = tpu.vector_load %arg11[%get3A_380, %get3A_381] {strides = array<i32>} : memref<80x64xf32, #tpu.memory_space<vmem>>, vector<1x16xf32>,
        %get3A_383 = vector.shape_cast %get3A_382 : vector<1x16xf32> to vector<16xf32>
        %mul3A_384 = arith.mulf %get3A_383, %get3A_379 : vector<16xf32>
        %get3A_385 = arith.index_cast %add3A_321 : i32 to index
        %get3A_386 = arith.constant 48 : index
        %get3A_387 = tpu.vector_load %arg11[%get3A_385, %get3A_386] {strides = array<i32>} : memref<80x64xf32, #tpu.memory_space<vmem>>, vector<1x16xf32>,
        %get3A_388 = vector.shape_cast %get3A_387 : vector<1x16xf32> to vector<16xf32>
        %mul3A_389 = arith.mulf %get3A_388, %get3A_379 : vector<16xf32>
        %mul3A_390 = vector.broadcast %squeeze3A_323 : f32 to vector<16xf32>
        %mul3A_391 = arith.mulf %mul3A_390, %mul3A_384 : vector<16xf32>
        %swap3A_392 = arith.index_cast %add3A_321 : i32 to index
        %swap3A_393 = arith.constant 16 : index
        %swap3A_394 = tpu.vector_load %arg13[%swap3A_392, %swap3A_393] {strides = array<i32>} : memref<80x128xf32, #tpu.memory_space<vmem>>, vector<1x16xf32>,
        %swap3A_395 = vector.shape_cast %swap3A_394 : vector<1x16xf32> to vector<16xf32>
        %swap3A_396 = vector.shape_cast %mul3A_391 : vector<16xf32> to vector<1x16xf32>
        tpu.vector_store %arg13[%swap3A_392, %swap3A_393], %swap3A_396 {strides = array<i32>} : memref<80x128xf32, #tpu.memory_space<vmem>>, vector<1x16xf32>,
        %mul3A_397 = vector.broadcast %squeeze3A_325 : f32 to vector<16xf32>
        %mul3A_398 = arith.mulf %mul3A_397, %mul3A_389 : vector<16xf32>
        %swap3A_399 = arith.index_cast %add3A_321 : i32 to index
        %swap3A_400 = arith.constant 48 : index
        %swap3A_401 = tpu.vector_load %arg13[%swap3A_399, %swap3A_400] {strides = array<i32>} : memref<80x128xf32, #tpu.memory_space<vmem>>, vector<1x16xf32>,
        %swap3A_402 = vector.shape_cast %swap3A_401 : vector<1x16xf32> to vector<16xf32>
        %swap3A_403 = vector.shape_cast %mul3A_398 : vector<16xf32> to vector<1x16xf32>
        tpu.vector_store %arg13[%swap3A_399, %swap3A_400], %swap3A_403 {strides = array<i32>} : memref<80x128xf32, #tpu.memory_space<vmem>>, vector<1x16xf32>,
        %mul3A_404 = vector.broadcast %squeeze3A_327 : f32 to vector<16xf32>
        %mul3A_405 = arith.mulf %mul3A_404, %mul3A_389 : vector<16xf32>
        %swap3A_406 = arith.index_cast %add3A_321 : i32 to index
        %swap3A_407 = arith.constant 80 : index
        %swap3A_408 = tpu.vector_load %arg13[%swap3A_406, %swap3A_407] {strides = array<i32>} : memref<80x128xf32, #tpu.memory_space<vmem>>, vector<1x16xf32>,
        %swap3A_409 = vector.shape_cast %swap3A_408 : vector<1x16xf32> to vector<16xf32>
        %swap3A_410 = vector.shape_cast %mul3A_405 : vector<16xf32> to vector<1x16xf32>
        tpu.vector_store %arg13[%swap3A_406, %swap3A_407], %swap3A_410 {strides = array<i32>} : memref<80x128xf32, #tpu.memory_space<vmem>>, vector<1x16xf32>,
        %mul3A_411 = vector.broadcast %squeeze3A_329 : f32 to vector<16xf32>
        %mul3A_412 = arith.mulf %mul3A_411, %mul3A_389 : vector<16xf32>
        %swap3A_413 = arith.index_cast %add3A_321 : i32 to index
        %swap3A_414 = arith.constant 112 : index
        %swap3A_415 = tpu.vector_load %arg13[%swap3A_413, %swap3A_414] {strides = array<i32>} : memref<80x128xf32, #tpu.memory_space<vmem>>, vector<1x16xf32>,
        %swap3A_416 = vector.shape_cast %swap3A_415 : vector<1x16xf32> to vector<16xf32>
        %swap3A_417 = vector.shape_cast %mul3A_412 : vector<16xf32> to vector<1x16xf32>
        tpu.vector_store %arg13[%swap3A_413, %swap3A_414], %swap3A_417 {strides = array<i32>} : memref<80x128xf32, #tpu.memory_space<vmem>>, vector<1x16xf32>,
        %mul3A_418 = arith.constant 4 : i32
        %mul3A_419 = arith.muli %scan3A_193, %mul3A_418 : i32
        %add3A_420 = arith.constant 2 : i32
        %add3A_421 = arith.addi %mul3A_419, %add3A_420 : i32
        %slice3A_422 = vector.extract_strided_slice %get3A_220 {offsets = [8], sizes = [1], strides = [1]} : vector<16xf32> to vector<1xf32>
        %squeeze3A_423 = vector.extract %slice3A_422[0] : f32 from vector<1xf32>
        %slice3A_424 = vector.extract_strided_slice %get3A_220 {offsets = [9], sizes = [1], strides = [1]} : vector<16xf32> to vector<1xf32>
        %squeeze3A_425 = vector.extract %slice3A_424[0] : f32 from vector<1xf32>
        %slice3A_426 = vector.extract_strided_slice %get3A_220 {offsets = [10], sizes = [1], strides = [1]} : vector<16xf32> to vector<1xf32>
        %squeeze3A_427 = vector.extract %slice3A_426[0] : f32 from vector<1xf32>
        %slice3A_428 = vector.extract_strided_slice %get3A_220 {offsets = [11], sizes = [1], strides = [1]} : vector<16xf32> to vector<1xf32>
        %squeeze3A_429 = vector.extract %slice3A_428[0] : f32 from vector<1xf32>
        %add3A_430 = arith.constant 0 : i32
        %add3A_431 = arith.addi %mul3A_5, %add3A_430 : i32
        %get3A_432 = arith.index_cast %add3A_421 : i32 to index
        %get3A_433 = arith.index_cast %add3A_431 : i32 to index
        %get3A_434 = tpu.vector_load %arg12[%get3A_432, %get3A_433] {strides = array<i32>} : memref<80x128xf32, #tpu.memory_space<vmem>>, vector<1x16xf32>,
        %get3A_435 = vector.shape_cast %get3A_434 : vector<1x16xf32> to vector<16xf32>
        %get3A_436 = arith.index_cast %add3A_421 : i32 to index
        %get3A_437 = arith.constant 0 : index
        %get3A_438 = tpu.vector_load %arg11[%get3A_436, %get3A_437] {strides = array<i32>} : memref<80x64xf32, #tpu.memory_space<vmem>>, vector<1x16xf32>,
        %get3A_439 = vector.shape_cast %get3A_438 : vector<1x16xf32> to vector<16xf32>
        %mul3A_440 = arith.mulf %get3A_439, %get3A_435 : vector<16xf32>
        %get3A_441 = arith.index_cast %add3A_421 : i32 to index
        %get3A_442 = arith.constant 32 : index
        %get3A_443 = tpu.vector_load %arg11[%get3A_441, %get3A_442] {strides = array<i32>} : memref<80x64xf32, #tpu.memory_space<vmem>>, vector<1x16xf32>,
        %get3A_444 = vector.shape_cast %get3A_443 : vector<1x16xf32> to vector<16xf32>
        %mul3A_445 = arith.mulf %get3A_444, %get3A_435 : vector<16xf32>
        %mul3A_446 = vector.broadcast %squeeze3A_423 : f32 to vector<16xf32>
        %mul3A_447 = arith.mulf %mul3A_446, %mul3A_440 : vector<16xf32>
        %swap3A_448 = arith.index_cast %add3A_421 : i32 to index
        %swap3A_449 = arith.constant 0 : index
        %swap3A_450 = tpu.vector_load %arg13[%swap3A_448, %swap3A_449] {strides = array<i32>} : memref<80x128xf32, #tpu.memory_space<vmem>>, vector<1x16xf32>,
        %swap3A_451 = vector.shape_cast %swap3A_450 : vector<1x16xf32> to vector<16xf32>
        %swap3A_452 = vector.shape_cast %mul3A_447 : vector<16xf32> to vector<1x16xf32>
        tpu.vector_store %arg13[%swap3A_448, %swap3A_449], %swap3A_452 {strides = array<i32>} : memref<80x128xf32, #tpu.memory_space<vmem>>, vector<1x16xf32>,
        %mul3A_453 = vector.broadcast %squeeze3A_425 : f32 to vector<16xf32>
        %mul3A_454 = arith.mulf %mul3A_453, %mul3A_445 : vector<16xf32>
        %swap3A_455 = arith.index_cast %add3A_421 : i32 to index
        %swap3A_456 = arith.constant 32 : index
        %swap3A_457 = tpu.vector_load %arg13[%swap3A_455, %swap3A_456] {strides = array<i32>} : memref<80x128xf32, #tpu.memory_space<vmem>>, vector<1x16xf32>,
        %swap3A_458 = vector.shape_cast %swap3A_457 : vector<1x16xf32> to vector<16xf32>
        %swap3A_459 = vector.shape_cast %mul3A_454 : vector<16xf32> to vector<1x16xf32>
        tpu.vector_store %arg13[%swap3A_455, %swap3A_456], %swap3A_459 {strides = array<i32>} : memref<80x128xf32, #tpu.memory_space<vmem>>, vector<1x16xf32>,
        %mul3A_460 = vector.broadcast %squeeze3A_427 : f32 to vector<16xf32>
        %mul3A_461 = arith.mulf %mul3A_460, %mul3A_445 : vector<16xf32>
        %swap3A_462 = arith.index_cast %add3A_421 : i32 to index
        %swap3A_463 = arith.constant 64 : index
        %swap3A_464 = tpu.vector_load %arg13[%swap3A_462, %swap3A_463] {strides = array<i32>} : memref<80x128xf32, #tpu.memory_space<vmem>>, vector<1x16xf32>,
        %swap3A_465 = vector.shape_cast %swap3A_464 : vector<1x16xf32> to vector<16xf32>
        %swap3A_466 = vector.shape_cast %mul3A_461 : vector<16xf32> to vector<1x16xf32>
        tpu.vector_store %arg13[%swap3A_462, %swap3A_463], %swap3A_466 {strides = array<i32>} : memref<80x128xf32, #tpu.memory_space<vmem>>, vector<1x16xf32>,
        %mul3A_467 = vector.broadcast %squeeze3A_429 : f32 to vector<16xf32>
        %mul3A_468 = arith.mulf %mul3A_467, %mul3A_445 : vector<16xf32>
        %swap3A_469 = arith.index_cast %add3A_421 : i32 to index
        %swap3A_470 = arith.constant 96 : index
        %swap3A_471 = tpu.vector_load %arg13[%swap3A_469, %swap3A_470] {strides = array<i32>} : memref<80x128xf32, #tpu.memory_space<vmem>>, vector<1x16xf32>,
        %swap3A_472 = vector.shape_cast %swap3A_471 : vector<1x16xf32> to vector<16xf32>
        %swap3A_473 = vector.shape_cast %mul3A_468 : vector<16xf32> to vector<1x16xf32>
        tpu.vector_store %arg13[%swap3A_469, %swap3A_470], %swap3A_473 {strides = array<i32>} : memref<80x128xf32, #tpu.memory_space<vmem>>, vector<1x16xf32>,
        %add3A_474 = arith.constant 16 : i32
        %add3A_475 = arith.addi %mul3A_5, %add3A_474 : i32
        %get3A_476 = arith.index_cast %add3A_421 : i32 to index
        %get3A_477 = arith.index_cast %add3A_475 : i32 to index
        %get3A_478 = tpu.vector_load %arg12[%get3A_476, %get3A_477] {strides = array<i32>} : memref<80x128xf32, #tpu.memory_space<vmem>>, vector<1x16xf32>,
        %get3A_479 = vector.shape_cast %get3A_478 : vector<1x16xf32> to vector<16xf32>
        %get3A_480 = arith.index_cast %add3A_421 : i32 to index
        %get3A_481 = arith.constant 16 : index
        %get3A_482 = tpu.vector_load %arg11[%get3A_480, %get3A_481] {strides = array<i32>} : memref<80x64xf32, #tpu.memory_space<vmem>>, vector<1x16xf32>,
        %get3A_483 = vector.shape_cast %get3A_482 : vector<1x16xf32> to vector<16xf32>
        %mul3A_484 = arith.mulf %get3A_483, %get3A_479 : vector<16xf32>
        %get3A_485 = arith.index_cast %add3A_421 : i32 to index
        %get3A_486 = arith.constant 48 : index
        %get3A_487 = tpu.vector_load %arg11[%get3A_485, %get3A_486] {strides = array<i32>} : memref<80x64xf32, #tpu.memory_space<vmem>>, vector<1x16xf32>,
        %get3A_488 = vector.shape_cast %get3A_487 : vector<1x16xf32> to vector<16xf32>
        %mul3A_489 = arith.mulf %get3A_488, %get3A_479 : vector<16xf32>
        %mul3A_490 = vector.broadcast %squeeze3A_423 : f32 to vector<16xf32>
        %mul3A_491 = arith.mulf %mul3A_490, %mul3A_484 : vector<16xf32>
        %swap3A_492 = arith.index_cast %add3A_421 : i32 to index
        %swap3A_493 = arith.constant 16 : index
        %swap3A_494 = tpu.vector_load %arg13[%swap3A_492, %swap3A_493] {strides = array<i32>} : memref<80x128xf32, #tpu.memory_space<vmem>>, vector<1x16xf32>,
        %swap3A_495 = vector.shape_cast %swap3A_494 : vector<1x16xf32> to vector<16xf32>
        %swap3A_496 = vector.shape_cast %mul3A_491 : vector<16xf32> to vector<1x16xf32>
        tpu.vector_store %arg13[%swap3A_492, %swap3A_493], %swap3A_496 {strides = array<i32>} : memref<80x128xf32, #tpu.memory_space<vmem>>, vector<1x16xf32>,
        %mul3A_497 = vector.broadcast %squeeze3A_425 : f32 to vector<16xf32>
        %mul3A_498 = arith.mulf %mul3A_497, %mul3A_489 : vector<16xf32>
        %swap3A_499 = arith.index_cast %add3A_421 : i32 to index
        %swap3A_500 = arith.constant 48 : index
        %swap3A_501 = tpu.vector_load %arg13[%swap3A_499, %swap3A_500] {strides = array<i32>} : memref<80x128xf32, #tpu.memory_space<vmem>>, vector<1x16xf32>,
        %swap3A_502 = vector.shape_cast %swap3A_501 : vector<1x16xf32> to vector<16xf32>
        %swap3A_503 = vector.shape_cast %mul3A_498 : vector<16xf32> to vector<1x16xf32>
        tpu.vector_store %arg13[%swap3A_499, %swap3A_500], %swap3A_503 {strides = array<i32>} : memref<80x128xf32, #tpu.memory_space<vmem>>, vector<1x16xf32>,
        %mul3A_504 = vector.broadcast %squeeze3A_427 : f32 to vector<16xf32>
        %mul3A_505 = arith.mulf %mul3A_504, %mul3A_489 : vector<16xf32>
        %swap3A_506 = arith.index_cast %add3A_421 : i32 to index
        %swap3A_507 = arith.constant 80 : index
        %swap3A_508 = tpu.vector_load %arg13[%swap3A_506, %swap3A_507] {strides = array<i32>} : memref<80x128xf32, #tpu.memory_space<vmem>>, vector<1x16xf32>,
        %swap3A_509 = vector.shape_cast %swap3A_508 : vector<1x16xf32> to vector<16xf32>
        %swap3A_510 = vector.shape_cast %mul3A_505 : vector<16xf32> to vector<1x16xf32>
        tpu.vector_store %arg13[%swap3A_506, %swap3A_507], %swap3A_510 {strides = array<i32>} : memref<80x128xf32, #tpu.memory_space<vmem>>, vector<1x16xf32>,
        %mul3A_511 = vector.broadcast %squeeze3A_429 : f32 to vector<16xf32>
        %mul3A_512 = arith.mulf %mul3A_511, %mul3A_489 : vector<16xf32>
        %swap3A_513 = arith.index_cast %add3A_421 : i32 to index
        %swap3A_514 = arith.constant 112 : index
        %swap3A_515 = tpu.vector_load %arg13[%swap3A_513, %swap3A_514] {strides = array<i32>} : memref<80x128xf32, #tpu.memory_space<vmem>>, vector<1x16xf32>,
        %swap3A_516 = vector.shape_cast %swap3A_515 : vector<1x16xf32> to vector<16xf32>
        %swap3A_517 = vector.shape_cast %mul3A_512 : vector<16xf32> to vector<1x16xf32>
        tpu.vector_store %arg13[%swap3A_513, %swap3A_514], %swap3A_517 {strides = array<i32>} : memref<80x128xf32, #tpu.memory_space<vmem>>, vector<1x16xf32>,
        %mul3A_518 = arith.constant 4 : i32
        %mul3A_519 = arith.muli %scan3A_193, %mul3A_518 : i32
        %add3A_520 = arith.constant 3 : i32
        %add3A_521 = arith.addi %mul3A_519, %add3A_520 : i32
        %slice3A_522 = vector.extract_strided_slice %get3A_220 {offsets = [12], sizes = [1], strides = [1]} : vector<16xf32> to vector<1xf32>
        %squeeze3A_523 = vector.extract %slice3A_522[0] : f32 from vector<1xf32>
        %slice3A_524 = vector.extract_strided_slice %get3A_220 {offsets = [13], sizes = [1], strides = [1]} : vector<16xf32> to vector<1xf32>
        %squeeze3A_525 = vector.extract %slice3A_524[0] : f32 from vector<1xf32>
        %slice3A_526 = vector.extract_strided_slice %get3A_220 {offsets = [14], sizes = [1], strides = [1]} : vector<16xf32> to vector<1xf32>
        %squeeze3A_527 = vector.extract %slice3A_526[0] : f32 from vector<1xf32>
        %slice3A_528 = vector.extract_strided_slice %get3A_220 {offsets = [15], sizes = [1], strides = [1]} : vector<16xf32> to vector<1xf32>
        %squeeze3A_529 = vector.extract %slice3A_528[0] : f32 from vector<1xf32>
        %add3A_530 = arith.constant 0 : i32
        %add3A_531 = arith.addi %mul3A_5, %add3A_530 : i32
        %get3A_532 = arith.index_cast %add3A_521 : i32 to index
        %get3A_533 = arith.index_cast %add3A_531 : i32 to index
        %get3A_534 = tpu.vector_load %arg12[%get3A_532, %get3A_533] {strides = array<i32>} : memref<80x128xf32, #tpu.memory_space<vmem>>, vector<1x16xf32>,
        %get3A_535 = vector.shape_cast %get3A_534 : vector<1x16xf32> to vector<16xf32>
        %get3A_536 = arith.index_cast %add3A_521 : i32 to index
        %get3A_537 = arith.constant 0 : index
        %get3A_538 = tpu.vector_load %arg11[%get3A_536, %get3A_537] {strides = array<i32>} : memref<80x64xf32, #tpu.memory_space<vmem>>, vector<1x16xf32>,
        %get3A_539 = vector.shape_cast %get3A_538 : vector<1x16xf32> to vector<16xf32>
        %mul3A_540 = arith.mulf %get3A_539, %get3A_535 : vector<16xf32>
        %get3A_541 = arith.index_cast %add3A_521 : i32 to index
        %get3A_542 = arith.constant 32 : index
        %get3A_543 = tpu.vector_load %arg11[%get3A_541, %get3A_542] {strides = array<i32>} : memref<80x64xf32, #tpu.memory_space<vmem>>, vector<1x16xf32>,
        %get3A_544 = vector.shape_cast %get3A_543 : vector<1x16xf32> to vector<16xf32>
        %mul3A_545 = arith.mulf %get3A_544, %get3A_535 : vector<16xf32>
        %mul3A_546 = vector.broadcast %squeeze3A_523 : f32 to vector<16xf32>
        %mul3A_547 = arith.mulf %mul3A_546, %mul3A_540 : vector<16xf32>
        %swap3A_548 = arith.index_cast %add3A_521 : i32 to index
        %swap3A_549 = arith.constant 0 : index
        %swap3A_550 = tpu.vector_load %arg13[%swap3A_548, %swap3A_549] {strides = array<i32>} : memref<80x128xf32, #tpu.memory_space<vmem>>, vector<1x16xf32>,
        %swap3A_551 = vector.shape_cast %swap3A_550 : vector<1x16xf32> to vector<16xf32>
        %swap3A_552 = vector.shape_cast %mul3A_547 : vector<16xf32> to vector<1x16xf32>
        tpu.vector_store %arg13[%swap3A_548, %swap3A_549], %swap3A_552 {strides = array<i32>} : memref<80x128xf32, #tpu.memory_space<vmem>>, vector<1x16xf32>,
        %mul3A_553 = vector.broadcast %squeeze3A_525 : f32 to vector<16xf32>
        %mul3A_554 = arith.mulf %mul3A_553, %mul3A_545 : vector<16xf32>
        %swap3A_555 = arith.index_cast %add3A_521 : i32 to index
        %swap3A_556 = arith.constant 32 : index
        %swap3A_557 = tpu.vector_load %arg13[%swap3A_555, %swap3A_556] {strides = array<i32>} : memref<80x128xf32, #tpu.memory_space<vmem>>, vector<1x16xf32>,
        %swap3A_558 = vector.shape_cast %swap3A_557 : vector<1x16xf32> to vector<16xf32>
        %swap3A_559 = vector.shape_cast %mul3A_554 : vector<16xf32> to vector<1x16xf32>
        tpu.vector_store %arg13[%swap3A_555, %swap3A_556], %swap3A_559 {strides = array<i32>} : memref<80x128xf32, #tpu.memory_space<vmem>>, vector<1x16xf32>,
        %mul3A_560 = vector.broadcast %squeeze3A_527 : f32 to vector<16xf32>
        %mul3A_561 = arith.mulf %mul3A_560, %mul3A_545 : vector<16xf32>
        %swap3A_562 = arith.index_cast %add3A_521 : i32 to index
        %swap3A_563 = arith.constant 64 : index
        %swap3A_564 = tpu.vector_load %arg13[%swap3A_562, %swap3A_563] {strides = array<i32>} : memref<80x128xf32, #tpu.memory_space<vmem>>, vector<1x16xf32>,
        %swap3A_565 = vector.shape_cast %swap3A_564 : vector<1x16xf32> to vector<16xf32>
        %swap3A_566 = vector.shape_cast %mul3A_561 : vector<16xf32> to vector<1x16xf32>
        tpu.vector_store %arg13[%swap3A_562, %swap3A_563], %swap3A_566 {strides = array<i32>} : memref<80x128xf32, #tpu.memory_space<vmem>>, vector<1x16xf32>,
        %mul3A_567 = vector.broadcast %squeeze3A_529 : f32 to vector<16xf32>
        %mul3A_568 = arith.mulf %mul3A_567, %mul3A_545 : vector<16xf32>
        %swap3A_569 = arith.index_cast %add3A_521 : i32 to index
        %swap3A_570 = arith.constant 96 : index
        %swap3A_571 = tpu.vector_load %arg13[%swap3A_569, %swap3A_570] {strides = array<i32>} : memref<80x128xf32, #tpu.memory_space<vmem>>, vector<1x16xf32>,
        %swap3A_572 = vector.shape_cast %swap3A_571 : vector<1x16xf32> to vector<16xf32>
        %swap3A_573 = vector.shape_cast %mul3A_568 : vector<16xf32> to vector<1x16xf32>
        tpu.vector_store %arg13[%swap3A_569, %swap3A_570], %swap3A_573 {strides = array<i32>} : memref<80x128xf32, #tpu.memory_space<vmem>>, vector<1x16xf32>,
        %add3A_574 = arith.constant 16 : i32
        %add3A_575 = arith.addi %mul3A_5, %add3A_574 : i32
        %get3A_576 = arith.index_cast %add3A_521 : i32 to index
        %get3A_577 = arith.index_cast %add3A_575 : i32 to index
        %get3A_578 = tpu.vector_load %arg12[%get3A_576, %get3A_577] {strides = array<i32>} : memref<80x128xf32, #tpu.memory_space<vmem>>, vector<1x16xf32>,
        %get3A_579 = vector.shape_cast %get3A_578 : vector<1x16xf32> to vector<16xf32>
        %get3A_580 = arith.index_cast %add3A_521 : i32 to index
        %get3A_581 = arith.constant 16 : index
        %get3A_582 = tpu.vector_load %arg11[%get3A_580, %get3A_581] {strides = array<i32>} : memref<80x64xf32, #tpu.memory_space<vmem>>, vector<1x16xf32>,
        %get3A_583 = vector.shape_cast %get3A_582 : vector<1x16xf32> to vector<16xf32>
        %mul3A_584 = arith.mulf %get3A_583, %get3A_579 : vector<16xf32>
        %get3A_585 = arith.index_cast %add3A_521 : i32 to index
        %get3A_586 = arith.constant 48 : index
        %get3A_587 = tpu.vector_load %arg11[%get3A_585, %get3A_586] {strides = array<i32>} : memref<80x64xf32, #tpu.memory_space<vmem>>, vector<1x16xf32>,
        %get3A_588 = vector.shape_cast %get3A_587 : vector<1x16xf32> to vector<16xf32>
        %mul3A_589 = arith.mulf %get3A_588, %get3A_579 : vector<16xf32>
        %mul3A_590 = vector.broadcast %squeeze3A_523 : f32 to vector<16xf32>
        %mul3A_591 = arith.mulf %mul3A_590, %mul3A_584 : vector<16xf32>
        %swap3A_592 = arith.index_cast %add3A_521 : i32 to index
        %swap3A_593 = arith.constant 16 : index
        %swap3A_594 = tpu.vector_load %arg13[%swap3A_592, %swap3A_593] {strides = array<i32>} : memref<80x128xf32, #tpu.memory_space<vmem>>, vector<1x16xf32>,
        %swap3A_595 = vector.shape_cast %swap3A_594 : vector<1x16xf32> to vector<16xf32>
        %swap3A_596 = vector.shape_cast %mul3A_591 : vector<16xf32> to vector<1x16xf32>
        tpu.vector_store %arg13[%swap3A_592, %swap3A_593], %swap3A_596 {strides = array<i32>} : memref<80x128xf32, #tpu.memory_space<vmem>>, vector<1x16xf32>,
        %mul3A_597 = vector.broadcast %squeeze3A_525 : f32 to vector<16xf32>
        %mul3A_598 = arith.mulf %mul3A_597, %mul3A_589 : vector<16xf32>
        %swap3A_599 = arith.index_cast %add3A_521 : i32 to index
        %swap3A_600 = arith.constant 48 : index
        %swap3A_601 = tpu.vector_load %arg13[%swap3A_599, %swap3A_600] {strides = array<i32>} : memref<80x128xf32, #tpu.memory_space<vmem>>, vector<1x16xf32>,
        %swap3A_602 = vector.shape_cast %swap3A_601 : vector<1x16xf32> to vector<16xf32>
        %swap3A_603 = vector.shape_cast %mul3A_598 : vector<16xf32> to vector<1x16xf32>
        tpu.vector_store %arg13[%swap3A_599, %swap3A_600], %swap3A_603 {strides = array<i32>} : memref<80x128xf32, #tpu.memory_space<vmem>>, vector<1x16xf32>,
        %mul3A_604 = vector.broadcast %squeeze3A_527 : f32 to vector<16xf32>
        %mul3A_605 = arith.mulf %mul3A_604, %mul3A_589 : vector<16xf32>
        %swap3A_606 = arith.index_cast %add3A_521 : i32 to index
        %swap3A_607 = arith.constant 80 : index
        %swap3A_608 = tpu.vector_load %arg13[%swap3A_606, %swap3A_607] {strides = array<i32>} : memref<80x128xf32, #tpu.memory_space<vmem>>, vector<1x16xf32>,
        %swap3A_609 = vector.shape_cast %swap3A_608 : vector<1x16xf32> to vector<16xf32>
        %swap3A_610 = vector.shape_cast %mul3A_605 : vector<16xf32> to vector<1x16xf32>
        tpu.vector_store %arg13[%swap3A_606, %swap3A_607], %swap3A_610 {strides = array<i32>} : memref<80x128xf32, #tpu.memory_space<vmem>>, vector<1x16xf32>,
        %mul3A_611 = vector.broadcast %squeeze3A_529 : f32 to vector<16xf32>
        %mul3A_612 = arith.mulf %mul3A_611, %mul3A_589 : vector<16xf32>
        %swap3A_613 = arith.index_cast %add3A_521 : i32 to index
        %swap3A_614 = arith.constant 112 : index
        %swap3A_615 = tpu.vector_load %arg13[%swap3A_613, %swap3A_614] {strides = array<i32>} : memref<80x128xf32, #tpu.memory_space<vmem>>, vector<1x16xf32>,
        %swap3A_616 = vector.shape_cast %swap3A_615 : vector<1x16xf32> to vector<16xf32>
        %swap3A_617 = vector.shape_cast %mul3A_612 : vector<16xf32> to vector<1x16xf32>
        tpu.vector_store %arg13[%swap3A_613, %swap3A_614], %swap3A_617 {strides = array<i32>} : memref<80x128xf32, #tpu.memory_space<vmem>>, vector<1x16xf32>,
      }
      %scan3A_192 = arith.constant 20 : i32
      "tpu.region"() ({
        %run_scoped3A = tpu.sem_alloc : memref<!tpu.dma_semaphore, #tpu.memory_space<semaphore_mem>>
        %dma_start3A_193 = arith.constant 0 : i32
        %dma_start3A_194 = tpu.memref_slice %arg9[%select_n3A_176, %dma_start3A_193] : memref<32x80xi32, #tpu.memory_space<vmem>> -> memref<1x80xi32, #tpu.memory_space<vmem>>
        %dma_start3A_195 = tpu.memref_squeeze %dma_start3A_194 : memref<1x80xi32, #tpu.memory_space<vmem>> -> memref<80xi32, #tpu.memory_space<vmem>>
        %dma_start3A_196 = arith.constant 0 : i32
        %dma_start3A_197 = arith.constant 0 : i32
        %dma_start3A_198 = tpu.memref_slice %arg14[%dma_start3A_196, %dma_start3A_197] : memref<10112x128xf32, #tpu.memory_space<vmem_shared>> -> memref<10112x128xf32, #tpu.memory_space<vmem_shared>>
        tpu.enqueue_indirect_dma source(%arg13 : memref<80x128xf32, #tpu.memory_space<vmem>>) target(%dma_start3A_198 : memref<10112x128xf32, #tpu.memory_space<vmem_shared>>) offsets(%dma_start3A_195 : memref<80xi32, #tpu.memory_space<vmem>>) semaphore(%run_scoped3A : memref<!tpu.dma_semaphore, #tpu.memory_space<semaphore_mem>>) {add = true}
        %dma_wait3A_199 = arith.constant 0 : i32
        %dma_wait3A_200 = tpu.memref_slice %arg9[%select_n3A_176, %dma_wait3A_199] : memref<32x80xi32, #tpu.memory_space<vmem>> -> memref<1x80xi32, #tpu.memory_space<vmem>>
        %dma_wait3A_201 = tpu.memref_squeeze %dma_wait3A_200 : memref<1x80xi32, #tpu.memory_space<vmem>> -> memref<80xi32, #tpu.memory_space<vmem>>
        %dma_wait3A_202 = arith.constant 0 : i32
        %dma_wait3A_203 = arith.constant 0 : i32
        %dma_wait3A_204 = tpu.memref_slice %arg14[%dma_wait3A_202, %dma_wait3A_203] : memref<10112x128xf32, #tpu.memory_space<vmem_shared>> -> memref<10112x128xf32, #tpu.memory_space<vmem_shared>>
        tpu.wait_indirect_dma semaphore(%run_scoped3A : memref<!tpu.dma_semaphore, #tpu.memory_space<semaphore_mem>>) src(%arg13 : memref<80x128xf32, #tpu.memory_space<vmem>>) dst(%dma_wait3A_204 : memref<10112x128xf32, #tpu.memory_space<vmem_shared>>)
        tpu.yield
      }) : () -> ()
    }
    %while3A_51 = arith.constant 1 : i32
    scf.for %while3A_119 = %while3A_49 to %while3A_45 step %while3A_51  : i32 {
      %mul3A_120 = arith.constant 10240 : i32
      %mul3A_121 = arith.muli %arg1, %mul3A_120 : i32
      %mul3A_122 = arith.constant 80 : i32
      %mul3A_123 = arith.muli %while3A_119, %mul3A_122 : i32
      %add3A_124 = arith.addi %mul3A_121, %mul3A_123 : i32
      %jit3A_125 = arith.constant 32 : i32
      %eq3A_126 = arith.constant 0 : i32
      %eq3A_127 = arith.cmpi eq, %jit3A_125, %eq3A_126 : i32
      %jit3A_128 = arith.constant 1 : i32
      %select_n3A_129 = arith.select %eq3A_127, %jit3A_128, %jit3A_125 : i32
      %rem3A = arith.remsi %while3A_119, %select_n3A_129 : i32
      %ne3A = arith.constant 0 : i32
      %ne3A_130 = arith.cmpi ne, %rem3A, %ne3A : i32
      %lt3A = arith.constant 0 : i32
      %lt3A_131 = arith.cmpi slt, %rem3A, %lt3A : i32
      %lt3A_132 = arith.constant 0 : i32
      %lt3A_133 = arith.cmpi slt, %select_n3A_129, %lt3A_132 : i32
      %ne3A_134 = arith.xori %lt3A_131, %lt3A_133 : i1
      %and3A = arith.andi %ne3A_134, %ne3A_130 : i1
      %add3A_135 = arith.addi %rem3A, %select_n3A_129 : i32
      %select_n3A_136 = arith.select %and3A, %add3A_135, %rem3A : i32
      %eq3A_137 = arith.constant 0 : i32
      %eq3A_138 = arith.cmpi eq, %select_n3A_136, %eq3A_137 : i32
      %convert_element_type3A = arith.extui %eq3A_138 : i1 to i32
      %cond3A = arith.constant 0 : i32
      %cond3A_139 = arith.cmpi ne, %convert_element_type3A, %cond3A : i32
      scf.if %cond3A_139 {
        %jit3A_193 = arith.constant 32 : i32
        %div3A = arith.divsi %while3A_119, %jit3A_193 : i32
        %sign3A = arith.constant 0 : i32
        %sign3A_194 = arith.cmpi sgt, %while3A_119, %sign3A : i32
        %sign3A_195 = arith.extui %sign3A_194 : i1 to i32
        %sign3A_196 = arith.constant 0 : i32
        %sign3A_197 = arith.cmpi slt, %while3A_119, %sign3A_196 : i32
        %sign3A_198 = arith.extui %sign3A_197 : i1 to i32
        %sign3A_199 = arith.subi %sign3A_195, %sign3A_198 : i32
        %sign3A_200 = arith.constant 0 : i32
        %sign3A_201 = arith.cmpi sgt, %jit3A_193, %sign3A_200 : i32
        %sign3A_202 = arith.extui %sign3A_201 : i1 to i32
        %sign3A_203 = arith.constant 0 : i32
        %sign3A_204 = arith.cmpi slt, %jit3A_193, %sign3A_203 : i32
        %sign3A_205 = arith.extui %sign3A_204 : i1 to i32
        %sign3A_206 = arith.subi %sign3A_202, %sign3A_205 : i32
        %ne3A_207 = arith.cmpi ne, %sign3A_199, %sign3A_206 : i32
        %rem3A_208 = arith.remsi %while3A_119, %jit3A_193 : i32
        %ne3A_209 = arith.constant 0 : i32
        %ne3A_210 = arith.cmpi ne, %rem3A_208, %ne3A_209 : i32
        %and3A_211 = arith.andi %ne3A_207, %ne3A_210 : i1
        %sub3A = arith.constant 1 : i32
        %sub3A_212 = arith.subi %div3A, %sub3A : i32
        %select_n3A_213 = arith.select %and3A_211, %sub3A_212, %div3A : i32
        %mul3A_214 = arith.constant 128 : i32
        %mul3A_215 = arith.muli %arg1, %mul3A_214 : i32
        %mul3A_216 = arith.constant 32 : i32
        %mul3A_217 = arith.muli %select_n3A_213, %mul3A_216 : i32
        %add3A_218 = arith.addi %mul3A_215, %mul3A_217 : i32
        "tpu.region"() ({
          %run_scoped3A = tpu.sem_alloc : memref<!tpu.dma_semaphore, #tpu.memory_space<semaphore_mem>>
          %dma_start3A_224 = arith.constant 0 : i32
          %dma_start3A_225 = tpu.memref_slice %arg6[%add3A_218, %dma_start3A_224] : memref<2048x80xi32, #tpu.memory_space<hbm>> -> memref<32x80xi32, #tpu.memory_space<hbm>>
          %dma_start3A_226 = arith.constant 0 : i32
          %dma_start3A_227 = tpu.memref_slice %arg6[%add3A_218, %dma_start3A_226] : memref<2048x80xi32, #tpu.memory_space<hbm>> -> memref<32x80xi32, #tpu.memory_space<hbm>>
          tpu.enqueue_dma source(%dma_start3A_227 : memref<32x80xi32, #tpu.memory_space<hbm>>) target(%arg9 : memref<32x80xi32, #tpu.memory_space<vmem>>) target_semaphore(%run_scoped3A : memref<!tpu.dma_semaphore, #tpu.memory_space<semaphore_mem>>)
          %dma_wait3A_228 = arith.constant 0 : i32
          %dma_wait3A_229 = tpu.memref_slice %arg6[%add3A_218, %dma_wait3A_228] : memref<2048x80xi32, #tpu.memory_space<hbm>> -> memref<32x80xi32, #tpu.memory_space<hbm>>
          %dma_wait3A_230 = arith.constant 0 : i32
          %dma_wait3A_231 = tpu.memref_slice %arg6[%add3A_218, %dma_wait3A_230] : memref<2048x80xi32, #tpu.memory_space<hbm>> -> memref<32x80xi32, #tpu.memory_space<hbm>>
          tpu.wait_dma2 semaphore(%run_scoped3A : memref<!tpu.dma_semaphore, #tpu.memory_space<semaphore_mem>>) src(%dma_wait3A_231 : memref<32x80xi32, #tpu.memory_space<hbm>>) dst(%arg9 : memref<32x80xi32, #tpu.memory_space<vmem>>)
          tpu.yield
        }) : () -> ()
        %mul3A_219 = arith.constant 128 : i32
        %mul3A_220 = arith.muli %arg1, %mul3A_219 : i32
        %mul3A_221 = arith.constant 32 : i32
        %mul3A_222 = arith.muli %select_n3A_213, %mul3A_221 : i32
        %add3A_223 = arith.addi %mul3A_220, %mul3A_222 : i32
        "tpu.region"() ({
          %run_scoped3A = tpu.sem_alloc : memref<!tpu.dma_semaphore, #tpu.memory_space<semaphore_mem>>
          %dma_start3A_224 = arith.constant 0 : i32
          %dma_start3A_225 = tpu.memref_slice %arg5[%add3A_223, %dma_start3A_224] : memref<2048x80xi32, #tpu.memory_space<hbm>> -> memref<32x80xi32, #tpu.memory_space<hbm>>
          %dma_start3A_226 = arith.constant 0 : i32
          %dma_start3A_227 = tpu.memref_slice %arg5[%add3A_223, %dma_start3A_226] : memref<2048x80xi32, #tpu.memory_space<hbm>> -> memref<32x80xi32, #tpu.memory_space<hbm>>
          tpu.enqueue_dma source(%dma_start3A_227 : memref<32x80xi32, #tpu.memory_space<hbm>>) target(%arg8 : memref<32x80xi32, #tpu.memory_space<vmem>>) target_semaphore(%run_scoped3A : memref<!tpu.dma_semaphore, #tpu.memory_space<semaphore_mem>>)
          %dma_wait3A_228 = arith.constant 0 : i32
          %dma_wait3A_229 = tpu.memref_slice %arg5[%add3A_223, %dma_wait3A_228] : memref<2048x80xi32, #tpu.memory_space<hbm>> -> memref<32x80xi32, #tpu.memory_space<hbm>>
          %dma_wait3A_230 = arith.constant 0 : i32
          %dma_wait3A_231 = tpu.memref_slice %arg5[%add3A_223, %dma_wait3A_230] : memref<2048x80xi32, #tpu.memory_space<hbm>> -> memref<32x80xi32, #tpu.memory_space<hbm>>
          tpu.wait_dma2 semaphore(%run_scoped3A : memref<!tpu.dma_semaphore, #tpu.memory_space<semaphore_mem>>) src(%dma_wait3A_231 : memref<32x80xi32, #tpu.memory_space<hbm>>) dst(%arg8 : memref<32x80xi32, #tpu.memory_space<vmem>>)
          tpu.yield
        }) : () -> ()
      } else {
      }
      %jit3A_140 = arith.constant 16 : i32
      %eq3A_141 = arith.constant 0 : i32
      %eq3A_142 = arith.cmpi eq, %jit3A_140, %eq3A_141 : i32
      %jit3A_143 = arith.constant 1 : i32
      %select_n3A_144 = arith.select %eq3A_142, %jit3A_143, %jit3A_140 : i32
      %rem3A_145 = arith.remsi %while3A_119, %select_n3A_144 : i32
      %ne3A_146 = arith.constant 0 : i32
      %ne3A_147 = arith.cmpi ne, %rem3A_145, %ne3A_146 : i32
      %lt3A_148 = arith.constant 0 : i32
      %lt3A_149 = arith.cmpi slt, %rem3A_145, %lt3A_148 : i32
      %lt3A_150 = arith.constant 0 : i32
      %lt3A_151 = arith.cmpi slt, %select_n3A_144, %lt3A_150 : i32
      %ne3A_152 = arith.xori %lt3A_149, %lt3A_151 : i1
      %and3A_153 = arith.andi %ne3A_152, %ne3A_147 : i1
      %add3A_154 = arith.addi %rem3A_145, %select_n3A_144 : i32
      %select_n3A_155 = arith.select %and3A_153, %add3A_154, %rem3A_145 : i32
      %eq3A_156 = arith.constant 0 : i32
      %eq3A_157 = arith.cmpi eq, %select_n3A_155, %eq3A_156 : i32
      %convert_element_type3A_158 = arith.extui %eq3A_157 : i1 to i32
      %cond3A_159 = arith.constant 0 : i32
      %cond3A_160 = arith.cmpi ne, %convert_element_type3A_158, %cond3A_159 : i32
      scf.if %cond3A_160 {
        %jit3A_193 = arith.constant 16 : i32
        %div3A = arith.divsi %while3A_119, %jit3A_193 : i32
        %sign3A = arith.constant 0 : i32
        %sign3A_194 = arith.cmpi sgt, %while3A_119, %sign3A : i32
        %sign3A_195 = arith.extui %sign3A_194 : i1 to i32
        %sign3A_196 = arith.constant 0 : i32
        %sign3A_197 = arith.cmpi slt, %while3A_119, %sign3A_196 : i32
        %sign3A_198 = arith.extui %sign3A_197 : i1 to i32
        %sign3A_199 = arith.subi %sign3A_195, %sign3A_198 : i32
        %sign3A_200 = arith.constant 0 : i32
        %sign3A_201 = arith.cmpi sgt, %jit3A_193, %sign3A_200 : i32
        %sign3A_202 = arith.extui %sign3A_201 : i1 to i32
        %sign3A_203 = arith.constant 0 : i32
        %sign3A_204 = arith.cmpi slt, %jit3A_193, %sign3A_203 : i32
        %sign3A_205 = arith.extui %sign3A_204 : i1 to i32
        %sign3A_206 = arith.subi %sign3A_202, %sign3A_205 : i32
        %ne3A_207 = arith.cmpi ne, %sign3A_199, %sign3A_206 : i32
        %rem3A_208 = arith.remsi %while3A_119, %jit3A_193 : i32
        %ne3A_209 = arith.constant 0 : i32
        %ne3A_210 = arith.cmpi ne, %rem3A_208, %ne3A_209 : i32
        %and3A_211 = arith.andi %ne3A_207, %ne3A_210 : i1
        %sub3A = arith.constant 1 : i32
        %sub3A_212 = arith.subi %div3A, %sub3A : i32
        %select_n3A_213 = arith.select %and3A_211, %sub3A_212, %div3A : i32
        %mul3A_214 = arith.constant 320 : i32
        %mul3A_215 = arith.muli %arg1, %mul3A_214 : i32
        %mul3A_216 = arith.constant 40 : i32
        %mul3A_217 = arith.muli %select_n3A_213, %mul3A_216 : i32
        %add3A_218 = arith.addi %mul3A_215, %mul3A_217 : i32
        "tpu.region"() ({
          %run_scoped3A = tpu.sem_alloc : memref<!tpu.dma_semaphore, #tpu.memory_space<semaphore_mem>>
          %dma_start3A_219 = arith.constant 0 : i32
          %dma_start3A_220 = tpu.memref_slice %arg3[%add3A_218, %dma_start3A_219] : memref<5120x128xf32, #tpu.memory_space<hbm>> -> memref<40x128xf32, #tpu.memory_space<hbm>>
          %dma_start3A_221 = arith.constant 0 : i32
          %dma_start3A_222 = tpu.memref_slice %arg3[%add3A_218, %dma_start3A_221] : memref<5120x128xf32, #tpu.memory_space<hbm>> -> memref<40x128xf32, #tpu.memory_space<hbm>>
          tpu.enqueue_dma source(%dma_start3A_222 : memref<40x128xf32, #tpu.memory_space<hbm>>) target(%arg10 : memref<40x128xf32, #tpu.memory_space<vmem>>) target_semaphore(%run_scoped3A : memref<!tpu.dma_semaphore, #tpu.memory_space<semaphore_mem>>)
          %dma_wait3A_223 = arith.constant 0 : i32
          %dma_wait3A_224 = tpu.memref_slice %arg3[%add3A_218, %dma_wait3A_223] : memref<5120x128xf32, #tpu.memory_space<hbm>> -> memref<40x128xf32, #tpu.memory_space<hbm>>
          %dma_wait3A_225 = arith.constant 0 : i32
          %dma_wait3A_226 = tpu.memref_slice %arg3[%add3A_218, %dma_wait3A_225] : memref<5120x128xf32, #tpu.memory_space<hbm>> -> memref<40x128xf32, #tpu.memory_space<hbm>>
          tpu.wait_dma2 semaphore(%run_scoped3A : memref<!tpu.dma_semaphore, #tpu.memory_space<semaphore_mem>>) src(%dma_wait3A_226 : memref<40x128xf32, #tpu.memory_space<hbm>>) dst(%arg10 : memref<40x128xf32, #tpu.memory_space<vmem>>)
          tpu.yield
        }) : () -> ()
      } else {
      }
      %jit3A_161 = arith.constant 32 : i32
      %eq3A_162 = arith.constant 0 : i32
      %eq3A_163 = arith.cmpi eq, %jit3A_161, %eq3A_162 : i32
      %jit3A_164 = arith.constant 1 : i32
      %select_n3A_165 = arith.select %eq3A_163, %jit3A_164, %jit3A_161 : i32
      %rem3A_166 = arith.remsi %while3A_119, %select_n3A_165 : i32
      %ne3A_167 = arith.constant 0 : i32
      %ne3A_168 = arith.cmpi ne, %rem3A_166, %ne3A_167 : i32
      %lt3A_169 = arith.constant 0 : i32
      %lt3A_170 = arith.cmpi slt, %rem3A_166, %lt3A_169 : i32
      %lt3A_171 = arith.constant 0 : i32
      %lt3A_172 = arith.cmpi slt, %select_n3A_165, %lt3A_171 : i32
      %ne3A_173 = arith.xori %lt3A_170, %lt3A_172 : i1
      %and3A_174 = arith.andi %ne3A_173, %ne3A_168 : i1
      %add3A_175 = arith.addi %rem3A_166, %select_n3A_165 : i32
      %select_n3A_176 = arith.select %and3A_174, %add3A_175, %rem3A_166 : i32
      %dma_start3A = arith.constant 0 : i32
      %dma_start3A_177 = tpu.memref_slice %arg8[%select_n3A_176, %dma_start3A] : memref<32x80xi32, #tpu.memory_space<vmem>> -> memref<1x80xi32, #tpu.memory_space<vmem>>
      %dma_start3A_178 = tpu.memref_squeeze %dma_start3A_177 : memref<1x80xi32, #tpu.memory_space<vmem>> -> memref<80xi32, #tpu.memory_space<vmem>>
      %dma_start3A_179 = arith.constant 0 : i32
      %dma_start3A_180 = arith.constant 0 : i32
      %dma_start3A_181 = tpu.memref_slice %arg2[%dma_start3A_179, %dma_start3A_180] : memref<10000x128xf32, #tpu.memory_space<hbm>> -> memref<10000x128xf32, #tpu.memory_space<hbm>>
      tpu.enqueue_indirect_dma source(%dma_start3A_181 : memref<10000x128xf32, #tpu.memory_space<hbm>>) target(%arg12 : memref<80x128xf32, #tpu.memory_space<vmem>>) offsets(%dma_start3A_178 : memref<80xi32, #tpu.memory_space<vmem>>) semaphore(%arg15 : memref<!tpu.dma_semaphore, #tpu.memory_space<semaphore_mem>>)
      %dma_wait3A = arith.constant 0 : i32
      %dma_wait3A_182 = tpu.memref_slice %arg8[%select_n3A_176, %dma_wait3A] : memref<32x80xi32, #tpu.memory_space<vmem>> -> memref<1x80xi32, #tpu.memory_space<vmem>>
      %dma_wait3A_183 = tpu.memref_squeeze %dma_wait3A_182 : memref<1x80xi32, #tpu.memory_space<vmem>> -> memref<80xi32, #tpu.memory_space<vmem>>
      %dma_wait3A_184 = arith.constant 0 : i32
      %dma_wait3A_185 = arith.constant 0 : i32
      %dma_wait3A_186 = tpu.memref_slice %arg2[%dma_wait3A_184, %dma_wait3A_185] : memref<10000x128xf32, #tpu.memory_space<hbm>> -> memref<10000x128xf32, #tpu.memory_space<hbm>>
      tpu.wait_indirect_dma semaphore(%arg15 : memref<!tpu.dma_semaphore, #tpu.memory_space<semaphore_mem>>) src(%dma_wait3A_186 : memref<10000x128xf32, #tpu.memory_space<hbm>>) dst(%arg12 : memref<80x128xf32, #tpu.memory_space<vmem>>)
      "tpu.region"() ({
        %run_scoped3A = tpu.sem_alloc : memref<!tpu.dma_semaphore, #tpu.memory_space<semaphore_mem>>
        %dma_start3A_193 = arith.constant 0 : i32
        %dma_start3A_194 = tpu.memref_slice %arg4[%add3A_3, %add3A_124, %dma_start3A_193] : memref<4x160000x64xf32, #tpu.memory_space<hbm>> -> memref<1x80x64xf32, #tpu.memory_space<hbm>>
        %dma_start3A_195 = tpu.memref_squeeze %dma_start3A_194 : memref<1x80x64xf32, #tpu.memory_space<hbm>> -> memref<80x64xf32, #tpu.memory_space<hbm>>
        %dma_start3A_196 = arith.constant 0 : i32
        %dma_start3A_197 = tpu.memref_slice %arg4[%add3A_3, %add3A_124, %dma_start3A_196] : memref<4x160000x64xf32, #tpu.memory_space<hbm>> -> memref<1x80x64xf32, #tpu.memory_space<hbm>>
        %dma_start3A_198 = tpu.memref_squeeze %dma_start3A_197 : memref<1x80x64xf32, #tpu.memory_space<hbm>> -> memref<80x64xf32, #tpu.memory_space<hbm>>
        tpu.enqueue_dma source(%dma_start3A_198 : memref<80x64xf32, #tpu.memory_space<hbm>>) target(%arg11 : memref<80x64xf32, #tpu.memory_space<vmem>>) target_semaphore(%run_scoped3A : memref<!tpu.dma_semaphore, #tpu.memory_space<semaphore_mem>>)
        %dma_wait3A_199 = arith.constant 0 : i32
        %dma_wait3A_200 = tpu.memref_slice %arg4[%add3A_3, %add3A_124, %dma_wait3A_199] : memref<4x160000x64xf32, #tpu.memory_space<hbm>> -> memref<1x80x64xf32, #tpu.memory_space<hbm>>
        %dma_wait3A_201 = tpu.memref_squeeze %dma_wait3A_200 : memref<1x80x64xf32, #tpu.memory_space<hbm>> -> memref<80x64xf32, #tpu.memory_space<hbm>>
        %dma_wait3A_202 = arith.constant 0 : i32
        %dma_wait3A_203 = tpu.memref_slice %arg4[%add3A_3, %add3A_124, %dma_wait3A_202] : memref<4x160000x64xf32, #tpu.memory_space<hbm>> -> memref<1x80x64xf32, #tpu.memory_space<hbm>>
        %dma_wait3A_204 = tpu.memref_squeeze %dma_wait3A_203 : memref<1x80x64xf32, #tpu.memory_space<hbm>> -> memref<80x64xf32, #tpu.memory_space<hbm>>
        tpu.wait_dma2 semaphore(%run_scoped3A : memref<!tpu.dma_semaphore, #tpu.memory_space<semaphore_mem>>) src(%dma_wait3A_204 : memref<80x64xf32, #tpu.memory_space<hbm>>) dst(%arg11 : memref<80x64xf32, #tpu.memory_space<vmem>>)
        tpu.yield
      }) : () -> ()
      %scan3A_187 = arith.constant 0 : i32
      %scan3A_188 = arith.constant 0 : i32
      %scan3A_189 = arith.constant 20 : i32
      %scan3A_190 = arith.addi %scan3A_188, %scan3A_189 : i32
      %scan3A_191 = arith.constant 1 : i32
      scf.for %scan3A_193 = %scan3A_188 to %scan3A_190 step %scan3A_191  : i32 {
        %jit3A_194 = arith.constant 16 : i32
        %eq3A_195 = arith.constant 0 : i32
        %eq3A_196 = arith.cmpi eq, %jit3A_194, %eq3A_195 : i32
        %jit3A_197 = arith.constant 1 : i32
        %select_n3A_198 = arith.select %eq3A_196, %jit3A_197, %jit3A_194 : i32
        %rem3A_199 = arith.remsi %while3A_119, %select_n3A_198 : i32
        %ne3A_200 = arith.constant 0 : i32
        %ne3A_201 = arith.cmpi ne, %rem3A_199, %ne3A_200 : i32
        %lt3A_202 = arith.constant 0 : i32
        %lt3A_203 = arith.cmpi slt, %rem3A_199, %lt3A_202 : i32
        %lt3A_204 = arith.constant 0 : i32
        %lt3A_205 = arith.cmpi slt, %select_n3A_198, %lt3A_204 : i32
        %ne3A_206 = arith.xori %lt3A_203, %lt3A_205 : i1
        %and3A_207 = arith.andi %ne3A_206, %ne3A_201 : i1
        %add3A_208 = arith.addi %rem3A_199, %select_n3A_198 : i32
        %select_n3A_209 = arith.select %and3A_207, %add3A_208, %rem3A_199 : i32
        %mul3A_210 = arith.constant 20 : i32
        %mul3A_211 = arith.muli %select_n3A_209, %mul3A_210 : i32
        %add3A_212 = arith.addi %mul3A_211, %scan3A_193 : i32
        %shift_right_arithmetic3A = arith.constant 3 : i32
        %shift_right_arithmetic3A_213 = arith.shrsi %add3A_212, %shift_right_arithmetic3A : i32
        %and3A_214 = arith.constant 7 : i32
        %and3A_215 = arith.andi %add3A_212, %and3A_214 : i32
        %mul3A_216 = arith.constant 16 : i32
        %mul3A_217 = arith.muli %and3A_215, %mul3A_216 : i32
        %get3A = arith.index_cast %shift_right_arithmetic3A_213 : i32 to index
        %get3A_218 = arith.index_cast %mul3A_217 : i32 to index
        %get3A_219 = tpu.vector_load %arg10[%get3A, %get3A_218] {strides = array<i32>} : memref<40x128xf32, #tpu.memory_space<vmem>>, vector<1x16xf32>,
        %get3A_220 = vector.shape_cast %get3A_219 : vector<1x16xf32> to vector<16xf32>
        %mul3A_221 = arith.constant 4 : i32
        %mul3A_222 = arith.muli %scan3A_193, %mul3A_221 : i32
        %add3A_223 = arith.constant 0 : i32
        %add3A_224 = arith.addi %mul3A_222, %add3A_223 : i32
        %slice3A = vector.extract_strided_slice %get3A_220 {offsets = [0], sizes = [1], strides = [1]} : vector<16xf32> to vector<1xf32>
        %squeeze3A = vector.extract %slice3A[0] : f32 from vector<1xf32>
        %slice3A_225 = vector.extract_strided_slice %get3A_220 {offsets = [1], sizes = [1], strides = [1]} : vector<16xf32> to vector<1xf32>
        %squeeze3A_226 = vector.extract %slice3A_225[0] : f32 from vector<1xf32>
        %slice3A_227 = vector.extract_strided_slice %get3A_220 {offsets = [2], sizes = [1], strides = [1]} : vector<16xf32> to vector<1xf32>
        %squeeze3A_228 = vector.extract %slice3A_227[0] : f32 from vector<1xf32>
        %slice3A_229 = vector.extract_strided_slice %get3A_220 {offsets = [3], sizes = [1], strides = [1]} : vector<16xf32> to vector<1xf32>
        %squeeze3A_230 = vector.extract %slice3A_229[0] : f32 from vector<1xf32>
        %add3A_231 = arith.constant 0 : i32
        %add3A_232 = arith.addi %mul3A_5, %add3A_231 : i32
        %get3A_233 = arith.index_cast %add3A_224 : i32 to index
        %get3A_234 = arith.index_cast %add3A_232 : i32 to index
        %get3A_235 = tpu.vector_load %arg12[%get3A_233, %get3A_234] {strides = array<i32>} : memref<80x128xf32, #tpu.memory_space<vmem>>, vector<1x16xf32>,
        %get3A_236 = vector.shape_cast %get3A_235 : vector<1x16xf32> to vector<16xf32>
        %get3A_237 = arith.index_cast %add3A_224 : i32 to index
        %get3A_238 = arith.constant 0 : index
        %get3A_239 = tpu.vector_load %arg11[%get3A_237, %get3A_238] {strides = array<i32>} : memref<80x64xf32, #tpu.memory_space<vmem>>, vector<1x16xf32>,
        %get3A_240 = vector.shape_cast %get3A_239 : vector<1x16xf32> to vector<16xf32>
        %mul3A_241 = arith.mulf %get3A_240, %get3A_236 : vector<16xf32>
        %get3A_242 = arith.index_cast %add3A_224 : i32 to index
        %get3A_243 = arith.constant 32 : index
        %get3A_244 = tpu.vector_load %arg11[%get3A_242, %get3A_243] {strides = array<i32>} : memref<80x64xf32, #tpu.memory_space<vmem>>, vector<1x16xf32>,
        %get3A_245 = vector.shape_cast %get3A_244 : vector<1x16xf32> to vector<16xf32>
        %mul3A_246 = arith.mulf %get3A_245, %get3A_236 : vector<16xf32>
        %mul3A_247 = vector.broadcast %squeeze3A : f32 to vector<16xf32>
        %mul3A_248 = arith.mulf %mul3A_247, %mul3A_241 : vector<16xf32>
        %swap3A = arith.index_cast %add3A_224 : i32 to index
        %swap3A_249 = arith.constant 0 : index
        %swap3A_250 = tpu.vector_load %arg13[%swap3A, %swap3A_249] {strides = array<i32>} : memref<80x128xf32, #tpu.memory_space<vmem>>, vector<1x16xf32>,
        %swap3A_251 = vector.shape_cast %swap3A_250 : vector<1x16xf32> to vector<16xf32>
        %swap3A_252 = vector.shape_cast %mul3A_248 : vector<16xf32> to vector<1x16xf32>
        tpu.vector_store %arg13[%swap3A, %swap3A_249], %swap3A_252 {strides = array<i32>} : memref<80x128xf32, #tpu.memory_space<vmem>>, vector<1x16xf32>,
        %mul3A_253 = vector.broadcast %squeeze3A_226 : f32 to vector<16xf32>
        %mul3A_254 = arith.mulf %mul3A_253, %mul3A_246 : vector<16xf32>
        %swap3A_255 = arith.index_cast %add3A_224 : i32 to index
        %swap3A_256 = arith.constant 32 : index
        %swap3A_257 = tpu.vector_load %arg13[%swap3A_255, %swap3A_256] {strides = array<i32>} : memref<80x128xf32, #tpu.memory_space<vmem>>, vector<1x16xf32>,
        %swap3A_258 = vector.shape_cast %swap3A_257 : vector<1x16xf32> to vector<16xf32>
        %swap3A_259 = vector.shape_cast %mul3A_254 : vector<16xf32> to vector<1x16xf32>
        tpu.vector_store %arg13[%swap3A_255, %swap3A_256], %swap3A_259 {strides = array<i32>} : memref<80x128xf32, #tpu.memory_space<vmem>>, vector<1x16xf32>,
        %mul3A_260 = vector.broadcast %squeeze3A_228 : f32 to vector<16xf32>
        %mul3A_261 = arith.mulf %mul3A_260, %mul3A_246 : vector<16xf32>
        %swap3A_262 = arith.index_cast %add3A_224 : i32 to index
        %swap3A_263 = arith.constant 64 : index
        %swap3A_264 = tpu.vector_load %arg13[%swap3A_262, %swap3A_263] {strides = array<i32>} : memref<80x128xf32, #tpu.memory_space<vmem>>, vector<1x16xf32>,
        %swap3A_265 = vector.shape_cast %swap3A_264 : vector<1x16xf32> to vector<16xf32>
        %swap3A_266 = vector.shape_cast %mul3A_261 : vector<16xf32> to vector<1x16xf32>
        tpu.vector_store %arg13[%swap3A_262, %swap3A_263], %swap3A_266 {strides = array<i32>} : memref<80x128xf32, #tpu.memory_space<vmem>>, vector<1x16xf32>,
        %mul3A_267 = vector.broadcast %squeeze3A_230 : f32 to vector<16xf32>
        %mul3A_268 = arith.mulf %mul3A_267, %mul3A_246 : vector<16xf32>
        %swap3A_269 = arith.index_cast %add3A_224 : i32 to index
        %swap3A_270 = arith.constant 96 : index
        %swap3A_271 = tpu.vector_load %arg13[%swap3A_269, %swap3A_270] {strides = array<i32>} : memref<80x128xf32, #tpu.memory_space<vmem>>, vector<1x16xf32>,
        %swap3A_272 = vector.shape_cast %swap3A_271 : vector<1x16xf32> to vector<16xf32>
        %swap3A_273 = vector.shape_cast %mul3A_268 : vector<16xf32> to vector<1x16xf32>
        tpu.vector_store %arg13[%swap3A_269, %swap3A_270], %swap3A_273 {strides = array<i32>} : memref<80x128xf32, #tpu.memory_space<vmem>>, vector<1x16xf32>,
        %add3A_274 = arith.constant 16 : i32
        %add3A_275 = arith.addi %mul3A_5, %add3A_274 : i32
        %get3A_276 = arith.index_cast %add3A_224 : i32 to index
        %get3A_277 = arith.index_cast %add3A_275 : i32 to index
        %get3A_278 = tpu.vector_load %arg12[%get3A_276, %get3A_277] {strides = array<i32>} : memref<80x128xf32, #tpu.memory_space<vmem>>, vector<1x16xf32>,
        %get3A_279 = vector.shape_cast %get3A_278 : vector<1x16xf32> to vector<16xf32>
        %get3A_280 = arith.index_cast %add3A_224 : i32 to index
        %get3A_281 = arith.constant 16 : index
        %get3A_282 = tpu.vector_load %arg11[%get3A_280, %get3A_281] {strides = array<i32>} : memref<80x64xf32, #tpu.memory_space<vmem>>, vector<1x16xf32>,
        %get3A_283 = vector.shape_cast %get3A_282 : vector<1x16xf32> to vector<16xf32>
        %mul3A_284 = arith.mulf %get3A_283, %get3A_279 : vector<16xf32>
        %get3A_285 = arith.index_cast %add3A_224 : i32 to index
        %get3A_286 = arith.constant 48 : index
        %get3A_287 = tpu.vector_load %arg11[%get3A_285, %get3A_286] {strides = array<i32>} : memref<80x64xf32, #tpu.memory_space<vmem>>, vector<1x16xf32>,
        %get3A_288 = vector.shape_cast %get3A_287 : vector<1x16xf32> to vector<16xf32>
        %mul3A_289 = arith.mulf %get3A_288, %get3A_279 : vector<16xf32>
        %mul3A_290 = vector.broadcast %squeeze3A : f32 to vector<16xf32>
        %mul3A_291 = arith.mulf %mul3A_290, %mul3A_284 : vector<16xf32>
        %swap3A_292 = arith.index_cast %add3A_224 : i32 to index
        %swap3A_293 = arith.constant 16 : index
        %swap3A_294 = tpu.vector_load %arg13[%swap3A_292, %swap3A_293] {strides = array<i32>} : memref<80x128xf32, #tpu.memory_space<vmem>>, vector<1x16xf32>,
        %swap3A_295 = vector.shape_cast %swap3A_294 : vector<1x16xf32> to vector<16xf32>
        %swap3A_296 = vector.shape_cast %mul3A_291 : vector<16xf32> to vector<1x16xf32>
        tpu.vector_store %arg13[%swap3A_292, %swap3A_293], %swap3A_296 {strides = array<i32>} : memref<80x128xf32, #tpu.memory_space<vmem>>, vector<1x16xf32>,
        %mul3A_297 = vector.broadcast %squeeze3A_226 : f32 to vector<16xf32>
        %mul3A_298 = arith.mulf %mul3A_297, %mul3A_289 : vector<16xf32>
        %swap3A_299 = arith.index_cast %add3A_224 : i32 to index
        %swap3A_300 = arith.constant 48 : index
        %swap3A_301 = tpu.vector_load %arg13[%swap3A_299, %swap3A_300] {strides = array<i32>} : memref<80x128xf32, #tpu.memory_space<vmem>>, vector<1x16xf32>,
        %swap3A_302 = vector.shape_cast %swap3A_301 : vector<1x16xf32> to vector<16xf32>
        %swap3A_303 = vector.shape_cast %mul3A_298 : vector<16xf32> to vector<1x16xf32>
        tpu.vector_store %arg13[%swap3A_299, %swap3A_300], %swap3A_303 {strides = array<i32>} : memref<80x128xf32, #tpu.memory_space<vmem>>, vector<1x16xf32>,
        %mul3A_304 = vector.broadcast %squeeze3A_228 : f32 to vector<16xf32>
        %mul3A_305 = arith.mulf %mul3A_304, %mul3A_289 : vector<16xf32>
        %swap3A_306 = arith.index_cast %add3A_224 : i32 to index
        %swap3A_307 = arith.constant 80 : index
        %swap3A_308 = tpu.vector_load %arg13[%swap3A_306, %swap3A_307] {strides = array<i32>} : memref<80x128xf32, #tpu.memory_space<vmem>>, vector<1x16xf32>,
        %swap3A_309 = vector.shape_cast %swap3A_308 : vector<1x16xf32> to vector<16xf32>
        %swap3A_310 = vector.shape_cast %mul3A_305 : vector<16xf32> to vector<1x16xf32>
        tpu.vector_store %arg13[%swap3A_306, %swap3A_307], %swap3A_310 {strides = array<i32>} : memref<80x128xf32, #tpu.memory_space<vmem>>, vector<1x16xf32>,
        %mul3A_311 = vector.broadcast %squeeze3A_230 : f32 to vector<16xf32>
        %mul3A_312 = arith.mulf %mul3A_311, %mul3A_289 : vector<16xf32>
        %swap3A_313 = arith.index_cast %add3A_224 : i32 to index
        %swap3A_314 = arith.constant 112 : index
        %swap3A_315 = tpu.vector_load %arg13[%swap3A_313, %swap3A_314] {strides = array<i32>} : memref<80x128xf32, #tpu.memory_space<vmem>>, vector<1x16xf32>,
        %swap3A_316 = vector.shape_cast %swap3A_315 : vector<1x16xf32> to vector<16xf32>
        %swap3A_317 = vector.shape_cast %mul3A_312 : vector<16xf32> to vector<1x16xf32>
        tpu.vector_store %arg13[%swap3A_313, %swap3A_314], %swap3A_317 {strides = array<i32>} : memref<80x128xf32, #tpu.memory_space<vmem>>, vector<1x16xf32>,
        %mul3A_318 = arith.constant 4 : i32
        %mul3A_319 = arith.muli %scan3A_193, %mul3A_318 : i32
        %add3A_320 = arith.constant 1 : i32
        %add3A_321 = arith.addi %mul3A_319, %add3A_320 : i32
        %slice3A_322 = vector.extract_strided_slice %get3A_220 {offsets = [4], sizes = [1], strides = [1]} : vector<16xf32> to vector<1xf32>
        %squeeze3A_323 = vector.extract %slice3A_322[0] : f32 from vector<1xf32>
        %slice3A_324 = vector.extract_strided_slice %get3A_220 {offsets = [5], sizes = [1], strides = [1]} : vector<16xf32> to vector<1xf32>
        %squeeze3A_325 = vector.extract %slice3A_324[0] : f32 from vector<1xf32>
        %slice3A_326 = vector.extract_strided_slice %get3A_220 {offsets = [6], sizes = [1], strides = [1]} : vector<16xf32> to vector<1xf32>
        %squeeze3A_327 = vector.extract %slice3A_326[0] : f32 from vector<1xf32>
        %slice3A_328 = vector.extract_strided_slice %get3A_220 {offsets = [7], sizes = [1], strides = [1]} : vector<16xf32> to vector<1xf32>
        %squeeze3A_329 = vector.extract %slice3A_328[0] : f32 from vector<1xf32>
        %add3A_330 = arith.constant 0 : i32
        %add3A_331 = arith.addi %mul3A_5, %add3A_330 : i32
        %get3A_332 = arith.index_cast %add3A_321 : i32 to index
        %get3A_333 = arith.index_cast %add3A_331 : i32 to index
        %get3A_334 = tpu.vector_load %arg12[%get3A_332, %get3A_333] {strides = array<i32>} : memref<80x128xf32, #tpu.memory_space<vmem>>, vector<1x16xf32>,
        %get3A_335 = vector.shape_cast %get3A_334 : vector<1x16xf32> to vector<16xf32>
        %get3A_336 = arith.index_cast %add3A_321 : i32 to index
        %get3A_337 = arith.constant 0 : index
        %get3A_338 = tpu.vector_load %arg11[%get3A_336, %get3A_337] {strides = array<i32>} : memref<80x64xf32, #tpu.memory_space<vmem>>, vector<1x16xf32>,
        %get3A_339 = vector.shape_cast %get3A_338 : vector<1x16xf32> to vector<16xf32>
        %mul3A_340 = arith.mulf %get3A_339, %get3A_335 : vector<16xf32>
        %get3A_341 = arith.index_cast %add3A_321 : i32 to index
        %get3A_342 = arith.constant 32 : index
        %get3A_343 = tpu.vector_load %arg11[%get3A_341, %get3A_342] {strides = array<i32>} : memref<80x64xf32, #tpu.memory_space<vmem>>, vector<1x16xf32>,
        %get3A_344 = vector.shape_cast %get3A_343 : vector<1x16xf32> to vector<16xf32>
        %mul3A_345 = arith.mulf %get3A_344, %get3A_335 : vector<16xf32>
        %mul3A_346 = vector.broadcast %squeeze3A_323 : f32 to vector<16xf32>
        %mul3A_347 = arith.mulf %mul3A_346, %mul3A_340 : vector<16xf32>
        %swap3A_348 = arith.index_cast %add3A_321 : i32 to index
        %swap3A_349 = arith.constant 0 : index
        %swap3A_350 = tpu.vector_load %arg13[%swap3A_348, %swap3A_349] {strides = array<i32>} : memref<80x128xf32, #tpu.memory_space<vmem>>, vector<1x16xf32>,
        %swap3A_351 = vector.shape_cast %swap3A_350 : vector<1x16xf32> to vector<16xf32>
        %swap3A_352 = vector.shape_cast %mul3A_347 : vector<16xf32> to vector<1x16xf32>
        tpu.vector_store %arg13[%swap3A_348, %swap3A_349], %swap3A_352 {strides = array<i32>} : memref<80x128xf32, #tpu.memory_space<vmem>>, vector<1x16xf32>,
        %mul3A_353 = vector.broadcast %squeeze3A_325 : f32 to vector<16xf32>
        %mul3A_354 = arith.mulf %mul3A_353, %mul3A_345 : vector<16xf32>
        %swap3A_355 = arith.index_cast %add3A_321 : i32 to index
        %swap3A_356 = arith.constant 32 : index
        %swap3A_357 = tpu.vector_load %arg13[%swap3A_355, %swap3A_356] {strides = array<i32>} : memref<80x128xf32, #tpu.memory_space<vmem>>, vector<1x16xf32>,
        %swap3A_358 = vector.shape_cast %swap3A_357 : vector<1x16xf32> to vector<16xf32>
        %swap3A_359 = vector.shape_cast %mul3A_354 : vector<16xf32> to vector<1x16xf32>
        tpu.vector_store %arg13[%swap3A_355, %swap3A_356], %swap3A_359 {strides = array<i32>} : memref<80x128xf32, #tpu.memory_space<vmem>>, vector<1x16xf32>,
        %mul3A_360 = vector.broadcast %squeeze3A_327 : f32 to vector<16xf32>
        %mul3A_361 = arith.mulf %mul3A_360, %mul3A_345 : vector<16xf32>
        %swap3A_362 = arith.index_cast %add3A_321 : i32 to index
        %swap3A_363 = arith.constant 64 : index
        %swap3A_364 = tpu.vector_load %arg13[%swap3A_362, %swap3A_363] {strides = array<i32>} : memref<80x128xf32, #tpu.memory_space<vmem>>, vector<1x16xf32>,
        %swap3A_365 = vector.shape_cast %swap3A_364 : vector<1x16xf32> to vector<16xf32>
        %swap3A_366 = vector.shape_cast %mul3A_361 : vector<16xf32> to vector<1x16xf32>
        tpu.vector_store %arg13[%swap3A_362, %swap3A_363], %swap3A_366 {strides = array<i32>} : memref<80x128xf32, #tpu.memory_space<vmem>>, vector<1x16xf32>,
        %mul3A_367 = vector.broadcast %squeeze3A_329 : f32 to vector<16xf32>
        %mul3A_368 = arith.mulf %mul3A_367, %mul3A_345 : vector<16xf32>
        %swap3A_369 = arith.index_cast %add3A_321 : i32 to index
        %swap3A_370 = arith.constant 96 : index
        %swap3A_371 = tpu.vector_load %arg13[%swap3A_369, %swap3A_370] {strides = array<i32>} : memref<80x128xf32, #tpu.memory_space<vmem>>, vector<1x16xf32>,
        %swap3A_372 = vector.shape_cast %swap3A_371 : vector<1x16xf32> to vector<16xf32>
        %swap3A_373 = vector.shape_cast %mul3A_368 : vector<16xf32> to vector<1x16xf32>
        tpu.vector_store %arg13[%swap3A_369, %swap3A_370], %swap3A_373 {strides = array<i32>} : memref<80x128xf32, #tpu.memory_space<vmem>>, vector<1x16xf32>,
        %add3A_374 = arith.constant 16 : i32
        %add3A_375 = arith.addi %mul3A_5, %add3A_374 : i32
        %get3A_376 = arith.index_cast %add3A_321 : i32 to index
        %get3A_377 = arith.index_cast %add3A_375 : i32 to index
        %get3A_378 = tpu.vector_load %arg12[%get3A_376, %get3A_377] {strides = array<i32>} : memref<80x128xf32, #tpu.memory_space<vmem>>, vector<1x16xf32>,
        %get3A_379 = vector.shape_cast %get3A_378 : vector<1x16xf32> to vector<16xf32>
        %get3A_380 = arith.index_cast %add3A_321 : i32 to index
        %get3A_381 = arith.constant 16 : index
        %get3A_382 = tpu.vector_load %arg11[%get3A_380, %get3A_381] {strides = array<i32>} : memref<80x64xf32, #tpu.memory_space<vmem>>, vector<1x16xf32>,
        %get3A_383 = vector.shape_cast %get3A_382 : vector<1x16xf32> to vector<16xf32>
        %mul3A_384 = arith.mulf %get3A_383, %get3A_379 : vector<16xf32>
        %get3A_385 = arith.index_cast %add3A_321 : i32 to index
        %get3A_386 = arith.constant 48 : index
        %get3A_387 = tpu.vector_load %arg11[%get3A_385, %get3A_386] {strides = array<i32>} : memref<80x64xf32, #tpu.memory_space<vmem>>, vector<1x16xf32>,
        %get3A_388 = vector.shape_cast %get3A_387 : vector<1x16xf32> to vector<16xf32>
        %mul3A_389 = arith.mulf %get3A_388, %get3A_379 : vector<16xf32>
        %mul3A_390 = vector.broadcast %squeeze3A_323 : f32 to vector<16xf32>
        %mul3A_391 = arith.mulf %mul3A_390, %mul3A_384 : vector<16xf32>
        %swap3A_392 = arith.index_cast %add3A_321 : i32 to index
        %swap3A_393 = arith.constant 16 : index
        %swap3A_394 = tpu.vector_load %arg13[%swap3A_392, %swap3A_393] {strides = array<i32>} : memref<80x128xf32, #tpu.memory_space<vmem>>, vector<1x16xf32>,
        %swap3A_395 = vector.shape_cast %swap3A_394 : vector<1x16xf32> to vector<16xf32>
        %swap3A_396 = vector.shape_cast %mul3A_391 : vector<16xf32> to vector<1x16xf32>
        tpu.vector_store %arg13[%swap3A_392, %swap3A_393], %swap3A_396 {strides = array<i32>} : memref<80x128xf32, #tpu.memory_space<vmem>>, vector<1x16xf32>,
        %mul3A_397 = vector.broadcast %squeeze3A_325 : f32 to vector<16xf32>
        %mul3A_398 = arith.mulf %mul3A_397, %mul3A_389 : vector<16xf32>
        %swap3A_399 = arith.index_cast %add3A_321 : i32 to index
        %swap3A_400 = arith.constant 48 : index
        %swap3A_401 = tpu.vector_load %arg13[%swap3A_399, %swap3A_400] {strides = array<i32>} : memref<80x128xf32, #tpu.memory_space<vmem>>, vector<1x16xf32>,
        %swap3A_402 = vector.shape_cast %swap3A_401 : vector<1x16xf32> to vector<16xf32>
        %swap3A_403 = vector.shape_cast %mul3A_398 : vector<16xf32> to vector<1x16xf32>
        tpu.vector_store %arg13[%swap3A_399, %swap3A_400], %swap3A_403 {strides = array<i32>} : memref<80x128xf32, #tpu.memory_space<vmem>>, vector<1x16xf32>,
        %mul3A_404 = vector.broadcast %squeeze3A_327 : f32 to vector<16xf32>
        %mul3A_405 = arith.mulf %mul3A_404, %mul3A_389 : vector<16xf32>
        %swap3A_406 = arith.index_cast %add3A_321 : i32 to index
        %swap3A_407 = arith.constant 80 : index
        %swap3A_408 = tpu.vector_load %arg13[%swap3A_406, %swap3A_407] {strides = array<i32>} : memref<80x128xf32, #tpu.memory_space<vmem>>, vector<1x16xf32>,
        %swap3A_409 = vector.shape_cast %swap3A_408 : vector<1x16xf32> to vector<16xf32>
        %swap3A_410 = vector.shape_cast %mul3A_405 : vector<16xf32> to vector<1x16xf32>
        tpu.vector_store %arg13[%swap3A_406, %swap3A_407], %swap3A_410 {strides = array<i32>} : memref<80x128xf32, #tpu.memory_space<vmem>>, vector<1x16xf32>,
        %mul3A_411 = vector.broadcast %squeeze3A_329 : f32 to vector<16xf32>
        %mul3A_412 = arith.mulf %mul3A_411, %mul3A_389 : vector<16xf32>
        %swap3A_413 = arith.index_cast %add3A_321 : i32 to index
        %swap3A_414 = arith.constant 112 : index
        %swap3A_415 = tpu.vector_load %arg13[%swap3A_413, %swap3A_414] {strides = array<i32>} : memref<80x128xf32, #tpu.memory_space<vmem>>, vector<1x16xf32>,
        %swap3A_416 = vector.shape_cast %swap3A_415 : vector<1x16xf32> to vector<16xf32>
        %swap3A_417 = vector.shape_cast %mul3A_412 : vector<16xf32> to vector<1x16xf32>
        tpu.vector_store %arg13[%swap3A_413, %swap3A_414], %swap3A_417 {strides = array<i32>} : memref<80x128xf32, #tpu.memory_space<vmem>>, vector<1x16xf32>,
        %mul3A_418 = arith.constant 4 : i32
        %mul3A_419 = arith.muli %scan3A_193, %mul3A_418 : i32
        %add3A_420 = arith.constant 2 : i32
        %add3A_421 = arith.addi %mul3A_419, %add3A_420 : i32
        %slice3A_422 = vector.extract_strided_slice %get3A_220 {offsets = [8], sizes = [1], strides = [1]} : vector<16xf32> to vector<1xf32>
        %squeeze3A_423 = vector.extract %slice3A_422[0] : f32 from vector<1xf32>
        %slice3A_424 = vector.extract_strided_slice %get3A_220 {offsets = [9], sizes = [1], strides = [1]} : vector<16xf32> to vector<1xf32>
        %squeeze3A_425 = vector.extract %slice3A_424[0] : f32 from vector<1xf32>
        %slice3A_426 = vector.extract_strided_slice %get3A_220 {offsets = [10], sizes = [1], strides = [1]} : vector<16xf32> to vector<1xf32>
        %squeeze3A_427 = vector.extract %slice3A_426[0] : f32 from vector<1xf32>
        %slice3A_428 = vector.extract_strided_slice %get3A_220 {offsets = [11], sizes = [1], strides = [1]} : vector<16xf32> to vector<1xf32>
        %squeeze3A_429 = vector.extract %slice3A_428[0] : f32 from vector<1xf32>
        %add3A_430 = arith.constant 0 : i32
        %add3A_431 = arith.addi %mul3A_5, %add3A_430 : i32
        %get3A_432 = arith.index_cast %add3A_421 : i32 to index
        %get3A_433 = arith.index_cast %add3A_431 : i32 to index
        %get3A_434 = tpu.vector_load %arg12[%get3A_432, %get3A_433] {strides = array<i32>} : memref<80x128xf32, #tpu.memory_space<vmem>>, vector<1x16xf32>,
        %get3A_435 = vector.shape_cast %get3A_434 : vector<1x16xf32> to vector<16xf32>
        %get3A_436 = arith.index_cast %add3A_421 : i32 to index
        %get3A_437 = arith.constant 0 : index
        %get3A_438 = tpu.vector_load %arg11[%get3A_436, %get3A_437] {strides = array<i32>} : memref<80x64xf32, #tpu.memory_space<vmem>>, vector<1x16xf32>,
        %get3A_439 = vector.shape_cast %get3A_438 : vector<1x16xf32> to vector<16xf32>
        %mul3A_440 = arith.mulf %get3A_439, %get3A_435 : vector<16xf32>
        %get3A_441 = arith.index_cast %add3A_421 : i32 to index
        %get3A_442 = arith.constant 32 : index
        %get3A_443 = tpu.vector_load %arg11[%get3A_441, %get3A_442] {strides = array<i32>} : memref<80x64xf32, #tpu.memory_space<vmem>>, vector<1x16xf32>,
        %get3A_444 = vector.shape_cast %get3A_443 : vector<1x16xf32> to vector<16xf32>
        %mul3A_445 = arith.mulf %get3A_444, %get3A_435 : vector<16xf32>
        %mul3A_446 = vector.broadcast %squeeze3A_423 : f32 to vector<16xf32>
        %mul3A_447 = arith.mulf %mul3A_446, %mul3A_440 : vector<16xf32>
        %swap3A_448 = arith.index_cast %add3A_421 : i32 to index
        %swap3A_449 = arith.constant 0 : index
        %swap3A_450 = tpu.vector_load %arg13[%swap3A_448, %swap3A_449] {strides = array<i32>} : memref<80x128xf32, #tpu.memory_space<vmem>>, vector<1x16xf32>,
        %swap3A_451 = vector.shape_cast %swap3A_450 : vector<1x16xf32> to vector<16xf32>
        %swap3A_452 = vector.shape_cast %mul3A_447 : vector<16xf32> to vector<1x16xf32>
        tpu.vector_store %arg13[%swap3A_448, %swap3A_449], %swap3A_452 {strides = array<i32>} : memref<80x128xf32, #tpu.memory_space<vmem>>, vector<1x16xf32>,
        %mul3A_453 = vector.broadcast %squeeze3A_425 : f32 to vector<16xf32>
        %mul3A_454 = arith.mulf %mul3A_453, %mul3A_445 : vector<16xf32>
        %swap3A_455 = arith.index_cast %add3A_421 : i32 to index
        %swap3A_456 = arith.constant 32 : index
        %swap3A_457 = tpu.vector_load %arg13[%swap3A_455, %swap3A_456] {strides = array<i32>} : memref<80x128xf32, #tpu.memory_space<vmem>>, vector<1x16xf32>,
        %swap3A_458 = vector.shape_cast %swap3A_457 : vector<1x16xf32> to vector<16xf32>
        %swap3A_459 = vector.shape_cast %mul3A_454 : vector<16xf32> to vector<1x16xf32>
        tpu.vector_store %arg13[%swap3A_455, %swap3A_456], %swap3A_459 {strides = array<i32>} : memref<80x128xf32, #tpu.memory_space<vmem>>, vector<1x16xf32>,
        %mul3A_460 = vector.broadcast %squeeze3A_427 : f32 to vector<16xf32>
        %mul3A_461 = arith.mulf %mul3A_460, %mul3A_445 : vector<16xf32>
        %swap3A_462 = arith.index_cast %add3A_421 : i32 to index
        %swap3A_463 = arith.constant 64 : index
        %swap3A_464 = tpu.vector_load %arg13[%swap3A_462, %swap3A_463] {strides = array<i32>} : memref<80x128xf32, #tpu.memory_space<vmem>>, vector<1x16xf32>,
        %swap3A_465 = vector.shape_cast %swap3A_464 : vector<1x16xf32> to vector<16xf32>
        %swap3A_466 = vector.shape_cast %mul3A_461 : vector<16xf32> to vector<1x16xf32>
        tpu.vector_store %arg13[%swap3A_462, %swap3A_463], %swap3A_466 {strides = array<i32>} : memref<80x128xf32, #tpu.memory_space<vmem>>, vector<1x16xf32>,
        %mul3A_467 = vector.broadcast %squeeze3A_429 : f32 to vector<16xf32>
        %mul3A_468 = arith.mulf %mul3A_467, %mul3A_445 : vector<16xf32>
        %swap3A_469 = arith.index_cast %add3A_421 : i32 to index
        %swap3A_470 = arith.constant 96 : index
        %swap3A_471 = tpu.vector_load %arg13[%swap3A_469, %swap3A_470] {strides = array<i32>} : memref<80x128xf32, #tpu.memory_space<vmem>>, vector<1x16xf32>,
        %swap3A_472 = vector.shape_cast %swap3A_471 : vector<1x16xf32> to vector<16xf32>
        %swap3A_473 = vector.shape_cast %mul3A_468 : vector<16xf32> to vector<1x16xf32>
        tpu.vector_store %arg13[%swap3A_469, %swap3A_470], %swap3A_473 {strides = array<i32>} : memref<80x128xf32, #tpu.memory_space<vmem>>, vector<1x16xf32>,
        %add3A_474 = arith.constant 16 : i32
        %add3A_475 = arith.addi %mul3A_5, %add3A_474 : i32
        %get3A_476 = arith.index_cast %add3A_421 : i32 to index
        %get3A_477 = arith.index_cast %add3A_475 : i32 to index
        %get3A_478 = tpu.vector_load %arg12[%get3A_476, %get3A_477] {strides = array<i32>} : memref<80x128xf32, #tpu.memory_space<vmem>>, vector<1x16xf32>,
        %get3A_479 = vector.shape_cast %get3A_478 : vector<1x16xf32> to vector<16xf32>
        %get3A_480 = arith.index_cast %add3A_421 : i32 to index
        %get3A_481 = arith.constant 16 : index
        %get3A_482 = tpu.vector_load %arg11[%get3A_480, %get3A_481] {strides = array<i32>} : memref<80x64xf32, #tpu.memory_space<vmem>>, vector<1x16xf32>,
        %get3A_483 = vector.shape_cast %get3A_482 : vector<1x16xf32> to vector<16xf32>
        %mul3A_484 = arith.mulf %get3A_483, %get3A_479 : vector<16xf32>
        %get3A_485 = arith.index_cast %add3A_421 : i32 to index
        %get3A_486 = arith.constant 48 : index
        %get3A_487 = tpu.vector_load %arg11[%get3A_485, %get3A_486] {strides = array<i32>} : memref<80x64xf32, #tpu.memory_space<vmem>>, vector<1x16xf32>,
        %get3A_488 = vector.shape_cast %get3A_487 : vector<1x16xf32> to vector<16xf32>
        %mul3A_489 = arith.mulf %get3A_488, %get3A_479 : vector<16xf32>
        %mul3A_490 = vector.broadcast %squeeze3A_423 : f32 to vector<16xf32>
        %mul3A_491 = arith.mulf %mul3A_490, %mul3A_484 : vector<16xf32>
        %swap3A_492 = arith.index_cast %add3A_421 : i32 to index
        %swap3A_493 = arith.constant 16 : index
        %swap3A_494 = tpu.vector_load %arg13[%swap3A_492, %swap3A_493] {strides = array<i32>} : memref<80x128xf32, #tpu.memory_space<vmem>>, vector<1x16xf32>,
        %swap3A_495 = vector.shape_cast %swap3A_494 : vector<1x16xf32> to vector<16xf32>
        %swap3A_496 = vector.shape_cast %mul3A_491 : vector<16xf32> to vector<1x16xf32>
        tpu.vector_store %arg13[%swap3A_492, %swap3A_493], %swap3A_496 {strides = array<i32>} : memref<80x128xf32, #tpu.memory_space<vmem>>, vector<1x16xf32>,
        %mul3A_497 = vector.broadcast %squeeze3A_425 : f32 to vector<16xf32>
        %mul3A_498 = arith.mulf %mul3A_497, %mul3A_489 : vector<16xf32>
        %swap3A_499 = arith.index_cast %add3A_421 : i32 to index
        %swap3A_500 = arith.constant 48 : index
        %swap3A_501 = tpu.vector_load %arg13[%swap3A_499, %swap3A_500] {strides = array<i32>} : memref<80x128xf32, #tpu.memory_space<vmem>>, vector<1x16xf32>,
        %swap3A_502 = vector.shape_cast %swap3A_501 : vector<1x16xf32> to vector<16xf32>
        %swap3A_503 = vector.shape_cast %mul3A_498 : vector<16xf32> to vector<1x16xf32>
        tpu.vector_store %arg13[%swap3A_499, %swap3A_500], %swap3A_503 {strides = array<i32>} : memref<80x128xf32, #tpu.memory_space<vmem>>, vector<1x16xf32>,
        %mul3A_504 = vector.broadcast %squeeze3A_427 : f32 to vector<16xf32>
        %mul3A_505 = arith.mulf %mul3A_504, %mul3A_489 : vector<16xf32>
        %swap3A_506 = arith.index_cast %add3A_421 : i32 to index
        %swap3A_507 = arith.constant 80 : index
        %swap3A_508 = tpu.vector_load %arg13[%swap3A_506, %swap3A_507] {strides = array<i32>} : memref<80x128xf32, #tpu.memory_space<vmem>>, vector<1x16xf32>,
        %swap3A_509 = vector.shape_cast %swap3A_508 : vector<1x16xf32> to vector<16xf32>
        %swap3A_510 = vector.shape_cast %mul3A_505 : vector<16xf32> to vector<1x16xf32>
        tpu.vector_store %arg13[%swap3A_506, %swap3A_507], %swap3A_510 {strides = array<i32>} : memref<80x128xf32, #tpu.memory_space<vmem>>, vector<1x16xf32>,
        %mul3A_511 = vector.broadcast %squeeze3A_429 : f32 to vector<16xf32>
        %mul3A_512 = arith.mulf %mul3A_511, %mul3A_489 : vector<16xf32>
        %swap3A_513 = arith.index_cast %add3A_421 : i32 to index
        %swap3A_514 = arith.constant 112 : index
        %swap3A_515 = tpu.vector_load %arg13[%swap3A_513, %swap3A_514] {strides = array<i32>} : memref<80x128xf32, #tpu.memory_space<vmem>>, vector<1x16xf32>,
        %swap3A_516 = vector.shape_cast %swap3A_515 : vector<1x16xf32> to vector<16xf32>
        %swap3A_517 = vector.shape_cast %mul3A_512 : vector<16xf32> to vector<1x16xf32>
        tpu.vector_store %arg13[%swap3A_513, %swap3A_514], %swap3A_517 {strides = array<i32>} : memref<80x128xf32, #tpu.memory_space<vmem>>, vector<1x16xf32>,
        %mul3A_518 = arith.constant 4 : i32
        %mul3A_519 = arith.muli %scan3A_193, %mul3A_518 : i32
        %add3A_520 = arith.constant 3 : i32
        %add3A_521 = arith.addi %mul3A_519, %add3A_520 : i32
        %slice3A_522 = vector.extract_strided_slice %get3A_220 {offsets = [12], sizes = [1], strides = [1]} : vector<16xf32> to vector<1xf32>
        %squeeze3A_523 = vector.extract %slice3A_522[0] : f32 from vector<1xf32>
        %slice3A_524 = vector.extract_strided_slice %get3A_220 {offsets = [13], sizes = [1], strides = [1]} : vector<16xf32> to vector<1xf32>
        %squeeze3A_525 = vector.extract %slice3A_524[0] : f32 from vector<1xf32>
        %slice3A_526 = vector.extract_strided_slice %get3A_220 {offsets = [14], sizes = [1], strides = [1]} : vector<16xf32> to vector<1xf32>
        %squeeze3A_527 = vector.extract %slice3A_526[0] : f32 from vector<1xf32>
        %slice3A_528 = vector.extract_strided_slice %get3A_220 {offsets = [15], sizes = [1], strides = [1]} : vector<16xf32> to vector<1xf32>
        %squeeze3A_529 = vector.extract %slice3A_528[0] : f32 from vector<1xf32>
        %add3A_530 = arith.constant 0 : i32
        %add3A_531 = arith.addi %mul3A_5, %add3A_530 : i32
        %get3A_532 = arith.index_cast %add3A_521 : i32 to index
        %get3A_533 = arith.index_cast %add3A_531 : i32 to index
        %get3A_534 = tpu.vector_load %arg12[%get3A_532, %get3A_533] {strides = array<i32>} : memref<80x128xf32, #tpu.memory_space<vmem>>, vector<1x16xf32>,
        %get3A_535 = vector.shape_cast %get3A_534 : vector<1x16xf32> to vector<16xf32>
        %get3A_536 = arith.index_cast %add3A_521 : i32 to index
        %get3A_537 = arith.constant 0 : index
        %get3A_538 = tpu.vector_load %arg11[%get3A_536, %get3A_537] {strides = array<i32>} : memref<80x64xf32, #tpu.memory_space<vmem>>, vector<1x16xf32>,
        %get3A_539 = vector.shape_cast %get3A_538 : vector<1x16xf32> to vector<16xf32>
        %mul3A_540 = arith.mulf %get3A_539, %get3A_535 : vector<16xf32>
        %get3A_541 = arith.index_cast %add3A_521 : i32 to index
        %get3A_542 = arith.constant 32 : index
        %get3A_543 = tpu.vector_load %arg11[%get3A_541, %get3A_542] {strides = array<i32>} : memref<80x64xf32, #tpu.memory_space<vmem>>, vector<1x16xf32>,
        %get3A_544 = vector.shape_cast %get3A_543 : vector<1x16xf32> to vector<16xf32>
        %mul3A_545 = arith.mulf %get3A_544, %get3A_535 : vector<16xf32>
        %mul3A_546 = vector.broadcast %squeeze3A_523 : f32 to vector<16xf32>
        %mul3A_547 = arith.mulf %mul3A_546, %mul3A_540 : vector<16xf32>
        %swap3A_548 = arith.index_cast %add3A_521 : i32 to index
        %swap3A_549 = arith.constant 0 : index
        %swap3A_550 = tpu.vector_load %arg13[%swap3A_548, %swap3A_549] {strides = array<i32>} : memref<80x128xf32, #tpu.memory_space<vmem>>, vector<1x16xf32>,
        %swap3A_551 = vector.shape_cast %swap3A_550 : vector<1x16xf32> to vector<16xf32>
        %swap3A_552 = vector.shape_cast %mul3A_547 : vector<16xf32> to vector<1x16xf32>
        tpu.vector_store %arg13[%swap3A_548, %swap3A_549], %swap3A_552 {strides = array<i32>} : memref<80x128xf32, #tpu.memory_space<vmem>>, vector<1x16xf32>,
        %mul3A_553 = vector.broadcast %squeeze3A_525 : f32 to vector<16xf32>
        %mul3A_554 = arith.mulf %mul3A_553, %mul3A_545 : vector<16xf32>
        %swap3A_555 = arith.index_cast %add3A_521 : i32 to index
        %swap3A_556 = arith.constant 32 : index
        %swap3A_557 = tpu.vector_load %arg13[%swap3A_555, %swap3A_556] {strides = array<i32>} : memref<80x128xf32, #tpu.memory_space<vmem>>, vector<1x16xf32>,
        %swap3A_558 = vector.shape_cast %swap3A_557 : vector<1x16xf32> to vector<16xf32>
        %swap3A_559 = vector.shape_cast %mul3A_554 : vector<16xf32> to vector<1x16xf32>
        tpu.vector_store %arg13[%swap3A_555, %swap3A_556], %swap3A_559 {strides = array<i32>} : memref<80x128xf32, #tpu.memory_space<vmem>>, vector<1x16xf32>,
        %mul3A_560 = vector.broadcast %squeeze3A_527 : f32 to vector<16xf32>
        %mul3A_561 = arith.mulf %mul3A_560, %mul3A_545 : vector<16xf32>
        %swap3A_562 = arith.index_cast %add3A_521 : i32 to index
        %swap3A_563 = arith.constant 64 : index
        %swap3A_564 = tpu.vector_load %arg13[%swap3A_562, %swap3A_563] {strides = array<i32>} : memref<80x128xf32, #tpu.memory_space<vmem>>, vector<1x16xf32>,
        %swap3A_565 = vector.shape_cast %swap3A_564 : vector<1x16xf32> to vector<16xf32>
        %swap3A_566 = vector.shape_cast %mul3A_561 : vector<16xf32> to vector<1x16xf32>
        tpu.vector_store %arg13[%swap3A_562, %swap3A_563], %swap3A_566 {strides = array<i32>} : memref<80x128xf32, #tpu.memory_space<vmem>>, vector<1x16xf32>,
        %mul3A_567 = vector.broadcast %squeeze3A_529 : f32 to vector<16xf32>
        %mul3A_568 = arith.mulf %mul3A_567, %mul3A_545 : vector<16xf32>
        %swap3A_569 = arith.index_cast %add3A_521 : i32 to index
        %swap3A_570 = arith.constant 96 : index
        %swap3A_571 = tpu.vector_load %arg13[%swap3A_569, %swap3A_570] {strides = array<i32>} : memref<80x128xf32, #tpu.memory_space<vmem>>, vector<1x16xf32>,
        %swap3A_572 = vector.shape_cast %swap3A_571 : vector<1x16xf32> to vector<16xf32>
        %swap3A_573 = vector.shape_cast %mul3A_568 : vector<16xf32> to vector<1x16xf32>
        tpu.vector_store %arg13[%swap3A_569, %swap3A_570], %swap3A_573 {strides = array<i32>} : memref<80x128xf32, #tpu.memory_space<vmem>>, vector<1x16xf32>,
        %add3A_574 = arith.constant 16 : i32
        %add3A_575 = arith.addi %mul3A_5, %add3A_574 : i32
        %get3A_576 = arith.index_cast %add3A_521 : i32 to index
        %get3A_577 = arith.index_cast %add3A_575 : i32 to index
        %get3A_578 = tpu.vector_load %arg12[%get3A_576, %get3A_577] {strides = array<i32>} : memref<80x128xf32, #tpu.memory_space<vmem>>, vector<1x16xf32>,
        %get3A_579 = vector.shape_cast %get3A_578 : vector<1x16xf32> to vector<16xf32>
        %get3A_580 = arith.index_cast %add3A_521 : i32 to index
        %get3A_581 = arith.constant 16 : index
        %get3A_582 = tpu.vector_load %arg11[%get3A_580, %get3A_581] {strides = array<i32>} : memref<80x64xf32, #tpu.memory_space<vmem>>, vector<1x16xf32>,
        %get3A_583 = vector.shape_cast %get3A_582 : vector<1x16xf32> to vector<16xf32>
        %mul3A_584 = arith.mulf %get3A_583, %get3A_579 : vector<16xf32>
        %get3A_585 = arith.index_cast %add3A_521 : i32 to index
        %get3A_586 = arith.constant 48 : index
        %get3A_587 = tpu.vector_load %arg11[%get3A_585, %get3A_586] {strides = array<i32>} : memref<80x64xf32, #tpu.memory_space<vmem>>, vector<1x16xf32>,
        %get3A_588 = vector.shape_cast %get3A_587 : vector<1x16xf32> to vector<16xf32>
        %mul3A_589 = arith.mulf %get3A_588, %get3A_579 : vector<16xf32>
        %mul3A_590 = vector.broadcast %squeeze3A_523 : f32 to vector<16xf32>
        %mul3A_591 = arith.mulf %mul3A_590, %mul3A_584 : vector<16xf32>
        %swap3A_592 = arith.index_cast %add3A_521 : i32 to index
        %swap3A_593 = arith.constant 16 : index
        %swap3A_594 = tpu.vector_load %arg13[%swap3A_592, %swap3A_593] {strides = array<i32>} : memref<80x128xf32, #tpu.memory_space<vmem>>, vector<1x16xf32>,
        %swap3A_595 = vector.shape_cast %swap3A_594 : vector<1x16xf32> to vector<16xf32>
        %swap3A_596 = vector.shape_cast %mul3A_591 : vector<16xf32> to vector<1x16xf32>
        tpu.vector_store %arg13[%swap3A_592, %swap3A_593], %swap3A_596 {strides = array<i32>} : memref<80x128xf32, #tpu.memory_space<vmem>>, vector<1x16xf32>,
        %mul3A_597 = vector.broadcast %squeeze3A_525 : f32 to vector<16xf32>
        %mul3A_598 = arith.mulf %mul3A_597, %mul3A_589 : vector<16xf32>
        %swap3A_599 = arith.index_cast %add3A_521 : i32 to index
        %swap3A_600 = arith.constant 48 : index
        %swap3A_601 = tpu.vector_load %arg13[%swap3A_599, %swap3A_600] {strides = array<i32>} : memref<80x128xf32, #tpu.memory_space<vmem>>, vector<1x16xf32>,
        %swap3A_602 = vector.shape_cast %swap3A_601 : vector<1x16xf32> to vector<16xf32>
        %swap3A_603 = vector.shape_cast %mul3A_598 : vector<16xf32> to vector<1x16xf32>
        tpu.vector_store %arg13[%swap3A_599, %swap3A_600], %swap3A_603 {strides = array<i32>} : memref<80x128xf32, #tpu.memory_space<vmem>>, vector<1x16xf32>,
        %mul3A_604 = vector.broadcast %squeeze3A_527 : f32 to vector<16xf32>
        %mul3A_605 = arith.mulf %mul3A_604, %mul3A_589 : vector<16xf32>
        %swap3A_606 = arith.index_cast %add3A_521 : i32 to index
        %swap3A_607 = arith.constant 80 : index
        %swap3A_608 = tpu.vector_load %arg13[%swap3A_606, %swap3A_607] {strides = array<i32>} : memref<80x128xf32, #tpu.memory_space<vmem>>, vector<1x16xf32>,
        %swap3A_609 = vector.shape_cast %swap3A_608 : vector<1x16xf32> to vector<16xf32>
        %swap3A_610 = vector.shape_cast %mul3A_605 : vector<16xf32> to vector<1x16xf32>
        tpu.vector_store %arg13[%swap3A_606, %swap3A_607], %swap3A_610 {strides = array<i32>} : memref<80x128xf32, #tpu.memory_space<vmem>>, vector<1x16xf32>,
        %mul3A_611 = vector.broadcast %squeeze3A_529 : f32 to vector<16xf32>
        %mul3A_612 = arith.mulf %mul3A_611, %mul3A_589 : vector<16xf32>
        %swap3A_613 = arith.index_cast %add3A_521 : i32 to index
        %swap3A_614 = arith.constant 112 : index
        %swap3A_615 = tpu.vector_load %arg13[%swap3A_613, %swap3A_614] {strides = array<i32>} : memref<80x128xf32, #tpu.memory_space<vmem>>, vector<1x16xf32>,
        %swap3A_616 = vector.shape_cast %swap3A_615 : vector<1x16xf32> to vector<16xf32>
        %swap3A_617 = vector.shape_cast %mul3A_612 : vector<16xf32> to vector<1x16xf32>
        tpu.vector_store %arg13[%swap3A_613, %swap3A_614], %swap3A_617 {strides = array<i32>} : memref<80x128xf32, #tpu.memory_space<vmem>>, vector<1x16xf32>,
      }
      %scan3A_192 = arith.constant 20 : i32
      "tpu.region"() ({
        %run_scoped3A = tpu.sem_alloc : memref<!tpu.dma_semaphore, #tpu.memory_space<semaphore_mem>>
        %dma_start3A_193 = arith.constant 0 : i32
        %dma_start3A_194 = tpu.memref_slice %arg9[%select_n3A_176, %dma_start3A_193] : memref<32x80xi32, #tpu.memory_space<vmem>> -> memref<1x80xi32, #tpu.memory_space<vmem>>
        %dma_start3A_195 = tpu.memref_squeeze %dma_start3A_194 : memref<1x80xi32, #tpu.memory_space<vmem>> -> memref<80xi32, #tpu.memory_space<vmem>>
        %dma_start3A_196 = arith.constant 0 : i32
        %dma_start3A_197 = arith.constant 0 : i32
        %dma_start3A_198 = tpu.memref_slice %arg14[%dma_start3A_196, %dma_start3A_197] : memref<10112x128xf32, #tpu.memory_space<vmem_shared>> -> memref<10112x128xf32, #tpu.memory_space<vmem_shared>>
        tpu.enqueue_indirect_dma source(%arg13 : memref<80x128xf32, #tpu.memory_space<vmem>>) target(%dma_start3A_198 : memref<10112x128xf32, #tpu.memory_space<vmem_shared>>) offsets(%dma_start3A_195 : memref<80xi32, #tpu.memory_space<vmem>>) semaphore(%run_scoped3A : memref<!tpu.dma_semaphore, #tpu.memory_space<semaphore_mem>>) {add = true}
        %dma_wait3A_199 = arith.constant 0 : i32
        %dma_wait3A_200 = tpu.memref_slice %arg9[%select_n3A_176, %dma_wait3A_199] : memref<32x80xi32, #tpu.memory_space<vmem>> -> memref<1x80xi32, #tpu.memory_space<vmem>>
        %dma_wait3A_201 = tpu.memref_squeeze %dma_wait3A_200 : memref<1x80xi32, #tpu.memory_space<vmem>> -> memref<80xi32, #tpu.memory_space<vmem>>
        %dma_wait3A_202 = arith.constant 0 : i32
        %dma_wait3A_203 = arith.constant 0 : i32
        %dma_wait3A_204 = tpu.memref_slice %arg14[%dma_wait3A_202, %dma_wait3A_203] : memref<10112x128xf32, #tpu.memory_space<vmem_shared>> -> memref<10112x128xf32, #tpu.memory_space<vmem_shared>>
        tpu.wait_indirect_dma semaphore(%run_scoped3A : memref<!tpu.dma_semaphore, #tpu.memory_space<semaphore_mem>>) src(%arg13 : memref<80x128xf32, #tpu.memory_space<vmem>>) dst(%dma_wait3A_204 : memref<10112x128xf32, #tpu.memory_space<vmem_shared>>)
        tpu.yield
      }) : () -> ()
    }
    %barrier3A_52 = arith.constant 0 : index
    tpu.barrier barrier_id(%barrier3A_52)
    %mul3A_53 = arith.constant 632 : i32
    %mul3A_54 = arith.muli %arg1, %mul3A_53 : i32
    %mul3A_55 = arith.constant 632 : i32
    %mul3A_56 = arith.muli %arg1, %mul3A_55 : i32
    "tpu.region"() ({
      %run_scoped3A = tpu.sem_alloc : memref<!tpu.dma_semaphore, #tpu.memory_space<semaphore_mem>>
      %dma_start3A = arith.constant 0 : i32
      %dma_start3A_119 = tpu.memref_slice %arg7[%add3A_3, %mul3A_56, %dma_start3A] : memref<4x10112x128xf32, #tpu.memory_space<hbm>> -> memref<1x632x128xf32, #tpu.memory_space<hbm>>
      %dma_start3A_120 = tpu.memref_squeeze %dma_start3A_119 : memref<1x632x128xf32, #tpu.memory_space<hbm>> -> memref<632x128xf32, #tpu.memory_space<hbm>>
      %dma_start3A_121 = arith.constant 0 : i32
      %dma_start3A_122 = tpu.memref_slice %arg14[%mul3A_54, %dma_start3A_121] : memref<10112x128xf32, #tpu.memory_space<vmem_shared>> -> memref<632x128xf32, #tpu.memory_space<vmem_shared>>
      tpu.enqueue_dma source(%dma_start3A_122 : memref<632x128xf32, #tpu.memory_space<vmem_shared>>) target(%dma_start3A_120 : memref<632x128xf32, #tpu.memory_space<hbm>>) target_semaphore(%run_scoped3A : memref<!tpu.dma_semaphore, #tpu.memory_space<semaphore_mem>>)
      %dma_wait3A = arith.constant 0 : i32
      %dma_wait3A_123 = tpu.memref_slice %arg7[%add3A_3, %mul3A_56, %dma_wait3A] : memref<4x10112x128xf32, #tpu.memory_space<hbm>> -> memref<1x632x128xf32, #tpu.memory_space<hbm>>
      %dma_wait3A_124 = tpu.memref_squeeze %dma_wait3A_123 : memref<1x632x128xf32, #tpu.memory_space<hbm>> -> memref<632x128xf32, #tpu.memory_space<hbm>>
      %dma_wait3A_125 = arith.constant 0 : i32
      %dma_wait3A_126 = tpu.memref_slice %arg14[%mul3A_54, %dma_wait3A_125] : memref<10112x128xf32, #tpu.memory_space<vmem_shared>> -> memref<632x128xf32, #tpu.memory_space<vmem_shared>>
      tpu.wait_dma2 semaphore(%run_scoped3A : memref<!tpu.dma_semaphore, #tpu.memory_space<semaphore_mem>>) src(%dma_wait3A_126 : memref<632x128xf32, #tpu.memory_space<vmem_shared>>) dst(%dma_wait3A_124 : memref<632x128xf32, #tpu.memory_space<hbm>>)
      tpu.yield
    }) : () -> ()
    %barrier3A_57 = arith.constant 0 : index
    tpu.barrier barrier_id(%barrier3A_57)
    %mul3A_58 = arith.constant 2 : i32
    %mul3A_59 = arith.muli %mul3A_58, %arg0 : i32
    %add3A_60 = arith.constant 1 : i32
    %add3A_61 = arith.addi %mul3A_59, %add3A_60 : i32
    %mul3A_62 = arith.constant 32 : i32
    %mul3A_63 = arith.muli %add3A_61, %mul3A_62 : i32
    %scan3A_64 = arith.constant 0 : i32
    %scan3A_65 = arith.constant 0 : i32
    %scan3A_66 = arith.constant 80 : i32
    %scan3A_67 = arith.addi %scan3A_65, %scan3A_66 : i32
    %scan3A_68 = arith.constant 1 : i32
    scf.for %scan3A_119 = %scan3A_65 to %scan3A_67 step %scan3A_68  : i32 {
      %broadcast_in_dim3A = arith.constant 0.000000e+00 : f32
      %broadcast_in_dim3A_120 = vector.broadcast %broadcast_in_dim3A : f32 to vector<16xf32>
      %swap3A = arith.index_cast %scan3A_119 : i32 to index
      %swap3A_121 = arith.constant 0 : index
      %swap3A_122 = tpu.vector_load %arg13[%swap3A, %swap3A_121] {strides = array<i32>} : memref<80x128xf32, #tpu.memory_space<vmem>>, vector<1x16xf32>,
      %swap3A_123 = vector.shape_cast %swap3A_122 : vector<1x16xf32> to vector<16xf32>
      %swap3A_124 = vector.shape_cast %broadcast_in_dim3A_120 : vector<16xf32> to vector<1x16xf32>
      tpu.vector_store %arg13[%swap3A, %swap3A_121], %swap3A_124 {strides = array<i32>} : memref<80x128xf32, #tpu.memory_space<vmem>>, vector<1x16xf32>,
      %broadcast_in_dim3A_125 = arith.constant 0.000000e+00 : f32
      %broadcast_in_dim3A_126 = vector.broadcast %broadcast_in_dim3A_125 : f32 to vector<16xf32>
      %swap3A_127 = arith.index_cast %scan3A_119 : i32 to index
      %swap3A_128 = arith.constant 16 : index
      %swap3A_129 = tpu.vector_load %arg13[%swap3A_127, %swap3A_128] {strides = array<i32>} : memref<80x128xf32, #tpu.memory_space<vmem>>, vector<1x16xf32>,
      %swap3A_130 = vector.shape_cast %swap3A_129 : vector<1x16xf32> to vector<16xf32>
      %swap3A_131 = vector.shape_cast %broadcast_in_dim3A_126 : vector<16xf32> to vector<1x16xf32>
      tpu.vector_store %arg13[%swap3A_127, %swap3A_128], %swap3A_131 {strides = array<i32>} : memref<80x128xf32, #tpu.memory_space<vmem>>, vector<1x16xf32>,
      %broadcast_in_dim3A_132 = arith.constant 0.000000e+00 : f32
      %broadcast_in_dim3A_133 = vector.broadcast %broadcast_in_dim3A_132 : f32 to vector<16xf32>
      %swap3A_134 = arith.index_cast %scan3A_119 : i32 to index
      %swap3A_135 = arith.constant 32 : index
      %swap3A_136 = tpu.vector_load %arg13[%swap3A_134, %swap3A_135] {strides = array<i32>} : memref<80x128xf32, #tpu.memory_space<vmem>>, vector<1x16xf32>,
      %swap3A_137 = vector.shape_cast %swap3A_136 : vector<1x16xf32> to vector<16xf32>
      %swap3A_138 = vector.shape_cast %broadcast_in_dim3A_133 : vector<16xf32> to vector<1x16xf32>
      tpu.vector_store %arg13[%swap3A_134, %swap3A_135], %swap3A_138 {strides = array<i32>} : memref<80x128xf32, #tpu.memory_space<vmem>>, vector<1x16xf32>,
      %broadcast_in_dim3A_139 = arith.constant 0.000000e+00 : f32
      %broadcast_in_dim3A_140 = vector.broadcast %broadcast_in_dim3A_139 : f32 to vector<16xf32>
      %swap3A_141 = arith.index_cast %scan3A_119 : i32 to index
      %swap3A_142 = arith.constant 48 : index
      %swap3A_143 = tpu.vector_load %arg13[%swap3A_141, %swap3A_142] {strides = array<i32>} : memref<80x128xf32, #tpu.memory_space<vmem>>, vector<1x16xf32>,
      %swap3A_144 = vector.shape_cast %swap3A_143 : vector<1x16xf32> to vector<16xf32>
      %swap3A_145 = vector.shape_cast %broadcast_in_dim3A_140 : vector<16xf32> to vector<1x16xf32>
      tpu.vector_store %arg13[%swap3A_141, %swap3A_142], %swap3A_145 {strides = array<i32>} : memref<80x128xf32, #tpu.memory_space<vmem>>, vector<1x16xf32>,
      %broadcast_in_dim3A_146 = arith.constant 0.000000e+00 : f32
      %broadcast_in_dim3A_147 = vector.broadcast %broadcast_in_dim3A_146 : f32 to vector<16xf32>
      %swap3A_148 = arith.index_cast %scan3A_119 : i32 to index
      %swap3A_149 = arith.constant 64 : index
      %swap3A_150 = tpu.vector_load %arg13[%swap3A_148, %swap3A_149] {strides = array<i32>} : memref<80x128xf32, #tpu.memory_space<vmem>>, vector<1x16xf32>,
      %swap3A_151 = vector.shape_cast %swap3A_150 : vector<1x16xf32> to vector<16xf32>
      %swap3A_152 = vector.shape_cast %broadcast_in_dim3A_147 : vector<16xf32> to vector<1x16xf32>
      tpu.vector_store %arg13[%swap3A_148, %swap3A_149], %swap3A_152 {strides = array<i32>} : memref<80x128xf32, #tpu.memory_space<vmem>>, vector<1x16xf32>,
      %broadcast_in_dim3A_153 = arith.constant 0.000000e+00 : f32
      %broadcast_in_dim3A_154 = vector.broadcast %broadcast_in_dim3A_153 : f32 to vector<16xf32>
      %swap3A_155 = arith.index_cast %scan3A_119 : i32 to index
      %swap3A_156 = arith.constant 80 : index
      %swap3A_157 = tpu.vector_load %arg13[%swap3A_155, %swap3A_156] {strides = array<i32>} : memref<80x128xf32, #tpu.memory_space<vmem>>, vector<1x16xf32>,
      %swap3A_158 = vector.shape_cast %swap3A_157 : vector<1x16xf32> to vector<16xf32>
      %swap3A_159 = vector.shape_cast %broadcast_in_dim3A_154 : vector<16xf32> to vector<1x16xf32>
      tpu.vector_store %arg13[%swap3A_155, %swap3A_156], %swap3A_159 {strides = array<i32>} : memref<80x128xf32, #tpu.memory_space<vmem>>, vector<1x16xf32>,
      %broadcast_in_dim3A_160 = arith.constant 0.000000e+00 : f32
      %broadcast_in_dim3A_161 = vector.broadcast %broadcast_in_dim3A_160 : f32 to vector<16xf32>
      %swap3A_162 = arith.index_cast %scan3A_119 : i32 to index
      %swap3A_163 = arith.constant 96 : index
      %swap3A_164 = tpu.vector_load %arg13[%swap3A_162, %swap3A_163] {strides = array<i32>} : memref<80x128xf32, #tpu.memory_space<vmem>>, vector<1x16xf32>,
      %swap3A_165 = vector.shape_cast %swap3A_164 : vector<1x16xf32> to vector<16xf32>
      %swap3A_166 = vector.shape_cast %broadcast_in_dim3A_161 : vector<16xf32> to vector<1x16xf32>
      tpu.vector_store %arg13[%swap3A_162, %swap3A_163], %swap3A_166 {strides = array<i32>} : memref<80x128xf32, #tpu.memory_space<vmem>>, vector<1x16xf32>,
      %broadcast_in_dim3A_167 = arith.constant 0.000000e+00 : f32
      %broadcast_in_dim3A_168 = vector.broadcast %broadcast_in_dim3A_167 : f32 to vector<16xf32>
      %swap3A_169 = arith.index_cast %scan3A_119 : i32 to index
      %swap3A_170 = arith.constant 112 : index
      %swap3A_171 = tpu.vector_load %arg13[%swap3A_169, %swap3A_170] {strides = array<i32>} : memref<80x128xf32, #tpu.memory_space<vmem>>, vector<1x16xf32>,
      %swap3A_172 = vector.shape_cast %swap3A_171 : vector<1x16xf32> to vector<16xf32>
      %swap3A_173 = vector.shape_cast %broadcast_in_dim3A_168 : vector<16xf32> to vector<1x16xf32>
      tpu.vector_store %arg13[%swap3A_169, %swap3A_170], %swap3A_173 {strides = array<i32>} : memref<80x128xf32, #tpu.memory_space<vmem>>, vector<1x16xf32>,
    }
    %scan3A_69 = arith.constant 80 : i32
    %mul3A_70 = arith.constant 632 : i32
    %mul3A_71 = arith.muli %arg1, %mul3A_70 : i32
    %add3A_72 = arith.constant 0 : i32
    %add3A_73 = arith.addi %mul3A_71, %add3A_72 : i32
    "tpu.region"() ({
      %run_scoped3A = tpu.sem_alloc : memref<!tpu.dma_semaphore, #tpu.memory_space<semaphore_mem>>
      %dma_start3A = arith.constant 0 : i32
      %dma_start3A_119 = tpu.memref_slice %arg14[%add3A_73, %dma_start3A] : memref<10112x128xf32, #tpu.memory_space<vmem_shared>> -> memref<80x128xf32, #tpu.memory_space<vmem_shared>>
      %dma_start3A_120 = arith.constant 0 : i32
      %dma_start3A_121 = tpu.memref_slice %arg14[%add3A_73, %dma_start3A_120] : memref<10112x128xf32, #tpu.memory_space<vmem_shared>> -> memref<80x128xf32, #tpu.memory_space<vmem_shared>>
      tpu.enqueue_dma source(%arg13 : memref<80x128xf32, #tpu.memory_space<vmem>>) target(%dma_start3A_121 : memref<80x128xf32, #tpu.memory_space<vmem_shared>>) target_semaphore(%run_scoped3A : memref<!tpu.dma_semaphore, #tpu.memory_space<semaphore_mem>>)
      %dma_wait3A = arith.constant 0 : i32
      %dma_wait3A_122 = tpu.memref_slice %arg14[%add3A_73, %dma_wait3A] : memref<10112x128xf32, #tpu.memory_space<vmem_shared>> -> memref<80x128xf32, #tpu.memory_space<vmem_shared>>
      %dma_wait3A_123 = arith.constant 0 : i32
      %dma_wait3A_124 = tpu.memref_slice %arg14[%add3A_73, %dma_wait3A_123] : memref<10112x128xf32, #tpu.memory_space<vmem_shared>> -> memref<80x128xf32, #tpu.memory_space<vmem_shared>>
      tpu.wait_dma2 semaphore(%run_scoped3A : memref<!tpu.dma_semaphore, #tpu.memory_space<semaphore_mem>>) src(%arg13 : memref<80x128xf32, #tpu.memory_space<vmem>>) dst(%dma_wait3A_124 : memref<80x128xf32, #tpu.memory_space<vmem_shared>>)
      tpu.yield
    }) : () -> ()
    %mul3A_74 = arith.constant 632 : i32
    %mul3A_75 = arith.muli %arg1, %mul3A_74 : i32
    %add3A_76 = arith.constant 80 : i32
    %add3A_77 = arith.addi %mul3A_75, %add3A_76 : i32
    "tpu.region"() ({
      %run_scoped3A = tpu.sem_alloc : memref<!tpu.dma_semaphore, #tpu.memory_space<semaphore_mem>>
      %dma_start3A = arith.constant 0 : i32
      %dma_start3A_119 = tpu.memref_slice %arg14[%add3A_77, %dma_start3A] : memref<10112x128xf32, #tpu.memory_space<vmem_shared>> -> memref<80x128xf32, #tpu.memory_space<vmem_shared>>
      %dma_start3A_120 = arith.constant 0 : i32
      %dma_start3A_121 = tpu.memref_slice %arg14[%add3A_77, %dma_start3A_120] : memref<10112x128xf32, #tpu.memory_space<vmem_shared>> -> memref<80x128xf32, #tpu.memory_space<vmem_shared>>
      tpu.enqueue_dma source(%arg13 : memref<80x128xf32, #tpu.memory_space<vmem>>) target(%dma_start3A_121 : memref<80x128xf32, #tpu.memory_space<vmem_shared>>) target_semaphore(%run_scoped3A : memref<!tpu.dma_semaphore, #tpu.memory_space<semaphore_mem>>)
      %dma_wait3A = arith.constant 0 : i32
      %dma_wait3A_122 = tpu.memref_slice %arg14[%add3A_77, %dma_wait3A] : memref<10112x128xf32, #tpu.memory_space<vmem_shared>> -> memref<80x128xf32, #tpu.memory_space<vmem_shared>>
      %dma_wait3A_123 = arith.constant 0 : i32
      %dma_wait3A_124 = tpu.memref_slice %arg14[%add3A_77, %dma_wait3A_123] : memref<10112x128xf32, #tpu.memory_space<vmem_shared>> -> memref<80x128xf32, #tpu.memory_space<vmem_shared>>
      tpu.wait_dma2 semaphore(%run_scoped3A : memref<!tpu.dma_semaphore, #tpu.memory_space<semaphore_mem>>) src(%arg13 : memref<80x128xf32, #tpu.memory_space<vmem>>) dst(%dma_wait3A_124 : memref<80x128xf32, #tpu.memory_space<vmem_shared>>)
      tpu.yield
    }) : () -> ()
    %mul3A_78 = arith.constant 632 : i32
    %mul3A_79 = arith.muli %arg1, %mul3A_78 : i32
    %add3A_80 = arith.constant 160 : i32
    %add3A_81 = arith.addi %mul3A_79, %add3A_80 : i32
    "tpu.region"() ({
      %run_scoped3A = tpu.sem_alloc : memref<!tpu.dma_semaphore, #tpu.memory_space<semaphore_mem>>
      %dma_start3A = arith.constant 0 : i32
      %dma_start3A_119 = tpu.memref_slice %arg14[%add3A_81, %dma_start3A] : memref<10112x128xf32, #tpu.memory_space<vmem_shared>> -> memref<80x128xf32, #tpu.memory_space<vmem_shared>>
      %dma_start3A_120 = arith.constant 0 : i32
      %dma_start3A_121 = tpu.memref_slice %arg14[%add3A_81, %dma_start3A_120] : memref<10112x128xf32, #tpu.memory_space<vmem_shared>> -> memref<80x128xf32, #tpu.memory_space<vmem_shared>>
      tpu.enqueue_dma source(%arg13 : memref<80x128xf32, #tpu.memory_space<vmem>>) target(%dma_start3A_121 : memref<80x128xf32, #tpu.memory_space<vmem_shared>>) target_semaphore(%run_scoped3A : memref<!tpu.dma_semaphore, #tpu.memory_space<semaphore_mem>>)
      %dma_wait3A = arith.constant 0 : i32
      %dma_wait3A_122 = tpu.memref_slice %arg14[%add3A_81, %dma_wait3A] : memref<10112x128xf32, #tpu.memory_space<vmem_shared>> -> memref<80x128xf32, #tpu.memory_space<vmem_shared>>
      %dma_wait3A_123 = arith.constant 0 : i32
      %dma_wait3A_124 = tpu.memref_slice %arg14[%add3A_81, %dma_wait3A_123] : memref<10112x128xf32, #tpu.memory_space<vmem_shared>> -> memref<80x128xf32, #tpu.memory_space<vmem_shared>>
      tpu.wait_dma2 semaphore(%run_scoped3A : memref<!tpu.dma_semaphore, #tpu.memory_space<semaphore_mem>>) src(%arg13 : memref<80x128xf32, #tpu.memory_space<vmem>>) dst(%dma_wait3A_124 : memref<80x128xf32, #tpu.memory_space<vmem_shared>>)
      tpu.yield
    }) : () -> ()
    %mul3A_82 = arith.constant 632 : i32
    %mul3A_83 = arith.muli %arg1, %mul3A_82 : i32
    %add3A_84 = arith.constant 240 : i32
    %add3A_85 = arith.addi %mul3A_83, %add3A_84 : i32
    "tpu.region"() ({
      %run_scoped3A = tpu.sem_alloc : memref<!tpu.dma_semaphore, #tpu.memory_space<semaphore_mem>>
      %dma_start3A = arith.constant 0 : i32
      %dma_start3A_119 = tpu.memref_slice %arg14[%add3A_85, %dma_start3A] : memref<10112x128xf32, #tpu.memory_space<vmem_shared>> -> memref<80x128xf32, #tpu.memory_space<vmem_shared>>
      %dma_start3A_120 = arith.constant 0 : i32
      %dma_start3A_121 = tpu.memref_slice %arg14[%add3A_85, %dma_start3A_120] : memref<10112x128xf32, #tpu.memory_space<vmem_shared>> -> memref<80x128xf32, #tpu.memory_space<vmem_shared>>
      tpu.enqueue_dma source(%arg13 : memref<80x128xf32, #tpu.memory_space<vmem>>) target(%dma_start3A_121 : memref<80x128xf32, #tpu.memory_space<vmem_shared>>) target_semaphore(%run_scoped3A : memref<!tpu.dma_semaphore, #tpu.memory_space<semaphore_mem>>)
      %dma_wait3A = arith.constant 0 : i32
      %dma_wait3A_122 = tpu.memref_slice %arg14[%add3A_85, %dma_wait3A] : memref<10112x128xf32, #tpu.memory_space<vmem_shared>> -> memref<80x128xf32, #tpu.memory_space<vmem_shared>>
      %dma_wait3A_123 = arith.constant 0 : i32
      %dma_wait3A_124 = tpu.memref_slice %arg14[%add3A_85, %dma_wait3A_123] : memref<10112x128xf32, #tpu.memory_space<vmem_shared>> -> memref<80x128xf32, #tpu.memory_space<vmem_shared>>
      tpu.wait_dma2 semaphore(%run_scoped3A : memref<!tpu.dma_semaphore, #tpu.memory_space<semaphore_mem>>) src(%arg13 : memref<80x128xf32, #tpu.memory_space<vmem>>) dst(%dma_wait3A_124 : memref<80x128xf32, #tpu.memory_space<vmem_shared>>)
      tpu.yield
    }) : () -> ()
    %mul3A_86 = arith.constant 632 : i32
    %mul3A_87 = arith.muli %arg1, %mul3A_86 : i32
    %add3A_88 = arith.constant 320 : i32
    %add3A_89 = arith.addi %mul3A_87, %add3A_88 : i32
    "tpu.region"() ({
      %run_scoped3A = tpu.sem_alloc : memref<!tpu.dma_semaphore, #tpu.memory_space<semaphore_mem>>
      %dma_start3A = arith.constant 0 : i32
      %dma_start3A_119 = tpu.memref_slice %arg14[%add3A_89, %dma_start3A] : memref<10112x128xf32, #tpu.memory_space<vmem_shared>> -> memref<80x128xf32, #tpu.memory_space<vmem_shared>>
      %dma_start3A_120 = arith.constant 0 : i32
      %dma_start3A_121 = tpu.memref_slice %arg14[%add3A_89, %dma_start3A_120] : memref<10112x128xf32, #tpu.memory_space<vmem_shared>> -> memref<80x128xf32, #tpu.memory_space<vmem_shared>>
      tpu.enqueue_dma source(%arg13 : memref<80x128xf32, #tpu.memory_space<vmem>>) target(%dma_start3A_121 : memref<80x128xf32, #tpu.memory_space<vmem_shared>>) target_semaphore(%run_scoped3A : memref<!tpu.dma_semaphore, #tpu.memory_space<semaphore_mem>>)
      %dma_wait3A = arith.constant 0 : i32
      %dma_wait3A_122 = tpu.memref_slice %arg14[%add3A_89, %dma_wait3A] : memref<10112x128xf32, #tpu.memory_space<vmem_shared>> -> memref<80x128xf32, #tpu.memory_space<vmem_shared>>
      %dma_wait3A_123 = arith.constant 0 : i32
      %dma_wait3A_124 = tpu.memref_slice %arg14[%add3A_89, %dma_wait3A_123] : memref<10112x128xf32, #tpu.memory_space<vmem_shared>> -> memref<80x128xf32, #tpu.memory_space<vmem_shared>>
      tpu.wait_dma2 semaphore(%run_scoped3A : memref<!tpu.dma_semaphore, #tpu.memory_space<semaphore_mem>>) src(%arg13 : memref<80x128xf32, #tpu.memory_space<vmem>>) dst(%dma_wait3A_124 : memref<80x128xf32, #tpu.memory_space<vmem_shared>>)
      tpu.yield
    }) : () -> ()
    %mul3A_90 = arith.constant 632 : i32
    %mul3A_91 = arith.muli %arg1, %mul3A_90 : i32
    %add3A_92 = arith.constant 400 : i32
    %add3A_93 = arith.addi %mul3A_91, %add3A_92 : i32
    "tpu.region"() ({
      %run_scoped3A = tpu.sem_alloc : memref<!tpu.dma_semaphore, #tpu.memory_space<semaphore_mem>>
      %dma_start3A = arith.constant 0 : i32
      %dma_start3A_119 = tpu.memref_slice %arg14[%add3A_93, %dma_start3A] : memref<10112x128xf32, #tpu.memory_space<vmem_shared>> -> memref<80x128xf32, #tpu.memory_space<vmem_shared>>
      %dma_start3A_120 = arith.constant 0 : i32
      %dma_start3A_121 = tpu.memref_slice %arg14[%add3A_93, %dma_start3A_120] : memref<10112x128xf32, #tpu.memory_space<vmem_shared>> -> memref<80x128xf32, #tpu.memory_space<vmem_shared>>
      tpu.enqueue_dma source(%arg13 : memref<80x128xf32, #tpu.memory_space<vmem>>) target(%dma_start3A_121 : memref<80x128xf32, #tpu.memory_space<vmem_shared>>) target_semaphore(%run_scoped3A : memref<!tpu.dma_semaphore, #tpu.memory_space<semaphore_mem>>)
      %dma_wait3A = arith.constant 0 : i32
      %dma_wait3A_122 = tpu.memref_slice %arg14[%add3A_93, %dma_wait3A] : memref<10112x128xf32, #tpu.memory_space<vmem_shared>> -> memref<80x128xf32, #tpu.memory_space<vmem_shared>>
      %dma_wait3A_123 = arith.constant 0 : i32
      %dma_wait3A_124 = tpu.memref_slice %arg14[%add3A_93, %dma_wait3A_123] : memref<10112x128xf32, #tpu.memory_space<vmem_shared>> -> memref<80x128xf32, #tpu.memory_space<vmem_shared>>
      tpu.wait_dma2 semaphore(%run_scoped3A : memref<!tpu.dma_semaphore, #tpu.memory_space<semaphore_mem>>) src(%arg13 : memref<80x128xf32, #tpu.memory_space<vmem>>) dst(%dma_wait3A_124 : memref<80x128xf32, #tpu.memory_space<vmem_shared>>)
      tpu.yield
    }) : () -> ()
    %mul3A_94 = arith.constant 632 : i32
    %mul3A_95 = arith.muli %arg1, %mul3A_94 : i32
    %add3A_96 = arith.constant 480 : i32
    %add3A_97 = arith.addi %mul3A_95, %add3A_96 : i32
    "tpu.region"() ({
      %run_scoped3A = tpu.sem_alloc : memref<!tpu.dma_semaphore, #tpu.memory_space<semaphore_mem>>
      %dma_start3A = arith.constant 0 : i32
      %dma_start3A_119 = tpu.memref_slice %arg14[%add3A_97, %dma_start3A] : memref<10112x128xf32, #tpu.memory_space<vmem_shared>> -> memref<80x128xf32, #tpu.memory_space<vmem_shared>>
      %dma_start3A_120 = arith.constant 0 : i32
      %dma_start3A_121 = tpu.memref_slice %arg14[%add3A_97, %dma_start3A_120] : memref<10112x128xf32, #tpu.memory_space<vmem_shared>> -> memref<80x128xf32, #tpu.memory_space<vmem_shared>>
      tpu.enqueue_dma source(%arg13 : memref<80x128xf32, #tpu.memory_space<vmem>>) target(%dma_start3A_121 : memref<80x128xf32, #tpu.memory_space<vmem_shared>>) target_semaphore(%run_scoped3A : memref<!tpu.dma_semaphore, #tpu.memory_space<semaphore_mem>>)
      %dma_wait3A = arith.constant 0 : i32
      %dma_wait3A_122 = tpu.memref_slice %arg14[%add3A_97, %dma_wait3A] : memref<10112x128xf32, #tpu.memory_space<vmem_shared>> -> memref<80x128xf32, #tpu.memory_space<vmem_shared>>
      %dma_wait3A_123 = arith.constant 0 : i32
      %dma_wait3A_124 = tpu.memref_slice %arg14[%add3A_97, %dma_wait3A_123] : memref<10112x128xf32, #tpu.memory_space<vmem_shared>> -> memref<80x128xf32, #tpu.memory_space<vmem_shared>>
      tpu.wait_dma2 semaphore(%run_scoped3A : memref<!tpu.dma_semaphore, #tpu.memory_space<semaphore_mem>>) src(%arg13 : memref<80x128xf32, #tpu.memory_space<vmem>>) dst(%dma_wait3A_124 : memref<80x128xf32, #tpu.memory_space<vmem_shared>>)
      tpu.yield
    }) : () -> ()
    %mul3A_98 = arith.constant 632 : i32
    %mul3A_99 = arith.muli %arg1, %mul3A_98 : i32
    %add3A_100 = arith.constant 560 : i32
    %add3A_101 = arith.addi %mul3A_99, %add3A_100 : i32
    "tpu.region"() ({
      %run_scoped3A = tpu.sem_alloc : memref<!tpu.dma_semaphore, #tpu.memory_space<semaphore_mem>>
      %dma_start3A = arith.constant 0 : i32
      %dma_start3A_119 = arith.constant 0 : i32
      %dma_start3A_120 = tpu.memref_slice %arg13[%dma_start3A, %dma_start3A_119] : memref<80x128xf32, #tpu.memory_space<vmem>> -> memref<72x128xf32, #tpu.memory_space<vmem>>
      %dma_start3A_121 = arith.constant 0 : i32
      %dma_start3A_122 = tpu.memref_slice %arg14[%add3A_101, %dma_start3A_121] : memref<10112x128xf32, #tpu.memory_space<vmem_shared>> -> memref<72x128xf32, #tpu.memory_space<vmem_shared>>
      %dma_start3A_123 = arith.constant 0 : i32
      %dma_start3A_124 = tpu.memref_slice %arg14[%add3A_101, %dma_start3A_123] : memref<10112x128xf32, #tpu.memory_space<vmem_shared>> -> memref<72x128xf32, #tpu.memory_space<vmem_shared>>
      %dma_start3A_125 = arith.constant 0 : i32
      %dma_start3A_126 = arith.constant 0 : i32
      %dma_start3A_127 = tpu.memref_slice %arg13[%dma_start3A_125, %dma_start3A_126] : memref<80x128xf32, #tpu.memory_space<vmem>> -> memref<72x128xf32, #tpu.memory_space<vmem>>
      tpu.enqueue_dma source(%dma_start3A_127 : memref<72x128xf32, #tpu.memory_space<vmem>>) target(%dma_start3A_124 : memref<72x128xf32, #tpu.memory_space<vmem_shared>>) target_semaphore(%run_scoped3A : memref<!tpu.dma_semaphore, #tpu.memory_space<semaphore_mem>>)
      %dma_wait3A = arith.constant 0 : i32
      %dma_wait3A_128 = arith.constant 0 : i32
      %dma_wait3A_129 = tpu.memref_slice %arg13[%dma_wait3A, %dma_wait3A_128] : memref<80x128xf32, #tpu.memory_space<vmem>> -> memref<72x128xf32, #tpu.memory_space<vmem>>
      %dma_wait3A_130 = arith.constant 0 : i32
      %dma_wait3A_131 = tpu.memref_slice %arg14[%add3A_101, %dma_wait3A_130] : memref<10112x128xf32, #tpu.memory_space<vmem_shared>> -> memref<72x128xf32, #tpu.memory_space<vmem_shared>>
      %dma_wait3A_132 = arith.constant 0 : i32
      %dma_wait3A_133 = tpu.memref_slice %arg14[%add3A_101, %dma_wait3A_132] : memref<10112x128xf32, #tpu.memory_space<vmem_shared>> -> memref<72x128xf32, #tpu.memory_space<vmem_shared>>
      %dma_wait3A_134 = arith.constant 0 : i32
      %dma_wait3A_135 = arith.constant 0 : i32
      %dma_wait3A_136 = tpu.memref_slice %arg13[%dma_wait3A_134, %dma_wait3A_135] : memref<80x128xf32, #tpu.memory_space<vmem>> -> memref<72x128xf32, #tpu.memory_space<vmem>>
      tpu.wait_dma2 semaphore(%run_scoped3A : memref<!tpu.dma_semaphore, #tpu.memory_space<semaphore_mem>>) src(%dma_wait3A_136 : memref<72x128xf32, #tpu.memory_space<vmem>>) dst(%dma_wait3A_133 : memref<72x128xf32, #tpu.memory_space<vmem_shared>>)
      tpu.yield
    }) : () -> ()
    %barrier3A_102 = arith.constant 0 : index
    tpu.barrier barrier_id(%barrier3A_102)
    %while3A_103 = arith.constant 0 : i32
    %while3A_104 = arith.constant 0 : i32
    %while3A_105 = arith.subi %select_n3A, %while3A_104 : i32
    %while3A_106 = arith.addi %while3A_104, %while3A_105 : i32
    %while3A_107 = arith.constant 1 : i32
    %while3A_108 = arith.divsi %while3A_105, %while3A_107 : i32
    %while3A_109 = arith.muli %while3A_108, %while3A_107 : i32
    %while3A_110 = arith.addi %while3A_104, %while3A_109 : i32
    %while3A_111 = arith.constant 1 : i32
    scf.for %while3A_119 = %while3A_104 to %while3A_110 step %while3A_111  : i32 {
      %mul3A_120 = arith.constant 10240 : i32
      %mul3A_121 = arith.muli %arg1, %mul3A_120 : i32
      %mul3A_122 = arith.constant 80 : i32
      %mul3A_123 = arith.muli %while3A_119, %mul3A_122 : i32
      %add3A_124 = arith.addi %mul3A_121, %mul3A_123 : i32
      %jit3A_125 = arith.constant 32 : i32
      %eq3A_126 = arith.constant 0 : i32
      %eq3A_127 = arith.cmpi eq, %jit3A_125, %eq3A_126 : i32
      %jit3A_128 = arith.constant 1 : i32
      %select_n3A_129 = arith.select %eq3A_127, %jit3A_128, %jit3A_125 : i32
      %rem3A = arith.remsi %while3A_119, %select_n3A_129 : i32
      %ne3A = arith.constant 0 : i32
      %ne3A_130 = arith.cmpi ne, %rem3A, %ne3A : i32
      %lt3A = arith.constant 0 : i32
      %lt3A_131 = arith.cmpi slt, %rem3A, %lt3A : i32
      %lt3A_132 = arith.constant 0 : i32
      %lt3A_133 = arith.cmpi slt, %select_n3A_129, %lt3A_132 : i32
      %ne3A_134 = arith.xori %lt3A_131, %lt3A_133 : i1
      %and3A = arith.andi %ne3A_134, %ne3A_130 : i1
      %add3A_135 = arith.addi %rem3A, %select_n3A_129 : i32
      %select_n3A_136 = arith.select %and3A, %add3A_135, %rem3A : i32
      %eq3A_137 = arith.constant 0 : i32
      %eq3A_138 = arith.cmpi eq, %select_n3A_136, %eq3A_137 : i32
      %convert_element_type3A = arith.extui %eq3A_138 : i1 to i32
      %cond3A = arith.constant 0 : i32
      %cond3A_139 = arith.cmpi ne, %convert_element_type3A, %cond3A : i32
      scf.if %cond3A_139 {
        %jit3A_193 = arith.constant 32 : i32
        %div3A = arith.divsi %while3A_119, %jit3A_193 : i32
        %sign3A = arith.constant 0 : i32
        %sign3A_194 = arith.cmpi sgt, %while3A_119, %sign3A : i32
        %sign3A_195 = arith.extui %sign3A_194 : i1 to i32
        %sign3A_196 = arith.constant 0 : i32
        %sign3A_197 = arith.cmpi slt, %while3A_119, %sign3A_196 : i32
        %sign3A_198 = arith.extui %sign3A_197 : i1 to i32
        %sign3A_199 = arith.subi %sign3A_195, %sign3A_198 : i32
        %sign3A_200 = arith.constant 0 : i32
        %sign3A_201 = arith.cmpi sgt, %jit3A_193, %sign3A_200 : i32
        %sign3A_202 = arith.extui %sign3A_201 : i1 to i32
        %sign3A_203 = arith.constant 0 : i32
        %sign3A_204 = arith.cmpi slt, %jit3A_193, %sign3A_203 : i32
        %sign3A_205 = arith.extui %sign3A_204 : i1 to i32
        %sign3A_206 = arith.subi %sign3A_202, %sign3A_205 : i32
        %ne3A_207 = arith.cmpi ne, %sign3A_199, %sign3A_206 : i32
        %rem3A_208 = arith.remsi %while3A_119, %jit3A_193 : i32
        %ne3A_209 = arith.constant 0 : i32
        %ne3A_210 = arith.cmpi ne, %rem3A_208, %ne3A_209 : i32
        %and3A_211 = arith.andi %ne3A_207, %ne3A_210 : i1
        %sub3A = arith.constant 1 : i32
        %sub3A_212 = arith.subi %div3A, %sub3A : i32
        %select_n3A_213 = arith.select %and3A_211, %sub3A_212, %div3A : i32
        %mul3A_214 = arith.constant 128 : i32
        %mul3A_215 = arith.muli %arg1, %mul3A_214 : i32
        %mul3A_216 = arith.constant 32 : i32
        %mul3A_217 = arith.muli %select_n3A_213, %mul3A_216 : i32
        %add3A_218 = arith.addi %mul3A_215, %mul3A_217 : i32
        "tpu.region"() ({
          %run_scoped3A = tpu.sem_alloc : memref<!tpu.dma_semaphore, #tpu.memory_space<semaphore_mem>>
          %dma_start3A_224 = arith.constant 0 : i32
          %dma_start3A_225 = tpu.memref_slice %arg6[%add3A_218, %dma_start3A_224] : memref<2048x80xi32, #tpu.memory_space<hbm>> -> memref<32x80xi32, #tpu.memory_space<hbm>>
          %dma_start3A_226 = arith.constant 0 : i32
          %dma_start3A_227 = tpu.memref_slice %arg6[%add3A_218, %dma_start3A_226] : memref<2048x80xi32, #tpu.memory_space<hbm>> -> memref<32x80xi32, #tpu.memory_space<hbm>>
          tpu.enqueue_dma source(%dma_start3A_227 : memref<32x80xi32, #tpu.memory_space<hbm>>) target(%arg9 : memref<32x80xi32, #tpu.memory_space<vmem>>) target_semaphore(%run_scoped3A : memref<!tpu.dma_semaphore, #tpu.memory_space<semaphore_mem>>)
          %dma_wait3A_228 = arith.constant 0 : i32
          %dma_wait3A_229 = tpu.memref_slice %arg6[%add3A_218, %dma_wait3A_228] : memref<2048x80xi32, #tpu.memory_space<hbm>> -> memref<32x80xi32, #tpu.memory_space<hbm>>
          %dma_wait3A_230 = arith.constant 0 : i32
          %dma_wait3A_231 = tpu.memref_slice %arg6[%add3A_218, %dma_wait3A_230] : memref<2048x80xi32, #tpu.memory_space<hbm>> -> memref<32x80xi32, #tpu.memory_space<hbm>>
          tpu.wait_dma2 semaphore(%run_scoped3A : memref<!tpu.dma_semaphore, #tpu.memory_space<semaphore_mem>>) src(%dma_wait3A_231 : memref<32x80xi32, #tpu.memory_space<hbm>>) dst(%arg9 : memref<32x80xi32, #tpu.memory_space<vmem>>)
          tpu.yield
        }) : () -> ()
        %mul3A_219 = arith.constant 128 : i32
        %mul3A_220 = arith.muli %arg1, %mul3A_219 : i32
        %mul3A_221 = arith.constant 32 : i32
        %mul3A_222 = arith.muli %select_n3A_213, %mul3A_221 : i32
        %add3A_223 = arith.addi %mul3A_220, %mul3A_222 : i32
        "tpu.region"() ({
          %run_scoped3A = tpu.sem_alloc : memref<!tpu.dma_semaphore, #tpu.memory_space<semaphore_mem>>
          %dma_start3A_224 = arith.constant 0 : i32
          %dma_start3A_225 = tpu.memref_slice %arg5[%add3A_223, %dma_start3A_224] : memref<2048x80xi32, #tpu.memory_space<hbm>> -> memref<32x80xi32, #tpu.memory_space<hbm>>
          %dma_start3A_226 = arith.constant 0 : i32
          %dma_start3A_227 = tpu.memref_slice %arg5[%add3A_223, %dma_start3A_226] : memref<2048x80xi32, #tpu.memory_space<hbm>> -> memref<32x80xi32, #tpu.memory_space<hbm>>
          tpu.enqueue_dma source(%dma_start3A_227 : memref<32x80xi32, #tpu.memory_space<hbm>>) target(%arg8 : memref<32x80xi32, #tpu.memory_space<vmem>>) target_semaphore(%run_scoped3A : memref<!tpu.dma_semaphore, #tpu.memory_space<semaphore_mem>>)
          %dma_wait3A_228 = arith.constant 0 : i32
          %dma_wait3A_229 = tpu.memref_slice %arg5[%add3A_223, %dma_wait3A_228] : memref<2048x80xi32, #tpu.memory_space<hbm>> -> memref<32x80xi32, #tpu.memory_space<hbm>>
          %dma_wait3A_230 = arith.constant 0 : i32
          %dma_wait3A_231 = tpu.memref_slice %arg5[%add3A_223, %dma_wait3A_230] : memref<2048x80xi32, #tpu.memory_space<hbm>> -> memref<32x80xi32, #tpu.memory_space<hbm>>
          tpu.wait_dma2 semaphore(%run_scoped3A : memref<!tpu.dma_semaphore, #tpu.memory_space<semaphore_mem>>) src(%dma_wait3A_231 : memref<32x80xi32, #tpu.memory_space<hbm>>) dst(%arg8 : memref<32x80xi32, #tpu.memory_space<vmem>>)
          tpu.yield
        }) : () -> ()
      } else {
      }
      %jit3A_140 = arith.constant 16 : i32
      %eq3A_141 = arith.constant 0 : i32
      %eq3A_142 = arith.cmpi eq, %jit3A_140, %eq3A_141 : i32
      %jit3A_143 = arith.constant 1 : i32
      %select_n3A_144 = arith.select %eq3A_142, %jit3A_143, %jit3A_140 : i32
      %rem3A_145 = arith.remsi %while3A_119, %select_n3A_144 : i32
      %ne3A_146 = arith.constant 0 : i32
      %ne3A_147 = arith.cmpi ne, %rem3A_145, %ne3A_146 : i32
      %lt3A_148 = arith.constant 0 : i32
      %lt3A_149 = arith.cmpi slt, %rem3A_145, %lt3A_148 : i32
      %lt3A_150 = arith.constant 0 : i32
      %lt3A_151 = arith.cmpi slt, %select_n3A_144, %lt3A_150 : i32
      %ne3A_152 = arith.xori %lt3A_149, %lt3A_151 : i1
      %and3A_153 = arith.andi %ne3A_152, %ne3A_147 : i1
      %add3A_154 = arith.addi %rem3A_145, %select_n3A_144 : i32
      %select_n3A_155 = arith.select %and3A_153, %add3A_154, %rem3A_145 : i32
      %eq3A_156 = arith.constant 0 : i32
      %eq3A_157 = arith.cmpi eq, %select_n3A_155, %eq3A_156 : i32
      %convert_element_type3A_158 = arith.extui %eq3A_157 : i1 to i32
      %cond3A_159 = arith.constant 0 : i32
      %cond3A_160 = arith.cmpi ne, %convert_element_type3A_158, %cond3A_159 : i32
      scf.if %cond3A_160 {
        %jit3A_193 = arith.constant 16 : i32
        %div3A = arith.divsi %while3A_119, %jit3A_193 : i32
        %sign3A = arith.constant 0 : i32
        %sign3A_194 = arith.cmpi sgt, %while3A_119, %sign3A : i32
        %sign3A_195 = arith.extui %sign3A_194 : i1 to i32
        %sign3A_196 = arith.constant 0 : i32
        %sign3A_197 = arith.cmpi slt, %while3A_119, %sign3A_196 : i32
        %sign3A_198 = arith.extui %sign3A_197 : i1 to i32
        %sign3A_199 = arith.subi %sign3A_195, %sign3A_198 : i32
        %sign3A_200 = arith.constant 0 : i32
        %sign3A_201 = arith.cmpi sgt, %jit3A_193, %sign3A_200 : i32
        %sign3A_202 = arith.extui %sign3A_201 : i1 to i32
        %sign3A_203 = arith.constant 0 : i32
        %sign3A_204 = arith.cmpi slt, %jit3A_193, %sign3A_203 : i32
        %sign3A_205 = arith.extui %sign3A_204 : i1 to i32
        %sign3A_206 = arith.subi %sign3A_202, %sign3A_205 : i32
        %ne3A_207 = arith.cmpi ne, %sign3A_199, %sign3A_206 : i32
        %rem3A_208 = arith.remsi %while3A_119, %jit3A_193 : i32
        %ne3A_209 = arith.constant 0 : i32
        %ne3A_210 = arith.cmpi ne, %rem3A_208, %ne3A_209 : i32
        %and3A_211 = arith.andi %ne3A_207, %ne3A_210 : i1
        %sub3A = arith.constant 1 : i32
        %sub3A_212 = arith.subi %div3A, %sub3A : i32
        %select_n3A_213 = arith.select %and3A_211, %sub3A_212, %div3A : i32
        %mul3A_214 = arith.constant 320 : i32
        %mul3A_215 = arith.muli %arg1, %mul3A_214 : i32
        %mul3A_216 = arith.constant 40 : i32
        %mul3A_217 = arith.muli %select_n3A_213, %mul3A_216 : i32
        %add3A_218 = arith.addi %mul3A_215, %mul3A_217 : i32
        "tpu.region"() ({
          %run_scoped3A = tpu.sem_alloc : memref<!tpu.dma_semaphore, #tpu.memory_space<semaphore_mem>>
          %dma_start3A_219 = arith.constant 0 : i32
          %dma_start3A_220 = tpu.memref_slice %arg3[%add3A_218, %dma_start3A_219] : memref<5120x128xf32, #tpu.memory_space<hbm>> -> memref<40x128xf32, #tpu.memory_space<hbm>>
          %dma_start3A_221 = arith.constant 0 : i32
          %dma_start3A_222 = tpu.memref_slice %arg3[%add3A_218, %dma_start3A_221] : memref<5120x128xf32, #tpu.memory_space<hbm>> -> memref<40x128xf32, #tpu.memory_space<hbm>>
          tpu.enqueue_dma source(%dma_start3A_222 : memref<40x128xf32, #tpu.memory_space<hbm>>) target(%arg10 : memref<40x128xf32, #tpu.memory_space<vmem>>) target_semaphore(%run_scoped3A : memref<!tpu.dma_semaphore, #tpu.memory_space<semaphore_mem>>)
          %dma_wait3A_223 = arith.constant 0 : i32
          %dma_wait3A_224 = tpu.memref_slice %arg3[%add3A_218, %dma_wait3A_223] : memref<5120x128xf32, #tpu.memory_space<hbm>> -> memref<40x128xf32, #tpu.memory_space<hbm>>
          %dma_wait3A_225 = arith.constant 0 : i32
          %dma_wait3A_226 = tpu.memref_slice %arg3[%add3A_218, %dma_wait3A_225] : memref<5120x128xf32, #tpu.memory_space<hbm>> -> memref<40x128xf32, #tpu.memory_space<hbm>>
          tpu.wait_dma2 semaphore(%run_scoped3A : memref<!tpu.dma_semaphore, #tpu.memory_space<semaphore_mem>>) src(%dma_wait3A_226 : memref<40x128xf32, #tpu.memory_space<hbm>>) dst(%arg10 : memref<40x128xf32, #tpu.memory_space<vmem>>)
          tpu.yield
        }) : () -> ()
      } else {
      }
      %jit3A_161 = arith.constant 32 : i32
      %eq3A_162 = arith.constant 0 : i32
      %eq3A_163 = arith.cmpi eq, %jit3A_161, %eq3A_162 : i32
      %jit3A_164 = arith.constant 1 : i32
      %select_n3A_165 = arith.select %eq3A_163, %jit3A_164, %jit3A_161 : i32
      %rem3A_166 = arith.remsi %while3A_119, %select_n3A_165 : i32
      %ne3A_167 = arith.constant 0 : i32
      %ne3A_168 = arith.cmpi ne, %rem3A_166, %ne3A_167 : i32
      %lt3A_169 = arith.constant 0 : i32
      %lt3A_170 = arith.cmpi slt, %rem3A_166, %lt3A_169 : i32
      %lt3A_171 = arith.constant 0 : i32
      %lt3A_172 = arith.cmpi slt, %select_n3A_165, %lt3A_171 : i32
      %ne3A_173 = arith.xori %lt3A_170, %lt3A_172 : i1
      %and3A_174 = arith.andi %ne3A_173, %ne3A_168 : i1
      %add3A_175 = arith.addi %rem3A_166, %select_n3A_165 : i32
      %select_n3A_176 = arith.select %and3A_174, %add3A_175, %rem3A_166 : i32
      %dma_start3A = arith.constant 0 : i32
      %dma_start3A_177 = tpu.memref_slice %arg8[%select_n3A_176, %dma_start3A] : memref<32x80xi32, #tpu.memory_space<vmem>> -> memref<1x80xi32, #tpu.memory_space<vmem>>
      %dma_start3A_178 = tpu.memref_squeeze %dma_start3A_177 : memref<1x80xi32, #tpu.memory_space<vmem>> -> memref<80xi32, #tpu.memory_space<vmem>>
      %dma_start3A_179 = arith.constant 0 : i32
      %dma_start3A_180 = arith.constant 0 : i32
      %dma_start3A_181 = tpu.memref_slice %arg2[%dma_start3A_179, %dma_start3A_180] : memref<10000x128xf32, #tpu.memory_space<hbm>> -> memref<10000x128xf32, #tpu.memory_space<hbm>>
      tpu.enqueue_indirect_dma source(%dma_start3A_181 : memref<10000x128xf32, #tpu.memory_space<hbm>>) target(%arg12 : memref<80x128xf32, #tpu.memory_space<vmem>>) offsets(%dma_start3A_178 : memref<80xi32, #tpu.memory_space<vmem>>) semaphore(%arg15 : memref<!tpu.dma_semaphore, #tpu.memory_space<semaphore_mem>>)
      %dma_wait3A = arith.constant 0 : i32
      %dma_wait3A_182 = tpu.memref_slice %arg8[%select_n3A_176, %dma_wait3A] : memref<32x80xi32, #tpu.memory_space<vmem>> -> memref<1x80xi32, #tpu.memory_space<vmem>>
      %dma_wait3A_183 = tpu.memref_squeeze %dma_wait3A_182 : memref<1x80xi32, #tpu.memory_space<vmem>> -> memref<80xi32, #tpu.memory_space<vmem>>
      %dma_wait3A_184 = arith.constant 0 : i32
      %dma_wait3A_185 = arith.constant 0 : i32
      %dma_wait3A_186 = tpu.memref_slice %arg2[%dma_wait3A_184, %dma_wait3A_185] : memref<10000x128xf32, #tpu.memory_space<hbm>> -> memref<10000x128xf32, #tpu.memory_space<hbm>>
      tpu.wait_indirect_dma semaphore(%arg15 : memref<!tpu.dma_semaphore, #tpu.memory_space<semaphore_mem>>) src(%dma_wait3A_186 : memref<10000x128xf32, #tpu.memory_space<hbm>>) dst(%arg12 : memref<80x128xf32, #tpu.memory_space<vmem>>)
      "tpu.region"() ({
        %run_scoped3A = tpu.sem_alloc : memref<!tpu.dma_semaphore, #tpu.memory_space<semaphore_mem>>
        %dma_start3A_193 = arith.constant 0 : i32
        %dma_start3A_194 = tpu.memref_slice %arg4[%add3A_61, %add3A_124, %dma_start3A_193] : memref<4x160000x64xf32, #tpu.memory_space<hbm>> -> memref<1x80x64xf32, #tpu.memory_space<hbm>>
        %dma_start3A_195 = tpu.memref_squeeze %dma_start3A_194 : memref<1x80x64xf32, #tpu.memory_space<hbm>> -> memref<80x64xf32, #tpu.memory_space<hbm>>
        %dma_start3A_196 = arith.constant 0 : i32
        %dma_start3A_197 = tpu.memref_slice %arg4[%add3A_61, %add3A_124, %dma_start3A_196] : memref<4x160000x64xf32, #tpu.memory_space<hbm>> -> memref<1x80x64xf32, #tpu.memory_space<hbm>>
        %dma_start3A_198 = tpu.memref_squeeze %dma_start3A_197 : memref<1x80x64xf32, #tpu.memory_space<hbm>> -> memref<80x64xf32, #tpu.memory_space<hbm>>
        tpu.enqueue_dma source(%dma_start3A_198 : memref<80x64xf32, #tpu.memory_space<hbm>>) target(%arg11 : memref<80x64xf32, #tpu.memory_space<vmem>>) target_semaphore(%run_scoped3A : memref<!tpu.dma_semaphore, #tpu.memory_space<semaphore_mem>>)
        %dma_wait3A_199 = arith.constant 0 : i32
        %dma_wait3A_200 = tpu.memref_slice %arg4[%add3A_61, %add3A_124, %dma_wait3A_199] : memref<4x160000x64xf32, #tpu.memory_space<hbm>> -> memref<1x80x64xf32, #tpu.memory_space<hbm>>
        %dma_wait3A_201 = tpu.memref_squeeze %dma_wait3A_200 : memref<1x80x64xf32, #tpu.memory_space<hbm>> -> memref<80x64xf32, #tpu.memory_space<hbm>>
        %dma_wait3A_202 = arith.constant 0 : i32
        %dma_wait3A_203 = tpu.memref_slice %arg4[%add3A_61, %add3A_124, %dma_wait3A_202] : memref<4x160000x64xf32, #tpu.memory_space<hbm>> -> memref<1x80x64xf32, #tpu.memory_space<hbm>>
        %dma_wait3A_204 = tpu.memref_squeeze %dma_wait3A_203 : memref<1x80x64xf32, #tpu.memory_space<hbm>> -> memref<80x64xf32, #tpu.memory_space<hbm>>
        tpu.wait_dma2 semaphore(%run_scoped3A : memref<!tpu.dma_semaphore, #tpu.memory_space<semaphore_mem>>) src(%dma_wait3A_204 : memref<80x64xf32, #tpu.memory_space<hbm>>) dst(%arg11 : memref<80x64xf32, #tpu.memory_space<vmem>>)
        tpu.yield
      }) : () -> ()
      %scan3A_187 = arith.constant 0 : i32
      %scan3A_188 = arith.constant 0 : i32
      %scan3A_189 = arith.constant 20 : i32
      %scan3A_190 = arith.addi %scan3A_188, %scan3A_189 : i32
      %scan3A_191 = arith.constant 1 : i32
      scf.for %scan3A_193 = %scan3A_188 to %scan3A_190 step %scan3A_191  : i32 {
        %jit3A_194 = arith.constant 16 : i32
        %eq3A_195 = arith.constant 0 : i32
        %eq3A_196 = arith.cmpi eq, %jit3A_194, %eq3A_195 : i32
        %jit3A_197 = arith.constant 1 : i32
        %select_n3A_198 = arith.select %eq3A_196, %jit3A_197, %jit3A_194 : i32
        %rem3A_199 = arith.remsi %while3A_119, %select_n3A_198 : i32
        %ne3A_200 = arith.constant 0 : i32
        %ne3A_201 = arith.cmpi ne, %rem3A_199, %ne3A_200 : i32
        %lt3A_202 = arith.constant 0 : i32
        %lt3A_203 = arith.cmpi slt, %rem3A_199, %lt3A_202 : i32
        %lt3A_204 = arith.constant 0 : i32
        %lt3A_205 = arith.cmpi slt, %select_n3A_198, %lt3A_204 : i32
        %ne3A_206 = arith.xori %lt3A_203, %lt3A_205 : i1
        %and3A_207 = arith.andi %ne3A_206, %ne3A_201 : i1
        %add3A_208 = arith.addi %rem3A_199, %select_n3A_198 : i32
        %select_n3A_209 = arith.select %and3A_207, %add3A_208, %rem3A_199 : i32
        %mul3A_210 = arith.constant 20 : i32
        %mul3A_211 = arith.muli %select_n3A_209, %mul3A_210 : i32
        %add3A_212 = arith.addi %mul3A_211, %scan3A_193 : i32
        %shift_right_arithmetic3A = arith.constant 3 : i32
        %shift_right_arithmetic3A_213 = arith.shrsi %add3A_212, %shift_right_arithmetic3A : i32
        %and3A_214 = arith.constant 7 : i32
        %and3A_215 = arith.andi %add3A_212, %and3A_214 : i32
        %mul3A_216 = arith.constant 16 : i32
        %mul3A_217 = arith.muli %and3A_215, %mul3A_216 : i32
        %get3A = arith.index_cast %shift_right_arithmetic3A_213 : i32 to index
        %get3A_218 = arith.index_cast %mul3A_217 : i32 to index
        %get3A_219 = tpu.vector_load %arg10[%get3A, %get3A_218] {strides = array<i32>} : memref<40x128xf32, #tpu.memory_space<vmem>>, vector<1x16xf32>,
        %get3A_220 = vector.shape_cast %get3A_219 : vector<1x16xf32> to vector<16xf32>
        %mul3A_221 = arith.constant 4 : i32
        %mul3A_222 = arith.muli %scan3A_193, %mul3A_221 : i32
        %add3A_223 = arith.constant 0 : i32
        %add3A_224 = arith.addi %mul3A_222, %add3A_223 : i32
        %slice3A = vector.extract_strided_slice %get3A_220 {offsets = [0], sizes = [1], strides = [1]} : vector<16xf32> to vector<1xf32>
        %squeeze3A = vector.extract %slice3A[0] : f32 from vector<1xf32>
        %slice3A_225 = vector.extract_strided_slice %get3A_220 {offsets = [1], sizes = [1], strides = [1]} : vector<16xf32> to vector<1xf32>
        %squeeze3A_226 = vector.extract %slice3A_225[0] : f32 from vector<1xf32>
        %slice3A_227 = vector.extract_strided_slice %get3A_220 {offsets = [2], sizes = [1], strides = [1]} : vector<16xf32> to vector<1xf32>
        %squeeze3A_228 = vector.extract %slice3A_227[0] : f32 from vector<1xf32>
        %slice3A_229 = vector.extract_strided_slice %get3A_220 {offsets = [3], sizes = [1], strides = [1]} : vector<16xf32> to vector<1xf32>
        %squeeze3A_230 = vector.extract %slice3A_229[0] : f32 from vector<1xf32>
        %add3A_231 = arith.constant 0 : i32
        %add3A_232 = arith.addi %mul3A_63, %add3A_231 : i32
        %get3A_233 = arith.index_cast %add3A_224 : i32 to index
        %get3A_234 = arith.index_cast %add3A_232 : i32 to index
        %get3A_235 = tpu.vector_load %arg12[%get3A_233, %get3A_234] {strides = array<i32>} : memref<80x128xf32, #tpu.memory_space<vmem>>, vector<1x16xf32>,
        %get3A_236 = vector.shape_cast %get3A_235 : vector<1x16xf32> to vector<16xf32>
        %get3A_237 = arith.index_cast %add3A_224 : i32 to index
        %get3A_238 = arith.constant 0 : index
        %get3A_239 = tpu.vector_load %arg11[%get3A_237, %get3A_238] {strides = array<i32>} : memref<80x64xf32, #tpu.memory_space<vmem>>, vector<1x16xf32>,
        %get3A_240 = vector.shape_cast %get3A_239 : vector<1x16xf32> to vector<16xf32>
        %mul3A_241 = arith.mulf %get3A_240, %get3A_236 : vector<16xf32>
        %get3A_242 = arith.index_cast %add3A_224 : i32 to index
        %get3A_243 = arith.constant 32 : index
        %get3A_244 = tpu.vector_load %arg11[%get3A_242, %get3A_243] {strides = array<i32>} : memref<80x64xf32, #tpu.memory_space<vmem>>, vector<1x16xf32>,
        %get3A_245 = vector.shape_cast %get3A_244 : vector<1x16xf32> to vector<16xf32>
        %mul3A_246 = arith.mulf %get3A_245, %get3A_236 : vector<16xf32>
        %mul3A_247 = vector.broadcast %squeeze3A : f32 to vector<16xf32>
        %mul3A_248 = arith.mulf %mul3A_247, %mul3A_241 : vector<16xf32>
        %swap3A = arith.index_cast %add3A_224 : i32 to index
        %swap3A_249 = arith.constant 0 : index
        %swap3A_250 = tpu.vector_load %arg13[%swap3A, %swap3A_249] {strides = array<i32>} : memref<80x128xf32, #tpu.memory_space<vmem>>, vector<1x16xf32>,
        %swap3A_251 = vector.shape_cast %swap3A_250 : vector<1x16xf32> to vector<16xf32>
        %swap3A_252 = vector.shape_cast %mul3A_248 : vector<16xf32> to vector<1x16xf32>
        tpu.vector_store %arg13[%swap3A, %swap3A_249], %swap3A_252 {strides = array<i32>} : memref<80x128xf32, #tpu.memory_space<vmem>>, vector<1x16xf32>,
        %mul3A_253 = vector.broadcast %squeeze3A_226 : f32 to vector<16xf32>
        %mul3A_254 = arith.mulf %mul3A_253, %mul3A_246 : vector<16xf32>
        %swap3A_255 = arith.index_cast %add3A_224 : i32 to index
        %swap3A_256 = arith.constant 32 : index
        %swap3A_257 = tpu.vector_load %arg13[%swap3A_255, %swap3A_256] {strides = array<i32>} : memref<80x128xf32, #tpu.memory_space<vmem>>, vector<1x16xf32>,
        %swap3A_258 = vector.shape_cast %swap3A_257 : vector<1x16xf32> to vector<16xf32>
        %swap3A_259 = vector.shape_cast %mul3A_254 : vector<16xf32> to vector<1x16xf32>
        tpu.vector_store %arg13[%swap3A_255, %swap3A_256], %swap3A_259 {strides = array<i32>} : memref<80x128xf32, #tpu.memory_space<vmem>>, vector<1x16xf32>,
        %mul3A_260 = vector.broadcast %squeeze3A_228 : f32 to vector<16xf32>
        %mul3A_261 = arith.mulf %mul3A_260, %mul3A_246 : vector<16xf32>
        %swap3A_262 = arith.index_cast %add3A_224 : i32 to index
        %swap3A_263 = arith.constant 64 : index
        %swap3A_264 = tpu.vector_load %arg13[%swap3A_262, %swap3A_263] {strides = array<i32>} : memref<80x128xf32, #tpu.memory_space<vmem>>, vector<1x16xf32>,
        %swap3A_265 = vector.shape_cast %swap3A_264 : vector<1x16xf32> to vector<16xf32>
        %swap3A_266 = vector.shape_cast %mul3A_261 : vector<16xf32> to vector<1x16xf32>
        tpu.vector_store %arg13[%swap3A_262, %swap3A_263], %swap3A_266 {strides = array<i32>} : memref<80x128xf32, #tpu.memory_space<vmem>>, vector<1x16xf32>,
        %mul3A_267 = vector.broadcast %squeeze3A_230 : f32 to vector<16xf32>
        %mul3A_268 = arith.mulf %mul3A_267, %mul3A_246 : vector<16xf32>
        %swap3A_269 = arith.index_cast %add3A_224 : i32 to index
        %swap3A_270 = arith.constant 96 : index
        %swap3A_271 = tpu.vector_load %arg13[%swap3A_269, %swap3A_270] {strides = array<i32>} : memref<80x128xf32, #tpu.memory_space<vmem>>, vector<1x16xf32>,
        %swap3A_272 = vector.shape_cast %swap3A_271 : vector<1x16xf32> to vector<16xf32>
        %swap3A_273 = vector.shape_cast %mul3A_268 : vector<16xf32> to vector<1x16xf32>
        tpu.vector_store %arg13[%swap3A_269, %swap3A_270], %swap3A_273 {strides = array<i32>} : memref<80x128xf32, #tpu.memory_space<vmem>>, vector<1x16xf32>,
        %add3A_274 = arith.constant 16 : i32
        %add3A_275 = arith.addi %mul3A_63, %add3A_274 : i32
        %get3A_276 = arith.index_cast %add3A_224 : i32 to index
        %get3A_277 = arith.index_cast %add3A_275 : i32 to index
        %get3A_278 = tpu.vector_load %arg12[%get3A_276, %get3A_277] {strides = array<i32>} : memref<80x128xf32, #tpu.memory_space<vmem>>, vector<1x16xf32>,
        %get3A_279 = vector.shape_cast %get3A_278 : vector<1x16xf32> to vector<16xf32>
        %get3A_280 = arith.index_cast %add3A_224 : i32 to index
        %get3A_281 = arith.constant 16 : index
        %get3A_282 = tpu.vector_load %arg11[%get3A_280, %get3A_281] {strides = array<i32>} : memref<80x64xf32, #tpu.memory_space<vmem>>, vector<1x16xf32>,
        %get3A_283 = vector.shape_cast %get3A_282 : vector<1x16xf32> to vector<16xf32>
        %mul3A_284 = arith.mulf %get3A_283, %get3A_279 : vector<16xf32>
        %get3A_285 = arith.index_cast %add3A_224 : i32 to index
        %get3A_286 = arith.constant 48 : index
        %get3A_287 = tpu.vector_load %arg11[%get3A_285, %get3A_286] {strides = array<i32>} : memref<80x64xf32, #tpu.memory_space<vmem>>, vector<1x16xf32>,
        %get3A_288 = vector.shape_cast %get3A_287 : vector<1x16xf32> to vector<16xf32>
        %mul3A_289 = arith.mulf %get3A_288, %get3A_279 : vector<16xf32>
        %mul3A_290 = vector.broadcast %squeeze3A : f32 to vector<16xf32>
        %mul3A_291 = arith.mulf %mul3A_290, %mul3A_284 : vector<16xf32>
        %swap3A_292 = arith.index_cast %add3A_224 : i32 to index
        %swap3A_293 = arith.constant 16 : index
        %swap3A_294 = tpu.vector_load %arg13[%swap3A_292, %swap3A_293] {strides = array<i32>} : memref<80x128xf32, #tpu.memory_space<vmem>>, vector<1x16xf32>,
        %swap3A_295 = vector.shape_cast %swap3A_294 : vector<1x16xf32> to vector<16xf32>
        %swap3A_296 = vector.shape_cast %mul3A_291 : vector<16xf32> to vector<1x16xf32>
        tpu.vector_store %arg13[%swap3A_292, %swap3A_293], %swap3A_296 {strides = array<i32>} : memref<80x128xf32, #tpu.memory_space<vmem>>, vector<1x16xf32>,
        %mul3A_297 = vector.broadcast %squeeze3A_226 : f32 to vector<16xf32>
        %mul3A_298 = arith.mulf %mul3A_297, %mul3A_289 : vector<16xf32>
        %swap3A_299 = arith.index_cast %add3A_224 : i32 to index
        %swap3A_300 = arith.constant 48 : index
        %swap3A_301 = tpu.vector_load %arg13[%swap3A_299, %swap3A_300] {strides = array<i32>} : memref<80x128xf32, #tpu.memory_space<vmem>>, vector<1x16xf32>,
        %swap3A_302 = vector.shape_cast %swap3A_301 : vector<1x16xf32> to vector<16xf32>
        %swap3A_303 = vector.shape_cast %mul3A_298 : vector<16xf32> to vector<1x16xf32>
        tpu.vector_store %arg13[%swap3A_299, %swap3A_300], %swap3A_303 {strides = array<i32>} : memref<80x128xf32, #tpu.memory_space<vmem>>, vector<1x16xf32>,
        %mul3A_304 = vector.broadcast %squeeze3A_228 : f32 to vector<16xf32>
        %mul3A_305 = arith.mulf %mul3A_304, %mul3A_289 : vector<16xf32>
        %swap3A_306 = arith.index_cast %add3A_224 : i32 to index
        %swap3A_307 = arith.constant 80 : index
        %swap3A_308 = tpu.vector_load %arg13[%swap3A_306, %swap3A_307] {strides = array<i32>} : memref<80x128xf32, #tpu.memory_space<vmem>>, vector<1x16xf32>,
        %swap3A_309 = vector.shape_cast %swap3A_308 : vector<1x16xf32> to vector<16xf32>
        %swap3A_310 = vector.shape_cast %mul3A_305 : vector<16xf32> to vector<1x16xf32>
        tpu.vector_store %arg13[%swap3A_306, %swap3A_307], %swap3A_310 {strides = array<i32>} : memref<80x128xf32, #tpu.memory_space<vmem>>, vector<1x16xf32>,
        %mul3A_311 = vector.broadcast %squeeze3A_230 : f32 to vector<16xf32>
        %mul3A_312 = arith.mulf %mul3A_311, %mul3A_289 : vector<16xf32>
        %swap3A_313 = arith.index_cast %add3A_224 : i32 to index
        %swap3A_314 = arith.constant 112 : index
        %swap3A_315 = tpu.vector_load %arg13[%swap3A_313, %swap3A_314] {strides = array<i32>} : memref<80x128xf32, #tpu.memory_space<vmem>>, vector<1x16xf32>,
        %swap3A_316 = vector.shape_cast %swap3A_315 : vector<1x16xf32> to vector<16xf32>
        %swap3A_317 = vector.shape_cast %mul3A_312 : vector<16xf32> to vector<1x16xf32>
        tpu.vector_store %arg13[%swap3A_313, %swap3A_314], %swap3A_317 {strides = array<i32>} : memref<80x128xf32, #tpu.memory_space<vmem>>, vector<1x16xf32>,
        %mul3A_318 = arith.constant 4 : i32
        %mul3A_319 = arith.muli %scan3A_193, %mul3A_318 : i32
        %add3A_320 = arith.constant 1 : i32
        %add3A_321 = arith.addi %mul3A_319, %add3A_320 : i32
        %slice3A_322 = vector.extract_strided_slice %get3A_220 {offsets = [4], sizes = [1], strides = [1]} : vector<16xf32> to vector<1xf32>
        %squeeze3A_323 = vector.extract %slice3A_322[0] : f32 from vector<1xf32>
        %slice3A_324 = vector.extract_strided_slice %get3A_220 {offsets = [5], sizes = [1], strides = [1]} : vector<16xf32> to vector<1xf32>
        %squeeze3A_325 = vector.extract %slice3A_324[0] : f32 from vector<1xf32>
        %slice3A_326 = vector.extract_strided_slice %get3A_220 {offsets = [6], sizes = [1], strides = [1]} : vector<16xf32> to vector<1xf32>
        %squeeze3A_327 = vector.extract %slice3A_326[0] : f32 from vector<1xf32>
        %slice3A_328 = vector.extract_strided_slice %get3A_220 {offsets = [7], sizes = [1], strides = [1]} : vector<16xf32> to vector<1xf32>
        %squeeze3A_329 = vector.extract %slice3A_328[0] : f32 from vector<1xf32>
        %add3A_330 = arith.constant 0 : i32
        %add3A_331 = arith.addi %mul3A_63, %add3A_330 : i32
        %get3A_332 = arith.index_cast %add3A_321 : i32 to index
        %get3A_333 = arith.index_cast %add3A_331 : i32 to index
        %get3A_334 = tpu.vector_load %arg12[%get3A_332, %get3A_333] {strides = array<i32>} : memref<80x128xf32, #tpu.memory_space<vmem>>, vector<1x16xf32>,
        %get3A_335 = vector.shape_cast %get3A_334 : vector<1x16xf32> to vector<16xf32>
        %get3A_336 = arith.index_cast %add3A_321 : i32 to index
        %get3A_337 = arith.constant 0 : index
        %get3A_338 = tpu.vector_load %arg11[%get3A_336, %get3A_337] {strides = array<i32>} : memref<80x64xf32, #tpu.memory_space<vmem>>, vector<1x16xf32>,
        %get3A_339 = vector.shape_cast %get3A_338 : vector<1x16xf32> to vector<16xf32>
        %mul3A_340 = arith.mulf %get3A_339, %get3A_335 : vector<16xf32>
        %get3A_341 = arith.index_cast %add3A_321 : i32 to index
        %get3A_342 = arith.constant 32 : index
        %get3A_343 = tpu.vector_load %arg11[%get3A_341, %get3A_342] {strides = array<i32>} : memref<80x64xf32, #tpu.memory_space<vmem>>, vector<1x16xf32>,
        %get3A_344 = vector.shape_cast %get3A_343 : vector<1x16xf32> to vector<16xf32>
        %mul3A_345 = arith.mulf %get3A_344, %get3A_335 : vector<16xf32>
        %mul3A_346 = vector.broadcast %squeeze3A_323 : f32 to vector<16xf32>
        %mul3A_347 = arith.mulf %mul3A_346, %mul3A_340 : vector<16xf32>
        %swap3A_348 = arith.index_cast %add3A_321 : i32 to index
        %swap3A_349 = arith.constant 0 : index
        %swap3A_350 = tpu.vector_load %arg13[%swap3A_348, %swap3A_349] {strides = array<i32>} : memref<80x128xf32, #tpu.memory_space<vmem>>, vector<1x16xf32>,
        %swap3A_351 = vector.shape_cast %swap3A_350 : vector<1x16xf32> to vector<16xf32>
        %swap3A_352 = vector.shape_cast %mul3A_347 : vector<16xf32> to vector<1x16xf32>
        tpu.vector_store %arg13[%swap3A_348, %swap3A_349], %swap3A_352 {strides = array<i32>} : memref<80x128xf32, #tpu.memory_space<vmem>>, vector<1x16xf32>,
        %mul3A_353 = vector.broadcast %squeeze3A_325 : f32 to vector<16xf32>
        %mul3A_354 = arith.mulf %mul3A_353, %mul3A_345 : vector<16xf32>
        %swap3A_355 = arith.index_cast %add3A_321 : i32 to index
        %swap3A_356 = arith.constant 32 : index
        %swap3A_357 = tpu.vector_load %arg13[%swap3A_355, %swap3A_356] {strides = array<i32>} : memref<80x128xf32, #tpu.memory_space<vmem>>, vector<1x16xf32>,
        %swap3A_358 = vector.shape_cast %swap3A_357 : vector<1x16xf32> to vector<16xf32>
        %swap3A_359 = vector.shape_cast %mul3A_354 : vector<16xf32> to vector<1x16xf32>
        tpu.vector_store %arg13[%swap3A_355, %swap3A_356], %swap3A_359 {strides = array<i32>} : memref<80x128xf32, #tpu.memory_space<vmem>>, vector<1x16xf32>,
        %mul3A_360 = vector.broadcast %squeeze3A_327 : f32 to vector<16xf32>
        %mul3A_361 = arith.mulf %mul3A_360, %mul3A_345 : vector<16xf32>
        %swap3A_362 = arith.index_cast %add3A_321 : i32 to index
        %swap3A_363 = arith.constant 64 : index
        %swap3A_364 = tpu.vector_load %arg13[%swap3A_362, %swap3A_363] {strides = array<i32>} : memref<80x128xf32, #tpu.memory_space<vmem>>, vector<1x16xf32>,
        %swap3A_365 = vector.shape_cast %swap3A_364 : vector<1x16xf32> to vector<16xf32>
        %swap3A_366 = vector.shape_cast %mul3A_361 : vector<16xf32> to vector<1x16xf32>
        tpu.vector_store %arg13[%swap3A_362, %swap3A_363], %swap3A_366 {strides = array<i32>} : memref<80x128xf32, #tpu.memory_space<vmem>>, vector<1x16xf32>,
        %mul3A_367 = vector.broadcast %squeeze3A_329 : f32 to vector<16xf32>
        %mul3A_368 = arith.mulf %mul3A_367, %mul3A_345 : vector<16xf32>
        %swap3A_369 = arith.index_cast %add3A_321 : i32 to index
        %swap3A_370 = arith.constant 96 : index
        %swap3A_371 = tpu.vector_load %arg13[%swap3A_369, %swap3A_370] {strides = array<i32>} : memref<80x128xf32, #tpu.memory_space<vmem>>, vector<1x16xf32>,
        %swap3A_372 = vector.shape_cast %swap3A_371 : vector<1x16xf32> to vector<16xf32>
        %swap3A_373 = vector.shape_cast %mul3A_368 : vector<16xf32> to vector<1x16xf32>
        tpu.vector_store %arg13[%swap3A_369, %swap3A_370], %swap3A_373 {strides = array<i32>} : memref<80x128xf32, #tpu.memory_space<vmem>>, vector<1x16xf32>,
        %add3A_374 = arith.constant 16 : i32
        %add3A_375 = arith.addi %mul3A_63, %add3A_374 : i32
        %get3A_376 = arith.index_cast %add3A_321 : i32 to index
        %get3A_377 = arith.index_cast %add3A_375 : i32 to index
        %get3A_378 = tpu.vector_load %arg12[%get3A_376, %get3A_377] {strides = array<i32>} : memref<80x128xf32, #tpu.memory_space<vmem>>, vector<1x16xf32>,
        %get3A_379 = vector.shape_cast %get3A_378 : vector<1x16xf32> to vector<16xf32>
        %get3A_380 = arith.index_cast %add3A_321 : i32 to index
        %get3A_381 = arith.constant 16 : index
        %get3A_382 = tpu.vector_load %arg11[%get3A_380, %get3A_381] {strides = array<i32>} : memref<80x64xf32, #tpu.memory_space<vmem>>, vector<1x16xf32>,
        %get3A_383 = vector.shape_cast %get3A_382 : vector<1x16xf32> to vector<16xf32>
        %mul3A_384 = arith.mulf %get3A_383, %get3A_379 : vector<16xf32>
        %get3A_385 = arith.index_cast %add3A_321 : i32 to index
        %get3A_386 = arith.constant 48 : index
        %get3A_387 = tpu.vector_load %arg11[%get3A_385, %get3A_386] {strides = array<i32>} : memref<80x64xf32, #tpu.memory_space<vmem>>, vector<1x16xf32>,
        %get3A_388 = vector.shape_cast %get3A_387 : vector<1x16xf32> to vector<16xf32>
        %mul3A_389 = arith.mulf %get3A_388, %get3A_379 : vector<16xf32>
        %mul3A_390 = vector.broadcast %squeeze3A_323 : f32 to vector<16xf32>
        %mul3A_391 = arith.mulf %mul3A_390, %mul3A_384 : vector<16xf32>
        %swap3A_392 = arith.index_cast %add3A_321 : i32 to index
        %swap3A_393 = arith.constant 16 : index
        %swap3A_394 = tpu.vector_load %arg13[%swap3A_392, %swap3A_393] {strides = array<i32>} : memref<80x128xf32, #tpu.memory_space<vmem>>, vector<1x16xf32>,
        %swap3A_395 = vector.shape_cast %swap3A_394 : vector<1x16xf32> to vector<16xf32>
        %swap3A_396 = vector.shape_cast %mul3A_391 : vector<16xf32> to vector<1x16xf32>
        tpu.vector_store %arg13[%swap3A_392, %swap3A_393], %swap3A_396 {strides = array<i32>} : memref<80x128xf32, #tpu.memory_space<vmem>>, vector<1x16xf32>,
        %mul3A_397 = vector.broadcast %squeeze3A_325 : f32 to vector<16xf32>
        %mul3A_398 = arith.mulf %mul3A_397, %mul3A_389 : vector<16xf32>
        %swap3A_399 = arith.index_cast %add3A_321 : i32 to index
        %swap3A_400 = arith.constant 48 : index
        %swap3A_401 = tpu.vector_load %arg13[%swap3A_399, %swap3A_400] {strides = array<i32>} : memref<80x128xf32, #tpu.memory_space<vmem>>, vector<1x16xf32>,
        %swap3A_402 = vector.shape_cast %swap3A_401 : vector<1x16xf32> to vector<16xf32>
        %swap3A_403 = vector.shape_cast %mul3A_398 : vector<16xf32> to vector<1x16xf32>
        tpu.vector_store %arg13[%swap3A_399, %swap3A_400], %swap3A_403 {strides = array<i32>} : memref<80x128xf32, #tpu.memory_space<vmem>>, vector<1x16xf32>,
        %mul3A_404 = vector.broadcast %squeeze3A_327 : f32 to vector<16xf32>
        %mul3A_405 = arith.mulf %mul3A_404, %mul3A_389 : vector<16xf32>
        %swap3A_406 = arith.index_cast %add3A_321 : i32 to index
        %swap3A_407 = arith.constant 80 : index
        %swap3A_408 = tpu.vector_load %arg13[%swap3A_406, %swap3A_407] {strides = array<i32>} : memref<80x128xf32, #tpu.memory_space<vmem>>, vector<1x16xf32>,
        %swap3A_409 = vector.shape_cast %swap3A_408 : vector<1x16xf32> to vector<16xf32>
        %swap3A_410 = vector.shape_cast %mul3A_405 : vector<16xf32> to vector<1x16xf32>
        tpu.vector_store %arg13[%swap3A_406, %swap3A_407], %swap3A_410 {strides = array<i32>} : memref<80x128xf32, #tpu.memory_space<vmem>>, vector<1x16xf32>,
        %mul3A_411 = vector.broadcast %squeeze3A_329 : f32 to vector<16xf32>
        %mul3A_412 = arith.mulf %mul3A_411, %mul3A_389 : vector<16xf32>
        %swap3A_413 = arith.index_cast %add3A_321 : i32 to index
        %swap3A_414 = arith.constant 112 : index
        %swap3A_415 = tpu.vector_load %arg13[%swap3A_413, %swap3A_414] {strides = array<i32>} : memref<80x128xf32, #tpu.memory_space<vmem>>, vector<1x16xf32>,
        %swap3A_416 = vector.shape_cast %swap3A_415 : vector<1x16xf32> to vector<16xf32>
        %swap3A_417 = vector.shape_cast %mul3A_412 : vector<16xf32> to vector<1x16xf32>
        tpu.vector_store %arg13[%swap3A_413, %swap3A_414], %swap3A_417 {strides = array<i32>} : memref<80x128xf32, #tpu.memory_space<vmem>>, vector<1x16xf32>,
        %mul3A_418 = arith.constant 4 : i32
        %mul3A_419 = arith.muli %scan3A_193, %mul3A_418 : i32
        %add3A_420 = arith.constant 2 : i32
        %add3A_421 = arith.addi %mul3A_419, %add3A_420 : i32
        %slice3A_422 = vector.extract_strided_slice %get3A_220 {offsets = [8], sizes = [1], strides = [1]} : vector<16xf32> to vector<1xf32>
        %squeeze3A_423 = vector.extract %slice3A_422[0] : f32 from vector<1xf32>
        %slice3A_424 = vector.extract_strided_slice %get3A_220 {offsets = [9], sizes = [1], strides = [1]} : vector<16xf32> to vector<1xf32>
        %squeeze3A_425 = vector.extract %slice3A_424[0] : f32 from vector<1xf32>
        %slice3A_426 = vector.extract_strided_slice %get3A_220 {offsets = [10], sizes = [1], strides = [1]} : vector<16xf32> to vector<1xf32>
        %squeeze3A_427 = vector.extract %slice3A_426[0] : f32 from vector<1xf32>
        %slice3A_428 = vector.extract_strided_slice %get3A_220 {offsets = [11], sizes = [1], strides = [1]} : vector<16xf32> to vector<1xf32>
        %squeeze3A_429 = vector.extract %slice3A_428[0] : f32 from vector<1xf32>
        %add3A_430 = arith.constant 0 : i32
        %add3A_431 = arith.addi %mul3A_63, %add3A_430 : i32
        %get3A_432 = arith.index_cast %add3A_421 : i32 to index
        %get3A_433 = arith.index_cast %add3A_431 : i32 to index
        %get3A_434 = tpu.vector_load %arg12[%get3A_432, %get3A_433] {strides = array<i32>} : memref<80x128xf32, #tpu.memory_space<vmem>>, vector<1x16xf32>,
        %get3A_435 = vector.shape_cast %get3A_434 : vector<1x16xf32> to vector<16xf32>
        %get3A_436 = arith.index_cast %add3A_421 : i32 to index
        %get3A_437 = arith.constant 0 : index
        %get3A_438 = tpu.vector_load %arg11[%get3A_436, %get3A_437] {strides = array<i32>} : memref<80x64xf32, #tpu.memory_space<vmem>>, vector<1x16xf32>,
        %get3A_439 = vector.shape_cast %get3A_438 : vector<1x16xf32> to vector<16xf32>
        %mul3A_440 = arith.mulf %get3A_439, %get3A_435 : vector<16xf32>
        %get3A_441 = arith.index_cast %add3A_421 : i32 to index
        %get3A_442 = arith.constant 32 : index
        %get3A_443 = tpu.vector_load %arg11[%get3A_441, %get3A_442] {strides = array<i32>} : memref<80x64xf32, #tpu.memory_space<vmem>>, vector<1x16xf32>,
        %get3A_444 = vector.shape_cast %get3A_443 : vector<1x16xf32> to vector<16xf32>
        %mul3A_445 = arith.mulf %get3A_444, %get3A_435 : vector<16xf32>
        %mul3A_446 = vector.broadcast %squeeze3A_423 : f32 to vector<16xf32>
        %mul3A_447 = arith.mulf %mul3A_446, %mul3A_440 : vector<16xf32>
        %swap3A_448 = arith.index_cast %add3A_421 : i32 to index
        %swap3A_449 = arith.constant 0 : index
        %swap3A_450 = tpu.vector_load %arg13[%swap3A_448, %swap3A_449] {strides = array<i32>} : memref<80x128xf32, #tpu.memory_space<vmem>>, vector<1x16xf32>,
        %swap3A_451 = vector.shape_cast %swap3A_450 : vector<1x16xf32> to vector<16xf32>
        %swap3A_452 = vector.shape_cast %mul3A_447 : vector<16xf32> to vector<1x16xf32>
        tpu.vector_store %arg13[%swap3A_448, %swap3A_449], %swap3A_452 {strides = array<i32>} : memref<80x128xf32, #tpu.memory_space<vmem>>, vector<1x16xf32>,
        %mul3A_453 = vector.broadcast %squeeze3A_425 : f32 to vector<16xf32>
        %mul3A_454 = arith.mulf %mul3A_453, %mul3A_445 : vector<16xf32>
        %swap3A_455 = arith.index_cast %add3A_421 : i32 to index
        %swap3A_456 = arith.constant 32 : index
        %swap3A_457 = tpu.vector_load %arg13[%swap3A_455, %swap3A_456] {strides = array<i32>} : memref<80x128xf32, #tpu.memory_space<vmem>>, vector<1x16xf32>,
        %swap3A_458 = vector.shape_cast %swap3A_457 : vector<1x16xf32> to vector<16xf32>
        %swap3A_459 = vector.shape_cast %mul3A_454 : vector<16xf32> to vector<1x16xf32>
        tpu.vector_store %arg13[%swap3A_455, %swap3A_456], %swap3A_459 {strides = array<i32>} : memref<80x128xf32, #tpu.memory_space<vmem>>, vector<1x16xf32>,
        %mul3A_460 = vector.broadcast %squeeze3A_427 : f32 to vector<16xf32>
        %mul3A_461 = arith.mulf %mul3A_460, %mul3A_445 : vector<16xf32>
        %swap3A_462 = arith.index_cast %add3A_421 : i32 to index
        %swap3A_463 = arith.constant 64 : index
        %swap3A_464 = tpu.vector_load %arg13[%swap3A_462, %swap3A_463] {strides = array<i32>} : memref<80x128xf32, #tpu.memory_space<vmem>>, vector<1x16xf32>,
        %swap3A_465 = vector.shape_cast %swap3A_464 : vector<1x16xf32> to vector<16xf32>
        %swap3A_466 = vector.shape_cast %mul3A_461 : vector<16xf32> to vector<1x16xf32>
        tpu.vector_store %arg13[%swap3A_462, %swap3A_463], %swap3A_466 {strides = array<i32>} : memref<80x128xf32, #tpu.memory_space<vmem>>, vector<1x16xf32>,
        %mul3A_467 = vector.broadcast %squeeze3A_429 : f32 to vector<16xf32>
        %mul3A_468 = arith.mulf %mul3A_467, %mul3A_445 : vector<16xf32>
        %swap3A_469 = arith.index_cast %add3A_421 : i32 to index
        %swap3A_470 = arith.constant 96 : index
        %swap3A_471 = tpu.vector_load %arg13[%swap3A_469, %swap3A_470] {strides = array<i32>} : memref<80x128xf32, #tpu.memory_space<vmem>>, vector<1x16xf32>,
        %swap3A_472 = vector.shape_cast %swap3A_471 : vector<1x16xf32> to vector<16xf32>
        %swap3A_473 = vector.shape_cast %mul3A_468 : vector<16xf32> to vector<1x16xf32>
        tpu.vector_store %arg13[%swap3A_469, %swap3A_470], %swap3A_473 {strides = array<i32>} : memref<80x128xf32, #tpu.memory_space<vmem>>, vector<1x16xf32>,
        %add3A_474 = arith.constant 16 : i32
        %add3A_475 = arith.addi %mul3A_63, %add3A_474 : i32
        %get3A_476 = arith.index_cast %add3A_421 : i32 to index
        %get3A_477 = arith.index_cast %add3A_475 : i32 to index
        %get3A_478 = tpu.vector_load %arg12[%get3A_476, %get3A_477] {strides = array<i32>} : memref<80x128xf32, #tpu.memory_space<vmem>>, vector<1x16xf32>,
        %get3A_479 = vector.shape_cast %get3A_478 : vector<1x16xf32> to vector<16xf32>
        %get3A_480 = arith.index_cast %add3A_421 : i32 to index
        %get3A_481 = arith.constant 16 : index
        %get3A_482 = tpu.vector_load %arg11[%get3A_480, %get3A_481] {strides = array<i32>} : memref<80x64xf32, #tpu.memory_space<vmem>>, vector<1x16xf32>,
        %get3A_483 = vector.shape_cast %get3A_482 : vector<1x16xf32> to vector<16xf32>
        %mul3A_484 = arith.mulf %get3A_483, %get3A_479 : vector<16xf32>
        %get3A_485 = arith.index_cast %add3A_421 : i32 to index
        %get3A_486 = arith.constant 48 : index
        %get3A_487 = tpu.vector_load %arg11[%get3A_485, %get3A_486] {strides = array<i32>} : memref<80x64xf32, #tpu.memory_space<vmem>>, vector<1x16xf32>,
        %get3A_488 = vector.shape_cast %get3A_487 : vector<1x16xf32> to vector<16xf32>
        %mul3A_489 = arith.mulf %get3A_488, %get3A_479 : vector<16xf32>
        %mul3A_490 = vector.broadcast %squeeze3A_423 : f32 to vector<16xf32>
        %mul3A_491 = arith.mulf %mul3A_490, %mul3A_484 : vector<16xf32>
        %swap3A_492 = arith.index_cast %add3A_421 : i32 to index
        %swap3A_493 = arith.constant 16 : index
        %swap3A_494 = tpu.vector_load %arg13[%swap3A_492, %swap3A_493] {strides = array<i32>} : memref<80x128xf32, #tpu.memory_space<vmem>>, vector<1x16xf32>,
        %swap3A_495 = vector.shape_cast %swap3A_494 : vector<1x16xf32> to vector<16xf32>
        %swap3A_496 = vector.shape_cast %mul3A_491 : vector<16xf32> to vector<1x16xf32>
        tpu.vector_store %arg13[%swap3A_492, %swap3A_493], %swap3A_496 {strides = array<i32>} : memref<80x128xf32, #tpu.memory_space<vmem>>, vector<1x16xf32>,
        %mul3A_497 = vector.broadcast %squeeze3A_425 : f32 to vector<16xf32>
        %mul3A_498 = arith.mulf %mul3A_497, %mul3A_489 : vector<16xf32>
        %swap3A_499 = arith.index_cast %add3A_421 : i32 to index
        %swap3A_500 = arith.constant 48 : index
        %swap3A_501 = tpu.vector_load %arg13[%swap3A_499, %swap3A_500] {strides = array<i32>} : memref<80x128xf32, #tpu.memory_space<vmem>>, vector<1x16xf32>,
        %swap3A_502 = vector.shape_cast %swap3A_501 : vector<1x16xf32> to vector<16xf32>
        %swap3A_503 = vector.shape_cast %mul3A_498 : vector<16xf32> to vector<1x16xf32>
        tpu.vector_store %arg13[%swap3A_499, %swap3A_500], %swap3A_503 {strides = array<i32>} : memref<80x128xf32, #tpu.memory_space<vmem>>, vector<1x16xf32>,
        %mul3A_504 = vector.broadcast %squeeze3A_427 : f32 to vector<16xf32>
        %mul3A_505 = arith.mulf %mul3A_504, %mul3A_489 : vector<16xf32>
        %swap3A_506 = arith.index_cast %add3A_421 : i32 to index
        %swap3A_507 = arith.constant 80 : index
        %swap3A_508 = tpu.vector_load %arg13[%swap3A_506, %swap3A_507] {strides = array<i32>} : memref<80x128xf32, #tpu.memory_space<vmem>>, vector<1x16xf32>,
        %swap3A_509 = vector.shape_cast %swap3A_508 : vector<1x16xf32> to vector<16xf32>
        %swap3A_510 = vector.shape_cast %mul3A_505 : vector<16xf32> to vector<1x16xf32>
        tpu.vector_store %arg13[%swap3A_506, %swap3A_507], %swap3A_510 {strides = array<i32>} : memref<80x128xf32, #tpu.memory_space<vmem>>, vector<1x16xf32>,
        %mul3A_511 = vector.broadcast %squeeze3A_429 : f32 to vector<16xf32>
        %mul3A_512 = arith.mulf %mul3A_511, %mul3A_489 : vector<16xf32>
        %swap3A_513 = arith.index_cast %add3A_421 : i32 to index
        %swap3A_514 = arith.constant 112 : index
        %swap3A_515 = tpu.vector_load %arg13[%swap3A_513, %swap3A_514] {strides = array<i32>} : memref<80x128xf32, #tpu.memory_space<vmem>>, vector<1x16xf32>,
        %swap3A_516 = vector.shape_cast %swap3A_515 : vector<1x16xf32> to vector<16xf32>
        %swap3A_517 = vector.shape_cast %mul3A_512 : vector<16xf32> to vector<1x16xf32>
        tpu.vector_store %arg13[%swap3A_513, %swap3A_514], %swap3A_517 {strides = array<i32>} : memref<80x128xf32, #tpu.memory_space<vmem>>, vector<1x16xf32>,
        %mul3A_518 = arith.constant 4 : i32
        %mul3A_519 = arith.muli %scan3A_193, %mul3A_518 : i32
        %add3A_520 = arith.constant 3 : i32
        %add3A_521 = arith.addi %mul3A_519, %add3A_520 : i32
        %slice3A_522 = vector.extract_strided_slice %get3A_220 {offsets = [12], sizes = [1], strides = [1]} : vector<16xf32> to vector<1xf32>
        %squeeze3A_523 = vector.extract %slice3A_522[0] : f32 from vector<1xf32>
        %slice3A_524 = vector.extract_strided_slice %get3A_220 {offsets = [13], sizes = [1], strides = [1]} : vector<16xf32> to vector<1xf32>
        %squeeze3A_525 = vector.extract %slice3A_524[0] : f32 from vector<1xf32>
        %slice3A_526 = vector.extract_strided_slice %get3A_220 {offsets = [14], sizes = [1], strides = [1]} : vector<16xf32> to vector<1xf32>
        %squeeze3A_527 = vector.extract %slice3A_526[0] : f32 from vector<1xf32>
        %slice3A_528 = vector.extract_strided_slice %get3A_220 {offsets = [15], sizes = [1], strides = [1]} : vector<16xf32> to vector<1xf32>
        %squeeze3A_529 = vector.extract %slice3A_528[0] : f32 from vector<1xf32>
        %add3A_530 = arith.constant 0 : i32
        %add3A_531 = arith.addi %mul3A_63, %add3A_530 : i32
        %get3A_532 = arith.index_cast %add3A_521 : i32 to index
        %get3A_533 = arith.index_cast %add3A_531 : i32 to index
        %get3A_534 = tpu.vector_load %arg12[%get3A_532, %get3A_533] {strides = array<i32>} : memref<80x128xf32, #tpu.memory_space<vmem>>, vector<1x16xf32>,
        %get3A_535 = vector.shape_cast %get3A_534 : vector<1x16xf32> to vector<16xf32>
        %get3A_536 = arith.index_cast %add3A_521 : i32 to index
        %get3A_537 = arith.constant 0 : index
        %get3A_538 = tpu.vector_load %arg11[%get3A_536, %get3A_537] {strides = array<i32>} : memref<80x64xf32, #tpu.memory_space<vmem>>, vector<1x16xf32>,
        %get3A_539 = vector.shape_cast %get3A_538 : vector<1x16xf32> to vector<16xf32>
        %mul3A_540 = arith.mulf %get3A_539, %get3A_535 : vector<16xf32>
        %get3A_541 = arith.index_cast %add3A_521 : i32 to index
        %get3A_542 = arith.constant 32 : index
        %get3A_543 = tpu.vector_load %arg11[%get3A_541, %get3A_542] {strides = array<i32>} : memref<80x64xf32, #tpu.memory_space<vmem>>, vector<1x16xf32>,
        %get3A_544 = vector.shape_cast %get3A_543 : vector<1x16xf32> to vector<16xf32>
        %mul3A_545 = arith.mulf %get3A_544, %get3A_535 : vector<16xf32>
        %mul3A_546 = vector.broadcast %squeeze3A_523 : f32 to vector<16xf32>
        %mul3A_547 = arith.mulf %mul3A_546, %mul3A_540 : vector<16xf32>
        %swap3A_548 = arith.index_cast %add3A_521 : i32 to index
        %swap3A_549 = arith.constant 0 : index
        %swap3A_550 = tpu.vector_load %arg13[%swap3A_548, %swap3A_549] {strides = array<i32>} : memref<80x128xf32, #tpu.memory_space<vmem>>, vector<1x16xf32>,
        %swap3A_551 = vector.shape_cast %swap3A_550 : vector<1x16xf32> to vector<16xf32>
        %swap3A_552 = vector.shape_cast %mul3A_547 : vector<16xf32> to vector<1x16xf32>
        tpu.vector_store %arg13[%swap3A_548, %swap3A_549], %swap3A_552 {strides = array<i32>} : memref<80x128xf32, #tpu.memory_space<vmem>>, vector<1x16xf32>,
        %mul3A_553 = vector.broadcast %squeeze3A_525 : f32 to vector<16xf32>
        %mul3A_554 = arith.mulf %mul3A_553, %mul3A_545 : vector<16xf32>
        %swap3A_555 = arith.index_cast %add3A_521 : i32 to index
        %swap3A_556 = arith.constant 32 : index
        %swap3A_557 = tpu.vector_load %arg13[%swap3A_555, %swap3A_556] {strides = array<i32>} : memref<80x128xf32, #tpu.memory_space<vmem>>, vector<1x16xf32>,
        %swap3A_558 = vector.shape_cast %swap3A_557 : vector<1x16xf32> to vector<16xf32>
        %swap3A_559 = vector.shape_cast %mul3A_554 : vector<16xf32> to vector<1x16xf32>
        tpu.vector_store %arg13[%swap3A_555, %swap3A_556], %swap3A_559 {strides = array<i32>} : memref<80x128xf32, #tpu.memory_space<vmem>>, vector<1x16xf32>,
        %mul3A_560 = vector.broadcast %squeeze3A_527 : f32 to vector<16xf32>
        %mul3A_561 = arith.mulf %mul3A_560, %mul3A_545 : vector<16xf32>
        %swap3A_562 = arith.index_cast %add3A_521 : i32 to index
        %swap3A_563 = arith.constant 64 : index
        %swap3A_564 = tpu.vector_load %arg13[%swap3A_562, %swap3A_563] {strides = array<i32>} : memref<80x128xf32, #tpu.memory_space<vmem>>, vector<1x16xf32>,
        %swap3A_565 = vector.shape_cast %swap3A_564 : vector<1x16xf32> to vector<16xf32>
        %swap3A_566 = vector.shape_cast %mul3A_561 : vector<16xf32> to vector<1x16xf32>
        tpu.vector_store %arg13[%swap3A_562, %swap3A_563], %swap3A_566 {strides = array<i32>} : memref<80x128xf32, #tpu.memory_space<vmem>>, vector<1x16xf32>,
        %mul3A_567 = vector.broadcast %squeeze3A_529 : f32 to vector<16xf32>
        %mul3A_568 = arith.mulf %mul3A_567, %mul3A_545 : vector<16xf32>
        %swap3A_569 = arith.index_cast %add3A_521 : i32 to index
        %swap3A_570 = arith.constant 96 : index
        %swap3A_571 = tpu.vector_load %arg13[%swap3A_569, %swap3A_570] {strides = array<i32>} : memref<80x128xf32, #tpu.memory_space<vmem>>, vector<1x16xf32>,
        %swap3A_572 = vector.shape_cast %swap3A_571 : vector<1x16xf32> to vector<16xf32>
        %swap3A_573 = vector.shape_cast %mul3A_568 : vector<16xf32> to vector<1x16xf32>
        tpu.vector_store %arg13[%swap3A_569, %swap3A_570], %swap3A_573 {strides = array<i32>} : memref<80x128xf32, #tpu.memory_space<vmem>>, vector<1x16xf32>,
        %add3A_574 = arith.constant 16 : i32
        %add3A_575 = arith.addi %mul3A_63, %add3A_574 : i32
        %get3A_576 = arith.index_cast %add3A_521 : i32 to index
        %get3A_577 = arith.index_cast %add3A_575 : i32 to index
        %get3A_578 = tpu.vector_load %arg12[%get3A_576, %get3A_577] {strides = array<i32>} : memref<80x128xf32, #tpu.memory_space<vmem>>, vector<1x16xf32>,
        %get3A_579 = vector.shape_cast %get3A_578 : vector<1x16xf32> to vector<16xf32>
        %get3A_580 = arith.index_cast %add3A_521 : i32 to index
        %get3A_581 = arith.constant 16 : index
        %get3A_582 = tpu.vector_load %arg11[%get3A_580, %get3A_581] {strides = array<i32>} : memref<80x64xf32, #tpu.memory_space<vmem>>, vector<1x16xf32>,
        %get3A_583 = vector.shape_cast %get3A_582 : vector<1x16xf32> to vector<16xf32>
        %mul3A_584 = arith.mulf %get3A_583, %get3A_579 : vector<16xf32>
        %get3A_585 = arith.index_cast %add3A_521 : i32 to index
        %get3A_586 = arith.constant 48 : index
        %get3A_587 = tpu.vector_load %arg11[%get3A_585, %get3A_586] {strides = array<i32>} : memref<80x64xf32, #tpu.memory_space<vmem>>, vector<1x16xf32>,
        %get3A_588 = vector.shape_cast %get3A_587 : vector<1x16xf32> to vector<16xf32>
        %mul3A_589 = arith.mulf %get3A_588, %get3A_579 : vector<16xf32>
        %mul3A_590 = vector.broadcast %squeeze3A_523 : f32 to vector<16xf32>
        %mul3A_591 = arith.mulf %mul3A_590, %mul3A_584 : vector<16xf32>
        %swap3A_592 = arith.index_cast %add3A_521 : i32 to index
        %swap3A_593 = arith.constant 16 : index
        %swap3A_594 = tpu.vector_load %arg13[%swap3A_592, %swap3A_593] {strides = array<i32>} : memref<80x128xf32, #tpu.memory_space<vmem>>, vector<1x16xf32>,
        %swap3A_595 = vector.shape_cast %swap3A_594 : vector<1x16xf32> to vector<16xf32>
        %swap3A_596 = vector.shape_cast %mul3A_591 : vector<16xf32> to vector<1x16xf32>
        tpu.vector_store %arg13[%swap3A_592, %swap3A_593], %swap3A_596 {strides = array<i32>} : memref<80x128xf32, #tpu.memory_space<vmem>>, vector<1x16xf32>,
        %mul3A_597 = vector.broadcast %squeeze3A_525 : f32 to vector<16xf32>
        %mul3A_598 = arith.mulf %mul3A_597, %mul3A_589 : vector<16xf32>
        %swap3A_599 = arith.index_cast %add3A_521 : i32 to index
        %swap3A_600 = arith.constant 48 : index
        %swap3A_601 = tpu.vector_load %arg13[%swap3A_599, %swap3A_600] {strides = array<i32>} : memref<80x128xf32, #tpu.memory_space<vmem>>, vector<1x16xf32>,
        %swap3A_602 = vector.shape_cast %swap3A_601 : vector<1x16xf32> to vector<16xf32>
        %swap3A_603 = vector.shape_cast %mul3A_598 : vector<16xf32> to vector<1x16xf32>
        tpu.vector_store %arg13[%swap3A_599, %swap3A_600], %swap3A_603 {strides = array<i32>} : memref<80x128xf32, #tpu.memory_space<vmem>>, vector<1x16xf32>,
        %mul3A_604 = vector.broadcast %squeeze3A_527 : f32 to vector<16xf32>
        %mul3A_605 = arith.mulf %mul3A_604, %mul3A_589 : vector<16xf32>
        %swap3A_606 = arith.index_cast %add3A_521 : i32 to index
        %swap3A_607 = arith.constant 80 : index
        %swap3A_608 = tpu.vector_load %arg13[%swap3A_606, %swap3A_607] {strides = array<i32>} : memref<80x128xf32, #tpu.memory_space<vmem>>, vector<1x16xf32>,
        %swap3A_609 = vector.shape_cast %swap3A_608 : vector<1x16xf32> to vector<16xf32>
        %swap3A_610 = vector.shape_cast %mul3A_605 : vector<16xf32> to vector<1x16xf32>
        tpu.vector_store %arg13[%swap3A_606, %swap3A_607], %swap3A_610 {strides = array<i32>} : memref<80x128xf32, #tpu.memory_space<vmem>>, vector<1x16xf32>,
        %mul3A_611 = vector.broadcast %squeeze3A_529 : f32 to vector<16xf32>
        %mul3A_612 = arith.mulf %mul3A_611, %mul3A_589 : vector<16xf32>
        %swap3A_613 = arith.index_cast %add3A_521 : i32 to index
        %swap3A_614 = arith.constant 112 : index
        %swap3A_615 = tpu.vector_load %arg13[%swap3A_613, %swap3A_614] {strides = array<i32>} : memref<80x128xf32, #tpu.memory_space<vmem>>, vector<1x16xf32>,
        %swap3A_616 = vector.shape_cast %swap3A_615 : vector<1x16xf32> to vector<16xf32>
        %swap3A_617 = vector.shape_cast %mul3A_612 : vector<16xf32> to vector<1x16xf32>
        tpu.vector_store %arg13[%swap3A_613, %swap3A_614], %swap3A_617 {strides = array<i32>} : memref<80x128xf32, #tpu.memory_space<vmem>>, vector<1x16xf32>,
      }
      %scan3A_192 = arith.constant 20 : i32
      "tpu.region"() ({
        %run_scoped3A = tpu.sem_alloc : memref<!tpu.dma_semaphore, #tpu.memory_space<semaphore_mem>>
        %dma_start3A_193 = arith.constant 0 : i32
        %dma_start3A_194 = tpu.memref_slice %arg9[%select_n3A_176, %dma_start3A_193] : memref<32x80xi32, #tpu.memory_space<vmem>> -> memref<1x80xi32, #tpu.memory_space<vmem>>
        %dma_start3A_195 = tpu.memref_squeeze %dma_start3A_194 : memref<1x80xi32, #tpu.memory_space<vmem>> -> memref<80xi32, #tpu.memory_space<vmem>>
        %dma_start3A_196 = arith.constant 0 : i32
        %dma_start3A_197 = arith.constant 0 : i32
        %dma_start3A_198 = tpu.memref_slice %arg14[%dma_start3A_196, %dma_start3A_197] : memref<10112x128xf32, #tpu.memory_space<vmem_shared>> -> memref<10112x128xf32, #tpu.memory_space<vmem_shared>>
        tpu.enqueue_indirect_dma source(%arg13 : memref<80x128xf32, #tpu.memory_space<vmem>>) target(%dma_start3A_198 : memref<10112x128xf32, #tpu.memory_space<vmem_shared>>) offsets(%dma_start3A_195 : memref<80xi32, #tpu.memory_space<vmem>>) semaphore(%run_scoped3A : memref<!tpu.dma_semaphore, #tpu.memory_space<semaphore_mem>>) {add = true}
        %dma_wait3A_199 = arith.constant 0 : i32
        %dma_wait3A_200 = tpu.memref_slice %arg9[%select_n3A_176, %dma_wait3A_199] : memref<32x80xi32, #tpu.memory_space<vmem>> -> memref<1x80xi32, #tpu.memory_space<vmem>>
        %dma_wait3A_201 = tpu.memref_squeeze %dma_wait3A_200 : memref<1x80xi32, #tpu.memory_space<vmem>> -> memref<80xi32, #tpu.memory_space<vmem>>
        %dma_wait3A_202 = arith.constant 0 : i32
        %dma_wait3A_203 = arith.constant 0 : i32
        %dma_wait3A_204 = tpu.memref_slice %arg14[%dma_wait3A_202, %dma_wait3A_203] : memref<10112x128xf32, #tpu.memory_space<vmem_shared>> -> memref<10112x128xf32, #tpu.memory_space<vmem_shared>>
        tpu.wait_indirect_dma semaphore(%run_scoped3A : memref<!tpu.dma_semaphore, #tpu.memory_space<semaphore_mem>>) src(%arg13 : memref<80x128xf32, #tpu.memory_space<vmem>>) dst(%dma_wait3A_204 : memref<10112x128xf32, #tpu.memory_space<vmem_shared>>)
        tpu.yield
      }) : () -> ()
    }
    %while3A_112 = arith.constant 1 : i32
    scf.for %while3A_119 = %while3A_110 to %while3A_106 step %while3A_112  : i32 {
      %mul3A_120 = arith.constant 10240 : i32
      %mul3A_121 = arith.muli %arg1, %mul3A_120 : i32
      %mul3A_122 = arith.constant 80 : i32
      %mul3A_123 = arith.muli %while3A_119, %mul3A_122 : i32
      %add3A_124 = arith.addi %mul3A_121, %mul3A_123 : i32
      %jit3A_125 = arith.constant 32 : i32
      %eq3A_126 = arith.constant 0 : i32
      %eq3A_127 = arith.cmpi eq, %jit3A_125, %eq3A_126 : i32
      %jit3A_128 = arith.constant 1 : i32
      %select_n3A_129 = arith.select %eq3A_127, %jit3A_128, %jit3A_125 : i32
      %rem3A = arith.remsi %while3A_119, %select_n3A_129 : i32
      %ne3A = arith.constant 0 : i32
      %ne3A_130 = arith.cmpi ne, %rem3A, %ne3A : i32
      %lt3A = arith.constant 0 : i32
      %lt3A_131 = arith.cmpi slt, %rem3A, %lt3A : i32
      %lt3A_132 = arith.constant 0 : i32
      %lt3A_133 = arith.cmpi slt, %select_n3A_129, %lt3A_132 : i32
      %ne3A_134 = arith.xori %lt3A_131, %lt3A_133 : i1
      %and3A = arith.andi %ne3A_134, %ne3A_130 : i1
      %add3A_135 = arith.addi %rem3A, %select_n3A_129 : i32
      %select_n3A_136 = arith.select %and3A, %add3A_135, %rem3A : i32
      %eq3A_137 = arith.constant 0 : i32
      %eq3A_138 = arith.cmpi eq, %select_n3A_136, %eq3A_137 : i32
      %convert_element_type3A = arith.extui %eq3A_138 : i1 to i32
      %cond3A = arith.constant 0 : i32
      %cond3A_139 = arith.cmpi ne, %convert_element_type3A, %cond3A : i32
      scf.if %cond3A_139 {
        %jit3A_193 = arith.constant 32 : i32
        %div3A = arith.divsi %while3A_119, %jit3A_193 : i32
        %sign3A = arith.constant 0 : i32
        %sign3A_194 = arith.cmpi sgt, %while3A_119, %sign3A : i32
        %sign3A_195 = arith.extui %sign3A_194 : i1 to i32
        %sign3A_196 = arith.constant 0 : i32
        %sign3A_197 = arith.cmpi slt, %while3A_119, %sign3A_196 : i32
        %sign3A_198 = arith.extui %sign3A_197 : i1 to i32
        %sign3A_199 = arith.subi %sign3A_195, %sign3A_198 : i32
        %sign3A_200 = arith.constant 0 : i32
        %sign3A_201 = arith.cmpi sgt, %jit3A_193, %sign3A_200 : i32
        %sign3A_202 = arith.extui %sign3A_201 : i1 to i32
        %sign3A_203 = arith.constant 0 : i32
        %sign3A_204 = arith.cmpi slt, %jit3A_193, %sign3A_203 : i32
        %sign3A_205 = arith.extui %sign3A_204 : i1 to i32
        %sign3A_206 = arith.subi %sign3A_202, %sign3A_205 : i32
        %ne3A_207 = arith.cmpi ne, %sign3A_199, %sign3A_206 : i32
        %rem3A_208 = arith.remsi %while3A_119, %jit3A_193 : i32
        %ne3A_209 = arith.constant 0 : i32
        %ne3A_210 = arith.cmpi ne, %rem3A_208, %ne3A_209 : i32
        %and3A_211 = arith.andi %ne3A_207, %ne3A_210 : i1
        %sub3A = arith.constant 1 : i32
        %sub3A_212 = arith.subi %div3A, %sub3A : i32
        %select_n3A_213 = arith.select %and3A_211, %sub3A_212, %div3A : i32
        %mul3A_214 = arith.constant 128 : i32
        %mul3A_215 = arith.muli %arg1, %mul3A_214 : i32
        %mul3A_216 = arith.constant 32 : i32
        %mul3A_217 = arith.muli %select_n3A_213, %mul3A_216 : i32
        %add3A_218 = arith.addi %mul3A_215, %mul3A_217 : i32
        "tpu.region"() ({
          %run_scoped3A = tpu.sem_alloc : memref<!tpu.dma_semaphore, #tpu.memory_space<semaphore_mem>>
          %dma_start3A_224 = arith.constant 0 : i32
          %dma_start3A_225 = tpu.memref_slice %arg6[%add3A_218, %dma_start3A_224] : memref<2048x80xi32, #tpu.memory_space<hbm>> -> memref<32x80xi32, #tpu.memory_space<hbm>>
          %dma_start3A_226 = arith.constant 0 : i32
          %dma_start3A_227 = tpu.memref_slice %arg6[%add3A_218, %dma_start3A_226] : memref<2048x80xi32, #tpu.memory_space<hbm>> -> memref<32x80xi32, #tpu.memory_space<hbm>>
          tpu.enqueue_dma source(%dma_start3A_227 : memref<32x80xi32, #tpu.memory_space<hbm>>) target(%arg9 : memref<32x80xi32, #tpu.memory_space<vmem>>) target_semaphore(%run_scoped3A : memref<!tpu.dma_semaphore, #tpu.memory_space<semaphore_mem>>)
          %dma_wait3A_228 = arith.constant 0 : i32
          %dma_wait3A_229 = tpu.memref_slice %arg6[%add3A_218, %dma_wait3A_228] : memref<2048x80xi32, #tpu.memory_space<hbm>> -> memref<32x80xi32, #tpu.memory_space<hbm>>
          %dma_wait3A_230 = arith.constant 0 : i32
          %dma_wait3A_231 = tpu.memref_slice %arg6[%add3A_218, %dma_wait3A_230] : memref<2048x80xi32, #tpu.memory_space<hbm>> -> memref<32x80xi32, #tpu.memory_space<hbm>>
          tpu.wait_dma2 semaphore(%run_scoped3A : memref<!tpu.dma_semaphore, #tpu.memory_space<semaphore_mem>>) src(%dma_wait3A_231 : memref<32x80xi32, #tpu.memory_space<hbm>>) dst(%arg9 : memref<32x80xi32, #tpu.memory_space<vmem>>)
          tpu.yield
        }) : () -> ()
        %mul3A_219 = arith.constant 128 : i32
        %mul3A_220 = arith.muli %arg1, %mul3A_219 : i32
        %mul3A_221 = arith.constant 32 : i32
        %mul3A_222 = arith.muli %select_n3A_213, %mul3A_221 : i32
        %add3A_223 = arith.addi %mul3A_220, %mul3A_222 : i32
        "tpu.region"() ({
          %run_scoped3A = tpu.sem_alloc : memref<!tpu.dma_semaphore, #tpu.memory_space<semaphore_mem>>
          %dma_start3A_224 = arith.constant 0 : i32
          %dma_start3A_225 = tpu.memref_slice %arg5[%add3A_223, %dma_start3A_224] : memref<2048x80xi32, #tpu.memory_space<hbm>> -> memref<32x80xi32, #tpu.memory_space<hbm>>
          %dma_start3A_226 = arith.constant 0 : i32
          %dma_start3A_227 = tpu.memref_slice %arg5[%add3A_223, %dma_start3A_226] : memref<2048x80xi32, #tpu.memory_space<hbm>> -> memref<32x80xi32, #tpu.memory_space<hbm>>
          tpu.enqueue_dma source(%dma_start3A_227 : memref<32x80xi32, #tpu.memory_space<hbm>>) target(%arg8 : memref<32x80xi32, #tpu.memory_space<vmem>>) target_semaphore(%run_scoped3A : memref<!tpu.dma_semaphore, #tpu.memory_space<semaphore_mem>>)
          %dma_wait3A_228 = arith.constant 0 : i32
          %dma_wait3A_229 = tpu.memref_slice %arg5[%add3A_223, %dma_wait3A_228] : memref<2048x80xi32, #tpu.memory_space<hbm>> -> memref<32x80xi32, #tpu.memory_space<hbm>>
          %dma_wait3A_230 = arith.constant 0 : i32
          %dma_wait3A_231 = tpu.memref_slice %arg5[%add3A_223, %dma_wait3A_230] : memref<2048x80xi32, #tpu.memory_space<hbm>> -> memref<32x80xi32, #tpu.memory_space<hbm>>
          tpu.wait_dma2 semaphore(%run_scoped3A : memref<!tpu.dma_semaphore, #tpu.memory_space<semaphore_mem>>) src(%dma_wait3A_231 : memref<32x80xi32, #tpu.memory_space<hbm>>) dst(%arg8 : memref<32x80xi32, #tpu.memory_space<vmem>>)
          tpu.yield
        }) : () -> ()
      } else {
      }
      %jit3A_140 = arith.constant 16 : i32
      %eq3A_141 = arith.constant 0 : i32
      %eq3A_142 = arith.cmpi eq, %jit3A_140, %eq3A_141 : i32
      %jit3A_143 = arith.constant 1 : i32
      %select_n3A_144 = arith.select %eq3A_142, %jit3A_143, %jit3A_140 : i32
      %rem3A_145 = arith.remsi %while3A_119, %select_n3A_144 : i32
      %ne3A_146 = arith.constant 0 : i32
      %ne3A_147 = arith.cmpi ne, %rem3A_145, %ne3A_146 : i32
      %lt3A_148 = arith.constant 0 : i32
      %lt3A_149 = arith.cmpi slt, %rem3A_145, %lt3A_148 : i32
      %lt3A_150 = arith.constant 0 : i32
      %lt3A_151 = arith.cmpi slt, %select_n3A_144, %lt3A_150 : i32
      %ne3A_152 = arith.xori %lt3A_149, %lt3A_151 : i1
      %and3A_153 = arith.andi %ne3A_152, %ne3A_147 : i1
      %add3A_154 = arith.addi %rem3A_145, %select_n3A_144 : i32
      %select_n3A_155 = arith.select %and3A_153, %add3A_154, %rem3A_145 : i32
      %eq3A_156 = arith.constant 0 : i32
      %eq3A_157 = arith.cmpi eq, %select_n3A_155, %eq3A_156 : i32
      %convert_element_type3A_158 = arith.extui %eq3A_157 : i1 to i32
      %cond3A_159 = arith.constant 0 : i32
      %cond3A_160 = arith.cmpi ne, %convert_element_type3A_158, %cond3A_159 : i32
      scf.if %cond3A_160 {
        %jit3A_193 = arith.constant 16 : i32
        %div3A = arith.divsi %while3A_119, %jit3A_193 : i32
        %sign3A = arith.constant 0 : i32
        %sign3A_194 = arith.cmpi sgt, %while3A_119, %sign3A : i32
        %sign3A_195 = arith.extui %sign3A_194 : i1 to i32
        %sign3A_196 = arith.constant 0 : i32
        %sign3A_197 = arith.cmpi slt, %while3A_119, %sign3A_196 : i32
        %sign3A_198 = arith.extui %sign3A_197 : i1 to i32
        %sign3A_199 = arith.subi %sign3A_195, %sign3A_198 : i32
        %sign3A_200 = arith.constant 0 : i32
        %sign3A_201 = arith.cmpi sgt, %jit3A_193, %sign3A_200 : i32
        %sign3A_202 = arith.extui %sign3A_201 : i1 to i32
        %sign3A_203 = arith.constant 0 : i32
        %sign3A_204 = arith.cmpi slt, %jit3A_193, %sign3A_203 : i32
        %sign3A_205 = arith.extui %sign3A_204 : i1 to i32
        %sign3A_206 = arith.subi %sign3A_202, %sign3A_205 : i32
        %ne3A_207 = arith.cmpi ne, %sign3A_199, %sign3A_206 : i32
        %rem3A_208 = arith.remsi %while3A_119, %jit3A_193 : i32
        %ne3A_209 = arith.constant 0 : i32
        %ne3A_210 = arith.cmpi ne, %rem3A_208, %ne3A_209 : i32
        %and3A_211 = arith.andi %ne3A_207, %ne3A_210 : i1
        %sub3A = arith.constant 1 : i32
        %sub3A_212 = arith.subi %div3A, %sub3A : i32
        %select_n3A_213 = arith.select %and3A_211, %sub3A_212, %div3A : i32
        %mul3A_214 = arith.constant 320 : i32
        %mul3A_215 = arith.muli %arg1, %mul3A_214 : i32
        %mul3A_216 = arith.constant 40 : i32
        %mul3A_217 = arith.muli %select_n3A_213, %mul3A_216 : i32
        %add3A_218 = arith.addi %mul3A_215, %mul3A_217 : i32
        "tpu.region"() ({
          %run_scoped3A = tpu.sem_alloc : memref<!tpu.dma_semaphore, #tpu.memory_space<semaphore_mem>>
          %dma_start3A_219 = arith.constant 0 : i32
          %dma_start3A_220 = tpu.memref_slice %arg3[%add3A_218, %dma_start3A_219] : memref<5120x128xf32, #tpu.memory_space<hbm>> -> memref<40x128xf32, #tpu.memory_space<hbm>>
          %dma_start3A_221 = arith.constant 0 : i32
          %dma_start3A_222 = tpu.memref_slice %arg3[%add3A_218, %dma_start3A_221] : memref<5120x128xf32, #tpu.memory_space<hbm>> -> memref<40x128xf32, #tpu.memory_space<hbm>>
          tpu.enqueue_dma source(%dma_start3A_222 : memref<40x128xf32, #tpu.memory_space<hbm>>) target(%arg10 : memref<40x128xf32, #tpu.memory_space<vmem>>) target_semaphore(%run_scoped3A : memref<!tpu.dma_semaphore, #tpu.memory_space<semaphore_mem>>)
          %dma_wait3A_223 = arith.constant 0 : i32
          %dma_wait3A_224 = tpu.memref_slice %arg3[%add3A_218, %dma_wait3A_223] : memref<5120x128xf32, #tpu.memory_space<hbm>> -> memref<40x128xf32, #tpu.memory_space<hbm>>
          %dma_wait3A_225 = arith.constant 0 : i32
          %dma_wait3A_226 = tpu.memref_slice %arg3[%add3A_218, %dma_wait3A_225] : memref<5120x128xf32, #tpu.memory_space<hbm>> -> memref<40x128xf32, #tpu.memory_space<hbm>>
          tpu.wait_dma2 semaphore(%run_scoped3A : memref<!tpu.dma_semaphore, #tpu.memory_space<semaphore_mem>>) src(%dma_wait3A_226 : memref<40x128xf32, #tpu.memory_space<hbm>>) dst(%arg10 : memref<40x128xf32, #tpu.memory_space<vmem>>)
          tpu.yield
        }) : () -> ()
      } else {
      }
      %jit3A_161 = arith.constant 32 : i32
      %eq3A_162 = arith.constant 0 : i32
      %eq3A_163 = arith.cmpi eq, %jit3A_161, %eq3A_162 : i32
      %jit3A_164 = arith.constant 1 : i32
      %select_n3A_165 = arith.select %eq3A_163, %jit3A_164, %jit3A_161 : i32
      %rem3A_166 = arith.remsi %while3A_119, %select_n3A_165 : i32
      %ne3A_167 = arith.constant 0 : i32
      %ne3A_168 = arith.cmpi ne, %rem3A_166, %ne3A_167 : i32
      %lt3A_169 = arith.constant 0 : i32
      %lt3A_170 = arith.cmpi slt, %rem3A_166, %lt3A_169 : i32
      %lt3A_171 = arith.constant 0 : i32
      %lt3A_172 = arith.cmpi slt, %select_n3A_165, %lt3A_171 : i32
      %ne3A_173 = arith.xori %lt3A_170, %lt3A_172 : i1
      %and3A_174 = arith.andi %ne3A_173, %ne3A_168 : i1
      %add3A_175 = arith.addi %rem3A_166, %select_n3A_165 : i32
      %select_n3A_176 = arith.select %and3A_174, %add3A_175, %rem3A_166 : i32
      %dma_start3A = arith.constant 0 : i32
      %dma_start3A_177 = tpu.memref_slice %arg8[%select_n3A_176, %dma_start3A] : memref<32x80xi32, #tpu.memory_space<vmem>> -> memref<1x80xi32, #tpu.memory_space<vmem>>
      %dma_start3A_178 = tpu.memref_squeeze %dma_start3A_177 : memref<1x80xi32, #tpu.memory_space<vmem>> -> memref<80xi32, #tpu.memory_space<vmem>>
      %dma_start3A_179 = arith.constant 0 : i32
      %dma_start3A_180 = arith.constant 0 : i32
      %dma_start3A_181 = tpu.memref_slice %arg2[%dma_start3A_179, %dma_start3A_180] : memref<10000x128xf32, #tpu.memory_space<hbm>> -> memref<10000x128xf32, #tpu.memory_space<hbm>>
      tpu.enqueue_indirect_dma source(%dma_start3A_181 : memref<10000x128xf32, #tpu.memory_space<hbm>>) target(%arg12 : memref<80x128xf32, #tpu.memory_space<vmem>>) offsets(%dma_start3A_178 : memref<80xi32, #tpu.memory_space<vmem>>) semaphore(%arg15 : memref<!tpu.dma_semaphore, #tpu.memory_space<semaphore_mem>>)
      %dma_wait3A = arith.constant 0 : i32
      %dma_wait3A_182 = tpu.memref_slice %arg8[%select_n3A_176, %dma_wait3A] : memref<32x80xi32, #tpu.memory_space<vmem>> -> memref<1x80xi32, #tpu.memory_space<vmem>>
      %dma_wait3A_183 = tpu.memref_squeeze %dma_wait3A_182 : memref<1x80xi32, #tpu.memory_space<vmem>> -> memref<80xi32, #tpu.memory_space<vmem>>
      %dma_wait3A_184 = arith.constant 0 : i32
      %dma_wait3A_185 = arith.constant 0 : i32
      %dma_wait3A_186 = tpu.memref_slice %arg2[%dma_wait3A_184, %dma_wait3A_185] : memref<10000x128xf32, #tpu.memory_space<hbm>> -> memref<10000x128xf32, #tpu.memory_space<hbm>>
      tpu.wait_indirect_dma semaphore(%arg15 : memref<!tpu.dma_semaphore, #tpu.memory_space<semaphore_mem>>) src(%dma_wait3A_186 : memref<10000x128xf32, #tpu.memory_space<hbm>>) dst(%arg12 : memref<80x128xf32, #tpu.memory_space<vmem>>)
      "tpu.region"() ({
        %run_scoped3A = tpu.sem_alloc : memref<!tpu.dma_semaphore, #tpu.memory_space<semaphore_mem>>
        %dma_start3A_193 = arith.constant 0 : i32
        %dma_start3A_194 = tpu.memref_slice %arg4[%add3A_61, %add3A_124, %dma_start3A_193] : memref<4x160000x64xf32, #tpu.memory_space<hbm>> -> memref<1x80x64xf32, #tpu.memory_space<hbm>>
        %dma_start3A_195 = tpu.memref_squeeze %dma_start3A_194 : memref<1x80x64xf32, #tpu.memory_space<hbm>> -> memref<80x64xf32, #tpu.memory_space<hbm>>
        %dma_start3A_196 = arith.constant 0 : i32
        %dma_start3A_197 = tpu.memref_slice %arg4[%add3A_61, %add3A_124, %dma_start3A_196] : memref<4x160000x64xf32, #tpu.memory_space<hbm>> -> memref<1x80x64xf32, #tpu.memory_space<hbm>>
        %dma_start3A_198 = tpu.memref_squeeze %dma_start3A_197 : memref<1x80x64xf32, #tpu.memory_space<hbm>> -> memref<80x64xf32, #tpu.memory_space<hbm>>
        tpu.enqueue_dma source(%dma_start3A_198 : memref<80x64xf32, #tpu.memory_space<hbm>>) target(%arg11 : memref<80x64xf32, #tpu.memory_space<vmem>>) target_semaphore(%run_scoped3A : memref<!tpu.dma_semaphore, #tpu.memory_space<semaphore_mem>>)
        %dma_wait3A_199 = arith.constant 0 : i32
        %dma_wait3A_200 = tpu.memref_slice %arg4[%add3A_61, %add3A_124, %dma_wait3A_199] : memref<4x160000x64xf32, #tpu.memory_space<hbm>> -> memref<1x80x64xf32, #tpu.memory_space<hbm>>
        %dma_wait3A_201 = tpu.memref_squeeze %dma_wait3A_200 : memref<1x80x64xf32, #tpu.memory_space<hbm>> -> memref<80x64xf32, #tpu.memory_space<hbm>>
        %dma_wait3A_202 = arith.constant 0 : i32
        %dma_wait3A_203 = tpu.memref_slice %arg4[%add3A_61, %add3A_124, %dma_wait3A_202] : memref<4x160000x64xf32, #tpu.memory_space<hbm>> -> memref<1x80x64xf32, #tpu.memory_space<hbm>>
        %dma_wait3A_204 = tpu.memref_squeeze %dma_wait3A_203 : memref<1x80x64xf32, #tpu.memory_space<hbm>> -> memref<80x64xf32, #tpu.memory_space<hbm>>
        tpu.wait_dma2 semaphore(%run_scoped3A : memref<!tpu.dma_semaphore, #tpu.memory_space<semaphore_mem>>) src(%dma_wait3A_204 : memref<80x64xf32, #tpu.memory_space<hbm>>) dst(%arg11 : memref<80x64xf32, #tpu.memory_space<vmem>>)
        tpu.yield
      }) : () -> ()
      %scan3A_187 = arith.constant 0 : i32
      %scan3A_188 = arith.constant 0 : i32
      %scan3A_189 = arith.constant 20 : i32
      %scan3A_190 = arith.addi %scan3A_188, %scan3A_189 : i32
      %scan3A_191 = arith.constant 1 : i32
      scf.for %scan3A_193 = %scan3A_188 to %scan3A_190 step %scan3A_191  : i32 {
        %jit3A_194 = arith.constant 16 : i32
        %eq3A_195 = arith.constant 0 : i32
        %eq3A_196 = arith.cmpi eq, %jit3A_194, %eq3A_195 : i32
        %jit3A_197 = arith.constant 1 : i32
        %select_n3A_198 = arith.select %eq3A_196, %jit3A_197, %jit3A_194 : i32
        %rem3A_199 = arith.remsi %while3A_119, %select_n3A_198 : i32
        %ne3A_200 = arith.constant 0 : i32
        %ne3A_201 = arith.cmpi ne, %rem3A_199, %ne3A_200 : i32
        %lt3A_202 = arith.constant 0 : i32
        %lt3A_203 = arith.cmpi slt, %rem3A_199, %lt3A_202 : i32
        %lt3A_204 = arith.constant 0 : i32
        %lt3A_205 = arith.cmpi slt, %select_n3A_198, %lt3A_204 : i32
        %ne3A_206 = arith.xori %lt3A_203, %lt3A_205 : i1
        %and3A_207 = arith.andi %ne3A_206, %ne3A_201 : i1
        %add3A_208 = arith.addi %rem3A_199, %select_n3A_198 : i32
        %select_n3A_209 = arith.select %and3A_207, %add3A_208, %rem3A_199 : i32
        %mul3A_210 = arith.constant 20 : i32
        %mul3A_211 = arith.muli %select_n3A_209, %mul3A_210 : i32
        %add3A_212 = arith.addi %mul3A_211, %scan3A_193 : i32
        %shift_right_arithmetic3A = arith.constant 3 : i32
        %shift_right_arithmetic3A_213 = arith.shrsi %add3A_212, %shift_right_arithmetic3A : i32
        %and3A_214 = arith.constant 7 : i32
        %and3A_215 = arith.andi %add3A_212, %and3A_214 : i32
        %mul3A_216 = arith.constant 16 : i32
        %mul3A_217 = arith.muli %and3A_215, %mul3A_216 : i32
        %get3A = arith.index_cast %shift_right_arithmetic3A_213 : i32 to index
        %get3A_218 = arith.index_cast %mul3A_217 : i32 to index
        %get3A_219 = tpu.vector_load %arg10[%get3A, %get3A_218] {strides = array<i32>} : memref<40x128xf32, #tpu.memory_space<vmem>>, vector<1x16xf32>,
        %get3A_220 = vector.shape_cast %get3A_219 : vector<1x16xf32> to vector<16xf32>
        %mul3A_221 = arith.constant 4 : i32
        %mul3A_222 = arith.muli %scan3A_193, %mul3A_221 : i32
        %add3A_223 = arith.constant 0 : i32
        %add3A_224 = arith.addi %mul3A_222, %add3A_223 : i32
        %slice3A = vector.extract_strided_slice %get3A_220 {offsets = [0], sizes = [1], strides = [1]} : vector<16xf32> to vector<1xf32>
        %squeeze3A = vector.extract %slice3A[0] : f32 from vector<1xf32>
        %slice3A_225 = vector.extract_strided_slice %get3A_220 {offsets = [1], sizes = [1], strides = [1]} : vector<16xf32> to vector<1xf32>
        %squeeze3A_226 = vector.extract %slice3A_225[0] : f32 from vector<1xf32>
        %slice3A_227 = vector.extract_strided_slice %get3A_220 {offsets = [2], sizes = [1], strides = [1]} : vector<16xf32> to vector<1xf32>
        %squeeze3A_228 = vector.extract %slice3A_227[0] : f32 from vector<1xf32>
        %slice3A_229 = vector.extract_strided_slice %get3A_220 {offsets = [3], sizes = [1], strides = [1]} : vector<16xf32> to vector<1xf32>
        %squeeze3A_230 = vector.extract %slice3A_229[0] : f32 from vector<1xf32>
        %add3A_231 = arith.constant 0 : i32
        %add3A_232 = arith.addi %mul3A_63, %add3A_231 : i32
        %get3A_233 = arith.index_cast %add3A_224 : i32 to index
        %get3A_234 = arith.index_cast %add3A_232 : i32 to index
        %get3A_235 = tpu.vector_load %arg12[%get3A_233, %get3A_234] {strides = array<i32>} : memref<80x128xf32, #tpu.memory_space<vmem>>, vector<1x16xf32>,
        %get3A_236 = vector.shape_cast %get3A_235 : vector<1x16xf32> to vector<16xf32>
        %get3A_237 = arith.index_cast %add3A_224 : i32 to index
        %get3A_238 = arith.constant 0 : index
        %get3A_239 = tpu.vector_load %arg11[%get3A_237, %get3A_238] {strides = array<i32>} : memref<80x64xf32, #tpu.memory_space<vmem>>, vector<1x16xf32>,
        %get3A_240 = vector.shape_cast %get3A_239 : vector<1x16xf32> to vector<16xf32>
        %mul3A_241 = arith.mulf %get3A_240, %get3A_236 : vector<16xf32>
        %get3A_242 = arith.index_cast %add3A_224 : i32 to index
        %get3A_243 = arith.constant 32 : index
        %get3A_244 = tpu.vector_load %arg11[%get3A_242, %get3A_243] {strides = array<i32>} : memref<80x64xf32, #tpu.memory_space<vmem>>, vector<1x16xf32>,
        %get3A_245 = vector.shape_cast %get3A_244 : vector<1x16xf32> to vector<16xf32>
        %mul3A_246 = arith.mulf %get3A_245, %get3A_236 : vector<16xf32>
        %mul3A_247 = vector.broadcast %squeeze3A : f32 to vector<16xf32>
        %mul3A_248 = arith.mulf %mul3A_247, %mul3A_241 : vector<16xf32>
        %swap3A = arith.index_cast %add3A_224 : i32 to index
        %swap3A_249 = arith.constant 0 : index
        %swap3A_250 = tpu.vector_load %arg13[%swap3A, %swap3A_249] {strides = array<i32>} : memref<80x128xf32, #tpu.memory_space<vmem>>, vector<1x16xf32>,
        %swap3A_251 = vector.shape_cast %swap3A_250 : vector<1x16xf32> to vector<16xf32>
        %swap3A_252 = vector.shape_cast %mul3A_248 : vector<16xf32> to vector<1x16xf32>
        tpu.vector_store %arg13[%swap3A, %swap3A_249], %swap3A_252 {strides = array<i32>} : memref<80x128xf32, #tpu.memory_space<vmem>>, vector<1x16xf32>,
        %mul3A_253 = vector.broadcast %squeeze3A_226 : f32 to vector<16xf32>
        %mul3A_254 = arith.mulf %mul3A_253, %mul3A_246 : vector<16xf32>
        %swap3A_255 = arith.index_cast %add3A_224 : i32 to index
        %swap3A_256 = arith.constant 32 : index
        %swap3A_257 = tpu.vector_load %arg13[%swap3A_255, %swap3A_256] {strides = array<i32>} : memref<80x128xf32, #tpu.memory_space<vmem>>, vector<1x16xf32>,
        %swap3A_258 = vector.shape_cast %swap3A_257 : vector<1x16xf32> to vector<16xf32>
        %swap3A_259 = vector.shape_cast %mul3A_254 : vector<16xf32> to vector<1x16xf32>
        tpu.vector_store %arg13[%swap3A_255, %swap3A_256], %swap3A_259 {strides = array<i32>} : memref<80x128xf32, #tpu.memory_space<vmem>>, vector<1x16xf32>,
        %mul3A_260 = vector.broadcast %squeeze3A_228 : f32 to vector<16xf32>
        %mul3A_261 = arith.mulf %mul3A_260, %mul3A_246 : vector<16xf32>
        %swap3A_262 = arith.index_cast %add3A_224 : i32 to index
        %swap3A_263 = arith.constant 64 : index
        %swap3A_264 = tpu.vector_load %arg13[%swap3A_262, %swap3A_263] {strides = array<i32>} : memref<80x128xf32, #tpu.memory_space<vmem>>, vector<1x16xf32>,
        %swap3A_265 = vector.shape_cast %swap3A_264 : vector<1x16xf32> to vector<16xf32>
        %swap3A_266 = vector.shape_cast %mul3A_261 : vector<16xf32> to vector<1x16xf32>
        tpu.vector_store %arg13[%swap3A_262, %swap3A_263], %swap3A_266 {strides = array<i32>} : memref<80x128xf32, #tpu.memory_space<vmem>>, vector<1x16xf32>,
        %mul3A_267 = vector.broadcast %squeeze3A_230 : f32 to vector<16xf32>
        %mul3A_268 = arith.mulf %mul3A_267, %mul3A_246 : vector<16xf32>
        %swap3A_269 = arith.index_cast %add3A_224 : i32 to index
        %swap3A_270 = arith.constant 96 : index
        %swap3A_271 = tpu.vector_load %arg13[%swap3A_269, %swap3A_270] {strides = array<i32>} : memref<80x128xf32, #tpu.memory_space<vmem>>, vector<1x16xf32>,
        %swap3A_272 = vector.shape_cast %swap3A_271 : vector<1x16xf32> to vector<16xf32>
        %swap3A_273 = vector.shape_cast %mul3A_268 : vector<16xf32> to vector<1x16xf32>
        tpu.vector_store %arg13[%swap3A_269, %swap3A_270], %swap3A_273 {strides = array<i32>} : memref<80x128xf32, #tpu.memory_space<vmem>>, vector<1x16xf32>,
        %add3A_274 = arith.constant 16 : i32
        %add3A_275 = arith.addi %mul3A_63, %add3A_274 : i32
        %get3A_276 = arith.index_cast %add3A_224 : i32 to index
        %get3A_277 = arith.index_cast %add3A_275 : i32 to index
        %get3A_278 = tpu.vector_load %arg12[%get3A_276, %get3A_277] {strides = array<i32>} : memref<80x128xf32, #tpu.memory_space<vmem>>, vector<1x16xf32>,
        %get3A_279 = vector.shape_cast %get3A_278 : vector<1x16xf32> to vector<16xf32>
        %get3A_280 = arith.index_cast %add3A_224 : i32 to index
        %get3A_281 = arith.constant 16 : index
        %get3A_282 = tpu.vector_load %arg11[%get3A_280, %get3A_281] {strides = array<i32>} : memref<80x64xf32, #tpu.memory_space<vmem>>, vector<1x16xf32>,
        %get3A_283 = vector.shape_cast %get3A_282 : vector<1x16xf32> to vector<16xf32>
        %mul3A_284 = arith.mulf %get3A_283, %get3A_279 : vector<16xf32>
        %get3A_285 = arith.index_cast %add3A_224 : i32 to index
        %get3A_286 = arith.constant 48 : index
        %get3A_287 = tpu.vector_load %arg11[%get3A_285, %get3A_286] {strides = array<i32>} : memref<80x64xf32, #tpu.memory_space<vmem>>, vector<1x16xf32>,
        %get3A_288 = vector.shape_cast %get3A_287 : vector<1x16xf32> to vector<16xf32>
        %mul3A_289 = arith.mulf %get3A_288, %get3A_279 : vector<16xf32>
        %mul3A_290 = vector.broadcast %squeeze3A : f32 to vector<16xf32>
        %mul3A_291 = arith.mulf %mul3A_290, %mul3A_284 : vector<16xf32>
        %swap3A_292 = arith.index_cast %add3A_224 : i32 to index
        %swap3A_293 = arith.constant 16 : index
        %swap3A_294 = tpu.vector_load %arg13[%swap3A_292, %swap3A_293] {strides = array<i32>} : memref<80x128xf32, #tpu.memory_space<vmem>>, vector<1x16xf32>,
        %swap3A_295 = vector.shape_cast %swap3A_294 : vector<1x16xf32> to vector<16xf32>
        %swap3A_296 = vector.shape_cast %mul3A_291 : vector<16xf32> to vector<1x16xf32>
        tpu.vector_store %arg13[%swap3A_292, %swap3A_293], %swap3A_296 {strides = array<i32>} : memref<80x128xf32, #tpu.memory_space<vmem>>, vector<1x16xf32>,
        %mul3A_297 = vector.broadcast %squeeze3A_226 : f32 to vector<16xf32>
        %mul3A_298 = arith.mulf %mul3A_297, %mul3A_289 : vector<16xf32>
        %swap3A_299 = arith.index_cast %add3A_224 : i32 to index
        %swap3A_300 = arith.constant 48 : index
        %swap3A_301 = tpu.vector_load %arg13[%swap3A_299, %swap3A_300] {strides = array<i32>} : memref<80x128xf32, #tpu.memory_space<vmem>>, vector<1x16xf32>,
        %swap3A_302 = vector.shape_cast %swap3A_301 : vector<1x16xf32> to vector<16xf32>
        %swap3A_303 = vector.shape_cast %mul3A_298 : vector<16xf32> to vector<1x16xf32>
        tpu.vector_store %arg13[%swap3A_299, %swap3A_300], %swap3A_303 {strides = array<i32>} : memref<80x128xf32, #tpu.memory_space<vmem>>, vector<1x16xf32>,
        %mul3A_304 = vector.broadcast %squeeze3A_228 : f32 to vector<16xf32>
        %mul3A_305 = arith.mulf %mul3A_304, %mul3A_289 : vector<16xf32>
        %swap3A_306 = arith.index_cast %add3A_224 : i32 to index
        %swap3A_307 = arith.constant 80 : index
        %swap3A_308 = tpu.vector_load %arg13[%swap3A_306, %swap3A_307] {strides = array<i32>} : memref<80x128xf32, #tpu.memory_space<vmem>>, vector<1x16xf32>,
        %swap3A_309 = vector.shape_cast %swap3A_308 : vector<1x16xf32> to vector<16xf32>
        %swap3A_310 = vector.shape_cast %mul3A_305 : vector<16xf32> to vector<1x16xf32>
        tpu.vector_store %arg13[%swap3A_306, %swap3A_307], %swap3A_310 {strides = array<i32>} : memref<80x128xf32, #tpu.memory_space<vmem>>, vector<1x16xf32>,
        %mul3A_311 = vector.broadcast %squeeze3A_230 : f32 to vector<16xf32>
        %mul3A_312 = arith.mulf %mul3A_311, %mul3A_289 : vector<16xf32>
        %swap3A_313 = arith.index_cast %add3A_224 : i32 to index
        %swap3A_314 = arith.constant 112 : index
        %swap3A_315 = tpu.vector_load %arg13[%swap3A_313, %swap3A_314] {strides = array<i32>} : memref<80x128xf32, #tpu.memory_space<vmem>>, vector<1x16xf32>,
        %swap3A_316 = vector.shape_cast %swap3A_315 : vector<1x16xf32> to vector<16xf32>
        %swap3A_317 = vector.shape_cast %mul3A_312 : vector<16xf32> to vector<1x16xf32>
        tpu.vector_store %arg13[%swap3A_313, %swap3A_314], %swap3A_317 {strides = array<i32>} : memref<80x128xf32, #tpu.memory_space<vmem>>, vector<1x16xf32>,
        %mul3A_318 = arith.constant 4 : i32
        %mul3A_319 = arith.muli %scan3A_193, %mul3A_318 : i32
        %add3A_320 = arith.constant 1 : i32
        %add3A_321 = arith.addi %mul3A_319, %add3A_320 : i32
        %slice3A_322 = vector.extract_strided_slice %get3A_220 {offsets = [4], sizes = [1], strides = [1]} : vector<16xf32> to vector<1xf32>
        %squeeze3A_323 = vector.extract %slice3A_322[0] : f32 from vector<1xf32>
        %slice3A_324 = vector.extract_strided_slice %get3A_220 {offsets = [5], sizes = [1], strides = [1]} : vector<16xf32> to vector<1xf32>
        %squeeze3A_325 = vector.extract %slice3A_324[0] : f32 from vector<1xf32>
        %slice3A_326 = vector.extract_strided_slice %get3A_220 {offsets = [6], sizes = [1], strides = [1]} : vector<16xf32> to vector<1xf32>
        %squeeze3A_327 = vector.extract %slice3A_326[0] : f32 from vector<1xf32>
        %slice3A_328 = vector.extract_strided_slice %get3A_220 {offsets = [7], sizes = [1], strides = [1]} : vector<16xf32> to vector<1xf32>
        %squeeze3A_329 = vector.extract %slice3A_328[0] : f32 from vector<1xf32>
        %add3A_330 = arith.constant 0 : i32
        %add3A_331 = arith.addi %mul3A_63, %add3A_330 : i32
        %get3A_332 = arith.index_cast %add3A_321 : i32 to index
        %get3A_333 = arith.index_cast %add3A_331 : i32 to index
        %get3A_334 = tpu.vector_load %arg12[%get3A_332, %get3A_333] {strides = array<i32>} : memref<80x128xf32, #tpu.memory_space<vmem>>, vector<1x16xf32>,
        %get3A_335 = vector.shape_cast %get3A_334 : vector<1x16xf32> to vector<16xf32>
        %get3A_336 = arith.index_cast %add3A_321 : i32 to index
        %get3A_337 = arith.constant 0 : index
        %get3A_338 = tpu.vector_load %arg11[%get3A_336, %get3A_337] {strides = array<i32>} : memref<80x64xf32, #tpu.memory_space<vmem>>, vector<1x16xf32>,
        %get3A_339 = vector.shape_cast %get3A_338 : vector<1x16xf32> to vector<16xf32>
        %mul3A_340 = arith.mulf %get3A_339, %get3A_335 : vector<16xf32>
        %get3A_341 = arith.index_cast %add3A_321 : i32 to index
        %get3A_342 = arith.constant 32 : index
        %get3A_343 = tpu.vector_load %arg11[%get3A_341, %get3A_342] {strides = array<i32>} : memref<80x64xf32, #tpu.memory_space<vmem>>, vector<1x16xf32>,
        %get3A_344 = vector.shape_cast %get3A_343 : vector<1x16xf32> to vector<16xf32>
        %mul3A_345 = arith.mulf %get3A_344, %get3A_335 : vector<16xf32>
        %mul3A_346 = vector.broadcast %squeeze3A_323 : f32 to vector<16xf32>
        %mul3A_347 = arith.mulf %mul3A_346, %mul3A_340 : vector<16xf32>
        %swap3A_348 = arith.index_cast %add3A_321 : i32 to index
        %swap3A_349 = arith.constant 0 : index
        %swap3A_350 = tpu.vector_load %arg13[%swap3A_348, %swap3A_349] {strides = array<i32>} : memref<80x128xf32, #tpu.memory_space<vmem>>, vector<1x16xf32>,
        %swap3A_351 = vector.shape_cast %swap3A_350 : vector<1x16xf32> to vector<16xf32>
        %swap3A_352 = vector.shape_cast %mul3A_347 : vector<16xf32> to vector<1x16xf32>
        tpu.vector_store %arg13[%swap3A_348, %swap3A_349], %swap3A_352 {strides = array<i32>} : memref<80x128xf32, #tpu.memory_space<vmem>>, vector<1x16xf32>,
        %mul3A_353 = vector.broadcast %squeeze3A_325 : f32 to vector<16xf32>
        %mul3A_354 = arith.mulf %mul3A_353, %mul3A_345 : vector<16xf32>
        %swap3A_355 = arith.index_cast %add3A_321 : i32 to index
        %swap3A_356 = arith.constant 32 : index
        %swap3A_357 = tpu.vector_load %arg13[%swap3A_355, %swap3A_356] {strides = array<i32>} : memref<80x128xf32, #tpu.memory_space<vmem>>, vector<1x16xf32>,
        %swap3A_358 = vector.shape_cast %swap3A_357 : vector<1x16xf32> to vector<16xf32>
        %swap3A_359 = vector.shape_cast %mul3A_354 : vector<16xf32> to vector<1x16xf32>
        tpu.vector_store %arg13[%swap3A_355, %swap3A_356], %swap3A_359 {strides = array<i32>} : memref<80x128xf32, #tpu.memory_space<vmem>>, vector<1x16xf32>,
        %mul3A_360 = vector.broadcast %squeeze3A_327 : f32 to vector<16xf32>
        %mul3A_361 = arith.mulf %mul3A_360, %mul3A_345 : vector<16xf32>
        %swap3A_362 = arith.index_cast %add3A_321 : i32 to index
        %swap3A_363 = arith.constant 64 : index
        %swap3A_364 = tpu.vector_load %arg13[%swap3A_362, %swap3A_363] {strides = array<i32>} : memref<80x128xf32, #tpu.memory_space<vmem>>, vector<1x16xf32>,
        %swap3A_365 = vector.shape_cast %swap3A_364 : vector<1x16xf32> to vector<16xf32>
        %swap3A_366 = vector.shape_cast %mul3A_361 : vector<16xf32> to vector<1x16xf32>
        tpu.vector_store %arg13[%swap3A_362, %swap3A_363], %swap3A_366 {strides = array<i32>} : memref<80x128xf32, #tpu.memory_space<vmem>>, vector<1x16xf32>,
        %mul3A_367 = vector.broadcast %squeeze3A_329 : f32 to vector<16xf32>
        %mul3A_368 = arith.mulf %mul3A_367, %mul3A_345 : vector<16xf32>
        %swap3A_369 = arith.index_cast %add3A_321 : i32 to index
        %swap3A_370 = arith.constant 96 : index
        %swap3A_371 = tpu.vector_load %arg13[%swap3A_369, %swap3A_370] {strides = array<i32>} : memref<80x128xf32, #tpu.memory_space<vmem>>, vector<1x16xf32>,
        %swap3A_372 = vector.shape_cast %swap3A_371 : vector<1x16xf32> to vector<16xf32>
        %swap3A_373 = vector.shape_cast %mul3A_368 : vector<16xf32> to vector<1x16xf32>
        tpu.vector_store %arg13[%swap3A_369, %swap3A_370], %swap3A_373 {strides = array<i32>} : memref<80x128xf32, #tpu.memory_space<vmem>>, vector<1x16xf32>,
        %add3A_374 = arith.constant 16 : i32
        %add3A_375 = arith.addi %mul3A_63, %add3A_374 : i32
        %get3A_376 = arith.index_cast %add3A_321 : i32 to index
        %get3A_377 = arith.index_cast %add3A_375 : i32 to index
        %get3A_378 = tpu.vector_load %arg12[%get3A_376, %get3A_377] {strides = array<i32>} : memref<80x128xf32, #tpu.memory_space<vmem>>, vector<1x16xf32>,
        %get3A_379 = vector.shape_cast %get3A_378 : vector<1x16xf32> to vector<16xf32>
        %get3A_380 = arith.index_cast %add3A_321 : i32 to index
        %get3A_381 = arith.constant 16 : index
        %get3A_382 = tpu.vector_load %arg11[%get3A_380, %get3A_381] {strides = array<i32>} : memref<80x64xf32, #tpu.memory_space<vmem>>, vector<1x16xf32>,
        %get3A_383 = vector.shape_cast %get3A_382 : vector<1x16xf32> to vector<16xf32>
        %mul3A_384 = arith.mulf %get3A_383, %get3A_379 : vector<16xf32>
        %get3A_385 = arith.index_cast %add3A_321 : i32 to index
        %get3A_386 = arith.constant 48 : index
        %get3A_387 = tpu.vector_load %arg11[%get3A_385, %get3A_386] {strides = array<i32>} : memref<80x64xf32, #tpu.memory_space<vmem>>, vector<1x16xf32>,
        %get3A_388 = vector.shape_cast %get3A_387 : vector<1x16xf32> to vector<16xf32>
        %mul3A_389 = arith.mulf %get3A_388, %get3A_379 : vector<16xf32>
        %mul3A_390 = vector.broadcast %squeeze3A_323 : f32 to vector<16xf32>
        %mul3A_391 = arith.mulf %mul3A_390, %mul3A_384 : vector<16xf32>
        %swap3A_392 = arith.index_cast %add3A_321 : i32 to index
        %swap3A_393 = arith.constant 16 : index
        %swap3A_394 = tpu.vector_load %arg13[%swap3A_392, %swap3A_393] {strides = array<i32>} : memref<80x128xf32, #tpu.memory_space<vmem>>, vector<1x16xf32>,
        %swap3A_395 = vector.shape_cast %swap3A_394 : vector<1x16xf32> to vector<16xf32>
        %swap3A_396 = vector.shape_cast %mul3A_391 : vector<16xf32> to vector<1x16xf32>
        tpu.vector_store %arg13[%swap3A_392, %swap3A_393], %swap3A_396 {strides = array<i32>} : memref<80x128xf32, #tpu.memory_space<vmem>>, vector<1x16xf32>,
        %mul3A_397 = vector.broadcast %squeeze3A_325 : f32 to vector<16xf32>
        %mul3A_398 = arith.mulf %mul3A_397, %mul3A_389 : vector<16xf32>
        %swap3A_399 = arith.index_cast %add3A_321 : i32 to index
        %swap3A_400 = arith.constant 48 : index
        %swap3A_401 = tpu.vector_load %arg13[%swap3A_399, %swap3A_400] {strides = array<i32>} : memref<80x128xf32, #tpu.memory_space<vmem>>, vector<1x16xf32>,
        %swap3A_402 = vector.shape_cast %swap3A_401 : vector<1x16xf32> to vector<16xf32>
        %swap3A_403 = vector.shape_cast %mul3A_398 : vector<16xf32> to vector<1x16xf32>
        tpu.vector_store %arg13[%swap3A_399, %swap3A_400], %swap3A_403 {strides = array<i32>} : memref<80x128xf32, #tpu.memory_space<vmem>>, vector<1x16xf32>,
        %mul3A_404 = vector.broadcast %squeeze3A_327 : f32 to vector<16xf32>
        %mul3A_405 = arith.mulf %mul3A_404, %mul3A_389 : vector<16xf32>
        %swap3A_406 = arith.index_cast %add3A_321 : i32 to index
        %swap3A_407 = arith.constant 80 : index
        %swap3A_408 = tpu.vector_load %arg13[%swap3A_406, %swap3A_407] {strides = array<i32>} : memref<80x128xf32, #tpu.memory_space<vmem>>, vector<1x16xf32>,
        %swap3A_409 = vector.shape_cast %swap3A_408 : vector<1x16xf32> to vector<16xf32>
        %swap3A_410 = vector.shape_cast %mul3A_405 : vector<16xf32> to vector<1x16xf32>
        tpu.vector_store %arg13[%swap3A_406, %swap3A_407], %swap3A_410 {strides = array<i32>} : memref<80x128xf32, #tpu.memory_space<vmem>>, vector<1x16xf32>,
        %mul3A_411 = vector.broadcast %squeeze3A_329 : f32 to vector<16xf32>
        %mul3A_412 = arith.mulf %mul3A_411, %mul3A_389 : vector<16xf32>
        %swap3A_413 = arith.index_cast %add3A_321 : i32 to index
        %swap3A_414 = arith.constant 112 : index
        %swap3A_415 = tpu.vector_load %arg13[%swap3A_413, %swap3A_414] {strides = array<i32>} : memref<80x128xf32, #tpu.memory_space<vmem>>, vector<1x16xf32>,
        %swap3A_416 = vector.shape_cast %swap3A_415 : vector<1x16xf32> to vector<16xf32>
        %swap3A_417 = vector.shape_cast %mul3A_412 : vector<16xf32> to vector<1x16xf32>
        tpu.vector_store %arg13[%swap3A_413, %swap3A_414], %swap3A_417 {strides = array<i32>} : memref<80x128xf32, #tpu.memory_space<vmem>>, vector<1x16xf32>,
        %mul3A_418 = arith.constant 4 : i32
        %mul3A_419 = arith.muli %scan3A_193, %mul3A_418 : i32
        %add3A_420 = arith.constant 2 : i32
        %add3A_421 = arith.addi %mul3A_419, %add3A_420 : i32
        %slice3A_422 = vector.extract_strided_slice %get3A_220 {offsets = [8], sizes = [1], strides = [1]} : vector<16xf32> to vector<1xf32>
        %squeeze3A_423 = vector.extract %slice3A_422[0] : f32 from vector<1xf32>
        %slice3A_424 = vector.extract_strided_slice %get3A_220 {offsets = [9], sizes = [1], strides = [1]} : vector<16xf32> to vector<1xf32>
        %squeeze3A_425 = vector.extract %slice3A_424[0] : f32 from vector<1xf32>
        %slice3A_426 = vector.extract_strided_slice %get3A_220 {offsets = [10], sizes = [1], strides = [1]} : vector<16xf32> to vector<1xf32>
        %squeeze3A_427 = vector.extract %slice3A_426[0] : f32 from vector<1xf32>
        %slice3A_428 = vector.extract_strided_slice %get3A_220 {offsets = [11], sizes = [1], strides = [1]} : vector<16xf32> to vector<1xf32>
        %squeeze3A_429 = vector.extract %slice3A_428[0] : f32 from vector<1xf32>
        %add3A_430 = arith.constant 0 : i32
        %add3A_431 = arith.addi %mul3A_63, %add3A_430 : i32
        %get3A_432 = arith.index_cast %add3A_421 : i32 to index
        %get3A_433 = arith.index_cast %add3A_431 : i32 to index
        %get3A_434 = tpu.vector_load %arg12[%get3A_432, %get3A_433] {strides = array<i32>} : memref<80x128xf32, #tpu.memory_space<vmem>>, vector<1x16xf32>,
        %get3A_435 = vector.shape_cast %get3A_434 : vector<1x16xf32> to vector<16xf32>
        %get3A_436 = arith.index_cast %add3A_421 : i32 to index
        %get3A_437 = arith.constant 0 : index
        %get3A_438 = tpu.vector_load %arg11[%get3A_436, %get3A_437] {strides = array<i32>} : memref<80x64xf32, #tpu.memory_space<vmem>>, vector<1x16xf32>,
        %get3A_439 = vector.shape_cast %get3A_438 : vector<1x16xf32> to vector<16xf32>
        %mul3A_440 = arith.mulf %get3A_439, %get3A_435 : vector<16xf32>
        %get3A_441 = arith.index_cast %add3A_421 : i32 to index
        %get3A_442 = arith.constant 32 : index
        %get3A_443 = tpu.vector_load %arg11[%get3A_441, %get3A_442] {strides = array<i32>} : memref<80x64xf32, #tpu.memory_space<vmem>>, vector<1x16xf32>,
        %get3A_444 = vector.shape_cast %get3A_443 : vector<1x16xf32> to vector<16xf32>
        %mul3A_445 = arith.mulf %get3A_444, %get3A_435 : vector<16xf32>
        %mul3A_446 = vector.broadcast %squeeze3A_423 : f32 to vector<16xf32>
        %mul3A_447 = arith.mulf %mul3A_446, %mul3A_440 : vector<16xf32>
        %swap3A_448 = arith.index_cast %add3A_421 : i32 to index
        %swap3A_449 = arith.constant 0 : index
        %swap3A_450 = tpu.vector_load %arg13[%swap3A_448, %swap3A_449] {strides = array<i32>} : memref<80x128xf32, #tpu.memory_space<vmem>>, vector<1x16xf32>,
        %swap3A_451 = vector.shape_cast %swap3A_450 : vector<1x16xf32> to vector<16xf32>
        %swap3A_452 = vector.shape_cast %mul3A_447 : vector<16xf32> to vector<1x16xf32>
        tpu.vector_store %arg13[%swap3A_448, %swap3A_449], %swap3A_452 {strides = array<i32>} : memref<80x128xf32, #tpu.memory_space<vmem>>, vector<1x16xf32>,
        %mul3A_453 = vector.broadcast %squeeze3A_425 : f32 to vector<16xf32>
        %mul3A_454 = arith.mulf %mul3A_453, %mul3A_445 : vector<16xf32>
        %swap3A_455 = arith.index_cast %add3A_421 : i32 to index
        %swap3A_456 = arith.constant 32 : index
        %swap3A_457 = tpu.vector_load %arg13[%swap3A_455, %swap3A_456] {strides = array<i32>} : memref<80x128xf32, #tpu.memory_space<vmem>>, vector<1x16xf32>,
        %swap3A_458 = vector.shape_cast %swap3A_457 : vector<1x16xf32> to vector<16xf32>
        %swap3A_459 = vector.shape_cast %mul3A_454 : vector<16xf32> to vector<1x16xf32>
        tpu.vector_store %arg13[%swap3A_455, %swap3A_456], %swap3A_459 {strides = array<i32>} : memref<80x128xf32, #tpu.memory_space<vmem>>, vector<1x16xf32>,
        %mul3A_460 = vector.broadcast %squeeze3A_427 : f32 to vector<16xf32>
        %mul3A_461 = arith.mulf %mul3A_460, %mul3A_445 : vector<16xf32>
        %swap3A_462 = arith.index_cast %add3A_421 : i32 to index
        %swap3A_463 = arith.constant 64 : index
        %swap3A_464 = tpu.vector_load %arg13[%swap3A_462, %swap3A_463] {strides = array<i32>} : memref<80x128xf32, #tpu.memory_space<vmem>>, vector<1x16xf32>,
        %swap3A_465 = vector.shape_cast %swap3A_464 : vector<1x16xf32> to vector<16xf32>
        %swap3A_466 = vector.shape_cast %mul3A_461 : vector<16xf32> to vector<1x16xf32>
        tpu.vector_store %arg13[%swap3A_462, %swap3A_463], %swap3A_466 {strides = array<i32>} : memref<80x128xf32, #tpu.memory_space<vmem>>, vector<1x16xf32>,
        %mul3A_467 = vector.broadcast %squeeze3A_429 : f32 to vector<16xf32>
        %mul3A_468 = arith.mulf %mul3A_467, %mul3A_445 : vector<16xf32>
        %swap3A_469 = arith.index_cast %add3A_421 : i32 to index
        %swap3A_470 = arith.constant 96 : index
        %swap3A_471 = tpu.vector_load %arg13[%swap3A_469, %swap3A_470] {strides = array<i32>} : memref<80x128xf32, #tpu.memory_space<vmem>>, vector<1x16xf32>,
        %swap3A_472 = vector.shape_cast %swap3A_471 : vector<1x16xf32> to vector<16xf32>
        %swap3A_473 = vector.shape_cast %mul3A_468 : vector<16xf32> to vector<1x16xf32>
        tpu.vector_store %arg13[%swap3A_469, %swap3A_470], %swap3A_473 {strides = array<i32>} : memref<80x128xf32, #tpu.memory_space<vmem>>, vector<1x16xf32>,
        %add3A_474 = arith.constant 16 : i32
        %add3A_475 = arith.addi %mul3A_63, %add3A_474 : i32
        %get3A_476 = arith.index_cast %add3A_421 : i32 to index
        %get3A_477 = arith.index_cast %add3A_475 : i32 to index
        %get3A_478 = tpu.vector_load %arg12[%get3A_476, %get3A_477] {strides = array<i32>} : memref<80x128xf32, #tpu.memory_space<vmem>>, vector<1x16xf32>,
        %get3A_479 = vector.shape_cast %get3A_478 : vector<1x16xf32> to vector<16xf32>
        %get3A_480 = arith.index_cast %add3A_421 : i32 to index
        %get3A_481 = arith.constant 16 : index
        %get3A_482 = tpu.vector_load %arg11[%get3A_480, %get3A_481] {strides = array<i32>} : memref<80x64xf32, #tpu.memory_space<vmem>>, vector<1x16xf32>,
        %get3A_483 = vector.shape_cast %get3A_482 : vector<1x16xf32> to vector<16xf32>
        %mul3A_484 = arith.mulf %get3A_483, %get3A_479 : vector<16xf32>
        %get3A_485 = arith.index_cast %add3A_421 : i32 to index
        %get3A_486 = arith.constant 48 : index
        %get3A_487 = tpu.vector_load %arg11[%get3A_485, %get3A_486] {strides = array<i32>} : memref<80x64xf32, #tpu.memory_space<vmem>>, vector<1x16xf32>,
        %get3A_488 = vector.shape_cast %get3A_487 : vector<1x16xf32> to vector<16xf32>
        %mul3A_489 = arith.mulf %get3A_488, %get3A_479 : vector<16xf32>
        %mul3A_490 = vector.broadcast %squeeze3A_423 : f32 to vector<16xf32>
        %mul3A_491 = arith.mulf %mul3A_490, %mul3A_484 : vector<16xf32>
        %swap3A_492 = arith.index_cast %add3A_421 : i32 to index
        %swap3A_493 = arith.constant 16 : index
        %swap3A_494 = tpu.vector_load %arg13[%swap3A_492, %swap3A_493] {strides = array<i32>} : memref<80x128xf32, #tpu.memory_space<vmem>>, vector<1x16xf32>,
        %swap3A_495 = vector.shape_cast %swap3A_494 : vector<1x16xf32> to vector<16xf32>
        %swap3A_496 = vector.shape_cast %mul3A_491 : vector<16xf32> to vector<1x16xf32>
        tpu.vector_store %arg13[%swap3A_492, %swap3A_493], %swap3A_496 {strides = array<i32>} : memref<80x128xf32, #tpu.memory_space<vmem>>, vector<1x16xf32>,
        %mul3A_497 = vector.broadcast %squeeze3A_425 : f32 to vector<16xf32>
        %mul3A_498 = arith.mulf %mul3A_497, %mul3A_489 : vector<16xf32>
        %swap3A_499 = arith.index_cast %add3A_421 : i32 to index
        %swap3A_500 = arith.constant 48 : index
        %swap3A_501 = tpu.vector_load %arg13[%swap3A_499, %swap3A_500] {strides = array<i32>} : memref<80x128xf32, #tpu.memory_space<vmem>>, vector<1x16xf32>,
        %swap3A_502 = vector.shape_cast %swap3A_501 : vector<1x16xf32> to vector<16xf32>
        %swap3A_503 = vector.shape_cast %mul3A_498 : vector<16xf32> to vector<1x16xf32>
        tpu.vector_store %arg13[%swap3A_499, %swap3A_500], %swap3A_503 {strides = array<i32>} : memref<80x128xf32, #tpu.memory_space<vmem>>, vector<1x16xf32>,
        %mul3A_504 = vector.broadcast %squeeze3A_427 : f32 to vector<16xf32>
        %mul3A_505 = arith.mulf %mul3A_504, %mul3A_489 : vector<16xf32>
        %swap3A_506 = arith.index_cast %add3A_421 : i32 to index
        %swap3A_507 = arith.constant 80 : index
        %swap3A_508 = tpu.vector_load %arg13[%swap3A_506, %swap3A_507] {strides = array<i32>} : memref<80x128xf32, #tpu.memory_space<vmem>>, vector<1x16xf32>,
        %swap3A_509 = vector.shape_cast %swap3A_508 : vector<1x16xf32> to vector<16xf32>
        %swap3A_510 = vector.shape_cast %mul3A_505 : vector<16xf32> to vector<1x16xf32>
        tpu.vector_store %arg13[%swap3A_506, %swap3A_507], %swap3A_510 {strides = array<i32>} : memref<80x128xf32, #tpu.memory_space<vmem>>, vector<1x16xf32>,
        %mul3A_511 = vector.broadcast %squeeze3A_429 : f32 to vector<16xf32>
        %mul3A_512 = arith.mulf %mul3A_511, %mul3A_489 : vector<16xf32>
        %swap3A_513 = arith.index_cast %add3A_421 : i32 to index
        %swap3A_514 = arith.constant 112 : index
        %swap3A_515 = tpu.vector_load %arg13[%swap3A_513, %swap3A_514] {strides = array<i32>} : memref<80x128xf32, #tpu.memory_space<vmem>>, vector<1x16xf32>,
        %swap3A_516 = vector.shape_cast %swap3A_515 : vector<1x16xf32> to vector<16xf32>
        %swap3A_517 = vector.shape_cast %mul3A_512 : vector<16xf32> to vector<1x16xf32>
        tpu.vector_store %arg13[%swap3A_513, %swap3A_514], %swap3A_517 {strides = array<i32>} : memref<80x128xf32, #tpu.memory_space<vmem>>, vector<1x16xf32>,
        %mul3A_518 = arith.constant 4 : i32
        %mul3A_519 = arith.muli %scan3A_193, %mul3A_518 : i32
        %add3A_520 = arith.constant 3 : i32
        %add3A_521 = arith.addi %mul3A_519, %add3A_520 : i32
        %slice3A_522 = vector.extract_strided_slice %get3A_220 {offsets = [12], sizes = [1], strides = [1]} : vector<16xf32> to vector<1xf32>
        %squeeze3A_523 = vector.extract %slice3A_522[0] : f32 from vector<1xf32>
        %slice3A_524 = vector.extract_strided_slice %get3A_220 {offsets = [13], sizes = [1], strides = [1]} : vector<16xf32> to vector<1xf32>
        %squeeze3A_525 = vector.extract %slice3A_524[0] : f32 from vector<1xf32>
        %slice3A_526 = vector.extract_strided_slice %get3A_220 {offsets = [14], sizes = [1], strides = [1]} : vector<16xf32> to vector<1xf32>
        %squeeze3A_527 = vector.extract %slice3A_526[0] : f32 from vector<1xf32>
        %slice3A_528 = vector.extract_strided_slice %get3A_220 {offsets = [15], sizes = [1], strides = [1]} : vector<16xf32> to vector<1xf32>
        %squeeze3A_529 = vector.extract %slice3A_528[0] : f32 from vector<1xf32>
        %add3A_530 = arith.constant 0 : i32
        %add3A_531 = arith.addi %mul3A_63, %add3A_530 : i32
        %get3A_532 = arith.index_cast %add3A_521 : i32 to index
        %get3A_533 = arith.index_cast %add3A_531 : i32 to index
        %get3A_534 = tpu.vector_load %arg12[%get3A_532, %get3A_533] {strides = array<i32>} : memref<80x128xf32, #tpu.memory_space<vmem>>, vector<1x16xf32>,
        %get3A_535 = vector.shape_cast %get3A_534 : vector<1x16xf32> to vector<16xf32>
        %get3A_536 = arith.index_cast %add3A_521 : i32 to index
        %get3A_537 = arith.constant 0 : index
        %get3A_538 = tpu.vector_load %arg11[%get3A_536, %get3A_537] {strides = array<i32>} : memref<80x64xf32, #tpu.memory_space<vmem>>, vector<1x16xf32>,
        %get3A_539 = vector.shape_cast %get3A_538 : vector<1x16xf32> to vector<16xf32>
        %mul3A_540 = arith.mulf %get3A_539, %get3A_535 : vector<16xf32>
        %get3A_541 = arith.index_cast %add3A_521 : i32 to index
        %get3A_542 = arith.constant 32 : index
        %get3A_543 = tpu.vector_load %arg11[%get3A_541, %get3A_542] {strides = array<i32>} : memref<80x64xf32, #tpu.memory_space<vmem>>, vector<1x16xf32>,
        %get3A_544 = vector.shape_cast %get3A_543 : vector<1x16xf32> to vector<16xf32>
        %mul3A_545 = arith.mulf %get3A_544, %get3A_535 : vector<16xf32>
        %mul3A_546 = vector.broadcast %squeeze3A_523 : f32 to vector<16xf32>
        %mul3A_547 = arith.mulf %mul3A_546, %mul3A_540 : vector<16xf32>
        %swap3A_548 = arith.index_cast %add3A_521 : i32 to index
        %swap3A_549 = arith.constant 0 : index
        %swap3A_550 = tpu.vector_load %arg13[%swap3A_548, %swap3A_549] {strides = array<i32>} : memref<80x128xf32, #tpu.memory_space<vmem>>, vector<1x16xf32>,
        %swap3A_551 = vector.shape_cast %swap3A_550 : vector<1x16xf32> to vector<16xf32>
        %swap3A_552 = vector.shape_cast %mul3A_547 : vector<16xf32> to vector<1x16xf32>
        tpu.vector_store %arg13[%swap3A_548, %swap3A_549], %swap3A_552 {strides = array<i32>} : memref<80x128xf32, #tpu.memory_space<vmem>>, vector<1x16xf32>,
        %mul3A_553 = vector.broadcast %squeeze3A_525 : f32 to vector<16xf32>
        %mul3A_554 = arith.mulf %mul3A_553, %mul3A_545 : vector<16xf32>
        %swap3A_555 = arith.index_cast %add3A_521 : i32 to index
        %swap3A_556 = arith.constant 32 : index
        %swap3A_557 = tpu.vector_load %arg13[%swap3A_555, %swap3A_556] {strides = array<i32>} : memref<80x128xf32, #tpu.memory_space<vmem>>, vector<1x16xf32>,
        %swap3A_558 = vector.shape_cast %swap3A_557 : vector<1x16xf32> to vector<16xf32>
        %swap3A_559 = vector.shape_cast %mul3A_554 : vector<16xf32> to vector<1x16xf32>
        tpu.vector_store %arg13[%swap3A_555, %swap3A_556], %swap3A_559 {strides = array<i32>} : memref<80x128xf32, #tpu.memory_space<vmem>>, vector<1x16xf32>,
        %mul3A_560 = vector.broadcast %squeeze3A_527 : f32 to vector<16xf32>
        %mul3A_561 = arith.mulf %mul3A_560, %mul3A_545 : vector<16xf32>
        %swap3A_562 = arith.index_cast %add3A_521 : i32 to index
        %swap3A_563 = arith.constant 64 : index
        %swap3A_564 = tpu.vector_load %arg13[%swap3A_562, %swap3A_563] {strides = array<i32>} : memref<80x128xf32, #tpu.memory_space<vmem>>, vector<1x16xf32>,
        %swap3A_565 = vector.shape_cast %swap3A_564 : vector<1x16xf32> to vector<16xf32>
        %swap3A_566 = vector.shape_cast %mul3A_561 : vector<16xf32> to vector<1x16xf32>
        tpu.vector_store %arg13[%swap3A_562, %swap3A_563], %swap3A_566 {strides = array<i32>} : memref<80x128xf32, #tpu.memory_space<vmem>>, vector<1x16xf32>,
        %mul3A_567 = vector.broadcast %squeeze3A_529 : f32 to vector<16xf32>
        %mul3A_568 = arith.mulf %mul3A_567, %mul3A_545 : vector<16xf32>
        %swap3A_569 = arith.index_cast %add3A_521 : i32 to index
        %swap3A_570 = arith.constant 96 : index
        %swap3A_571 = tpu.vector_load %arg13[%swap3A_569, %swap3A_570] {strides = array<i32>} : memref<80x128xf32, #tpu.memory_space<vmem>>, vector<1x16xf32>,
        %swap3A_572 = vector.shape_cast %swap3A_571 : vector<1x16xf32> to vector<16xf32>
        %swap3A_573 = vector.shape_cast %mul3A_568 : vector<16xf32> to vector<1x16xf32>
        tpu.vector_store %arg13[%swap3A_569, %swap3A_570], %swap3A_573 {strides = array<i32>} : memref<80x128xf32, #tpu.memory_space<vmem>>, vector<1x16xf32>,
        %add3A_574 = arith.constant 16 : i32
        %add3A_575 = arith.addi %mul3A_63, %add3A_574 : i32
        %get3A_576 = arith.index_cast %add3A_521 : i32 to index
        %get3A_577 = arith.index_cast %add3A_575 : i32 to index
        %get3A_578 = tpu.vector_load %arg12[%get3A_576, %get3A_577] {strides = array<i32>} : memref<80x128xf32, #tpu.memory_space<vmem>>, vector<1x16xf32>,
        %get3A_579 = vector.shape_cast %get3A_578 : vector<1x16xf32> to vector<16xf32>
        %get3A_580 = arith.index_cast %add3A_521 : i32 to index
        %get3A_581 = arith.constant 16 : index
        %get3A_582 = tpu.vector_load %arg11[%get3A_580, %get3A_581] {strides = array<i32>} : memref<80x64xf32, #tpu.memory_space<vmem>>, vector<1x16xf32>,
        %get3A_583 = vector.shape_cast %get3A_582 : vector<1x16xf32> to vector<16xf32>
        %mul3A_584 = arith.mulf %get3A_583, %get3A_579 : vector<16xf32>
        %get3A_585 = arith.index_cast %add3A_521 : i32 to index
        %get3A_586 = arith.constant 48 : index
        %get3A_587 = tpu.vector_load %arg11[%get3A_585, %get3A_586] {strides = array<i32>} : memref<80x64xf32, #tpu.memory_space<vmem>>, vector<1x16xf32>,
        %get3A_588 = vector.shape_cast %get3A_587 : vector<1x16xf32> to vector<16xf32>
        %mul3A_589 = arith.mulf %get3A_588, %get3A_579 : vector<16xf32>
        %mul3A_590 = vector.broadcast %squeeze3A_523 : f32 to vector<16xf32>
        %mul3A_591 = arith.mulf %mul3A_590, %mul3A_584 : vector<16xf32>
        %swap3A_592 = arith.index_cast %add3A_521 : i32 to index
        %swap3A_593 = arith.constant 16 : index
        %swap3A_594 = tpu.vector_load %arg13[%swap3A_592, %swap3A_593] {strides = array<i32>} : memref<80x128xf32, #tpu.memory_space<vmem>>, vector<1x16xf32>,
        %swap3A_595 = vector.shape_cast %swap3A_594 : vector<1x16xf32> to vector<16xf32>
        %swap3A_596 = vector.shape_cast %mul3A_591 : vector<16xf32> to vector<1x16xf32>
        tpu.vector_store %arg13[%swap3A_592, %swap3A_593], %swap3A_596 {strides = array<i32>} : memref<80x128xf32, #tpu.memory_space<vmem>>, vector<1x16xf32>,
        %mul3A_597 = vector.broadcast %squeeze3A_525 : f32 to vector<16xf32>
        %mul3A_598 = arith.mulf %mul3A_597, %mul3A_589 : vector<16xf32>
        %swap3A_599 = arith.index_cast %add3A_521 : i32 to index
        %swap3A_600 = arith.constant 48 : index
        %swap3A_601 = tpu.vector_load %arg13[%swap3A_599, %swap3A_600] {strides = array<i32>} : memref<80x128xf32, #tpu.memory_space<vmem>>, vector<1x16xf32>,
        %swap3A_602 = vector.shape_cast %swap3A_601 : vector<1x16xf32> to vector<16xf32>
        %swap3A_603 = vector.shape_cast %mul3A_598 : vector<16xf32> to vector<1x16xf32>
        tpu.vector_store %arg13[%swap3A_599, %swap3A_600], %swap3A_603 {strides = array<i32>} : memref<80x128xf32, #tpu.memory_space<vmem>>, vector<1x16xf32>,
        %mul3A_604 = vector.broadcast %squeeze3A_527 : f32 to vector<16xf32>
        %mul3A_605 = arith.mulf %mul3A_604, %mul3A_589 : vector<16xf32>
        %swap3A_606 = arith.index_cast %add3A_521 : i32 to index
        %swap3A_607 = arith.constant 80 : index
        %swap3A_608 = tpu.vector_load %arg13[%swap3A_606, %swap3A_607] {strides = array<i32>} : memref<80x128xf32, #tpu.memory_space<vmem>>, vector<1x16xf32>,
        %swap3A_609 = vector.shape_cast %swap3A_608 : vector<1x16xf32> to vector<16xf32>
        %swap3A_610 = vector.shape_cast %mul3A_605 : vector<16xf32> to vector<1x16xf32>
        tpu.vector_store %arg13[%swap3A_606, %swap3A_607], %swap3A_610 {strides = array<i32>} : memref<80x128xf32, #tpu.memory_space<vmem>>, vector<1x16xf32>,
        %mul3A_611 = vector.broadcast %squeeze3A_529 : f32 to vector<16xf32>
        %mul3A_612 = arith.mulf %mul3A_611, %mul3A_589 : vector<16xf32>
        %swap3A_613 = arith.index_cast %add3A_521 : i32 to index
        %swap3A_614 = arith.constant 112 : index
        %swap3A_615 = tpu.vector_load %arg13[%swap3A_613, %swap3A_614] {strides = array<i32>} : memref<80x128xf32, #tpu.memory_space<vmem>>, vector<1x16xf32>,
        %swap3A_616 = vector.shape_cast %swap3A_615 : vector<1x16xf32> to vector<16xf32>
        %swap3A_617 = vector.shape_cast %mul3A_612 : vector<16xf32> to vector<1x16xf32>
        tpu.vector_store %arg13[%swap3A_613, %swap3A_614], %swap3A_617 {strides = array<i32>} : memref<80x128xf32, #tpu.memory_space<vmem>>, vector<1x16xf32>,
      }
      %scan3A_192 = arith.constant 20 : i32
      "tpu.region"() ({
        %run_scoped3A = tpu.sem_alloc : memref<!tpu.dma_semaphore, #tpu.memory_space<semaphore_mem>>
        %dma_start3A_193 = arith.constant 0 : i32
        %dma_start3A_194 = tpu.memref_slice %arg9[%select_n3A_176, %dma_start3A_193] : memref<32x80xi32, #tpu.memory_space<vmem>> -> memref<1x80xi32, #tpu.memory_space<vmem>>
        %dma_start3A_195 = tpu.memref_squeeze %dma_start3A_194 : memref<1x80xi32, #tpu.memory_space<vmem>> -> memref<80xi32, #tpu.memory_space<vmem>>
        %dma_start3A_196 = arith.constant 0 : i32
        %dma_start3A_197 = arith.constant 0 : i32
        %dma_start3A_198 = tpu.memref_slice %arg14[%dma_start3A_196, %dma_start3A_197] : memref<10112x128xf32, #tpu.memory_space<vmem_shared>> -> memref<10112x128xf32, #tpu.memory_space<vmem_shared>>
        tpu.enqueue_indirect_dma source(%arg13 : memref<80x128xf32, #tpu.memory_space<vmem>>) target(%dma_start3A_198 : memref<10112x128xf32, #tpu.memory_space<vmem_shared>>) offsets(%dma_start3A_195 : memref<80xi32, #tpu.memory_space<vmem>>) semaphore(%run_scoped3A : memref<!tpu.dma_semaphore, #tpu.memory_space<semaphore_mem>>) {add = true}
        %dma_wait3A_199 = arith.constant 0 : i32
        %dma_wait3A_200 = tpu.memref_slice %arg9[%select_n3A_176, %dma_wait3A_199] : memref<32x80xi32, #tpu.memory_space<vmem>> -> memref<1x80xi32, #tpu.memory_space<vmem>>
        %dma_wait3A_201 = tpu.memref_squeeze %dma_wait3A_200 : memref<1x80xi32, #tpu.memory_space<vmem>> -> memref<80xi32, #tpu.memory_space<vmem>>
        %dma_wait3A_202 = arith.constant 0 : i32
        %dma_wait3A_203 = arith.constant 0 : i32
        %dma_wait3A_204 = tpu.memref_slice %arg14[%dma_wait3A_202, %dma_wait3A_203] : memref<10112x128xf32, #tpu.memory_space<vmem_shared>> -> memref<10112x128xf32, #tpu.memory_space<vmem_shared>>
        tpu.wait_indirect_dma semaphore(%run_scoped3A : memref<!tpu.dma_semaphore, #tpu.memory_space<semaphore_mem>>) src(%arg13 : memref<80x128xf32, #tpu.memory_space<vmem>>) dst(%dma_wait3A_204 : memref<10112x128xf32, #tpu.memory_space<vmem_shared>>)
        tpu.yield
      }) : () -> ()
    }
    %barrier3A_113 = arith.constant 0 : index
    tpu.barrier barrier_id(%barrier3A_113)
    %mul3A_114 = arith.constant 632 : i32
    %mul3A_115 = arith.muli %arg1, %mul3A_114 : i32
    %mul3A_116 = arith.constant 632 : i32
    %mul3A_117 = arith.muli %arg1, %mul3A_116 : i32
    "tpu.region"() ({
      %run_scoped3A = tpu.sem_alloc : memref<!tpu.dma_semaphore, #tpu.memory_space<semaphore_mem>>
      %dma_start3A = arith.constant 0 : i32
      %dma_start3A_119 = tpu.memref_slice %arg7[%add3A_61, %mul3A_117, %dma_start3A] : memref<4x10112x128xf32, #tpu.memory_space<hbm>> -> memref<1x632x128xf32, #tpu.memory_space<hbm>>
      %dma_start3A_120 = tpu.memref_squeeze %dma_start3A_119 : memref<1x632x128xf32, #tpu.memory_space<hbm>> -> memref<632x128xf32, #tpu.memory_space<hbm>>
      %dma_start3A_121 = arith.constant 0 : i32
      %dma_start3A_122 = tpu.memref_slice %arg14[%mul3A_115, %dma_start3A_121] : memref<10112x128xf32, #tpu.memory_space<vmem_shared>> -> memref<632x128xf32, #tpu.memory_space<vmem_shared>>
      tpu.enqueue_dma source(%dma_start3A_122 : memref<632x128xf32, #tpu.memory_space<vmem_shared>>) target(%dma_start3A_120 : memref<632x128xf32, #tpu.memory_space<hbm>>) target_semaphore(%run_scoped3A : memref<!tpu.dma_semaphore, #tpu.memory_space<semaphore_mem>>)
      %dma_wait3A = arith.constant 0 : i32
      %dma_wait3A_123 = tpu.memref_slice %arg7[%add3A_61, %mul3A_117, %dma_wait3A] : memref<4x10112x128xf32, #tpu.memory_space<hbm>> -> memref<1x632x128xf32, #tpu.memory_space<hbm>>
      %dma_wait3A_124 = tpu.memref_squeeze %dma_wait3A_123 : memref<1x632x128xf32, #tpu.memory_space<hbm>> -> memref<632x128xf32, #tpu.memory_space<hbm>>
      %dma_wait3A_125 = arith.constant 0 : i32
      %dma_wait3A_126 = tpu.memref_slice %arg14[%mul3A_115, %dma_wait3A_125] : memref<10112x128xf32, #tpu.memory_space<vmem_shared>> -> memref<632x128xf32, #tpu.memory_space<vmem_shared>>
      tpu.wait_dma2 semaphore(%run_scoped3A : memref<!tpu.dma_semaphore, #tpu.memory_space<semaphore_mem>>) src(%dma_wait3A_126 : memref<632x128xf32, #tpu.memory_space<vmem_shared>>) dst(%dma_wait3A_124 : memref<632x128xf32, #tpu.memory_space<hbm>>)
      tpu.yield
    }) : () -> ()
    %barrier3A_118 = arith.constant 0 : index
    tpu.barrier barrier_id(%barrier3A_118)
    return
  }
}

module attributes {stable_mosaic.version = 14 : i64} {
  func.func @_eft_body(%arg0: i32, %arg1: memref<640x256xf32, #tpu.memory_space<vmem>>, %arg2: memref<4x640x64xf32, #tpu.memory_space<vmem>>) attributes {dimension_semantics = [#tpu.dimension_semantics<arbitrary>], iteration_bounds = array<i64: 250>, scalar_prefetch = 0 : i64, scratch_operands = 0 : i64, tpu.core_type = #tpu.core_type<tc>, window_params = [{transform_indices = @transform_0, window_bounds = array<i64: 640, 256>}, {transform_indices = @transform_1, window_bounds = array<i64: 4, 640, 64>}]} {
    %get3A = arith.constant 0 : index
    %get3A_0 = arith.constant 0 : index
    %get3A_1 = vector.load %arg1[%get3A, %get3A_0] : memref<640x256xf32, #tpu.memory_space<vmem>>, vector<640x256xf32>
    %slice3A = vector.extract_strided_slice %get3A_1 {offsets = [0, 0], sizes = [640, 32], strides = [1, 1]} : vector<640x256xf32> to vector<640x32xf32>
    %swap3A = arith.constant 0 : index
    %swap3A_2 = arith.constant 0 : index
    %swap3A_3 = arith.constant 0 : index
    %swap3A_4 = vector.load %arg2[%swap3A, %swap3A_2, %swap3A_3] : memref<4x640x64xf32, #tpu.memory_space<vmem>>, vector<1x640x32xf32>
    %swap3A_5 = vector.shape_cast %swap3A_4 : vector<1x640x32xf32> to vector<640x32xf32>
    %swap3A_6 = vector.shape_cast %slice3A : vector<640x32xf32> to vector<1x640x32xf32>
    tpu.vector_store %arg2[%swap3A, %swap3A_2, %swap3A_3], %swap3A_6 {strides = array<i32>} : memref<4x640x64xf32, #tpu.memory_space<vmem>>, vector<1x640x32xf32>,
    %slice3A_7 = vector.extract_strided_slice %get3A_1 {offsets = [0, 128], sizes = [640, 32], strides = [1, 1]} : vector<640x256xf32> to vector<640x32xf32>
    %swap3A_8 = arith.constant 0 : index
    %swap3A_9 = arith.constant 0 : index
    %swap3A_10 = arith.constant 32 : index
    %swap3A_11 = vector.load %arg2[%swap3A_8, %swap3A_9, %swap3A_10] : memref<4x640x64xf32, #tpu.memory_space<vmem>>, vector<1x640x32xf32>
    %swap3A_12 = vector.shape_cast %swap3A_11 : vector<1x640x32xf32> to vector<640x32xf32>
    %swap3A_13 = vector.shape_cast %slice3A_7 : vector<640x32xf32> to vector<1x640x32xf32>
    tpu.vector_store %arg2[%swap3A_8, %swap3A_9, %swap3A_10], %swap3A_13 {strides = array<i32>} : memref<4x640x64xf32, #tpu.memory_space<vmem>>, vector<1x640x32xf32>,
    %slice3A_14 = vector.extract_strided_slice %get3A_1 {offsets = [0, 32], sizes = [640, 32], strides = [1, 1]} : vector<640x256xf32> to vector<640x32xf32>
    %swap3A_15 = arith.constant 1 : index
    %swap3A_16 = arith.constant 0 : index
    %swap3A_17 = arith.constant 0 : index
    %swap3A_18 = vector.load %arg2[%swap3A_15, %swap3A_16, %swap3A_17] : memref<4x640x64xf32, #tpu.memory_space<vmem>>, vector<1x640x32xf32>
    %swap3A_19 = vector.shape_cast %swap3A_18 : vector<1x640x32xf32> to vector<640x32xf32>
    %swap3A_20 = vector.shape_cast %slice3A_14 : vector<640x32xf32> to vector<1x640x32xf32>
    tpu.vector_store %arg2[%swap3A_15, %swap3A_16, %swap3A_17], %swap3A_20 {strides = array<i32>} : memref<4x640x64xf32, #tpu.memory_space<vmem>>, vector<1x640x32xf32>,
    %slice3A_21 = vector.extract_strided_slice %get3A_1 {offsets = [0, 160], sizes = [640, 32], strides = [1, 1]} : vector<640x256xf32> to vector<640x32xf32>
    %swap3A_22 = arith.constant 1 : index
    %swap3A_23 = arith.constant 0 : index
    %swap3A_24 = arith.constant 32 : index
    %swap3A_25 = vector.load %arg2[%swap3A_22, %swap3A_23, %swap3A_24] : memref<4x640x64xf32, #tpu.memory_space<vmem>>, vector<1x640x32xf32>
    %swap3A_26 = vector.shape_cast %swap3A_25 : vector<1x640x32xf32> to vector<640x32xf32>
    %swap3A_27 = vector.shape_cast %slice3A_21 : vector<640x32xf32> to vector<1x640x32xf32>
    tpu.vector_store %arg2[%swap3A_22, %swap3A_23, %swap3A_24], %swap3A_27 {strides = array<i32>} : memref<4x640x64xf32, #tpu.memory_space<vmem>>, vector<1x640x32xf32>,
    %slice3A_28 = vector.extract_strided_slice %get3A_1 {offsets = [0, 64], sizes = [640, 32], strides = [1, 1]} : vector<640x256xf32> to vector<640x32xf32>
    %swap3A_29 = arith.constant 2 : index
    %swap3A_30 = arith.constant 0 : index
    %swap3A_31 = arith.constant 0 : index
    %swap3A_32 = vector.load %arg2[%swap3A_29, %swap3A_30, %swap3A_31] : memref<4x640x64xf32, #tpu.memory_space<vmem>>, vector<1x640x32xf32>
    %swap3A_33 = vector.shape_cast %swap3A_32 : vector<1x640x32xf32> to vector<640x32xf32>
    %swap3A_34 = vector.shape_cast %slice3A_28 : vector<640x32xf32> to vector<1x640x32xf32>
    tpu.vector_store %arg2[%swap3A_29, %swap3A_30, %swap3A_31], %swap3A_34 {strides = array<i32>} : memref<4x640x64xf32, #tpu.memory_space<vmem>>, vector<1x640x32xf32>,
    %slice3A_35 = vector.extract_strided_slice %get3A_1 {offsets = [0, 192], sizes = [640, 32], strides = [1, 1]} : vector<640x256xf32> to vector<640x32xf32>
    %swap3A_36 = arith.constant 2 : index
    %swap3A_37 = arith.constant 0 : index
    %swap3A_38 = arith.constant 32 : index
    %swap3A_39 = vector.load %arg2[%swap3A_36, %swap3A_37, %swap3A_38] : memref<4x640x64xf32, #tpu.memory_space<vmem>>, vector<1x640x32xf32>
    %swap3A_40 = vector.shape_cast %swap3A_39 : vector<1x640x32xf32> to vector<640x32xf32>
    %swap3A_41 = vector.shape_cast %slice3A_35 : vector<640x32xf32> to vector<1x640x32xf32>
    tpu.vector_store %arg2[%swap3A_36, %swap3A_37, %swap3A_38], %swap3A_41 {strides = array<i32>} : memref<4x640x64xf32, #tpu.memory_space<vmem>>, vector<1x640x32xf32>,
    %slice3A_42 = vector.extract_strided_slice %get3A_1 {offsets = [0, 96], sizes = [640, 32], strides = [1, 1]} : vector<640x256xf32> to vector<640x32xf32>
    %swap3A_43 = arith.constant 3 : index
    %swap3A_44 = arith.constant 0 : index
    %swap3A_45 = arith.constant 0 : index
    %swap3A_46 = vector.load %arg2[%swap3A_43, %swap3A_44, %swap3A_45] : memref<4x640x64xf32, #tpu.memory_space<vmem>>, vector<1x640x32xf32>
    %swap3A_47 = vector.shape_cast %swap3A_46 : vector<1x640x32xf32> to vector<640x32xf32>
    %swap3A_48 = vector.shape_cast %slice3A_42 : vector<640x32xf32> to vector<1x640x32xf32>
    tpu.vector_store %arg2[%swap3A_43, %swap3A_44, %swap3A_45], %swap3A_48 {strides = array<i32>} : memref<4x640x64xf32, #tpu.memory_space<vmem>>, vector<1x640x32xf32>,
    %slice3A_49 = vector.extract_strided_slice %get3A_1 {offsets = [0, 224], sizes = [640, 32], strides = [1, 1]} : vector<640x256xf32> to vector<640x32xf32>
    %swap3A_50 = arith.constant 3 : index
    %swap3A_51 = arith.constant 0 : index
    %swap3A_52 = arith.constant 32 : index
    %swap3A_53 = vector.load %arg2[%swap3A_50, %swap3A_51, %swap3A_52] : memref<4x640x64xf32, #tpu.memory_space<vmem>>, vector<1x640x32xf32>
    %swap3A_54 = vector.shape_cast %swap3A_53 : vector<1x640x32xf32> to vector<640x32xf32>
    %swap3A_55 = vector.shape_cast %slice3A_49 : vector<640x32xf32> to vector<1x640x32xf32>
    tpu.vector_store %arg2[%swap3A_50, %swap3A_51, %swap3A_52], %swap3A_55 {strides = array<i32>} : memref<4x640x64xf32, #tpu.memory_space<vmem>>, vector<1x640x32xf32>,
    return
  }
  func.func @transform_0(%arg0: i32) -> (i32, i32) {
    %c0_i32 = arith.constant 0 : i32
    %c0_i32_0 = arith.constant 0 : i32
    return %arg0, %c0_i32 : i32, i32
  }
  func.func @transform_1(%arg0: i32) -> (i32, i32, i32) {
    %c0_i32 = arith.constant 0 : i32
    %c0_i32_0 = arith.constant 0 : i32
    %c0_i32_1 = arith.constant 0 : i32
    return %c0_i32, %arg0, %c0_i32_0 : i32, i32, i32
  }
}

module attributes {stable_mosaic.version = 14 : i64} {
  func.func @_up_body(%arg0: i32, %arg1: memref<1000x128xf32, #tpu.memory_space<vmem>>, %arg2: memref<128x128xf32, #tpu.memory_space<vmem>>, %arg3: memref<1000x128xf32, #tpu.memory_space<vmem>>) attributes {dimension_semantics = [#tpu.dimension_semantics<arbitrary>], iteration_bounds = array<i64: 10>, scalar_prefetch = 0 : i64, scratch_operands = 0 : i64, tpu.core_type = #tpu.core_type<tc>, window_params = [{transform_indices = @transform_0, window_bounds = array<i64: 1000, 128>}, {pipeline_mode = #tpu.pipeline_mode<synchronous>, transform_indices = @transform_1, window_bounds = array<i64: 128, 128>}, {transform_indices = @transform_2, window_bounds = array<i64: 1000, 128>}]} {
    %get3A = arith.constant 0 : index
    %get3A_0 = arith.constant 0 : index
    %get3A_1 = vector.load %arg1[%get3A, %get3A_0] : memref<1000x128xf32, #tpu.memory_space<vmem>>, vector<1000x128xf32>
    %get3A_2 = arith.constant 0 : index
    %get3A_3 = arith.constant 0 : index
    %get3A_4 = vector.load %arg2[%get3A_2, %get3A_3] : memref<128x128xf32, #tpu.memory_space<vmem>>, vector<128x128xf32>
    %dot_general3A = arith.constant dense<0.000000e+00> : vector<1000x128xf32>
    %dot_general3A_5 = tpu.matmul %get3A_1, %get3A_4, %dot_general3A {dimension_numbers = #tpu.dot_dimension_numbers<[1], [0], [0], [1], [0, 0, 1, 1], [], []>, transpose_lhs_hint = false} : vector<1000x128xf32>, vector<128x128xf32>, vector<1000x128xf32> -> vector<1000x128xf32>
    %swap3A = arith.constant 0 : index
    %swap3A_6 = arith.constant 0 : index
    %swap3A_7 = vector.load %arg3[%swap3A, %swap3A_6] : memref<1000x128xf32, #tpu.memory_space<vmem>>, vector<1000x128xf32>
    tpu.vector_store %arg3[%swap3A, %swap3A_6], %dot_general3A_5 {strides = array<i32>} : memref<1000x128xf32, #tpu.memory_space<vmem>>, vector<1000x128xf32>,
    return
  }
  func.func @transform_0(%arg0: i32) -> (i32, i32) {
    %c0_i32 = arith.constant 0 : i32
    %c0_i32_0 = arith.constant 0 : i32
    return %arg0, %c0_i32 : i32, i32
  }
  func.func @transform_1(%arg0: i32) -> (i32, i32) {
    %c0_i32 = arith.constant 0 : i32
    %c0_i32_0 = arith.constant 0 : i32
    %c0_i32_1 = arith.constant 0 : i32
    return %c0_i32, %c0_i32_0 : i32, i32
  }
  func.func @transform_2(%arg0: i32) -> (i32, i32) {
    %c0_i32 = arith.constant 0 : i32
    %c0_i32_0 = arith.constant 0 : i32
    return %arg0, %c0_i32 : i32, i32
  }
}

module attributes {stable_mosaic.version = 14 : i64} {
  func.func @_w2_body(%arg0: i32, %arg1: i32, %arg2: memref<1x128x128xf32, #tpu.memory_space<vmem>>, %arg3: memref<1x1x128x128xf32, #tpu.memory_space<vmem>>, %arg4: memref<1x1x128x128xf32, #tpu.memory_space<vmem>>) attributes {dimension_semantics = [#tpu.dimension_semantics<arbitrary>, #tpu.dimension_semantics<arbitrary>], iteration_bounds = array<i64: 10, 2>, scalar_prefetch = 0 : i64, scratch_operands = 0 : i64, tpu.core_type = #tpu.core_type<tc>, window_params = [{transform_indices = @transform_0, window_bounds = array<i64: 1, 128, 128>}, {transform_indices = @transform_1, window_bounds = array<i64: 1, 1, 128, 128>}, {transform_indices = @transform_2, window_bounds = array<i64: 1, 1, 128, 128>}]} {
    %get3A = arith.constant 0 : index
    %get3A_0 = arith.constant 0 : index
    %get3A_1 = arith.constant 0 : index
    %get3A_2 = vector.load %arg2[%get3A, %get3A_0, %get3A_1] : memref<1x128x128xf32, #tpu.memory_space<vmem>>, vector<1x128x128xf32>
    %get3A_3 = vector.shape_cast %get3A_2 : vector<1x128x128xf32> to vector<128x128xf32>
    %get3A_4 = arith.constant 0 : index
    %get3A_5 = arith.constant 0 : index
    %get3A_6 = arith.constant 0 : index
    %get3A_7 = arith.constant 0 : index
    %get3A_8 = vector.load %arg3[%get3A_4, %get3A_5, %get3A_6, %get3A_7] : memref<1x1x128x128xf32, #tpu.memory_space<vmem>>, vector<1x1x128x128xf32>
    %get3A_9 = vector.shape_cast %get3A_8 : vector<1x1x128x128xf32> to vector<128x128xf32>
    %dot_general3A = arith.constant dense<0.000000e+00> : vector<128x128xf32>
    %dot_general3A_10 = tpu.matmul %get3A_3, %get3A_9, %dot_general3A {dimension_numbers = #tpu.dot_dimension_numbers<[1], [0], [0], [1], [0, 0, 1, 1], [], []>, transpose_lhs_hint = false} : vector<128x128xf32>, vector<128x128xf32>, vector<128x128xf32> -> vector<128x128xf32>
    %mul3A = arith.constant 6.250000e-02 : f32
    %mul3A_11 = vector.broadcast %mul3A : f32 to vector<128x128xf32>
    %mul3A_12 = arith.mulf %dot_general3A_10, %mul3A_11 : vector<128x128xf32>
    %swap3A = arith.constant 0 : index
    %swap3A_13 = arith.constant 0 : index
    %swap3A_14 = arith.constant 0 : index
    %swap3A_15 = arith.constant 0 : index
    %swap3A_16 = vector.load %arg4[%swap3A, %swap3A_13, %swap3A_14, %swap3A_15] : memref<1x1x128x128xf32, #tpu.memory_space<vmem>>, vector<1x1x128x128xf32>
    %swap3A_17 = vector.shape_cast %swap3A_16 : vector<1x1x128x128xf32> to vector<128x128xf32>
    %swap3A_18 = vector.shape_cast %mul3A_12 : vector<128x128xf32> to vector<1x1x128x128xf32>
    tpu.vector_store %arg4[%swap3A, %swap3A_13, %swap3A_14, %swap3A_15], %swap3A_18 {strides = array<i32>} : memref<1x1x128x128xf32, #tpu.memory_space<vmem>>, vector<1x1x128x128xf32>,
    return
  }
  func.func @transform_0(%arg0: i32, %arg1: i32) -> (i32, i32, i32) {
    %c0_i32 = arith.constant 0 : i32
    %c0_i32_0 = arith.constant 0 : i32
    %c0_i32_1 = arith.constant 0 : i32
    return %arg1, %c0_i32, %c0_i32_0 : i32, i32, i32
  }
  func.func @transform_1(%arg0: i32, %arg1: i32) -> (i32, i32, i32, i32) {
    %c0_i32 = arith.constant 0 : i32
    %c0_i32_0 = arith.constant 0 : i32
    %c0_i32_1 = arith.constant 0 : i32
    return %arg0, %arg1, %c0_i32, %c0_i32_0 : i32, i32, i32, i32
  }
  func.func @transform_2(%arg0: i32, %arg1: i32) -> (i32, i32, i32, i32) {
    %c0_i32 = arith.constant 0 : i32
    %c0_i32_0 = arith.constant 0 : i32
    %c0_i32_1 = arith.constant 0 : i32
    return %arg0, %arg1, %c0_i32, %c0_i32_0 : i32, i32, i32, i32
  }
}

module attributes {stable_mosaic.version = 14 : i64} {
  func.func @_out_body(%arg0: i32, %arg1: memref<4x1000x128xf32, #tpu.memory_space<vmem>>, %arg2: memref<1000x10xf32, #tpu.memory_space<vmem>>, %arg3: memref<10x2x128x128xf32, #tpu.memory_space<vmem>>, %arg4: memref<1000x4x128xf32, #tpu.memory_space<vmem>>) attributes {dimension_semantics = [#tpu.dimension_semantics<arbitrary>], iteration_bounds = array<i64: 10>, scalar_prefetch = 0 : i64, scratch_operands = 0 : i64, tpu.core_type = #tpu.core_type<tc>, window_params = [{transform_indices = @transform_0, window_bounds = array<i64: 4, 1000, 128>}, {transform_indices = @transform_1, window_bounds = array<i64: 1000, 10>}, {pipeline_mode = #tpu.pipeline_mode<synchronous>, transform_indices = @transform_2, window_bounds = array<i64: 10, 2, 128, 128>}, {transform_indices = @transform_3, window_bounds = array<i64: 1000, 4, 128>}]} {
    %get3A = arith.constant 0 : index
    %get3A_0 = arith.constant 0 : index
    %get3A_1 = vector.load %arg2[%get3A, %get3A_0] : memref<1000x10xf32, #tpu.memory_space<vmem>>, vector<1000x10xf32>
    %reduce_max3A = arith.constant dense<0xFF800000> : vector<1000xf32>
    %reduce_max3A_2 = vector.multi_reduction <maximumf>, %get3A_1, %reduce_max3A [1] : vector<1000x10xf32> to vector<1000xf32>
    %broadcast_in_dim3A = vector.shape_cast %reduce_max3A_2 : vector<1000xf32> to vector<1000x1xf32>
    %iota3A = tpu.iota {dimensions = array<i32: 1>} : vector<1000x10xi32>
    %eq3A = vector.broadcast %broadcast_in_dim3A : vector<1000x1xf32> to vector<1000x10xf32>
    %eq3A_3 = arith.cmpf oeq, %get3A_1, %eq3A : vector<1000x10xf32>
    %jit3A = arith.constant 10 : i32
    %broadcast_in_dim3A_4 = vector.broadcast %jit3A : i32 to vector<1000x10xi32>
    %select_n3A = arith.select %eq3A_3, %iota3A, %broadcast_in_dim3A_4 : vector<1000x10xi1>, vector<1000x10xi32>
    %reduce_min3A = arith.constant dense<2147483647> : vector<1000xi32>
    %reduce_min3A_5 = vector.multi_reduction <minsi>, %select_n3A, %reduce_min3A [1] : vector<1000x10xi32> to vector<1000xi32>
    %broadcast_in_dim3A_6 = vector.shape_cast %reduce_min3A_5 : vector<1000xi32> to vector<1000x1xi32>
    %get3A_7 = arith.constant 0 : index
    %get3A_8 = arith.constant 0 : index
    %get3A_9 = arith.constant 0 : index
    %get3A_10 = vector.load %arg1[%get3A_7, %get3A_8, %get3A_9] : memref<4x1000x128xf32, #tpu.memory_space<vmem>>, vector<1x1000x32xf32>
    %get3A_11 = vector.shape_cast %get3A_10 : vector<1x1000x32xf32> to vector<1000x32xf32>
    %get3A_12 = arith.constant 1 : index
    %get3A_13 = arith.constant 0 : index
    %get3A_14 = arith.constant 0 : index
    %get3A_15 = vector.load %arg1[%get3A_12, %get3A_13, %get3A_14] : memref<4x1000x128xf32, #tpu.memory_space<vmem>>, vector<1x1000x32xf32>
    %get3A_16 = vector.shape_cast %get3A_15 : vector<1x1000x32xf32> to vector<1000x32xf32>
    %get3A_17 = arith.constant 2 : index
    %get3A_18 = arith.constant 0 : index
    %get3A_19 = arith.constant 0 : index
    %get3A_20 = vector.load %arg1[%get3A_17, %get3A_18, %get3A_19] : memref<4x1000x128xf32, #tpu.memory_space<vmem>>, vector<1x1000x32xf32>
    %get3A_21 = vector.shape_cast %get3A_20 : vector<1x1000x32xf32> to vector<1000x32xf32>
    %get3A_22 = arith.constant 3 : index
    %get3A_23 = arith.constant 0 : index
    %get3A_24 = arith.constant 0 : index
    %get3A_25 = vector.load %arg1[%get3A_22, %get3A_23, %get3A_24] : memref<4x1000x128xf32, #tpu.memory_space<vmem>>, vector<1x1000x32xf32>
    %get3A_26 = vector.shape_cast %get3A_25 : vector<1x1000x32xf32> to vector<1000x32xf32>
    %concatenate3A = tpu.concatenate %get3A_11, %get3A_16, %get3A_21, %get3A_26 in 1 : vector<1000x32xf32>, vector<1000x32xf32>, vector<1000x32xf32>, vector<1000x32xf32> -> vector<1000x128xf32>
    %broadcast_in_dim3A_27 = arith.constant 0.000000e+00 : f32
    %broadcast_in_dim3A_28 = vector.broadcast %broadcast_in_dim3A_27 : f32 to vector<1000x128xf32>
    %eq3A_29 = arith.constant 0 : i32
    %eq3A_30 = vector.broadcast %eq3A_29 : i32 to vector<1000x1xi32>
    %eq3A_31 = arith.cmpi eq, %broadcast_in_dim3A_6, %eq3A_30 : vector<1000x1xi32>
    %convert_element_type3A = arith.extui %eq3A_31 : vector<1000x1xi1> to vector<1000x1xi32>
    %convert_element_type3A_32 = arith.sitofp %convert_element_type3A : vector<1000x1xi32> to vector<1000x1xf32>
    %get3A_33 = arith.constant 0 : index
    %get3A_34 = arith.constant 0 : index
    %get3A_35 = arith.constant 0 : index
    %get3A_36 = arith.constant 0 : index
    %get3A_37 = vector.load %arg3[%get3A_33, %get3A_34, %get3A_35, %get3A_36] : memref<10x2x128x128xf32, #tpu.memory_space<vmem>>, vector<1x1x128x128xf32>
    %get3A_38 = vector.shape_cast %get3A_37 : vector<1x1x128x128xf32> to vector<128x128xf32>
    %dot_general3A = arith.constant dense<0.000000e+00> : vector<1000x128xf32>
    %dot_general3A_39 = tpu.matmul %concatenate3A, %get3A_38, %dot_general3A {dimension_numbers = #tpu.dot_dimension_numbers<[1], [0], [0], [1], [0, 0, 1, 1], [], []>, transpose_lhs_hint = false} : vector<1000x128xf32>, vector<128x128xf32>, vector<1000x128xf32> -> vector<1000x128xf32>
    %mul3A = vector.broadcast %convert_element_type3A_32 : vector<1000x1xf32> to vector<1000x128xf32>
    %mul3A_40 = arith.mulf %mul3A, %dot_general3A_39 : vector<1000x128xf32>
    %add3A = arith.addf %broadcast_in_dim3A_28, %mul3A_40 : vector<1000x128xf32>
    %eq3A_41 = arith.constant 1 : i32
    %eq3A_42 = vector.broadcast %eq3A_41 : i32 to vector<1000x1xi32>
    %eq3A_43 = arith.cmpi eq, %broadcast_in_dim3A_6, %eq3A_42 : vector<1000x1xi32>
    %convert_element_type3A_44 = arith.extui %eq3A_43 : vector<1000x1xi1> to vector<1000x1xi32>
    %convert_element_type3A_45 = arith.sitofp %convert_element_type3A_44 : vector<1000x1xi32> to vector<1000x1xf32>
    %get3A_46 = arith.constant 1 : index
    %get3A_47 = arith.constant 0 : index
    %get3A_48 = arith.constant 0 : index
    %get3A_49 = arith.constant 0 : index
    %get3A_50 = vector.load %arg3[%get3A_46, %get3A_47, %get3A_48, %get3A_49] : memref<10x2x128x128xf32, #tpu.memory_space<vmem>>, vector<1x1x128x128xf32>
    %get3A_51 = vector.shape_cast %get3A_50 : vector<1x1x128x128xf32> to vector<128x128xf32>
    %dot_general3A_52 = arith.constant dense<0.000000e+00> : vector<1000x128xf32>
    %dot_general3A_53 = tpu.matmul %concatenate3A, %get3A_51, %dot_general3A_52 {dimension_numbers = #tpu.dot_dimension_numbers<[1], [0], [0], [1], [0, 0, 1, 1], [], []>, transpose_lhs_hint = false} : vector<1000x128xf32>, vector<128x128xf32>, vector<1000x128xf32> -> vector<1000x128xf32>
    %mul3A_54 = vector.broadcast %convert_element_type3A_45 : vector<1000x1xf32> to vector<1000x128xf32>
    %mul3A_55 = arith.mulf %mul3A_54, %dot_general3A_53 : vector<1000x128xf32>
    %add3A_56 = arith.addf %add3A, %mul3A_55 : vector<1000x128xf32>
    %eq3A_57 = arith.constant 2 : i32
    %eq3A_58 = vector.broadcast %eq3A_57 : i32 to vector<1000x1xi32>
    %eq3A_59 = arith.cmpi eq, %broadcast_in_dim3A_6, %eq3A_58 : vector<1000x1xi32>
    %convert_element_type3A_60 = arith.extui %eq3A_59 : vector<1000x1xi1> to vector<1000x1xi32>
    %convert_element_type3A_61 = arith.sitofp %convert_element_type3A_60 : vector<1000x1xi32> to vector<1000x1xf32>
    %get3A_62 = arith.constant 2 : index
    %get3A_63 = arith.constant 0 : index
    %get3A_64 = arith.constant 0 : index
    %get3A_65 = arith.constant 0 : index
    %get3A_66 = vector.load %arg3[%get3A_62, %get3A_63, %get3A_64, %get3A_65] : memref<10x2x128x128xf32, #tpu.memory_space<vmem>>, vector<1x1x128x128xf32>
    %get3A_67 = vector.shape_cast %get3A_66 : vector<1x1x128x128xf32> to vector<128x128xf32>
    %dot_general3A_68 = arith.constant dense<0.000000e+00> : vector<1000x128xf32>
    %dot_general3A_69 = tpu.matmul %concatenate3A, %get3A_67, %dot_general3A_68 {dimension_numbers = #tpu.dot_dimension_numbers<[1], [0], [0], [1], [0, 0, 1, 1], [], []>, transpose_lhs_hint = false} : vector<1000x128xf32>, vector<128x128xf32>, vector<1000x128xf32> -> vector<1000x128xf32>
    %mul3A_70 = vector.broadcast %convert_element_type3A_61 : vector<1000x1xf32> to vector<1000x128xf32>
    %mul3A_71 = arith.mulf %mul3A_70, %dot_general3A_69 : vector<1000x128xf32>
    %add3A_72 = arith.addf %add3A_56, %mul3A_71 : vector<1000x128xf32>
    %eq3A_73 = arith.constant 3 : i32
    %eq3A_74 = vector.broadcast %eq3A_73 : i32 to vector<1000x1xi32>
    %eq3A_75 = arith.cmpi eq, %broadcast_in_dim3A_6, %eq3A_74 : vector<1000x1xi32>
    %convert_element_type3A_76 = arith.extui %eq3A_75 : vector<1000x1xi1> to vector<1000x1xi32>
    %convert_element_type3A_77 = arith.sitofp %convert_element_type3A_76 : vector<1000x1xi32> to vector<1000x1xf32>
    %get3A_78 = arith.constant 3 : index
    %get3A_79 = arith.constant 0 : index
    %get3A_80 = arith.constant 0 : index
    %get3A_81 = arith.constant 0 : index
    %get3A_82 = vector.load %arg3[%get3A_78, %get3A_79, %get3A_80, %get3A_81] : memref<10x2x128x128xf32, #tpu.memory_space<vmem>>, vector<1x1x128x128xf32>
    %get3A_83 = vector.shape_cast %get3A_82 : vector<1x1x128x128xf32> to vector<128x128xf32>
    %dot_general3A_84 = arith.constant dense<0.000000e+00> : vector<1000x128xf32>
    %dot_general3A_85 = tpu.matmul %concatenate3A, %get3A_83, %dot_general3A_84 {dimension_numbers = #tpu.dot_dimension_numbers<[1], [0], [0], [1], [0, 0, 1, 1], [], []>, transpose_lhs_hint = false} : vector<1000x128xf32>, vector<128x128xf32>, vector<1000x128xf32> -> vector<1000x128xf32>
    %mul3A_86 = vector.broadcast %convert_element_type3A_77 : vector<1000x1xf32> to vector<1000x128xf32>
    %mul3A_87 = arith.mulf %mul3A_86, %dot_general3A_85 : vector<1000x128xf32>
    %add3A_88 = arith.addf %add3A_72, %mul3A_87 : vector<1000x128xf32>
    %eq3A_89 = arith.constant 4 : i32
    %eq3A_90 = vector.broadcast %eq3A_89 : i32 to vector<1000x1xi32>
    %eq3A_91 = arith.cmpi eq, %broadcast_in_dim3A_6, %eq3A_90 : vector<1000x1xi32>
    %convert_element_type3A_92 = arith.extui %eq3A_91 : vector<1000x1xi1> to vector<1000x1xi32>
    %convert_element_type3A_93 = arith.sitofp %convert_element_type3A_92 : vector<1000x1xi32> to vector<1000x1xf32>
    %get3A_94 = arith.constant 4 : index
    %get3A_95 = arith.constant 0 : index
    %get3A_96 = arith.constant 0 : index
    %get3A_97 = arith.constant 0 : index
    %get3A_98 = vector.load %arg3[%get3A_94, %get3A_95, %get3A_96, %get3A_97] : memref<10x2x128x128xf32, #tpu.memory_space<vmem>>, vector<1x1x128x128xf32>
    %get3A_99 = vector.shape_cast %get3A_98 : vector<1x1x128x128xf32> to vector<128x128xf32>
    %dot_general3A_100 = arith.constant dense<0.000000e+00> : vector<1000x128xf32>
    %dot_general3A_101 = tpu.matmul %concatenate3A, %get3A_99, %dot_general3A_100 {dimension_numbers = #tpu.dot_dimension_numbers<[1], [0], [0], [1], [0, 0, 1, 1], [], []>, transpose_lhs_hint = false} : vector<1000x128xf32>, vector<128x128xf32>, vector<1000x128xf32> -> vector<1000x128xf32>
    %mul3A_102 = vector.broadcast %convert_element_type3A_93 : vector<1000x1xf32> to vector<1000x128xf32>
    %mul3A_103 = arith.mulf %mul3A_102, %dot_general3A_101 : vector<1000x128xf32>
    %add3A_104 = arith.addf %add3A_88, %mul3A_103 : vector<1000x128xf32>
    %eq3A_105 = arith.constant 5 : i32
    %eq3A_106 = vector.broadcast %eq3A_105 : i32 to vector<1000x1xi32>
    %eq3A_107 = arith.cmpi eq, %broadcast_in_dim3A_6, %eq3A_106 : vector<1000x1xi32>
    %convert_element_type3A_108 = arith.extui %eq3A_107 : vector<1000x1xi1> to vector<1000x1xi32>
    %convert_element_type3A_109 = arith.sitofp %convert_element_type3A_108 : vector<1000x1xi32> to vector<1000x1xf32>
    %get3A_110 = arith.constant 5 : index
    %get3A_111 = arith.constant 0 : index
    %get3A_112 = arith.constant 0 : index
    %get3A_113 = arith.constant 0 : index
    %get3A_114 = vector.load %arg3[%get3A_110, %get3A_111, %get3A_112, %get3A_113] : memref<10x2x128x128xf32, #tpu.memory_space<vmem>>, vector<1x1x128x128xf32>
    %get3A_115 = vector.shape_cast %get3A_114 : vector<1x1x128x128xf32> to vector<128x128xf32>
    %dot_general3A_116 = arith.constant dense<0.000000e+00> : vector<1000x128xf32>
    %dot_general3A_117 = tpu.matmul %concatenate3A, %get3A_115, %dot_general3A_116 {dimension_numbers = #tpu.dot_dimension_numbers<[1], [0], [0], [1], [0, 0, 1, 1], [], []>, transpose_lhs_hint = false} : vector<1000x128xf32>, vector<128x128xf32>, vector<1000x128xf32> -> vector<1000x128xf32>
    %mul3A_118 = vector.broadcast %convert_element_type3A_109 : vector<1000x1xf32> to vector<1000x128xf32>
    %mul3A_119 = arith.mulf %mul3A_118, %dot_general3A_117 : vector<1000x128xf32>
    %add3A_120 = arith.addf %add3A_104, %mul3A_119 : vector<1000x128xf32>
    %eq3A_121 = arith.constant 6 : i32
    %eq3A_122 = vector.broadcast %eq3A_121 : i32 to vector<1000x1xi32>
    %eq3A_123 = arith.cmpi eq, %broadcast_in_dim3A_6, %eq3A_122 : vector<1000x1xi32>
    %convert_element_type3A_124 = arith.extui %eq3A_123 : vector<1000x1xi1> to vector<1000x1xi32>
    %convert_element_type3A_125 = arith.sitofp %convert_element_type3A_124 : vector<1000x1xi32> to vector<1000x1xf32>
    %get3A_126 = arith.constant 6 : index
    %get3A_127 = arith.constant 0 : index
    %get3A_128 = arith.constant 0 : index
    %get3A_129 = arith.constant 0 : index
    %get3A_130 = vector.load %arg3[%get3A_126, %get3A_127, %get3A_128, %get3A_129] : memref<10x2x128x128xf32, #tpu.memory_space<vmem>>, vector<1x1x128x128xf32>
    %get3A_131 = vector.shape_cast %get3A_130 : vector<1x1x128x128xf32> to vector<128x128xf32>
    %dot_general3A_132 = arith.constant dense<0.000000e+00> : vector<1000x128xf32>
    %dot_general3A_133 = tpu.matmul %concatenate3A, %get3A_131, %dot_general3A_132 {dimension_numbers = #tpu.dot_dimension_numbers<[1], [0], [0], [1], [0, 0, 1, 1], [], []>, transpose_lhs_hint = false} : vector<1000x128xf32>, vector<128x128xf32>, vector<1000x128xf32> -> vector<1000x128xf32>
    %mul3A_134 = vector.broadcast %convert_element_type3A_125 : vector<1000x1xf32> to vector<1000x128xf32>
    %mul3A_135 = arith.mulf %mul3A_134, %dot_general3A_133 : vector<1000x128xf32>
    %add3A_136 = arith.addf %add3A_120, %mul3A_135 : vector<1000x128xf32>
    %eq3A_137 = arith.constant 7 : i32
    %eq3A_138 = vector.broadcast %eq3A_137 : i32 to vector<1000x1xi32>
    %eq3A_139 = arith.cmpi eq, %broadcast_in_dim3A_6, %eq3A_138 : vector<1000x1xi32>
    %convert_element_type3A_140 = arith.extui %eq3A_139 : vector<1000x1xi1> to vector<1000x1xi32>
    %convert_element_type3A_141 = arith.sitofp %convert_element_type3A_140 : vector<1000x1xi32> to vector<1000x1xf32>
    %get3A_142 = arith.constant 7 : index
    %get3A_143 = arith.constant 0 : index
    %get3A_144 = arith.constant 0 : index
    %get3A_145 = arith.constant 0 : index
    %get3A_146 = vector.load %arg3[%get3A_142, %get3A_143, %get3A_144, %get3A_145] : memref<10x2x128x128xf32, #tpu.memory_space<vmem>>, vector<1x1x128x128xf32>
    %get3A_147 = vector.shape_cast %get3A_146 : vector<1x1x128x128xf32> to vector<128x128xf32>
    %dot_general3A_148 = arith.constant dense<0.000000e+00> : vector<1000x128xf32>
    %dot_general3A_149 = tpu.matmul %concatenate3A, %get3A_147, %dot_general3A_148 {dimension_numbers = #tpu.dot_dimension_numbers<[1], [0], [0], [1], [0, 0, 1, 1], [], []>, transpose_lhs_hint = false} : vector<1000x128xf32>, vector<128x128xf32>, vector<1000x128xf32> -> vector<1000x128xf32>
    %mul3A_150 = vector.broadcast %convert_element_type3A_141 : vector<1000x1xf32> to vector<1000x128xf32>
    %mul3A_151 = arith.mulf %mul3A_150, %dot_general3A_149 : vector<1000x128xf32>
    %add3A_152 = arith.addf %add3A_136, %mul3A_151 : vector<1000x128xf32>
    %eq3A_153 = arith.constant 8 : i32
    %eq3A_154 = vector.broadcast %eq3A_153 : i32 to vector<1000x1xi32>
    %eq3A_155 = arith.cmpi eq, %broadcast_in_dim3A_6, %eq3A_154 : vector<1000x1xi32>
    %convert_element_type3A_156 = arith.extui %eq3A_155 : vector<1000x1xi1> to vector<1000x1xi32>
    %convert_element_type3A_157 = arith.sitofp %convert_element_type3A_156 : vector<1000x1xi32> to vector<1000x1xf32>
    %get3A_158 = arith.constant 8 : index
    %get3A_159 = arith.constant 0 : index
    %get3A_160 = arith.constant 0 : index
    %get3A_161 = arith.constant 0 : index
    %get3A_162 = vector.load %arg3[%get3A_158, %get3A_159, %get3A_160, %get3A_161] : memref<10x2x128x128xf32, #tpu.memory_space<vmem>>, vector<1x1x128x128xf32>
    %get3A_163 = vector.shape_cast %get3A_162 : vector<1x1x128x128xf32> to vector<128x128xf32>
    %dot_general3A_164 = arith.constant dense<0.000000e+00> : vector<1000x128xf32>
    %dot_general3A_165 = tpu.matmul %concatenate3A, %get3A_163, %dot_general3A_164 {dimension_numbers = #tpu.dot_dimension_numbers<[1], [0], [0], [1], [0, 0, 1, 1], [], []>, transpose_lhs_hint = false} : vector<1000x128xf32>, vector<128x128xf32>, vector<1000x128xf32> -> vector<1000x128xf32>
    %mul3A_166 = vector.broadcast %convert_element_type3A_157 : vector<1000x1xf32> to vector<1000x128xf32>
    %mul3A_167 = arith.mulf %mul3A_166, %dot_general3A_165 : vector<1000x128xf32>
    %add3A_168 = arith.addf %add3A_152, %mul3A_167 : vector<1000x128xf32>
    %eq3A_169 = arith.constant 9 : i32
    %eq3A_170 = vector.broadcast %eq3A_169 : i32 to vector<1000x1xi32>
    %eq3A_171 = arith.cmpi eq, %broadcast_in_dim3A_6, %eq3A_170 : vector<1000x1xi32>
    %convert_element_type3A_172 = arith.extui %eq3A_171 : vector<1000x1xi1> to vector<1000x1xi32>
    %convert_element_type3A_173 = arith.sitofp %convert_element_type3A_172 : vector<1000x1xi32> to vector<1000x1xf32>
    %get3A_174 = arith.constant 9 : index
    %get3A_175 = arith.constant 0 : index
    %get3A_176 = arith.constant 0 : index
    %get3A_177 = arith.constant 0 : index
    %get3A_178 = vector.load %arg3[%get3A_174, %get3A_175, %get3A_176, %get3A_177] : memref<10x2x128x128xf32, #tpu.memory_space<vmem>>, vector<1x1x128x128xf32>
    %get3A_179 = vector.shape_cast %get3A_178 : vector<1x1x128x128xf32> to vector<128x128xf32>
    %dot_general3A_180 = arith.constant dense<0.000000e+00> : vector<1000x128xf32>
    %dot_general3A_181 = tpu.matmul %concatenate3A, %get3A_179, %dot_general3A_180 {dimension_numbers = #tpu.dot_dimension_numbers<[1], [0], [0], [1], [0, 0, 1, 1], [], []>, transpose_lhs_hint = false} : vector<1000x128xf32>, vector<128x128xf32>, vector<1000x128xf32> -> vector<1000x128xf32>
    %mul3A_182 = vector.broadcast %convert_element_type3A_173 : vector<1000x1xf32> to vector<1000x128xf32>
    %mul3A_183 = arith.mulf %mul3A_182, %dot_general3A_181 : vector<1000x128xf32>
    %add3A_184 = arith.addf %add3A_168, %mul3A_183 : vector<1000x128xf32>
    %swap3A = arith.constant 0 : index
    %swap3A_185 = arith.constant 0 : index
    %swap3A_186 = arith.constant 0 : index
    %swap3A_187 = vector.load %arg4[%swap3A, %swap3A_185, %swap3A_186] : memref<1000x4x128xf32, #tpu.memory_space<vmem>>, vector<1000x1x128xf32>
    %swap3A_188 = vector.shape_cast %swap3A_187 : vector<1000x1x128xf32> to vector<1000x128xf32>
    %swap3A_189 = vector.shape_cast %add3A_184 : vector<1000x128xf32> to vector<1000x1x128xf32>
    tpu.vector_store %arg4[%swap3A, %swap3A_185, %swap3A_186], %swap3A_189 {strides = array<i32>} : memref<1000x4x128xf32, #tpu.memory_space<vmem>>, vector<1000x1x128xf32>,
    %get3A_190 = arith.constant 0 : index
    %get3A_191 = arith.constant 0 : index
    %get3A_192 = arith.constant 32 : index
    %get3A_193 = vector.load %arg1[%get3A_190, %get3A_191, %get3A_192] : memref<4x1000x128xf32, #tpu.memory_space<vmem>>, vector<1x1000x32xf32>
    %get3A_194 = vector.shape_cast %get3A_193 : vector<1x1000x32xf32> to vector<1000x32xf32>
    %get3A_195 = arith.constant 1 : index
    %get3A_196 = arith.constant 0 : index
    %get3A_197 = arith.constant 32 : index
    %get3A_198 = vector.load %arg1[%get3A_195, %get3A_196, %get3A_197] : memref<4x1000x128xf32, #tpu.memory_space<vmem>>, vector<1x1000x32xf32>
    %get3A_199 = vector.shape_cast %get3A_198 : vector<1x1000x32xf32> to vector<1000x32xf32>
    %get3A_200 = arith.constant 2 : index
    %get3A_201 = arith.constant 0 : index
    %get3A_202 = arith.constant 32 : index
    %get3A_203 = vector.load %arg1[%get3A_200, %get3A_201, %get3A_202] : memref<4x1000x128xf32, #tpu.memory_space<vmem>>, vector<1x1000x32xf32>
    %get3A_204 = vector.shape_cast %get3A_203 : vector<1x1000x32xf32> to vector<1000x32xf32>
    %get3A_205 = arith.constant 3 : index
    %get3A_206 = arith.constant 0 : index
    %get3A_207 = arith.constant 32 : index
    %get3A_208 = vector.load %arg1[%get3A_205, %get3A_206, %get3A_207] : memref<4x1000x128xf32, #tpu.memory_space<vmem>>, vector<1x1000x32xf32>
    %get3A_209 = vector.shape_cast %get3A_208 : vector<1x1000x32xf32> to vector<1000x32xf32>
    %concatenate3A_210 = tpu.concatenate %get3A_194, %get3A_199, %get3A_204, %get3A_209 in 1 : vector<1000x32xf32>, vector<1000x32xf32>, vector<1000x32xf32>, vector<1000x32xf32> -> vector<1000x128xf32>
    %broadcast_in_dim3A_211 = arith.constant 0.000000e+00 : f32
    %broadcast_in_dim3A_212 = vector.broadcast %broadcast_in_dim3A_211 : f32 to vector<1000x128xf32>
    %eq3A_213 = arith.constant 0 : i32
    %eq3A_214 = vector.broadcast %eq3A_213 : i32 to vector<1000x1xi32>
    %eq3A_215 = arith.cmpi eq, %broadcast_in_dim3A_6, %eq3A_214 : vector<1000x1xi32>
    %convert_element_type3A_216 = arith.extui %eq3A_215 : vector<1000x1xi1> to vector<1000x1xi32>
    %convert_element_type3A_217 = arith.sitofp %convert_element_type3A_216 : vector<1000x1xi32> to vector<1000x1xf32>
    %get3A_218 = arith.constant 0 : index
    %get3A_219 = arith.constant 1 : index
    %get3A_220 = arith.constant 0 : index
    %get3A_221 = arith.constant 0 : index
    %get3A_222 = vector.load %arg3[%get3A_218, %get3A_219, %get3A_220, %get3A_221] : memref<10x2x128x128xf32, #tpu.memory_space<vmem>>, vector<1x1x128x128xf32>
    %get3A_223 = vector.shape_cast %get3A_222 : vector<1x1x128x128xf32> to vector<128x128xf32>
    %dot_general3A_224 = arith.constant dense<0.000000e+00> : vector<1000x128xf32>
    %dot_general3A_225 = tpu.matmul %concatenate3A_210, %get3A_223, %dot_general3A_224 {dimension_numbers = #tpu.dot_dimension_numbers<[1], [0], [0], [1], [0, 0, 1, 1], [], []>, transpose_lhs_hint = false} : vector<1000x128xf32>, vector<128x128xf32>, vector<1000x128xf32> -> vector<1000x128xf32>
    %mul3A_226 = vector.broadcast %convert_element_type3A_217 : vector<1000x1xf32> to vector<1000x128xf32>
    %mul3A_227 = arith.mulf %mul3A_226, %dot_general3A_225 : vector<1000x128xf32>
    %add3A_228 = arith.addf %broadcast_in_dim3A_212, %mul3A_227 : vector<1000x128xf32>
    %eq3A_229 = arith.constant 1 : i32
    %eq3A_230 = vector.broadcast %eq3A_229 : i32 to vector<1000x1xi32>
    %eq3A_231 = arith.cmpi eq, %broadcast_in_dim3A_6, %eq3A_230 : vector<1000x1xi32>
    %convert_element_type3A_232 = arith.extui %eq3A_231 : vector<1000x1xi1> to vector<1000x1xi32>
    %convert_element_type3A_233 = arith.sitofp %convert_element_type3A_232 : vector<1000x1xi32> to vector<1000x1xf32>
    %get3A_234 = arith.constant 1 : index
    %get3A_235 = arith.constant 1 : index
    %get3A_236 = arith.constant 0 : index
    %get3A_237 = arith.constant 0 : index
    %get3A_238 = vector.load %arg3[%get3A_234, %get3A_235, %get3A_236, %get3A_237] : memref<10x2x128x128xf32, #tpu.memory_space<vmem>>, vector<1x1x128x128xf32>
    %get3A_239 = vector.shape_cast %get3A_238 : vector<1x1x128x128xf32> to vector<128x128xf32>
    %dot_general3A_240 = arith.constant dense<0.000000e+00> : vector<1000x128xf32>
    %dot_general3A_241 = tpu.matmul %concatenate3A_210, %get3A_239, %dot_general3A_240 {dimension_numbers = #tpu.dot_dimension_numbers<[1], [0], [0], [1], [0, 0, 1, 1], [], []>, transpose_lhs_hint = false} : vector<1000x128xf32>, vector<128x128xf32>, vector<1000x128xf32> -> vector<1000x128xf32>
    %mul3A_242 = vector.broadcast %convert_element_type3A_233 : vector<1000x1xf32> to vector<1000x128xf32>
    %mul3A_243 = arith.mulf %mul3A_242, %dot_general3A_241 : vector<1000x128xf32>
    %add3A_244 = arith.addf %add3A_228, %mul3A_243 : vector<1000x128xf32>
    %eq3A_245 = arith.constant 2 : i32
    %eq3A_246 = vector.broadcast %eq3A_245 : i32 to vector<1000x1xi32>
    %eq3A_247 = arith.cmpi eq, %broadcast_in_dim3A_6, %eq3A_246 : vector<1000x1xi32>
    %convert_element_type3A_248 = arith.extui %eq3A_247 : vector<1000x1xi1> to vector<1000x1xi32>
    %convert_element_type3A_249 = arith.sitofp %convert_element_type3A_248 : vector<1000x1xi32> to vector<1000x1xf32>
    %get3A_250 = arith.constant 2 : index
    %get3A_251 = arith.constant 1 : index
    %get3A_252 = arith.constant 0 : index
    %get3A_253 = arith.constant 0 : index
    %get3A_254 = vector.load %arg3[%get3A_250, %get3A_251, %get3A_252, %get3A_253] : memref<10x2x128x128xf32, #tpu.memory_space<vmem>>, vector<1x1x128x128xf32>
    %get3A_255 = vector.shape_cast %get3A_254 : vector<1x1x128x128xf32> to vector<128x128xf32>
    %dot_general3A_256 = arith.constant dense<0.000000e+00> : vector<1000x128xf32>
    %dot_general3A_257 = tpu.matmul %concatenate3A_210, %get3A_255, %dot_general3A_256 {dimension_numbers = #tpu.dot_dimension_numbers<[1], [0], [0], [1], [0, 0, 1, 1], [], []>, transpose_lhs_hint = false} : vector<1000x128xf32>, vector<128x128xf32>, vector<1000x128xf32> -> vector<1000x128xf32>
    %mul3A_258 = vector.broadcast %convert_element_type3A_249 : vector<1000x1xf32> to vector<1000x128xf32>
    %mul3A_259 = arith.mulf %mul3A_258, %dot_general3A_257 : vector<1000x128xf32>
    %add3A_260 = arith.addf %add3A_244, %mul3A_259 : vector<1000x128xf32>
    %eq3A_261 = arith.constant 3 : i32
    %eq3A_262 = vector.broadcast %eq3A_261 : i32 to vector<1000x1xi32>
    %eq3A_263 = arith.cmpi eq, %broadcast_in_dim3A_6, %eq3A_262 : vector<1000x1xi32>
    %convert_element_type3A_264 = arith.extui %eq3A_263 : vector<1000x1xi1> to vector<1000x1xi32>
    %convert_element_type3A_265 = arith.sitofp %convert_element_type3A_264 : vector<1000x1xi32> to vector<1000x1xf32>
    %get3A_266 = arith.constant 3 : index
    %get3A_267 = arith.constant 1 : index
    %get3A_268 = arith.constant 0 : index
    %get3A_269 = arith.constant 0 : index
    %get3A_270 = vector.load %arg3[%get3A_266, %get3A_267, %get3A_268, %get3A_269] : memref<10x2x128x128xf32, #tpu.memory_space<vmem>>, vector<1x1x128x128xf32>
    %get3A_271 = vector.shape_cast %get3A_270 : vector<1x1x128x128xf32> to vector<128x128xf32>
    %dot_general3A_272 = arith.constant dense<0.000000e+00> : vector<1000x128xf32>
    %dot_general3A_273 = tpu.matmul %concatenate3A_210, %get3A_271, %dot_general3A_272 {dimension_numbers = #tpu.dot_dimension_numbers<[1], [0], [0], [1], [0, 0, 1, 1], [], []>, transpose_lhs_hint = false} : vector<1000x128xf32>, vector<128x128xf32>, vector<1000x128xf32> -> vector<1000x128xf32>
    %mul3A_274 = vector.broadcast %convert_element_type3A_265 : vector<1000x1xf32> to vector<1000x128xf32>
    %mul3A_275 = arith.mulf %mul3A_274, %dot_general3A_273 : vector<1000x128xf32>
    %add3A_276 = arith.addf %add3A_260, %mul3A_275 : vector<1000x128xf32>
    %eq3A_277 = arith.constant 4 : i32
    %eq3A_278 = vector.broadcast %eq3A_277 : i32 to vector<1000x1xi32>
    %eq3A_279 = arith.cmpi eq, %broadcast_in_dim3A_6, %eq3A_278 : vector<1000x1xi32>
    %convert_element_type3A_280 = arith.extui %eq3A_279 : vector<1000x1xi1> to vector<1000x1xi32>
    %convert_element_type3A_281 = arith.sitofp %convert_element_type3A_280 : vector<1000x1xi32> to vector<1000x1xf32>
    %get3A_282 = arith.constant 4 : index
    %get3A_283 = arith.constant 1 : index
    %get3A_284 = arith.constant 0 : index
    %get3A_285 = arith.constant 0 : index
    %get3A_286 = vector.load %arg3[%get3A_282, %get3A_283, %get3A_284, %get3A_285] : memref<10x2x128x128xf32, #tpu.memory_space<vmem>>, vector<1x1x128x128xf32>
    %get3A_287 = vector.shape_cast %get3A_286 : vector<1x1x128x128xf32> to vector<128x128xf32>
    %dot_general3A_288 = arith.constant dense<0.000000e+00> : vector<1000x128xf32>
    %dot_general3A_289 = tpu.matmul %concatenate3A_210, %get3A_287, %dot_general3A_288 {dimension_numbers = #tpu.dot_dimension_numbers<[1], [0], [0], [1], [0, 0, 1, 1], [], []>, transpose_lhs_hint = false} : vector<1000x128xf32>, vector<128x128xf32>, vector<1000x128xf32> -> vector<1000x128xf32>
    %mul3A_290 = vector.broadcast %convert_element_type3A_281 : vector<1000x1xf32> to vector<1000x128xf32>
    %mul3A_291 = arith.mulf %mul3A_290, %dot_general3A_289 : vector<1000x128xf32>
    %add3A_292 = arith.addf %add3A_276, %mul3A_291 : vector<1000x128xf32>
    %eq3A_293 = arith.constant 5 : i32
    %eq3A_294 = vector.broadcast %eq3A_293 : i32 to vector<1000x1xi32>
    %eq3A_295 = arith.cmpi eq, %broadcast_in_dim3A_6, %eq3A_294 : vector<1000x1xi32>
    %convert_element_type3A_296 = arith.extui %eq3A_295 : vector<1000x1xi1> to vector<1000x1xi32>
    %convert_element_type3A_297 = arith.sitofp %convert_element_type3A_296 : vector<1000x1xi32> to vector<1000x1xf32>
    %get3A_298 = arith.constant 5 : index
    %get3A_299 = arith.constant 1 : index
    %get3A_300 = arith.constant 0 : index
    %get3A_301 = arith.constant 0 : index
    %get3A_302 = vector.load %arg3[%get3A_298, %get3A_299, %get3A_300, %get3A_301] : memref<10x2x128x128xf32, #tpu.memory_space<vmem>>, vector<1x1x128x128xf32>
    %get3A_303 = vector.shape_cast %get3A_302 : vector<1x1x128x128xf32> to vector<128x128xf32>
    %dot_general3A_304 = arith.constant dense<0.000000e+00> : vector<1000x128xf32>
    %dot_general3A_305 = tpu.matmul %concatenate3A_210, %get3A_303, %dot_general3A_304 {dimension_numbers = #tpu.dot_dimension_numbers<[1], [0], [0], [1], [0, 0, 1, 1], [], []>, transpose_lhs_hint = false} : vector<1000x128xf32>, vector<128x128xf32>, vector<1000x128xf32> -> vector<1000x128xf32>
    %mul3A_306 = vector.broadcast %convert_element_type3A_297 : vector<1000x1xf32> to vector<1000x128xf32>
    %mul3A_307 = arith.mulf %mul3A_306, %dot_general3A_305 : vector<1000x128xf32>
    %add3A_308 = arith.addf %add3A_292, %mul3A_307 : vector<1000x128xf32>
    %eq3A_309 = arith.constant 6 : i32
    %eq3A_310 = vector.broadcast %eq3A_309 : i32 to vector<1000x1xi32>
    %eq3A_311 = arith.cmpi eq, %broadcast_in_dim3A_6, %eq3A_310 : vector<1000x1xi32>
    %convert_element_type3A_312 = arith.extui %eq3A_311 : vector<1000x1xi1> to vector<1000x1xi32>
    %convert_element_type3A_313 = arith.sitofp %convert_element_type3A_312 : vector<1000x1xi32> to vector<1000x1xf32>
    %get3A_314 = arith.constant 6 : index
    %get3A_315 = arith.constant 1 : index
    %get3A_316 = arith.constant 0 : index
    %get3A_317 = arith.constant 0 : index
    %get3A_318 = vector.load %arg3[%get3A_314, %get3A_315, %get3A_316, %get3A_317] : memref<10x2x128x128xf32, #tpu.memory_space<vmem>>, vector<1x1x128x128xf32>
    %get3A_319 = vector.shape_cast %get3A_318 : vector<1x1x128x128xf32> to vector<128x128xf32>
    %dot_general3A_320 = arith.constant dense<0.000000e+00> : vector<1000x128xf32>
    %dot_general3A_321 = tpu.matmul %concatenate3A_210, %get3A_319, %dot_general3A_320 {dimension_numbers = #tpu.dot_dimension_numbers<[1], [0], [0], [1], [0, 0, 1, 1], [], []>, transpose_lhs_hint = false} : vector<1000x128xf32>, vector<128x128xf32>, vector<1000x128xf32> -> vector<1000x128xf32>
    %mul3A_322 = vector.broadcast %convert_element_type3A_313 : vector<1000x1xf32> to vector<1000x128xf32>
    %mul3A_323 = arith.mulf %mul3A_322, %dot_general3A_321 : vector<1000x128xf32>
    %add3A_324 = arith.addf %add3A_308, %mul3A_323 : vector<1000x128xf32>
    %eq3A_325 = arith.constant 7 : i32
    %eq3A_326 = vector.broadcast %eq3A_325 : i32 to vector<1000x1xi32>
    %eq3A_327 = arith.cmpi eq, %broadcast_in_dim3A_6, %eq3A_326 : vector<1000x1xi32>
    %convert_element_type3A_328 = arith.extui %eq3A_327 : vector<1000x1xi1> to vector<1000x1xi32>
    %convert_element_type3A_329 = arith.sitofp %convert_element_type3A_328 : vector<1000x1xi32> to vector<1000x1xf32>
    %get3A_330 = arith.constant 7 : index
    %get3A_331 = arith.constant 1 : index
    %get3A_332 = arith.constant 0 : index
    %get3A_333 = arith.constant 0 : index
    %get3A_334 = vector.load %arg3[%get3A_330, %get3A_331, %get3A_332, %get3A_333] : memref<10x2x128x128xf32, #tpu.memory_space<vmem>>, vector<1x1x128x128xf32>
    %get3A_335 = vector.shape_cast %get3A_334 : vector<1x1x128x128xf32> to vector<128x128xf32>
    %dot_general3A_336 = arith.constant dense<0.000000e+00> : vector<1000x128xf32>
    %dot_general3A_337 = tpu.matmul %concatenate3A_210, %get3A_335, %dot_general3A_336 {dimension_numbers = #tpu.dot_dimension_numbers<[1], [0], [0], [1], [0, 0, 1, 1], [], []>, transpose_lhs_hint = false} : vector<1000x128xf32>, vector<128x128xf32>, vector<1000x128xf32> -> vector<1000x128xf32>
    %mul3A_338 = vector.broadcast %convert_element_type3A_329 : vector<1000x1xf32> to vector<1000x128xf32>
    %mul3A_339 = arith.mulf %mul3A_338, %dot_general3A_337 : vector<1000x128xf32>
    %add3A_340 = arith.addf %add3A_324, %mul3A_339 : vector<1000x128xf32>
    %eq3A_341 = arith.constant 8 : i32
    %eq3A_342 = vector.broadcast %eq3A_341 : i32 to vector<1000x1xi32>
    %eq3A_343 = arith.cmpi eq, %broadcast_in_dim3A_6, %eq3A_342 : vector<1000x1xi32>
    %convert_element_type3A_344 = arith.extui %eq3A_343 : vector<1000x1xi1> to vector<1000x1xi32>
    %convert_element_type3A_345 = arith.sitofp %convert_element_type3A_344 : vector<1000x1xi32> to vector<1000x1xf32>
    %get3A_346 = arith.constant 8 : index
    %get3A_347 = arith.constant 1 : index
    %get3A_348 = arith.constant 0 : index
    %get3A_349 = arith.constant 0 : index
    %get3A_350 = vector.load %arg3[%get3A_346, %get3A_347, %get3A_348, %get3A_349] : memref<10x2x128x128xf32, #tpu.memory_space<vmem>>, vector<1x1x128x128xf32>
    %get3A_351 = vector.shape_cast %get3A_350 : vector<1x1x128x128xf32> to vector<128x128xf32>
    %dot_general3A_352 = arith.constant dense<0.000000e+00> : vector<1000x128xf32>
    %dot_general3A_353 = tpu.matmul %concatenate3A_210, %get3A_351, %dot_general3A_352 {dimension_numbers = #tpu.dot_dimension_numbers<[1], [0], [0], [1], [0, 0, 1, 1], [], []>, transpose_lhs_hint = false} : vector<1000x128xf32>, vector<128x128xf32>, vector<1000x128xf32> -> vector<1000x128xf32>
    %mul3A_354 = vector.broadcast %convert_element_type3A_345 : vector<1000x1xf32> to vector<1000x128xf32>
    %mul3A_355 = arith.mulf %mul3A_354, %dot_general3A_353 : vector<1000x128xf32>
    %add3A_356 = arith.addf %add3A_340, %mul3A_355 : vector<1000x128xf32>
    %eq3A_357 = arith.constant 9 : i32
    %eq3A_358 = vector.broadcast %eq3A_357 : i32 to vector<1000x1xi32>
    %eq3A_359 = arith.cmpi eq, %broadcast_in_dim3A_6, %eq3A_358 : vector<1000x1xi32>
    %convert_element_type3A_360 = arith.extui %eq3A_359 : vector<1000x1xi1> to vector<1000x1xi32>
    %convert_element_type3A_361 = arith.sitofp %convert_element_type3A_360 : vector<1000x1xi32> to vector<1000x1xf32>
    %get3A_362 = arith.constant 9 : index
    %get3A_363 = arith.constant 1 : index
    %get3A_364 = arith.constant 0 : index
    %get3A_365 = arith.constant 0 : index
    %get3A_366 = vector.load %arg3[%get3A_362, %get3A_363, %get3A_364, %get3A_365] : memref<10x2x128x128xf32, #tpu.memory_space<vmem>>, vector<1x1x128x128xf32>
    %get3A_367 = vector.shape_cast %get3A_366 : vector<1x1x128x128xf32> to vector<128x128xf32>
    %dot_general3A_368 = arith.constant dense<0.000000e+00> : vector<1000x128xf32>
    %dot_general3A_369 = tpu.matmul %concatenate3A_210, %get3A_367, %dot_general3A_368 {dimension_numbers = #tpu.dot_dimension_numbers<[1], [0], [0], [1], [0, 0, 1, 1], [], []>, transpose_lhs_hint = false} : vector<1000x128xf32>, vector<128x128xf32>, vector<1000x128xf32> -> vector<1000x128xf32>
    %mul3A_370 = vector.broadcast %convert_element_type3A_361 : vector<1000x1xf32> to vector<1000x128xf32>
    %mul3A_371 = arith.mulf %mul3A_370, %dot_general3A_369 : vector<1000x128xf32>
    %add3A_372 = arith.addf %add3A_356, %mul3A_371 : vector<1000x128xf32>
    %swap3A_373 = arith.constant 0 : index
    %swap3A_374 = arith.constant 1 : index
    %swap3A_375 = arith.constant 0 : index
    %swap3A_376 = vector.load %arg4[%swap3A_373, %swap3A_374, %swap3A_375] : memref<1000x4x128xf32, #tpu.memory_space<vmem>>, vector<1000x1x128xf32>
    %swap3A_377 = vector.shape_cast %swap3A_376 : vector<1000x1x128xf32> to vector<1000x128xf32>
    %swap3A_378 = vector.shape_cast %add3A_372 : vector<1000x128xf32> to vector<1000x1x128xf32>
    tpu.vector_store %arg4[%swap3A_373, %swap3A_374, %swap3A_375], %swap3A_378 {strides = array<i32>} : memref<1000x4x128xf32, #tpu.memory_space<vmem>>, vector<1000x1x128xf32>,
    %get3A_379 = arith.constant 0 : index
    %get3A_380 = arith.constant 0 : index
    %get3A_381 = arith.constant 64 : index
    %get3A_382 = vector.load %arg1[%get3A_379, %get3A_380, %get3A_381] : memref<4x1000x128xf32, #tpu.memory_space<vmem>>, vector<1x1000x32xf32>
    %get3A_383 = vector.shape_cast %get3A_382 : vector<1x1000x32xf32> to vector<1000x32xf32>
    %get3A_384 = arith.constant 1 : index
    %get3A_385 = arith.constant 0 : index
    %get3A_386 = arith.constant 64 : index
    %get3A_387 = vector.load %arg1[%get3A_384, %get3A_385, %get3A_386] : memref<4x1000x128xf32, #tpu.memory_space<vmem>>, vector<1x1000x32xf32>
    %get3A_388 = vector.shape_cast %get3A_387 : vector<1x1000x32xf32> to vector<1000x32xf32>
    %get3A_389 = arith.constant 2 : index
    %get3A_390 = arith.constant 0 : index
    %get3A_391 = arith.constant 64 : index
    %get3A_392 = vector.load %arg1[%get3A_389, %get3A_390, %get3A_391] : memref<4x1000x128xf32, #tpu.memory_space<vmem>>, vector<1x1000x32xf32>
    %get3A_393 = vector.shape_cast %get3A_392 : vector<1x1000x32xf32> to vector<1000x32xf32>
    %get3A_394 = arith.constant 3 : index
    %get3A_395 = arith.constant 0 : index
    %get3A_396 = arith.constant 64 : index
    %get3A_397 = vector.load %arg1[%get3A_394, %get3A_395, %get3A_396] : memref<4x1000x128xf32, #tpu.memory_space<vmem>>, vector<1x1000x32xf32>
    %get3A_398 = vector.shape_cast %get3A_397 : vector<1x1000x32xf32> to vector<1000x32xf32>
    %concatenate3A_399 = tpu.concatenate %get3A_383, %get3A_388, %get3A_393, %get3A_398 in 1 : vector<1000x32xf32>, vector<1000x32xf32>, vector<1000x32xf32>, vector<1000x32xf32> -> vector<1000x128xf32>
    %broadcast_in_dim3A_400 = arith.constant 0.000000e+00 : f32
    %broadcast_in_dim3A_401 = vector.broadcast %broadcast_in_dim3A_400 : f32 to vector<1000x128xf32>
    %eq3A_402 = arith.constant 0 : i32
    %eq3A_403 = vector.broadcast %eq3A_402 : i32 to vector<1000x1xi32>
    %eq3A_404 = arith.cmpi eq, %broadcast_in_dim3A_6, %eq3A_403 : vector<1000x1xi32>
    %convert_element_type3A_405 = arith.extui %eq3A_404 : vector<1000x1xi1> to vector<1000x1xi32>
    %convert_element_type3A_406 = arith.sitofp %convert_element_type3A_405 : vector<1000x1xi32> to vector<1000x1xf32>
    %get3A_407 = arith.constant 0 : index
    %get3A_408 = arith.constant 1 : index
    %get3A_409 = arith.constant 0 : index
    %get3A_410 = arith.constant 0 : index
    %get3A_411 = vector.load %arg3[%get3A_407, %get3A_408, %get3A_409, %get3A_410] : memref<10x2x128x128xf32, #tpu.memory_space<vmem>>, vector<1x1x128x128xf32>
    %get3A_412 = vector.shape_cast %get3A_411 : vector<1x1x128x128xf32> to vector<128x128xf32>
    %dot_general3A_413 = arith.constant dense<0.000000e+00> : vector<1000x128xf32>
    %dot_general3A_414 = tpu.matmul %concatenate3A_399, %get3A_412, %dot_general3A_413 {dimension_numbers = #tpu.dot_dimension_numbers<[1], [0], [0], [1], [0, 0, 1, 1], [], []>, transpose_lhs_hint = false} : vector<1000x128xf32>, vector<128x128xf32>, vector<1000x128xf32> -> vector<1000x128xf32>
    %mul3A_415 = vector.broadcast %convert_element_type3A_406 : vector<1000x1xf32> to vector<1000x128xf32>
    %mul3A_416 = arith.mulf %mul3A_415, %dot_general3A_414 : vector<1000x128xf32>
    %add3A_417 = arith.addf %broadcast_in_dim3A_401, %mul3A_416 : vector<1000x128xf32>
    %eq3A_418 = arith.constant 1 : i32
    %eq3A_419 = vector.broadcast %eq3A_418 : i32 to vector<1000x1xi32>
    %eq3A_420 = arith.cmpi eq, %broadcast_in_dim3A_6, %eq3A_419 : vector<1000x1xi32>
    %convert_element_type3A_421 = arith.extui %eq3A_420 : vector<1000x1xi1> to vector<1000x1xi32>
    %convert_element_type3A_422 = arith.sitofp %convert_element_type3A_421 : vector<1000x1xi32> to vector<1000x1xf32>
    %get3A_423 = arith.constant 1 : index
    %get3A_424 = arith.constant 1 : index
    %get3A_425 = arith.constant 0 : index
    %get3A_426 = arith.constant 0 : index
    %get3A_427 = vector.load %arg3[%get3A_423, %get3A_424, %get3A_425, %get3A_426] : memref<10x2x128x128xf32, #tpu.memory_space<vmem>>, vector<1x1x128x128xf32>
    %get3A_428 = vector.shape_cast %get3A_427 : vector<1x1x128x128xf32> to vector<128x128xf32>
    %dot_general3A_429 = arith.constant dense<0.000000e+00> : vector<1000x128xf32>
    %dot_general3A_430 = tpu.matmul %concatenate3A_399, %get3A_428, %dot_general3A_429 {dimension_numbers = #tpu.dot_dimension_numbers<[1], [0], [0], [1], [0, 0, 1, 1], [], []>, transpose_lhs_hint = false} : vector<1000x128xf32>, vector<128x128xf32>, vector<1000x128xf32> -> vector<1000x128xf32>
    %mul3A_431 = vector.broadcast %convert_element_type3A_422 : vector<1000x1xf32> to vector<1000x128xf32>
    %mul3A_432 = arith.mulf %mul3A_431, %dot_general3A_430 : vector<1000x128xf32>
    %add3A_433 = arith.addf %add3A_417, %mul3A_432 : vector<1000x128xf32>
    %eq3A_434 = arith.constant 2 : i32
    %eq3A_435 = vector.broadcast %eq3A_434 : i32 to vector<1000x1xi32>
    %eq3A_436 = arith.cmpi eq, %broadcast_in_dim3A_6, %eq3A_435 : vector<1000x1xi32>
    %convert_element_type3A_437 = arith.extui %eq3A_436 : vector<1000x1xi1> to vector<1000x1xi32>
    %convert_element_type3A_438 = arith.sitofp %convert_element_type3A_437 : vector<1000x1xi32> to vector<1000x1xf32>
    %get3A_439 = arith.constant 2 : index
    %get3A_440 = arith.constant 1 : index
    %get3A_441 = arith.constant 0 : index
    %get3A_442 = arith.constant 0 : index
    %get3A_443 = vector.load %arg3[%get3A_439, %get3A_440, %get3A_441, %get3A_442] : memref<10x2x128x128xf32, #tpu.memory_space<vmem>>, vector<1x1x128x128xf32>
    %get3A_444 = vector.shape_cast %get3A_443 : vector<1x1x128x128xf32> to vector<128x128xf32>
    %dot_general3A_445 = arith.constant dense<0.000000e+00> : vector<1000x128xf32>
    %dot_general3A_446 = tpu.matmul %concatenate3A_399, %get3A_444, %dot_general3A_445 {dimension_numbers = #tpu.dot_dimension_numbers<[1], [0], [0], [1], [0, 0, 1, 1], [], []>, transpose_lhs_hint = false} : vector<1000x128xf32>, vector<128x128xf32>, vector<1000x128xf32> -> vector<1000x128xf32>
    %mul3A_447 = vector.broadcast %convert_element_type3A_438 : vector<1000x1xf32> to vector<1000x128xf32>
    %mul3A_448 = arith.mulf %mul3A_447, %dot_general3A_446 : vector<1000x128xf32>
    %add3A_449 = arith.addf %add3A_433, %mul3A_448 : vector<1000x128xf32>
    %eq3A_450 = arith.constant 3 : i32
    %eq3A_451 = vector.broadcast %eq3A_450 : i32 to vector<1000x1xi32>
    %eq3A_452 = arith.cmpi eq, %broadcast_in_dim3A_6, %eq3A_451 : vector<1000x1xi32>
    %convert_element_type3A_453 = arith.extui %eq3A_452 : vector<1000x1xi1> to vector<1000x1xi32>
    %convert_element_type3A_454 = arith.sitofp %convert_element_type3A_453 : vector<1000x1xi32> to vector<1000x1xf32>
    %get3A_455 = arith.constant 3 : index
    %get3A_456 = arith.constant 1 : index
    %get3A_457 = arith.constant 0 : index
    %get3A_458 = arith.constant 0 : index
    %get3A_459 = vector.load %arg3[%get3A_455, %get3A_456, %get3A_457, %get3A_458] : memref<10x2x128x128xf32, #tpu.memory_space<vmem>>, vector<1x1x128x128xf32>
    %get3A_460 = vector.shape_cast %get3A_459 : vector<1x1x128x128xf32> to vector<128x128xf32>
    %dot_general3A_461 = arith.constant dense<0.000000e+00> : vector<1000x128xf32>
    %dot_general3A_462 = tpu.matmul %concatenate3A_399, %get3A_460, %dot_general3A_461 {dimension_numbers = #tpu.dot_dimension_numbers<[1], [0], [0], [1], [0, 0, 1, 1], [], []>, transpose_lhs_hint = false} : vector<1000x128xf32>, vector<128x128xf32>, vector<1000x128xf32> -> vector<1000x128xf32>
    %mul3A_463 = vector.broadcast %convert_element_type3A_454 : vector<1000x1xf32> to vector<1000x128xf32>
    %mul3A_464 = arith.mulf %mul3A_463, %dot_general3A_462 : vector<1000x128xf32>
    %add3A_465 = arith.addf %add3A_449, %mul3A_464 : vector<1000x128xf32>
    %eq3A_466 = arith.constant 4 : i32
    %eq3A_467 = vector.broadcast %eq3A_466 : i32 to vector<1000x1xi32>
    %eq3A_468 = arith.cmpi eq, %broadcast_in_dim3A_6, %eq3A_467 : vector<1000x1xi32>
    %convert_element_type3A_469 = arith.extui %eq3A_468 : vector<1000x1xi1> to vector<1000x1xi32>
    %convert_element_type3A_470 = arith.sitofp %convert_element_type3A_469 : vector<1000x1xi32> to vector<1000x1xf32>
    %get3A_471 = arith.constant 4 : index
    %get3A_472 = arith.constant 1 : index
    %get3A_473 = arith.constant 0 : index
    %get3A_474 = arith.constant 0 : index
    %get3A_475 = vector.load %arg3[%get3A_471, %get3A_472, %get3A_473, %get3A_474] : memref<10x2x128x128xf32, #tpu.memory_space<vmem>>, vector<1x1x128x128xf32>
    %get3A_476 = vector.shape_cast %get3A_475 : vector<1x1x128x128xf32> to vector<128x128xf32>
    %dot_general3A_477 = arith.constant dense<0.000000e+00> : vector<1000x128xf32>
    %dot_general3A_478 = tpu.matmul %concatenate3A_399, %get3A_476, %dot_general3A_477 {dimension_numbers = #tpu.dot_dimension_numbers<[1], [0], [0], [1], [0, 0, 1, 1], [], []>, transpose_lhs_hint = false} : vector<1000x128xf32>, vector<128x128xf32>, vector<1000x128xf32> -> vector<1000x128xf32>
    %mul3A_479 = vector.broadcast %convert_element_type3A_470 : vector<1000x1xf32> to vector<1000x128xf32>
    %mul3A_480 = arith.mulf %mul3A_479, %dot_general3A_478 : vector<1000x128xf32>
    %add3A_481 = arith.addf %add3A_465, %mul3A_480 : vector<1000x128xf32>
    %eq3A_482 = arith.constant 5 : i32
    %eq3A_483 = vector.broadcast %eq3A_482 : i32 to vector<1000x1xi32>
    %eq3A_484 = arith.cmpi eq, %broadcast_in_dim3A_6, %eq3A_483 : vector<1000x1xi32>
    %convert_element_type3A_485 = arith.extui %eq3A_484 : vector<1000x1xi1> to vector<1000x1xi32>
    %convert_element_type3A_486 = arith.sitofp %convert_element_type3A_485 : vector<1000x1xi32> to vector<1000x1xf32>
    %get3A_487 = arith.constant 5 : index
    %get3A_488 = arith.constant 1 : index
    %get3A_489 = arith.constant 0 : index
    %get3A_490 = arith.constant 0 : index
    %get3A_491 = vector.load %arg3[%get3A_487, %get3A_488, %get3A_489, %get3A_490] : memref<10x2x128x128xf32, #tpu.memory_space<vmem>>, vector<1x1x128x128xf32>
    %get3A_492 = vector.shape_cast %get3A_491 : vector<1x1x128x128xf32> to vector<128x128xf32>
    %dot_general3A_493 = arith.constant dense<0.000000e+00> : vector<1000x128xf32>
    %dot_general3A_494 = tpu.matmul %concatenate3A_399, %get3A_492, %dot_general3A_493 {dimension_numbers = #tpu.dot_dimension_numbers<[1], [0], [0], [1], [0, 0, 1, 1], [], []>, transpose_lhs_hint = false} : vector<1000x128xf32>, vector<128x128xf32>, vector<1000x128xf32> -> vector<1000x128xf32>
    %mul3A_495 = vector.broadcast %convert_element_type3A_486 : vector<1000x1xf32> to vector<1000x128xf32>
    %mul3A_496 = arith.mulf %mul3A_495, %dot_general3A_494 : vector<1000x128xf32>
    %add3A_497 = arith.addf %add3A_481, %mul3A_496 : vector<1000x128xf32>
    %eq3A_498 = arith.constant 6 : i32
    %eq3A_499 = vector.broadcast %eq3A_498 : i32 to vector<1000x1xi32>
    %eq3A_500 = arith.cmpi eq, %broadcast_in_dim3A_6, %eq3A_499 : vector<1000x1xi32>
    %convert_element_type3A_501 = arith.extui %eq3A_500 : vector<1000x1xi1> to vector<1000x1xi32>
    %convert_element_type3A_502 = arith.sitofp %convert_element_type3A_501 : vector<1000x1xi32> to vector<1000x1xf32>
    %get3A_503 = arith.constant 6 : index
    %get3A_504 = arith.constant 1 : index
    %get3A_505 = arith.constant 0 : index
    %get3A_506 = arith.constant 0 : index
    %get3A_507 = vector.load %arg3[%get3A_503, %get3A_504, %get3A_505, %get3A_506] : memref<10x2x128x128xf32, #tpu.memory_space<vmem>>, vector<1x1x128x128xf32>
    %get3A_508 = vector.shape_cast %get3A_507 : vector<1x1x128x128xf32> to vector<128x128xf32>
    %dot_general3A_509 = arith.constant dense<0.000000e+00> : vector<1000x128xf32>
    %dot_general3A_510 = tpu.matmul %concatenate3A_399, %get3A_508, %dot_general3A_509 {dimension_numbers = #tpu.dot_dimension_numbers<[1], [0], [0], [1], [0, 0, 1, 1], [], []>, transpose_lhs_hint = false} : vector<1000x128xf32>, vector<128x128xf32>, vector<1000x128xf32> -> vector<1000x128xf32>
    %mul3A_511 = vector.broadcast %convert_element_type3A_502 : vector<1000x1xf32> to vector<1000x128xf32>
    %mul3A_512 = arith.mulf %mul3A_511, %dot_general3A_510 : vector<1000x128xf32>
    %add3A_513 = arith.addf %add3A_497, %mul3A_512 : vector<1000x128xf32>
    %eq3A_514 = arith.constant 7 : i32
    %eq3A_515 = vector.broadcast %eq3A_514 : i32 to vector<1000x1xi32>
    %eq3A_516 = arith.cmpi eq, %broadcast_in_dim3A_6, %eq3A_515 : vector<1000x1xi32>
    %convert_element_type3A_517 = arith.extui %eq3A_516 : vector<1000x1xi1> to vector<1000x1xi32>
    %convert_element_type3A_518 = arith.sitofp %convert_element_type3A_517 : vector<1000x1xi32> to vector<1000x1xf32>
    %get3A_519 = arith.constant 7 : index
    %get3A_520 = arith.constant 1 : index
    %get3A_521 = arith.constant 0 : index
    %get3A_522 = arith.constant 0 : index
    %get3A_523 = vector.load %arg3[%get3A_519, %get3A_520, %get3A_521, %get3A_522] : memref<10x2x128x128xf32, #tpu.memory_space<vmem>>, vector<1x1x128x128xf32>
    %get3A_524 = vector.shape_cast %get3A_523 : vector<1x1x128x128xf32> to vector<128x128xf32>
    %dot_general3A_525 = arith.constant dense<0.000000e+00> : vector<1000x128xf32>
    %dot_general3A_526 = tpu.matmul %concatenate3A_399, %get3A_524, %dot_general3A_525 {dimension_numbers = #tpu.dot_dimension_numbers<[1], [0], [0], [1], [0, 0, 1, 1], [], []>, transpose_lhs_hint = false} : vector<1000x128xf32>, vector<128x128xf32>, vector<1000x128xf32> -> vector<1000x128xf32>
    %mul3A_527 = vector.broadcast %convert_element_type3A_518 : vector<1000x1xf32> to vector<1000x128xf32>
    %mul3A_528 = arith.mulf %mul3A_527, %dot_general3A_526 : vector<1000x128xf32>
    %add3A_529 = arith.addf %add3A_513, %mul3A_528 : vector<1000x128xf32>
    %eq3A_530 = arith.constant 8 : i32
    %eq3A_531 = vector.broadcast %eq3A_530 : i32 to vector<1000x1xi32>
    %eq3A_532 = arith.cmpi eq, %broadcast_in_dim3A_6, %eq3A_531 : vector<1000x1xi32>
    %convert_element_type3A_533 = arith.extui %eq3A_532 : vector<1000x1xi1> to vector<1000x1xi32>
    %convert_element_type3A_534 = arith.sitofp %convert_element_type3A_533 : vector<1000x1xi32> to vector<1000x1xf32>
    %get3A_535 = arith.constant 8 : index
    %get3A_536 = arith.constant 1 : index
    %get3A_537 = arith.constant 0 : index
    %get3A_538 = arith.constant 0 : index
    %get3A_539 = vector.load %arg3[%get3A_535, %get3A_536, %get3A_537, %get3A_538] : memref<10x2x128x128xf32, #tpu.memory_space<vmem>>, vector<1x1x128x128xf32>
    %get3A_540 = vector.shape_cast %get3A_539 : vector<1x1x128x128xf32> to vector<128x128xf32>
    %dot_general3A_541 = arith.constant dense<0.000000e+00> : vector<1000x128xf32>
    %dot_general3A_542 = tpu.matmul %concatenate3A_399, %get3A_540, %dot_general3A_541 {dimension_numbers = #tpu.dot_dimension_numbers<[1], [0], [0], [1], [0, 0, 1, 1], [], []>, transpose_lhs_hint = false} : vector<1000x128xf32>, vector<128x128xf32>, vector<1000x128xf32> -> vector<1000x128xf32>
    %mul3A_543 = vector.broadcast %convert_element_type3A_534 : vector<1000x1xf32> to vector<1000x128xf32>
    %mul3A_544 = arith.mulf %mul3A_543, %dot_general3A_542 : vector<1000x128xf32>
    %add3A_545 = arith.addf %add3A_529, %mul3A_544 : vector<1000x128xf32>
    %eq3A_546 = arith.constant 9 : i32
    %eq3A_547 = vector.broadcast %eq3A_546 : i32 to vector<1000x1xi32>
    %eq3A_548 = arith.cmpi eq, %broadcast_in_dim3A_6, %eq3A_547 : vector<1000x1xi32>
    %convert_element_type3A_549 = arith.extui %eq3A_548 : vector<1000x1xi1> to vector<1000x1xi32>
    %convert_element_type3A_550 = arith.sitofp %convert_element_type3A_549 : vector<1000x1xi32> to vector<1000x1xf32>
    %get3A_551 = arith.constant 9 : index
    %get3A_552 = arith.constant 1 : index
    %get3A_553 = arith.constant 0 : index
    %get3A_554 = arith.constant 0 : index
    %get3A_555 = vector.load %arg3[%get3A_551, %get3A_552, %get3A_553, %get3A_554] : memref<10x2x128x128xf32, #tpu.memory_space<vmem>>, vector<1x1x128x128xf32>
    %get3A_556 = vector.shape_cast %get3A_555 : vector<1x1x128x128xf32> to vector<128x128xf32>
    %dot_general3A_557 = arith.constant dense<0.000000e+00> : vector<1000x128xf32>
    %dot_general3A_558 = tpu.matmul %concatenate3A_399, %get3A_556, %dot_general3A_557 {dimension_numbers = #tpu.dot_dimension_numbers<[1], [0], [0], [1], [0, 0, 1, 1], [], []>, transpose_lhs_hint = false} : vector<1000x128xf32>, vector<128x128xf32>, vector<1000x128xf32> -> vector<1000x128xf32>
    %mul3A_559 = vector.broadcast %convert_element_type3A_550 : vector<1000x1xf32> to vector<1000x128xf32>
    %mul3A_560 = arith.mulf %mul3A_559, %dot_general3A_558 : vector<1000x128xf32>
    %add3A_561 = arith.addf %add3A_545, %mul3A_560 : vector<1000x128xf32>
    %swap3A_562 = arith.constant 0 : index
    %swap3A_563 = arith.constant 2 : index
    %swap3A_564 = arith.constant 0 : index
    %swap3A_565 = vector.load %arg4[%swap3A_562, %swap3A_563, %swap3A_564] : memref<1000x4x128xf32, #tpu.memory_space<vmem>>, vector<1000x1x128xf32>
    %swap3A_566 = vector.shape_cast %swap3A_565 : vector<1000x1x128xf32> to vector<1000x128xf32>
    %swap3A_567 = vector.shape_cast %add3A_561 : vector<1000x128xf32> to vector<1000x1x128xf32>
    tpu.vector_store %arg4[%swap3A_562, %swap3A_563, %swap3A_564], %swap3A_567 {strides = array<i32>} : memref<1000x4x128xf32, #tpu.memory_space<vmem>>, vector<1000x1x128xf32>,
    %get3A_568 = arith.constant 0 : index
    %get3A_569 = arith.constant 0 : index
    %get3A_570 = arith.constant 96 : index
    %get3A_571 = vector.load %arg1[%get3A_568, %get3A_569, %get3A_570] : memref<4x1000x128xf32, #tpu.memory_space<vmem>>, vector<1x1000x32xf32>
    %get3A_572 = vector.shape_cast %get3A_571 : vector<1x1000x32xf32> to vector<1000x32xf32>
    %get3A_573 = arith.constant 1 : index
    %get3A_574 = arith.constant 0 : index
    %get3A_575 = arith.constant 96 : index
    %get3A_576 = vector.load %arg1[%get3A_573, %get3A_574, %get3A_575] : memref<4x1000x128xf32, #tpu.memory_space<vmem>>, vector<1x1000x32xf32>
    %get3A_577 = vector.shape_cast %get3A_576 : vector<1x1000x32xf32> to vector<1000x32xf32>
    %get3A_578 = arith.constant 2 : index
    %get3A_579 = arith.constant 0 : index
    %get3A_580 = arith.constant 96 : index
    %get3A_581 = vector.load %arg1[%get3A_578, %get3A_579, %get3A_580] : memref<4x1000x128xf32, #tpu.memory_space<vmem>>, vector<1x1000x32xf32>
    %get3A_582 = vector.shape_cast %get3A_581 : vector<1x1000x32xf32> to vector<1000x32xf32>
    %get3A_583 = arith.constant 3 : index
    %get3A_584 = arith.constant 0 : index
    %get3A_585 = arith.constant 96 : index
    %get3A_586 = vector.load %arg1[%get3A_583, %get3A_584, %get3A_585] : memref<4x1000x128xf32, #tpu.memory_space<vmem>>, vector<1x1000x32xf32>
    %get3A_587 = vector.shape_cast %get3A_586 : vector<1x1000x32xf32> to vector<1000x32xf32>
    %concatenate3A_588 = tpu.concatenate %get3A_572, %get3A_577, %get3A_582, %get3A_587 in 1 : vector<1000x32xf32>, vector<1000x32xf32>, vector<1000x32xf32>, vector<1000x32xf32> -> vector<1000x128xf32>
    %broadcast_in_dim3A_589 = arith.constant 0.000000e+00 : f32
    %broadcast_in_dim3A_590 = vector.broadcast %broadcast_in_dim3A_589 : f32 to vector<1000x128xf32>
    %eq3A_591 = arith.constant 0 : i32
    %eq3A_592 = vector.broadcast %eq3A_591 : i32 to vector<1000x1xi32>
    %eq3A_593 = arith.cmpi eq, %broadcast_in_dim3A_6, %eq3A_592 : vector<1000x1xi32>
    %convert_element_type3A_594 = arith.extui %eq3A_593 : vector<1000x1xi1> to vector<1000x1xi32>
    %convert_element_type3A_595 = arith.sitofp %convert_element_type3A_594 : vector<1000x1xi32> to vector<1000x1xf32>
    %get3A_596 = arith.constant 0 : index
    %get3A_597 = arith.constant 1 : index
    %get3A_598 = arith.constant 0 : index
    %get3A_599 = arith.constant 0 : index
    %get3A_600 = vector.load %arg3[%get3A_596, %get3A_597, %get3A_598, %get3A_599] : memref<10x2x128x128xf32, #tpu.memory_space<vmem>>, vector<1x1x128x128xf32>
    %get3A_601 = vector.shape_cast %get3A_600 : vector<1x1x128x128xf32> to vector<128x128xf32>
    %dot_general3A_602 = arith.constant dense<0.000000e+00> : vector<1000x128xf32>
    %dot_general3A_603 = tpu.matmul %concatenate3A_588, %get3A_601, %dot_general3A_602 {dimension_numbers = #tpu.dot_dimension_numbers<[1], [0], [0], [1], [0, 0, 1, 1], [], []>, transpose_lhs_hint = false} : vector<1000x128xf32>, vector<128x128xf32>, vector<1000x128xf32> -> vector<1000x128xf32>
    %mul3A_604 = vector.broadcast %convert_element_type3A_595 : vector<1000x1xf32> to vector<1000x128xf32>
    %mul3A_605 = arith.mulf %mul3A_604, %dot_general3A_603 : vector<1000x128xf32>
    %add3A_606 = arith.addf %broadcast_in_dim3A_590, %mul3A_605 : vector<1000x128xf32>
    %eq3A_607 = arith.constant 1 : i32
    %eq3A_608 = vector.broadcast %eq3A_607 : i32 to vector<1000x1xi32>
    %eq3A_609 = arith.cmpi eq, %broadcast_in_dim3A_6, %eq3A_608 : vector<1000x1xi32>
    %convert_element_type3A_610 = arith.extui %eq3A_609 : vector<1000x1xi1> to vector<1000x1xi32>
    %convert_element_type3A_611 = arith.sitofp %convert_element_type3A_610 : vector<1000x1xi32> to vector<1000x1xf32>
    %get3A_612 = arith.constant 1 : index
    %get3A_613 = arith.constant 1 : index
    %get3A_614 = arith.constant 0 : index
    %get3A_615 = arith.constant 0 : index
    %get3A_616 = vector.load %arg3[%get3A_612, %get3A_613, %get3A_614, %get3A_615] : memref<10x2x128x128xf32, #tpu.memory_space<vmem>>, vector<1x1x128x128xf32>
    %get3A_617 = vector.shape_cast %get3A_616 : vector<1x1x128x128xf32> to vector<128x128xf32>
    %dot_general3A_618 = arith.constant dense<0.000000e+00> : vector<1000x128xf32>
    %dot_general3A_619 = tpu.matmul %concatenate3A_588, %get3A_617, %dot_general3A_618 {dimension_numbers = #tpu.dot_dimension_numbers<[1], [0], [0], [1], [0, 0, 1, 1], [], []>, transpose_lhs_hint = false} : vector<1000x128xf32>, vector<128x128xf32>, vector<1000x128xf32> -> vector<1000x128xf32>
    %mul3A_620 = vector.broadcast %convert_element_type3A_611 : vector<1000x1xf32> to vector<1000x128xf32>
    %mul3A_621 = arith.mulf %mul3A_620, %dot_general3A_619 : vector<1000x128xf32>
    %add3A_622 = arith.addf %add3A_606, %mul3A_621 : vector<1000x128xf32>
    %eq3A_623 = arith.constant 2 : i32
    %eq3A_624 = vector.broadcast %eq3A_623 : i32 to vector<1000x1xi32>
    %eq3A_625 = arith.cmpi eq, %broadcast_in_dim3A_6, %eq3A_624 : vector<1000x1xi32>
    %convert_element_type3A_626 = arith.extui %eq3A_625 : vector<1000x1xi1> to vector<1000x1xi32>
    %convert_element_type3A_627 = arith.sitofp %convert_element_type3A_626 : vector<1000x1xi32> to vector<1000x1xf32>
    %get3A_628 = arith.constant 2 : index
    %get3A_629 = arith.constant 1 : index
    %get3A_630 = arith.constant 0 : index
    %get3A_631 = arith.constant 0 : index
    %get3A_632 = vector.load %arg3[%get3A_628, %get3A_629, %get3A_630, %get3A_631] : memref<10x2x128x128xf32, #tpu.memory_space<vmem>>, vector<1x1x128x128xf32>
    %get3A_633 = vector.shape_cast %get3A_632 : vector<1x1x128x128xf32> to vector<128x128xf32>
    %dot_general3A_634 = arith.constant dense<0.000000e+00> : vector<1000x128xf32>
    %dot_general3A_635 = tpu.matmul %concatenate3A_588, %get3A_633, %dot_general3A_634 {dimension_numbers = #tpu.dot_dimension_numbers<[1], [0], [0], [1], [0, 0, 1, 1], [], []>, transpose_lhs_hint = false} : vector<1000x128xf32>, vector<128x128xf32>, vector<1000x128xf32> -> vector<1000x128xf32>
    %mul3A_636 = vector.broadcast %convert_element_type3A_627 : vector<1000x1xf32> to vector<1000x128xf32>
    %mul3A_637 = arith.mulf %mul3A_636, %dot_general3A_635 : vector<1000x128xf32>
    %add3A_638 = arith.addf %add3A_622, %mul3A_637 : vector<1000x128xf32>
    %eq3A_639 = arith.constant 3 : i32
    %eq3A_640 = vector.broadcast %eq3A_639 : i32 to vector<1000x1xi32>
    %eq3A_641 = arith.cmpi eq, %broadcast_in_dim3A_6, %eq3A_640 : vector<1000x1xi32>
    %convert_element_type3A_642 = arith.extui %eq3A_641 : vector<1000x1xi1> to vector<1000x1xi32>
    %convert_element_type3A_643 = arith.sitofp %convert_element_type3A_642 : vector<1000x1xi32> to vector<1000x1xf32>
    %get3A_644 = arith.constant 3 : index
    %get3A_645 = arith.constant 1 : index
    %get3A_646 = arith.constant 0 : index
    %get3A_647 = arith.constant 0 : index
    %get3A_648 = vector.load %arg3[%get3A_644, %get3A_645, %get3A_646, %get3A_647] : memref<10x2x128x128xf32, #tpu.memory_space<vmem>>, vector<1x1x128x128xf32>
    %get3A_649 = vector.shape_cast %get3A_648 : vector<1x1x128x128xf32> to vector<128x128xf32>
    %dot_general3A_650 = arith.constant dense<0.000000e+00> : vector<1000x128xf32>
    %dot_general3A_651 = tpu.matmul %concatenate3A_588, %get3A_649, %dot_general3A_650 {dimension_numbers = #tpu.dot_dimension_numbers<[1], [0], [0], [1], [0, 0, 1, 1], [], []>, transpose_lhs_hint = false} : vector<1000x128xf32>, vector<128x128xf32>, vector<1000x128xf32> -> vector<1000x128xf32>
    %mul3A_652 = vector.broadcast %convert_element_type3A_643 : vector<1000x1xf32> to vector<1000x128xf32>
    %mul3A_653 = arith.mulf %mul3A_652, %dot_general3A_651 : vector<1000x128xf32>
    %add3A_654 = arith.addf %add3A_638, %mul3A_653 : vector<1000x128xf32>
    %eq3A_655 = arith.constant 4 : i32
    %eq3A_656 = vector.broadcast %eq3A_655 : i32 to vector<1000x1xi32>
    %eq3A_657 = arith.cmpi eq, %broadcast_in_dim3A_6, %eq3A_656 : vector<1000x1xi32>
    %convert_element_type3A_658 = arith.extui %eq3A_657 : vector<1000x1xi1> to vector<1000x1xi32>
    %convert_element_type3A_659 = arith.sitofp %convert_element_type3A_658 : vector<1000x1xi32> to vector<1000x1xf32>
    %get3A_660 = arith.constant 4 : index
    %get3A_661 = arith.constant 1 : index
    %get3A_662 = arith.constant 0 : index
    %get3A_663 = arith.constant 0 : index
    %get3A_664 = vector.load %arg3[%get3A_660, %get3A_661, %get3A_662, %get3A_663] : memref<10x2x128x128xf32, #tpu.memory_space<vmem>>, vector<1x1x128x128xf32>
    %get3A_665 = vector.shape_cast %get3A_664 : vector<1x1x128x128xf32> to vector<128x128xf32>
    %dot_general3A_666 = arith.constant dense<0.000000e+00> : vector<1000x128xf32>
    %dot_general3A_667 = tpu.matmul %concatenate3A_588, %get3A_665, %dot_general3A_666 {dimension_numbers = #tpu.dot_dimension_numbers<[1], [0], [0], [1], [0, 0, 1, 1], [], []>, transpose_lhs_hint = false} : vector<1000x128xf32>, vector<128x128xf32>, vector<1000x128xf32> -> vector<1000x128xf32>
    %mul3A_668 = vector.broadcast %convert_element_type3A_659 : vector<1000x1xf32> to vector<1000x128xf32>
    %mul3A_669 = arith.mulf %mul3A_668, %dot_general3A_667 : vector<1000x128xf32>
    %add3A_670 = arith.addf %add3A_654, %mul3A_669 : vector<1000x128xf32>
    %eq3A_671 = arith.constant 5 : i32
    %eq3A_672 = vector.broadcast %eq3A_671 : i32 to vector<1000x1xi32>
    %eq3A_673 = arith.cmpi eq, %broadcast_in_dim3A_6, %eq3A_672 : vector<1000x1xi32>
    %convert_element_type3A_674 = arith.extui %eq3A_673 : vector<1000x1xi1> to vector<1000x1xi32>
    %convert_element_type3A_675 = arith.sitofp %convert_element_type3A_674 : vector<1000x1xi32> to vector<1000x1xf32>
    %get3A_676 = arith.constant 5 : index
    %get3A_677 = arith.constant 1 : index
    %get3A_678 = arith.constant 0 : index
    %get3A_679 = arith.constant 0 : index
    %get3A_680 = vector.load %arg3[%get3A_676, %get3A_677, %get3A_678, %get3A_679] : memref<10x2x128x128xf32, #tpu.memory_space<vmem>>, vector<1x1x128x128xf32>
    %get3A_681 = vector.shape_cast %get3A_680 : vector<1x1x128x128xf32> to vector<128x128xf32>
    %dot_general3A_682 = arith.constant dense<0.000000e+00> : vector<1000x128xf32>
    %dot_general3A_683 = tpu.matmul %concatenate3A_588, %get3A_681, %dot_general3A_682 {dimension_numbers = #tpu.dot_dimension_numbers<[1], [0], [0], [1], [0, 0, 1, 1], [], []>, transpose_lhs_hint = false} : vector<1000x128xf32>, vector<128x128xf32>, vector<1000x128xf32> -> vector<1000x128xf32>
    %mul3A_684 = vector.broadcast %convert_element_type3A_675 : vector<1000x1xf32> to vector<1000x128xf32>
    %mul3A_685 = arith.mulf %mul3A_684, %dot_general3A_683 : vector<1000x128xf32>
    %add3A_686 = arith.addf %add3A_670, %mul3A_685 : vector<1000x128xf32>
    %eq3A_687 = arith.constant 6 : i32
    %eq3A_688 = vector.broadcast %eq3A_687 : i32 to vector<1000x1xi32>
    %eq3A_689 = arith.cmpi eq, %broadcast_in_dim3A_6, %eq3A_688 : vector<1000x1xi32>
    %convert_element_type3A_690 = arith.extui %eq3A_689 : vector<1000x1xi1> to vector<1000x1xi32>
    %convert_element_type3A_691 = arith.sitofp %convert_element_type3A_690 : vector<1000x1xi32> to vector<1000x1xf32>
    %get3A_692 = arith.constant 6 : index
    %get3A_693 = arith.constant 1 : index
    %get3A_694 = arith.constant 0 : index
    %get3A_695 = arith.constant 0 : index
    %get3A_696 = vector.load %arg3[%get3A_692, %get3A_693, %get3A_694, %get3A_695] : memref<10x2x128x128xf32, #tpu.memory_space<vmem>>, vector<1x1x128x128xf32>
    %get3A_697 = vector.shape_cast %get3A_696 : vector<1x1x128x128xf32> to vector<128x128xf32>
    %dot_general3A_698 = arith.constant dense<0.000000e+00> : vector<1000x128xf32>
    %dot_general3A_699 = tpu.matmul %concatenate3A_588, %get3A_697, %dot_general3A_698 {dimension_numbers = #tpu.dot_dimension_numbers<[1], [0], [0], [1], [0, 0, 1, 1], [], []>, transpose_lhs_hint = false} : vector<1000x128xf32>, vector<128x128xf32>, vector<1000x128xf32> -> vector<1000x128xf32>
    %mul3A_700 = vector.broadcast %convert_element_type3A_691 : vector<1000x1xf32> to vector<1000x128xf32>
    %mul3A_701 = arith.mulf %mul3A_700, %dot_general3A_699 : vector<1000x128xf32>
    %add3A_702 = arith.addf %add3A_686, %mul3A_701 : vector<1000x128xf32>
    %eq3A_703 = arith.constant 7 : i32
    %eq3A_704 = vector.broadcast %eq3A_703 : i32 to vector<1000x1xi32>
    %eq3A_705 = arith.cmpi eq, %broadcast_in_dim3A_6, %eq3A_704 : vector<1000x1xi32>
    %convert_element_type3A_706 = arith.extui %eq3A_705 : vector<1000x1xi1> to vector<1000x1xi32>
    %convert_element_type3A_707 = arith.sitofp %convert_element_type3A_706 : vector<1000x1xi32> to vector<1000x1xf32>
    %get3A_708 = arith.constant 7 : index
    %get3A_709 = arith.constant 1 : index
    %get3A_710 = arith.constant 0 : index
    %get3A_711 = arith.constant 0 : index
    %get3A_712 = vector.load %arg3[%get3A_708, %get3A_709, %get3A_710, %get3A_711] : memref<10x2x128x128xf32, #tpu.memory_space<vmem>>, vector<1x1x128x128xf32>
    %get3A_713 = vector.shape_cast %get3A_712 : vector<1x1x128x128xf32> to vector<128x128xf32>
    %dot_general3A_714 = arith.constant dense<0.000000e+00> : vector<1000x128xf32>
    %dot_general3A_715 = tpu.matmul %concatenate3A_588, %get3A_713, %dot_general3A_714 {dimension_numbers = #tpu.dot_dimension_numbers<[1], [0], [0], [1], [0, 0, 1, 1], [], []>, transpose_lhs_hint = false} : vector<1000x128xf32>, vector<128x128xf32>, vector<1000x128xf32> -> vector<1000x128xf32>
    %mul3A_716 = vector.broadcast %convert_element_type3A_707 : vector<1000x1xf32> to vector<1000x128xf32>
    %mul3A_717 = arith.mulf %mul3A_716, %dot_general3A_715 : vector<1000x128xf32>
    %add3A_718 = arith.addf %add3A_702, %mul3A_717 : vector<1000x128xf32>
    %eq3A_719 = arith.constant 8 : i32
    %eq3A_720 = vector.broadcast %eq3A_719 : i32 to vector<1000x1xi32>
    %eq3A_721 = arith.cmpi eq, %broadcast_in_dim3A_6, %eq3A_720 : vector<1000x1xi32>
    %convert_element_type3A_722 = arith.extui %eq3A_721 : vector<1000x1xi1> to vector<1000x1xi32>
    %convert_element_type3A_723 = arith.sitofp %convert_element_type3A_722 : vector<1000x1xi32> to vector<1000x1xf32>
    %get3A_724 = arith.constant 8 : index
    %get3A_725 = arith.constant 1 : index
    %get3A_726 = arith.constant 0 : index
    %get3A_727 = arith.constant 0 : index
    %get3A_728 = vector.load %arg3[%get3A_724, %get3A_725, %get3A_726, %get3A_727] : memref<10x2x128x128xf32, #tpu.memory_space<vmem>>, vector<1x1x128x128xf32>
    %get3A_729 = vector.shape_cast %get3A_728 : vector<1x1x128x128xf32> to vector<128x128xf32>
    %dot_general3A_730 = arith.constant dense<0.000000e+00> : vector<1000x128xf32>
    %dot_general3A_731 = tpu.matmul %concatenate3A_588, %get3A_729, %dot_general3A_730 {dimension_numbers = #tpu.dot_dimension_numbers<[1], [0], [0], [1], [0, 0, 1, 1], [], []>, transpose_lhs_hint = false} : vector<1000x128xf32>, vector<128x128xf32>, vector<1000x128xf32> -> vector<1000x128xf32>
    %mul3A_732 = vector.broadcast %convert_element_type3A_723 : vector<1000x1xf32> to vector<1000x128xf32>
    %mul3A_733 = arith.mulf %mul3A_732, %dot_general3A_731 : vector<1000x128xf32>
    %add3A_734 = arith.addf %add3A_718, %mul3A_733 : vector<1000x128xf32>
    %eq3A_735 = arith.constant 9 : i32
    %eq3A_736 = vector.broadcast %eq3A_735 : i32 to vector<1000x1xi32>
    %eq3A_737 = arith.cmpi eq, %broadcast_in_dim3A_6, %eq3A_736 : vector<1000x1xi32>
    %convert_element_type3A_738 = arith.extui %eq3A_737 : vector<1000x1xi1> to vector<1000x1xi32>
    %convert_element_type3A_739 = arith.sitofp %convert_element_type3A_738 : vector<1000x1xi32> to vector<1000x1xf32>
    %get3A_740 = arith.constant 9 : index
    %get3A_741 = arith.constant 1 : index
    %get3A_742 = arith.constant 0 : index
    %get3A_743 = arith.constant 0 : index
    %get3A_744 = vector.load %arg3[%get3A_740, %get3A_741, %get3A_742, %get3A_743] : memref<10x2x128x128xf32, #tpu.memory_space<vmem>>, vector<1x1x128x128xf32>
    %get3A_745 = vector.shape_cast %get3A_744 : vector<1x1x128x128xf32> to vector<128x128xf32>
    %dot_general3A_746 = arith.constant dense<0.000000e+00> : vector<1000x128xf32>
    %dot_general3A_747 = tpu.matmul %concatenate3A_588, %get3A_745, %dot_general3A_746 {dimension_numbers = #tpu.dot_dimension_numbers<[1], [0], [0], [1], [0, 0, 1, 1], [], []>, transpose_lhs_hint = false} : vector<1000x128xf32>, vector<128x128xf32>, vector<1000x128xf32> -> vector<1000x128xf32>
    %mul3A_748 = vector.broadcast %convert_element_type3A_739 : vector<1000x1xf32> to vector<1000x128xf32>
    %mul3A_749 = arith.mulf %mul3A_748, %dot_general3A_747 : vector<1000x128xf32>
    %add3A_750 = arith.addf %add3A_734, %mul3A_749 : vector<1000x128xf32>
    %swap3A_751 = arith.constant 0 : index
    %swap3A_752 = arith.constant 3 : index
    %swap3A_753 = arith.constant 0 : index
    %swap3A_754 = vector.load %arg4[%swap3A_751, %swap3A_752, %swap3A_753] : memref<1000x4x128xf32, #tpu.memory_space<vmem>>, vector<1000x1x128xf32>
    %swap3A_755 = vector.shape_cast %swap3A_754 : vector<1000x1x128xf32> to vector<1000x128xf32>
    %swap3A_756 = vector.shape_cast %add3A_750 : vector<1000x128xf32> to vector<1000x1x128xf32>
    tpu.vector_store %arg4[%swap3A_751, %swap3A_752, %swap3A_753], %swap3A_756 {strides = array<i32>} : memref<1000x4x128xf32, #tpu.memory_space<vmem>>, vector<1000x1x128xf32>,
    return
  }
  func.func @transform_0(%arg0: i32) -> (i32, i32, i32) {
    %c0_i32 = arith.constant 0 : i32
    %c0_i32_0 = arith.constant 0 : i32
    %c0_i32_1 = arith.constant 0 : i32
    return %c0_i32, %arg0, %c0_i32_0 : i32, i32, i32
  }
  func.func @transform_1(%arg0: i32) -> (i32, i32) {
    %c0_i32 = arith.constant 0 : i32
    %c0_i32_0 = arith.constant 0 : i32
    return %arg0, %c0_i32 : i32, i32
  }
  func.func @transform_2(%arg0: i32) -> (i32, i32, i32, i32) {
    %c0_i32 = arith.constant 0 : i32
    %c0_i32_0 = arith.constant 0 : i32
    %c0_i32_1 = arith.constant 0 : i32
    %c0_i32_2 = arith.constant 0 : i32
    %c0_i32_3 = arith.constant 0 : i32
    return %c0_i32, %c0_i32_0, %c0_i32_1, %c0_i32_2 : i32, i32, i32, i32
  }
  func.func @transform_3(%arg0: i32) -> (i32, i32, i32) {
    %c0_i32 = arith.constant 0 : i32
    %c0_i32_0 = arith.constant 0 : i32
    %c0_i32_1 = arith.constant 0 : i32
    return %arg0, %c0_i32, %c0_i32_0 : i32, i32, i32
  }
}

</mosaic_0001>

<sc_bundles>
// kernel: kernel.7.cloned.1.call-start
scs
__scs_entry_jumppad:
0x0: {  	(pc) =	sbr.rel $0x88, $3  }
0x1: {  	(tag) =	ssettag $0x0;
	lr =	simm.s32 $0x1  }
0x2: {  	[smem:$0x3F99] =	sst lr;
	_ =	strace $0xD0000000  }
0x3: {  	_ = 	snop  }
0x4: {  	_ = 	snop  }
0x5: {  	_ = 	snop  }
0x6: {  	_ = 	snop  }
0x7: {  	_ = 	snop  }
__scs_overlays_trampoline_lowered:
0x8: {  	[smem:$0x3FA8] =	sst s0  }
0x9: {  	[smem:$0x3FA9] =	sst s1  }
0xa: {  	[smem:$0x3FAA] =	sst s2  }
0xb: {  	[smem:$0x3FAB] =	sst s3  }
0xc: {  	[smem:$0x3FAC] =	sst s4  }
0xd: {  	[smem:$0x3FAD] =	sst s5  }
0xe: {  	[smem:$0x3FAE] =	sst s6  }
0xf: {  	[smem:$0x3FAF] =	sst s7  }
0x10: {  	[smem:$0x3FB0] =	sst s8  }
0x11: {  	[smem:$0x3FB1] =	sst s9;
	s0 =	simm.s32 @!p0 $0x0  }
0x12: {  	s1 =	sld [smem:$0x3F97];
	s0 =	simm.s32 @p0 $0x1  }
0x13: {  	[smem:$0x3FB2] =	sst s0;
	s0 =	simm.s32 @!p1 $0x0  }
0x14: {  	s2 =	sld [smem:$0x3F96];
	s0 =	simm.s32 @p1 $0x1  }
0x15: {  	[smem:$0x3FB3] =	sst s0;
	s0 =	simm.s32 @!p2 $0x0  }
0x16: {  	s3 =	sld [smem:$0x3FDB];
	s0 =	simm.s32 @p2 $0x1  }
0x17: {  	s4 =	simm.s32 $0x1BF5;
	[smem:$0x3FB5] =	sst s0  }
0x18: {  	s0 =	sld [smem:$0x3F98];
	_ =	swait.ge [sflag:s4], $0x0  }
0x19: {  	s7 =	sld [smem:$0x3F99]  }
0x1a: {  	s8 =	sadd.s32 $0xFFFFE003, lr  }
0x1b: {  	s9 =	sadd.s32 $0xFFFFFEF7, lr;
	s5 =	simm.s32 $0xFFFFFFFF;
	p2 =	slt.u32 s8, $0xFFFFF086  }
0x1c: {  	p1 =	slt.u32 s9, $0xF7A;
	s5 =	simm.s32 @!p2 $0x0  }
0x1d: {  	s5 =	simm.s32 @p1 $0x1;
	p0 =	seq.s32 s7, s2  }
0x1e: {  	s7 =	smul.u32 @!p0 $0xF7A, s2;
	p2 =	seq.s32 @!p0 s5, $0x0  }
0x1f: {  	s9 =	smul.u32 $0xF7A, s1;
	s8 =	simm.s32 @!p0 $0x1BF5;
	p2 =	por !p2, p0  }
0x20: {  	[sflag:s8] =	ssyncset.s32 @!p0 $0xFFFFF086;
	s6 =	sadd.s32 @!p0 s3, s7;
	s7 =	simm.s32 @!p0 $0x108  }
0x21: {  	s3 =	sadd.s32 s3, s9;
	s6 =	sadd.s32 @!p0 $0x88, s6;
	s7 =	simm.s32 @p2 $0x1082  }
0x22: {  	[simem:s7], [sflag:s8] =	dma.local @!p0 [hbm:s6], $0xF7A  }
0x23: {  	s9 =	sor.u32 $0xD0000000, s2;
	s6 =	simm.s32 $0x108;
	_ =	swait.ge @!p0 [sflag:s8], $0x0  }
0x24: {  	s3 =	sadd.s32 $0x88, s3;
	s6 =	simm.s32 @!p1 $0x1082;
	[sflag:s4] =	ssyncset.s32 $0xFFFFF086  }
0x25: {  	[simem:s6], [sflag:s4] =	dma.local [hbm:s3], $0xF7A  }
0x26: {  	[smem:$0x3F99] =	sst s1;
	(tag) =	ssettag s2;
	_ =	strace s9  }
0x27: {  	s1 =	sld [smem:$0x3FA9]  }
0x28: {  	s2 =	sld [smem:$0x3FAA]  }
0x29: {  	s4 =	sld [smem:$0x3FAC]  }
0x2a: {  	p0 =	seq.s32 s5, $0x0;
	s5 =	sld [smem:$0x3FAD]  }
0x2b: {  	s6 =	sld [smem:$0x3FAE]  }
0x2c: {  	s7 =	sld [smem:$0x3FAF]  }
0x2d: {  	s3 =	simm.s32 $0x108;
	s8 =	sld [smem:$0x3FB0]  }
0x2e: {  	s3 =	simm.s32 @!p0 $0x1082;
	s9 =	sld [smem:$0x3FB1]  }
0x2f: {  	lr =	sadd.s32 s0, s3;
	s0 =	sld [smem:$0x3FA8]  }
0x30: {  	s3 =	sld [smem:$0x3FAB]  }
0x31: {  	[smem:$0x3FB4] =	sst s10  }
0x32: {  	s10 =	sld [smem:$0x3FB2];
	_ =	sdelay $0x3  }
0x33: {  	p0 =	seq.s32 s10, $0x1;
	s10 =	sld [smem:$0x3FB4];
	_ =	sdelay $0x3  }
0x34: {  	[smem:$0x3FB4] =	sst s10  }
0x35: {  	s10 =	sld [smem:$0x3FB3];
	_ =	sdelay $0x3  }
0x36: {  	p1 =	seq.s32 s10, $0x1;
	s10 =	sld [smem:$0x3FB4];
	_ =	sdelay $0x3  }
0x37: {  	[smem:$0x3FB4] =	sst s10  }
0x38: {  	s10 =	sld [smem:$0x3FB5]  }
0x39: {  	_ = 	snop;
	(pc) =	sbr.ind lr, $3  }
0x3a: {  	_ = 	snop  }
0x3b: {  	_ = 	snop  }
0x3c: {  	p2 =	seq.s32 s10, $0x1;
	s10 =	sld [smem:$0x3FB4]  }
0x3d: {  	_ =	shalt  }
0x3e: {  	_ =	shalt  }
0x3f: {  	_ =	shalt  }
0x40: {  	_ =	shalt  }
0x41: {  	_ =	shalt  }
0x42: {  	_ =	shalt  }
0x43: {  	_ =	shalt  }
0x44: {  	_ =	shalt  }
0x45: {  	_ =	shalt  }
0x46: {  	_ =	shalt  }
0x47: {  	_ =	shalt  }
0x48: {  	_ =	shalt  }
0x49: {  	_ =	shalt  }
0x4a: {  	_ =	shalt  }
0x4b: {  	_ =	shalt  }
0x4c: {  	_ =	shalt  }
0x4d: {  	_ =	shalt  }
0x4e: {  	_ =	shalt  }
0x4f: {  	_ =	shalt  }
0x50: {  	_ =	shalt  }
0x51: {  	_ =	shalt  }
0x52: {  	_ =	shalt  }
0x53: {  	_ =	shalt  }
0x54: {  	_ =	shalt  }
0x55: {  	_ =	shalt  }
0x56: {  	_ =	shalt  }
0x57: {  	_ =	shalt  }
0x58: {  	_ =	shalt  }
0x59: {  	_ =	shalt  }
0x5a: {  	_ =	shalt  }
0x5b: {  	_ =	shalt  }
0x5c: {  	_ =	shalt  }
0x5d: {  	_ =	shalt  }
0x5e: {  	_ =	shalt  }
0x5f: {  	_ =	shalt  }
0x60: {  	_ =	shalt  }
0x61: {  	_ =	shalt  }
0x62: {  	_ =	shalt  }
0x63: {  	_ =	shalt  }
0x64: {  	_ =	shalt  }
0x65: {  	_ =	shalt  }
0x66: {  	_ =	shalt  }
0x67: {  	_ =	shalt  }
0x68: {  	_ =	shalt  }
0x69: {  	_ =	shalt  }
0x6a: {  	_ =	shalt  }
0x6b: {  	_ =	shalt  }
0x6c: {  	_ =	shalt  }
0x6d: {  	_ =	shalt  }
0x6e: {  	_ =	shalt  }
0x6f: {  	_ =	shalt  }
0x70: {  	_ =	shalt  }
0x71: {  	_ =	shalt  }
0x72: {  	_ =	shalt  }
0x73: {  	_ =	shalt  }
0x74: {  	_ =	shalt  }
0x75: {  	_ =	shalt  }
0x76: {  	_ =	shalt  }
0x77: {  	_ =	shalt  }
0x78: {  	_ =	shalt  }
0x79: {  	_ =	shalt  }
0x7a: {  	_ =	shalt  }
0x7b: {  	_ =	shalt  }
0x7c: {  	_ =	shalt  }
0x7d: {  	_ =	shalt  }
0x7e: {  	_ =	shalt  }
0x7f: {  	_ =	shalt  }
0x80: {  	_ =	shalt  }
0x81: {  	_ =	shalt  }
0x82: {  	_ =	shalt  }
0x83: {  	_ =	shalt  }
0x84: {  	_ =	shalt  }
0x85: {  	_ =	shalt  }
0x86: {  	_ =	shalt  }
0x87: {  	_ =	shalt  }
.Lfunc_end0:
.L_simem_size_0:
called_computation_lowered:
.L_overlay_start_0:
0x88: {  	s2 =	sld [smem:$0x3FD9]  }
0x89: {  	s3 =	sld [smem:$0x3FFE];
	_ =	sdelay $0x1  }
0x8a: {  	s1 =	srdreg.scid  }
0x8b: {  	s0 =	sand.u32 $0x1, s1  }
0x8c: {  	s17 =	sshll.u32 s0, $0xA;
	s2 =	sadd.s32 s3, s2  }
0x8d: {  	s2 =	sadd.s32 s2, s17  }
0x8e: {  	[smem:$0x3FC0] =	sst s2  }
0x8f: {  	_ = 	snop  }
0x90: {  	s2 =	sld [smem:$0x3FD0];
	(tm) =	ssettm $0x1  }
0x91: {  	s18 =	sld [smem:$0x3FFB];
	_ =	sdelay $0x3  }
0x92: {  	_ =	strace s18  }
0x93: {  	s3 =	sld [smem:$0x3FFC];
	_ =	sdelay $0x3  }
0x94: {  	_ =	strace s3  }
0x95: {  	s3 =	sld [smem:$0x3FFD];
	_ =	sdelay $0x3  }
0x96: {  	_ =	strace s3  }
0x97: {  	_ =	strace $0x8FFFFFFF  }
0x98: {  	s19 =	sld [smem:$0x3FDB];
	_ =	sdelay $0x1  }
0x99: {  	s4 =	simm.s32 $_scs_section_size  }
0x9a: {  	s5 =	simm.s32 $_size__tile_overlayer_lowered;
	s6 =	simm.s32 $_tile_overlayer_lowered  }
0x9b: {  	s22 =	simm.s32 $0x1BFF;
	s21 =	sshll.u32 s6, $0x1;
	s3 =	sadd.s32 s4, s19  }
0x9c: {  	s7 =	simm.s32 $0x0;
	s20 =	sshll.u32 s5, $0x1;
	s5 =	sadd.s32 s21, s3  }
0x9d: {  	[timem:s7], [sflag:s22] =	dma.local [hbm:s5], s20  }
0x9e: {  	_ =	swait.ge [sflag:s22], s20  }
0x9f: {  	s4 =	ssub.s32 $0x0, s20;
	[sflag:s22] =	ssyncset.done $0x0  }
0xa0: {  	[sflag:s22] =	ssyncadd.s32 s4;
	_ =	sdelay $0x1  }
0xa1: {  	s23 =	simm.s32 $0x1B8B  }
0xa2: {  	_ =	swait.ge [sflag:s23], $0x1  }
0xa3: {  	[sflag:s23] =	ssyncset.done $0x0  }
0xa4: {  	s25 =	simm.s32 $0x1B8E;
	s24 =	sld [smem:$0x3FFE];
	[sflag:s23] =	ssyncadd.s32 $0xFFFFFFFF  }
0xa5: {  	s26 =	simm.s32 $execute0_lowered;
	[smem:$0x3FD2] =	sst s25  }
0xa6: {  	s5 =	sshll.u32 s26, $0x1;
	_ =	strace $0x80000046;
	[dreg:$0x1] =	wrdreg $0xFFFFFFFF  }
0xa7: {  	s28 =	simm.s32 $_size_execute0_lowered;
	s3 =	sadd.s32 s3, s5;
	[dreg:$0x0] =	wrdreg $0x0  }
0xa8: {  	s5 =	sshll.u32 s28, $0x1;
	[dreg:$0x2] =	wrdreg s3  }
0xa9: {  	[dreg:$0x3] =	wrdreg s5  }
0xaa: {  	[dreg:$0x4] =	wrdreg $0xC0  }
0xab: {  	_ =	task [dreg:s7], $0x5FFFF  }
0xac: {  	[dreg:$0x1] =	wrdreg $0xFFFFFFFF  }
0xad: {  	[dreg:$0x0] =	wrdreg $0x60  }
0xae: {  	[dreg:$0x2] =	wrdreg s2  }
0xaf: {  	[dreg:$0x3] =	wrdreg s24  }
0xb0: {  	[dreg:$0x4] =	wrdreg $0xAC000  }
0xb1: {  	[dreg:$0x5] =	wrdreg $0x9  }
0xb2: {  	_ =	task.clear_ibuf [dreg:s7], $0x6FFFF;
	_ =	strace $0x90000046  }
0xb3: {  	s29 =	simm.s32 $0x9;
	_ =	strace $0x80000048  }
0xb4: {  	_ =	swait.ge [sflag:s29], $0x1  }
0xb5: {  	[sflag:s29] =	ssyncadd.s32 $0xFFFFFFFF  }
0xb6: {  	_ =	strace $0x90000048  }
0xb7: {  	_ =	sfence  }
0xb8: {  	s30 =	sld [smem:$0x0];
	_ =	sdelay $0x2  }
0xb9: {  	s31 =	sshll.u32 s1, $0xD;
	s1 =	sshrl.u32 s1, $0x2  }
0xba: {  	s3 =	sand.u32 $0x4000, s31;
	s1 =	sadd.s32 s1, s30  }
0xbb: {  	s0 =	sor.u32 s3, s0;
	s1 =	sshll.u32 s1, $0x11  }
0xbc: {  	s0 =	sor.u32 s1, s0  }
0xbd: {  	s0 =	sadd.s32 $0x8F2B, s0  }
0xbe: {  	[sflag:s0] =	ssyncadd.remote.s32 $0x1  }
0xbf: {  	_ =	sfence.sel $0xFFFF  }
0xc0: {  	[dreg:$0x0] =	wrdreg $0xFFFFFFFF;
	(pc) =	sbr.abs _section_cstart, $3  }
0xc1: {  	[dreg:$0x1] =	wrdreg $0xFFFFFFFF  }
0xc2: {  	_ =	task.clear_ibuf [dreg:s7], $0x2FFFF;
	_ =	strace $0x9FFFFFFF  }
0xc3: {  	(tm) =	ssettm $0x7FFFFFFF  }
tec
execute0_lowered:
.L_overlay_start_1:
0x0: {  	(tag) =	ssettag $0x1  }
0x1: {  	s2 =	rddreg [dreg:$0x0]  }
0x2: {  	s0 =	rddreg [dreg:$0x1]  }
0x3: {  	s3 =	rddreg [dreg:$0x2];
	s15 =	stileid.u32;
	s4 =	simm.s32 $0x0  }
0x4: {  	s5 =	srdreg.scid;
	s28 =	simm.s32 $0x2;
	s29 =	simm.s32 $0x5C00  }
0x5: {  	s31 =	simm.s32 $0x3400;
	s1 =	smul.u32 $0x1400, s15;
	[smem:$0x7FF] =	sst s4  }
0x6: {  	s11 =	sand.u32 $0x1, s5;
	s5 =	sadd.s32 $0x15200, s0;
	s9 =	smul.u32 $0x4F000, s15  }
0x7: {  	s30 =	simm.s32 $0x1;
	s6 =	sadd.s32 $0x9D9200, s0;
	s7 =	sadd.s32 $0x9E1200, s0  }
0x8: {  	p0 =	seq.s32 s15, $0xF;
	s23 =	smul.u32 $0x13C00, s15;
	_ =	strace $0x80000047  }
0x9: {  	s8 =	ssub.s32 $0x2, s11;
	s24 =	smul.u32 $0x278000, s11;
	s20 =	sshllo.u32 s11, $0x1  }
0xa: {  	s1 =	sadd.s32 s1, s0;
	s10 =	sshrl.u32 s8, $0x1;
	s9 =	sshrl.u32 s9, $0x2  }
0xb: {  	s0 =	sadd.s32 $0x9E9200, s0;
	s19 =	smul.u32 $0x13C000, s20;
	s9 =	sadd.s32 s9, s3  }
0xc: {  	s21 =	smul.u32 $0x1388000, s20;
	s12 =	ssub.s32 s8, s10;
	s13 =	sadd.s32 $0x5000, s9  }
0xd: {  	s8 =	simm.s32 $0x50;
	s22 =	sadd.s32 $0x7800, s9;
	[dreg:$0x4] =	wrdreg s13  }
0xe: {  	s10 =	simm.s32 $0x50;
	s14 =	sadd.s32 $0xA000, s9;
	[dreg:$0x5] =	wrdreg s22  }
0xf: {  	s18 =	sadd.s32 $0x1200, s1;
	s17 =	sadd.s32 $0xC800, s9;
	[dreg:$0x6] =	wrdreg s14  }
0x10: {  	s8 =	simm.s32 @!p0 $0x80;
	s25 =	sadd.s32 $0xF000, s9;
	[dreg:$0x7] =	wrdreg s17  }
0x11: {  	s16 =	sadd.s32 $0x2800, s9;
	s26 =	sadd.s32 $0x11800, s9;
	[dreg:$0x8] =	wrdreg s25  }
0x12: {  	s20 =	smax.u32 s12, $0x1;
	[dreg:$0x9] =	wrdreg s26;
	s14 =	sadd.s32 s23, s24  }
0x13: {  	s13 =	sadd.s32 s23, s19;
	s19 =	smul.u32 $0x2710000, s11;
	[dreg:$0xc] =	wrdreg s20  }
0x14: {  	s22 =	sshll.u32 s11, $0x6;
	s1 =	sshrl.u32 s14, $0x3;
	s17 =	sshrl.u32 s13, $0x3  }
0x15: {  	s24 =	smul.u32 $0x2800, s15;
	s1 =	sadd.s32 s0, s1;
	s0 =	sadd.s32 s0, s17  }
0x16: {  	s23 =	sor.u32 $0x5C00, s22;
	[dreg:$0xb] =	wrdreg s0;
	s0 =	sor.u32 $0x5DB0, s22  }
0x17: {  	v2 =	vimm.f32 $0.0e+00;
	s25 =	sshll.u32 s15, $0xE;
	s26 =	simm.s32 $0x8400;
	v0 =	vmov s23;
	[dreg:$0xa] =	wrdreg s1;
	v1 =	vmov s0  }
.LBB2_1:
0x18: {  	s0 =	simm.s32 $0x0;
	s1 =	simm.s32 $0x200  }
.LBB2_2:
0x19: {  	p0 =	sne.s32 s1, $0x9E00;
	[tilespmem:s0+$0x8470] =	vst v2  }
0x1a: {  	[tilespmem:s0+$0x8400] =	vst v2  }
0x1b: {  	[tilespmem:s0+$0x8410] =	vst v2  }
.Ltmp0:
0x1c: {  	[tilespmem:s0+$0x8420] =	vst v2;
	(pc) =	sbr.rel @p0 .LBB2_2-.Ltmp0, $4  }
0x1d: {  	[tilespmem:s0+$0x8430] =	vst v2  }
0x1e: {  	[tilespmem:s0+$0x8440] =	vst v2  }
0x1f: {  	[tilespmem:s0+$0x8450] =	vst v2  }
0x20: {  	[tilespmem:s0+$0x8460] =	vst v2;
	s0 =	sshra.s32 s1, $0x2;
	s1 =	sadd.s32 $0x200, s1  }
0x21: {  	[tilespmem:s0+$0x8470] =	vst v2  }
0x22: {  	[tilespmem:s0+$0x8400] =	vst v2  }
0x23: {  	[tilespmem:s0+$0x8410] =	vst v2  }
0x24: {  	[tilespmem:s0+$0x8420] =	vst v2  }
0x25: {  	[tilespmem:s0+$0x8430] =	vst v2  }
0x26: {  	[tilespmem:s0+$0x8440] =	vst v2  }
0x27: {  	[tilespmem:s0+$0x8450] =	vst v2  }
0x28: {  	[tilespmem:s0+$0x8460] =	vst v2  }
0x29: {  	[spmem:s9] =	stream.linear.scatter [tilespmem:s26], [sflag:$0x2], $0x2800, $0x38;
	[tilespmem:$0x1E800] =	vst v63  }
0x2a: {  	_ =	swait.ge [sflag:s28], $0x2800  }
0x2b: {  	[sflag:s28] =	ssyncset.done $0x0  }
0x2c: {  	[sflag:s28] =	ssyncadd.s32 $0xFFFFD800  }
0x2d: {  	[spmem:s16] =	stream.linear.scatter [tilespmem:s26], [sflag:$0x2], $0x2800, $0x38;
	[tilespmem:$0x1E800] =	vst v63  }
0x2e: {  	_ =	swait.ge [sflag:s28], $0x2800  }
0x2f: {  	[sflag:s28] =	ssyncset.done $0x0  }
0x30: {  	s14 =	rddreg [dreg:$0x4];
	[sflag:s28] =	ssyncadd.s32 $0xFFFFD800  }
0x31: {  	[spmem:s14] =	stream.linear.scatter [tilespmem:s26], [sflag:$0x2], $0x2800, $0x38;
	[tilespmem:$0x1E800] =	vst v63  }
0x32: {  	_ =	swait.ge [sflag:s28], $0x2800  }
0x33: {  	[sflag:s28] =	ssyncset.done $0x0  }
0x34: {  	s15 =	rddreg [dreg:$0x5];
	[sflag:s28] =	ssyncadd.s32 $0xFFFFD800  }
0x35: {  	[spmem:s15] =	stream.linear.scatter [tilespmem:s26], [sflag:$0x2], $0x2800, $0x38;
	[tilespmem:$0x1E800] =	vst v63  }
0x36: {  	_ =	swait.ge [sflag:s28], $0x2800  }
0x37: {  	[sflag:s28] =	ssyncset.done $0x0  }
0x38: {  	s17 =	rddreg [dreg:$0x6];
	[sflag:s28] =	ssyncadd.s32 $0xFFFFD800  }
0x39: {  	[spmem:s17] =	stream.linear.scatter [tilespmem:s26], [sflag:$0x2], $0x2800, $0x38;
	[tilespmem:$0x1E800] =	vst v63  }
0x3a: {  	_ =	swait.ge [sflag:s28], $0x2800  }
0x3b: {  	[sflag:s28] =	ssyncset.done $0x0  }
0x3c: {  	s20 =	rddreg [dreg:$0x7];
	[sflag:s28] =	ssyncadd.s32 $0xFFFFD800  }
0x3d: {  	[spmem:s20] =	stream.linear.scatter [tilespmem:s26], [sflag:$0x2], $0x2800, $0x38;
	[tilespmem:$0x1E800] =	vst v63  }
0x3e: {  	_ =	swait.ge [sflag:s28], $0x2800  }
0x3f: {  	[sflag:s28] =	ssyncset.done $0x0  }
0x40: {  	s22 =	rddreg [dreg:$0x8];
	[sflag:s28] =	ssyncadd.s32 $0xFFFFD800  }
0x41: {  	[spmem:s22] =	stream.linear.scatter [tilespmem:s26], [sflag:$0x2], $0x2800, $0x38;
	[tilespmem:$0x1E800] =	vst v63  }
0x42: {  	_ =	swait.ge [sflag:s28], $0x2800  }
0x43: {  	[sflag:s28] =	ssyncset.done $0x0  }
0x44: {  	s23 =	rddreg [dreg:$0x9];
	[sflag:s28] =	ssyncadd.s32 $0xFFFFD800  }
0x45: {  	[spmem:s23] =	stream.linear.scatter [tilespmem:s26], [sflag:$0x2], $0x2400, $0x38;
	[tilespmem:$0x1E800] =	vst v63  }
0x46: {  	_ =	swait.ge [sflag:s28], $0x2400  }
0x47: {  	[sflag:s28] =	ssyncset.done $0x0  }
0x48: {  	s0 =	simm.s32 $0x0;
	[sflag:s28] =	ssyncadd.s32 $0xFFFFDC00  }
0x49: {  	s1 =	simm.s32 $0x0;
	s20 =	simm.s32 $0x0;
	[bflag:$0x0] =	sbarrier.arrive $0xFFFF  }
.LBB2_4:
0x4a: {  	s11 =	sand.u32 $0x1F, s20  }
0x4b: {  	p0 =	sne.s32 s11, $0x0  }
0x4c: {  	s12 =	sshll.u32 @!p0 s20, $0x7  }
0x4d: {  	s12 =	sadd.s32 @!p0 s25, s12  }
0x4e: {  	s12 =	sshrl.u32 @!p0 s12, $0x3  }
0x4f: {  	s14 =	simm.s32 @!p0 $0x0;
	s22 =	simm.s32 @!p0 $0x1000;
	s13 =	sadd.s32 @!p0 s7, s12  }
0x50: {  	[tilespmem:s22], [sflag:$0x2] =	stream.linear.gather @!p0 [hbm4b:s13+s14], $0x1000, $0x38;
	[tilespmem:$0x1E800] =	vst v63  }
0x51: {  	s13 =	simm.s32 @!p0 $0x2  }
0x52: {  	_ =	swait.ge @!p0 [sflag:s13], $0x1000  }
0x53: {  	s23 =	sand.u32 $0xF, s20;
	[sflag:s13] =	ssyncset.done @!p0 $0x0  }
0x54: {  	p1 =	sne.s32 s23, $0x0;
	s12 =	sadd.s32 @!p0 s6, s12;
	[sflag:s13] =	ssyncadd.s32 @!p0 $0xFFFFF000  }
0x55: {  	[tilespmem:s14], [sflag:$0x2] =	stream.linear.gather @!p0 [hbm4b:s12+s14], $0x1000, $0x38;
	[tilespmem:$0x1E800] =	vst v63  }
0x56: {  	s12 =	sshrl.u32 @!p1 s20, $0x4  }
0x57: {  	_ =	swait.ge @!p0 [sflag:s13], $0x1000;
	s12 =	smul.u32 @!p1 $0x280, s12  }
0x58: {  	s14 =	simm.s32 @!p1 $0x2000;
	[sflag:s13] =	ssyncset.done @!p0 $0x0  }
0x59: {  	[sflag:s13] =	ssyncadd.s32 @!p0 $0xFFFFF000;
	s12 =	sadd.s32 @!p1 s18, s12;
	s13 =	simm.s32 @!p1 $0x0  }
0x5a: {  	[tilespmem:s14], [sflag:$0x2] =	stream.linear.gather @!p1 [hbm4b:s12+s13], $0x1400, $0x38;
	[tilespmem:$0x1E800] =	vst v63  }
0x5b: {  	s12 =	simm.s32 @!p1 $0x2;
	s14 =	smul.u32 $0x50, s20  }
0x5c: {  	_ =	swait.ge @!p1 [sflag:s12], $0x1400  }
0x5d: {  	[sflag:s12] =	ssyncset.done @!p1 $0x0;
	s13 =	sadd.s32 s24, s14  }
0x5e: {  	s22 =	sshll.u32 s11, $0x7;
	[sflag:s12] =	ssyncadd.s32 @!p1 $0xFFFFEC00;
	s15 =	sshll.u32 s13, $0x7  }
0x5f: {  	[tilespmem:s29], [sflag:$0x1] =	stream.indirect.gather [hbm4b:s2+s10], $0x80, s22, s10, $0xb8;
	[tilespmem:$0x1E800] =	vst v63  }
0x60: {  	s11 =	sadd.s32 s19, s15;
	_ =	swait.ge [sflag:s30], $0x2800  }
0x61: {  	s11 =	sshrl.u32 s11, $0x3;
	[sflag:s30] =	ssyncset.done $0x0  }
0x62: {  	s17 =	sand.u32 $0xF, s1;
	s11 =	sadd.s32 s5, s11;
	[sflag:s30] =	ssyncadd.s32 $0xFFFFD800  }
0x63: {  	[tilespmem:s31], [sflag:$0x2] =	stream.linear.gather [hbm4b:s11+s0], $0x2800, $0x38;
	[tilespmem:$0x1E800] =	vst v63  }
0x64: {  	s12 =	smul.u32 $0x140, s17;
	_ =	swait.ge [sflag:s28], $0x2800  }
0x65: {  	[sflag:s28] =	ssyncset.done $0x0  }
0x66: {  	s23 =	sand.u32 $0x3FF0, s12;
	[sflag:s28] =	ssyncadd.s32 $0xFFFFD800  }
0x67: {  	s11 =	simm.s32 $0x0;
	v3 =	vld [tilespmem:s23+$0x2000]  }
0x68: {  	v4 =	vld.idx.msk [tilespmem:v0+s11+$0x0 ss:$0x1], $0xffff  }
0x69: {  	v5 =	vld [tilespmem:s11+$0x3400];
	_ =	sdelay $0x1  }
0x6a: {  	v6 =	vld [tilespmem:s11+$0x3420];
	_ =	sdelay $0x2  }
0x6b: {  	v7 =	vbroadcast v3, $0x0;
	v5 =	vmul.f32 v5, v4  }
0x6c: {  	v8 =	vbroadcast v3, $0x3  }
0x6d: {  	v4 =	vmul.f32 v6, v4;
	v5 =	vmul.f32 v5, v7  }
0x6e: {  	v6 =	vbroadcast v3, $0x1  }
0x6f: {  	v9 =	vmul.f32 v4, v8;
	[tilespmem:s11+$0x8400] =	vst v5;
	v5 =	vbroadcast v3, $0x2  }
0x70: {  	v10 =	vmul.f32 v4, v6  }
0x71: {  	[tilespmem:s11+$0x8460] =	vst v9;
	v4 =	vmul.f32 v4, v5  }
0x72: {  	[tilespmem:s11+$0x8420] =	vst v10  }
0x73: {  	v55 =	vld [tilespmem:s11+$0x3410];
	[tilespmem:s11+$0x8440] =	vst v4  }
0x74: {  	v4 =	vld.idx.msk [tilespmem:v0+s11+$0x10 ss:$0x1], $0xffff  }
0x75: {  	v11 =	vld [tilespmem:s11+$0x3430];
	_ =	sdelay $0x3  }
0x76: {  	v9 =	vmul.f32 v55, v4  }
0x77: {  	v4 =	vmul.f32 v11, v4  }
0x78: {  	v7 =	vmul.f32 v9, v7  }
0x79: {  	v8 =	vmul.f32 v4, v8  }
0x7a: {  	v6 =	vmul.f32 v4, v6;
	[tilespmem:s11+$0x8410] =	vst v7  }
0x7b: {  	v4 =	vmul.f32 v4, v5;
	[tilespmem:s11+$0x8470] =	vst v8  }
0x7c: {  	[tilespmem:s11+$0x8430] =	vst v6  }
0x7d: {  	v5 =	vld [tilespmem:s11+$0x3480];
	[tilespmem:s11+$0x8450] =	vst v4  }
0x7e: {  	v4 =	vld.idx.msk [tilespmem:v0+s11+$0x80 ss:$0x1], $0xffff  }
0x7f: {  	v6 =	vld [tilespmem:s11+$0x34A0];
	_ =	sdelay $0x3  }
0x80: {  	v7 =	vbroadcast v3, $0x4;
	v5 =	vmul.f32 v5, v4  }
0x81: {  	v4 =	vmul.f32 v6, v4;
	v6 =	vbroadcast v3, $0x6  }
0x82: {  	v8 =	vbroadcast v3, $0x5;
	v5 =	vmul.f32 v5, v7  }
0x83: {  	v56 =	vbroadcast v3, $0x7;
	v57 =	vmul.f32 v4, v6  }
0x84: {  	v58 =	vmul.f32 v4, v8;
	[tilespmem:s11+$0x8480] =	vst v5  }
0x85: {  	v4 =	vmul.f32 v4, v56;
	[tilespmem:s11+$0x84C0] =	vst v57  }
0x86: {  	[tilespmem:s11+$0x84A0] =	vst v58  }
0x87: {  	[tilespmem:s11+$0x84E0] =	vst v4;
	v5 =	vld [tilespmem:s11+$0x3490]  }
0x88: {  	v4 =	vld.idx.msk [tilespmem:v0+s11+$0x90 ss:$0x1], $0xffff  }
0x89: {  	v59 =	vld [tilespmem:s11+$0x34B0];
	_ =	sdelay $0x3  }
0x8a: {  	v5 =	vmul.f32 v5, v4  }
0x8b: {  	v4 =	vmul.f32 v59, v4  }
0x8c: {  	v5 =	vmul.f32 v5, v7  }
0x8d: {  	v6 =	vmul.f32 v4, v6  }
0x8e: {  	v7 =	vmul.f32 v4, v8;
	[tilespmem:s11+$0x8490] =	vst v5  }
0x8f: {  	v4 =	vmul.f32 v4, v56;
	[tilespmem:s11+$0x84D0] =	vst v6  }
0x90: {  	[tilespmem:s11+$0x84B0] =	vst v7  }
0x91: {  	[tilespmem:s11+$0x84F0] =	vst v4;
	v5 =	vld [tilespmem:s11+$0x3500]  }
0x92: {  	v4 =	vld.idx.msk [tilespmem:v0+s11+$0x100 ss:$0x1], $0xffff  }
0x93: {  	v6 =	vld [tilespmem:s11+$0x3520];
	_ =	sdelay $0x3  }
0x94: {  	v7 =	vbroadcast v3, $0x8;
	v5 =	vmul.f32 v5, v4  }
0x95: {  	v8 =	vbroadcast v3, $0x9;
	v4 =	vmul.f32 v6, v4  }
0x96: {  	v60 =	vbroadcast v3, $0xB;
	v5 =	vmul.f32 v5, v7  }
0x97: {  	v6 =	vbroadcast v3, $0xA;
	v61 =	vmul.f32 v4, v8  }
0x98: {  	v62 =	vmul.f32 v4, v60;
	[tilespmem:s11+$0x8500] =	vst v5  }
0x99: {  	v4 =	vmul.f32 v4, v6;
	[tilespmem:s11+$0x8520] =	vst v61  }
0x9a: {  	v63 =	vld [tilespmem:s11+$0x3510];
	[tilespmem:s11+$0x8560] =	vst v62  }
0x9b: {  	[tilespmem:s11+$0x8540] =	vst v4;
	v4 =	vld [tilespmem:s11+$0x3530]  }
0x9c: {  	v5 =	vld.idx.msk [tilespmem:v0+s11+$0x110 ss:$0x1], $0xffff;
	_ =	sdelay $0x4  }
0x9d: {  	v10 =	vmul.f32 v63, v5;
	v5 =	vmul.f32 v4, v5;
	_ =	sdelay $0x1  }
0x9e: {  	v4 =	vmul.f32 v10, v7;
	v7 =	vmul.f32 v5, v8  }
0x9f: {  	s13 =	simm.s32 $0x800;
	v6 =	vmul.f32 v5, v6;
	v5 =	vmul.f32 v5, v60  }
.LBB2_5:
0xa0: {  	p0 =	sne.s32 s13, $0x9800  }
0xa1: {  	[tilespmem:s11+$0x8530] =	vst v7;
	s12 =	sadd.s32 $0x10, s12;
	s14 =	smov.u32 s13;
	s13 =	sadd.s32 $0x800, s13  }
0xa2: {  	[tilespmem:s11+$0x8550] =	vst v6  }
0xa3: {  	[tilespmem:s11+$0x8510] =	vst v4  }
0xa4: {  	[tilespmem:s11+$0x8570] =	vst v5;
	v4 =	vld [tilespmem:s11+$0x35A0]  }
0xa5: {  	v5 =	vld.idx.msk [tilespmem:v0+s11+$0x180 ss:$0x1], $0xffff  }
0xa6: {  	v6 =	vld [tilespmem:s11+$0x3580];
	_ =	sdelay $0x3  }
0xa7: {  	v7 =	vbroadcast v3, $0xC;
	v8 =	vbroadcast v3, $0xD  }
0xa8: {  	v4 =	vmul.f32 v4, v5;
	v6 =	vmul.f32 v6, v5  }
0xa9: {  	v5 =	vbroadcast v3, $0xE;
	v3 =	vbroadcast v3, $0xF  }
0xaa: {  	v9 =	vmul.f32 v4, v8;
	v6 =	vmul.f32 v6, v7  }
0xab: {  	v10 =	vmul.f32 v4, v5;
	v4 =	vmul.f32 v4, v3  }
0xac: {  	[tilespmem:s11+$0x8580] =	vst v6  }
0xad: {  	[tilespmem:s11+$0x85C0] =	vst v10  }
0xae: {  	[tilespmem:s11+$0x85E0] =	vst v4  }
0xaf: {  	[tilespmem:s11+$0x85A0] =	vst v9;
	v4 =	vld [tilespmem:s11+$0x35B0]  }
0xb0: {  	v6 =	vld.idx.msk [tilespmem:v0+s11+$0x190 ss:$0x1], $0xffff  }
0xb1: {  	v9 =	vld [tilespmem:s11+$0x3590];
	_ =	sdelay $0x4  }
0xb2: {  	v4 =	vmul.f32 v4, v6;
	v9 =	vmul.f32 v9, v6  }
0xb3: {  	s14 =	sshra.s32 s14, $0x2  }
0xb4: {  	v6 =	vmul.f32 v9, v7;
	v7 =	vmul.f32 v4, v8  }
0xb5: {  	v5 =	vmul.f32 v4, v5;
	v3 =	vmul.f32 v4, v3  }
0xb6: {  	v4 =	vld [tilespmem:s14+$0x3420];
	[tilespmem:s11+$0x8590] =	vst v6  }
0xb7: {  	[tilespmem:s11+$0x85B0] =	vst v7  }
0xb8: {  	[tilespmem:s11+$0x85F0] =	vst v3  }
0xb9: {  	s23 =	sand.u32 $0x3FF0, s12;
	[tilespmem:s11+$0x85D0] =	vst v5;
	s11 =	smov.u32 s14  }
0xba: {  	v3 =	vld [tilespmem:s23+$0x2000]  }
0xbb: {  	v5 =	vld.idx.msk [tilespmem:v0+s11+$0x0 ss:$0x1], $0xffff  }
0xbc: {  	v6 =	vld [tilespmem:s11+$0x3400];
	_ =	sdelay $0x2  }
0xbd: {  	v7 =	vbroadcast v3, $0x0;
	v8 =	vbroadcast v3, $0x1  }
0xbe: {  	v9 =	vbroadcast v3, $0x2;
	v10 =	vbroadcast v3, $0x3  }
0xbf: {  	v4 =	vmul.f32 v4, v5;
	v6 =	vmul.f32 v6, v5;
	_ =	sdelay $0x1  }
0xc0: {  	v5 =	vmul.f32 v6, v7;
	v6 =	vmul.f32 v4, v8  }
0xc1: {  	v11 =	vmul.f32 v4, v9;
	v4 =	vmul.f32 v4, v10  }
0xc2: {  	[tilespmem:s11+$0x8400] =	vst v5;
	v5 =	vld [tilespmem:s11+$0x3430]  }
0xc3: {  	[tilespmem:s11+$0x8460] =	vst v4  }
0xc4: {  	[tilespmem:s11+$0x8420] =	vst v6;
	v4 =	vld [tilespmem:s11+$0x3410]  }
0xc5: {  	[tilespmem:s11+$0x8440] =	vst v11  }
0xc6: {  	v6 =	vld.idx.msk [tilespmem:v0+s11+$0x10 ss:$0x1], $0xffff;
	_ =	sdelay $0x5  }
0xc7: {  	v4 =	vmul.f32 v4, v6;
	v5 =	vmul.f32 v5, v6;
	_ =	sdelay $0x1  }
0xc8: {  	v4 =	vmul.f32 v4, v7;
	v6 =	vmul.f32 v5, v8  }
0xc9: {  	v7 =	vmul.f32 v5, v9;
	v5 =	vmul.f32 v5, v10  }
0xca: {  	[tilespmem:s11+$0x8410] =	vst v4  }
0xcb: {  	[tilespmem:s11+$0x8470] =	vst v5  }
0xcc: {  	[tilespmem:s11+$0x8430] =	vst v6  }
0xcd: {  	[tilespmem:s11+$0x8450] =	vst v7;
	v4 =	vld [tilespmem:s11+$0x34A0]  }
0xce: {  	v5 =	vld.idx.msk [tilespmem:v0+s11+$0x80 ss:$0x1], $0xffff  }
0xcf: {  	v6 =	vld [tilespmem:s11+$0x3480];
	_ =	sdelay $0x3  }
0xd0: {  	v8 =	vbroadcast v3, $0x5;
	v7 =	vbroadcast v3, $0x4  }
0xd1: {  	v4 =	vmul.f32 v4, v5;
	v6 =	vmul.f32 v6, v5  }
0xd2: {  	v9 =	vbroadcast v3, $0x7;
	v5 =	vbroadcast v3, $0x6  }
0xd3: {  	v10 =	vmul.f32 v4, v8;
	v6 =	vmul.f32 v6, v7  }
0xd4: {  	v11 =	vmul.f32 v4, v5;
	v4 =	vmul.f32 v4, v9  }
0xd5: {  	[tilespmem:s11+$0x8480] =	vst v6  }
0xd6: {  	[tilespmem:s11+$0x84C0] =	vst v11  }
0xd7: {  	[tilespmem:s11+$0x84A0] =	vst v10  }
0xd8: {  	[tilespmem:s11+$0x84E0] =	vst v4;
	v4 =	vld [tilespmem:s11+$0x34B0]  }
0xd9: {  	v6 =	vld.idx.msk [tilespmem:v0+s11+$0x90 ss:$0x1], $0xffff  }
0xda: {  	v10 =	vld [tilespmem:s11+$0x3490];
	_ =	sdelay $0x4  }
0xdb: {  	v4 =	vmul.f32 v4, v6;
	v10 =	vmul.f32 v10, v6;
	_ =	sdelay $0x1  }
0xdc: {  	v6 =	vmul.f32 v10, v7;
	v7 =	vmul.f32 v4, v8  }
0xdd: {  	v5 =	vmul.f32 v4, v5;
	v4 =	vmul.f32 v4, v9  }
0xde: {  	[tilespmem:s11+$0x8490] =	vst v6  }
0xdf: {  	[tilespmem:s11+$0x84D0] =	vst v5  }
0xe0: {  	[tilespmem:s11+$0x84B0] =	vst v7  }
0xe1: {  	[tilespmem:s11+$0x84F0] =	vst v4;
	v4 =	vld [tilespmem:s11+$0x3520]  }
0xe2: {  	v5 =	vld.idx.msk [tilespmem:v0+s11+$0x100 ss:$0x1], $0xffff  }
0xe3: {  	v6 =	vld [tilespmem:s11+$0x3500];
	_ =	sdelay $0x3  }
0xe4: {  	v8 =	vbroadcast v3, $0x9;
	v7 =	vbroadcast v3, $0x8  }
0xe5: {  	v4 =	vmul.f32 v4, v5;
	v6 =	vmul.f32 v6, v5  }
0xe6: {  	v9 =	vbroadcast v3, $0xB;
	v5 =	vbroadcast v3, $0xA  }
0xe7: {  	v10 =	vmul.f32 v4, v8;
	v6 =	vmul.f32 v6, v7  }
0xe8: {  	v11 =	vmul.f32 v4, v5;
	v4 =	vmul.f32 v4, v9  }
0xe9: {  	[tilespmem:s11+$0x8500] =	vst v6  }
0xea: {  	[tilespmem:s11+$0x8520] =	vst v10  }
0xeb: {  	[tilespmem:s11+$0x8560] =	vst v4  }
0xec: {  	[tilespmem:s11+$0x8540] =	vst v11;
	v4 =	vld [tilespmem:s11+$0x3530]  }
0xed: {  	v6 =	vld.idx.msk [tilespmem:v0+s11+$0x110 ss:$0x1], $0xffff  }
0xee: {  	v10 =	vld [tilespmem:s11+$0x3510];
	_ =	sdelay $0x3  }
.Ltmp1:
0xef: {  	(pc) =	sbr.rel @p0 .LBB2_5-.Ltmp1, $3  }
0xf0: {  	v11 =	vmul.f32 v4, v6;
	v10 =	vmul.f32 v10, v6;
	_ =	sdelay $0x1  }
0xf1: {  	v4 =	vmul.f32 v10, v7;
	v7 =	vmul.f32 v11, v8  }
0xf2: {  	v6 =	vmul.f32 v11, v5;
	v5 =	vmul.f32 v11, v9  }
0xf3: {  	[tilespmem:s11+$0x8530] =	vst v7  }
0xf4: {  	[tilespmem:s11+$0x8510] =	vst v4  }
0xf5: {  	[tilespmem:s11+$0x8550] =	vst v6  }
0xf6: {  	v57 =	vld [tilespmem:s11+$0x3580];
	[tilespmem:s11+$0x8570] =	vst v5  }
0xf7: {  	v4 =	vld.idx.msk [tilespmem:v0+s11+$0x180 ss:$0x1], $0xffff  }
0xf8: {  	v58 =	vld [tilespmem:s11+$0x35A0];
	_ =	sdelay $0x3  }
0xf9: {  	v59 =	vbroadcast v3, $0xC;
	v5 =	vmul.f32 v57, v4  }
0xfa: {  	v60 =	vbroadcast v3, $0xE;
	v4 =	vmul.f32 v58, v4  }
0xfb: {  	v8 =	vbroadcast v3, $0xF;
	v5 =	vmul.f32 v5, v59  }
0xfc: {  	v3 =	vbroadcast v3, $0xD;
	v9 =	vmul.f32 v4, v60  }
0xfd: {  	v10 =	vmul.f32 v4, v8;
	[tilespmem:s11+$0x8580] =	vst v5  }
0xfe: {  	v4 =	vmul.f32 v4, v3;
	[tilespmem:s11+$0x85C0] =	vst v9  }
0xff: {  	[tilespmem:s11+$0x85E0] =	vst v10  }
0x100: {  	v61 =	vld [tilespmem:s11+$0x3590];
	[tilespmem:s11+$0x85A0] =	vst v4  }
0x101: {  	v4 =	vld.idx.msk [tilespmem:v0+s11+$0x190 ss:$0x1], $0xffff  }
0x102: {  	v62 =	vld [tilespmem:s11+$0x35B0];
	_ =	sdelay $0x3  }
0x103: {  	v5 =	vmul.f32 v61, v4  }
0x104: {  	v4 =	vmul.f32 v62, v4  }
0x105: {  	v5 =	vmul.f32 v5, v59  }
0x106: {  	v3 =	vmul.f32 v4, v3  }
0x107: {  	v63 =	vmul.f32 v4, v8;
	[tilespmem:s11+$0x8590] =	vst v5  }
0x108: {  	s20 =	sadd.s32 $0x1, s20;
	v4 =	vmul.f32 v4, v60;
	[tilespmem:s11+$0x85B0] =	vst v3  }
0x109: {  	p0 =	sne.s32 s20, s8;
	[tilespmem:s11+$0x85F0] =	vst v63  }
.Ltmp2:
0x10a: {  	s23 =	sor.u32 $0x1000, s22;
	[tilespmem:s11+$0x85D0] =	vst v4;
	(pc) =	sbr.rel @p0 .LBB2_4-.Ltmp2, $4  }
0x10b: {  	[spmem:s3] =	stream.indirect.scatter.add.f32 [tilespmem:s26], [sflag:$0x2], $0x80, s23, s10, $0xb8;
	[tilespmem:$0x1E800] =	vst v63  }
0x10c: {  	_ =	swait.ge [sflag:s28], $0x2800  }
0x10d: {  	[sflag:s28] =	ssyncset.done $0x0  }
0x10e: {  	s1 =	sadd.s32 $0x1, s1;
	[sflag:s28] =	ssyncadd.s32 $0xFFFFD800  }
0x10f: {  	s0 =	stileid.u32  }
0x110: {  	[bflag:$0x0] =	sbarrier.arrive $0xFFFF;
	s0 =	sshll.u32 s0, $0x6  }
0x111: {  	s1 =	sshrl.u32 s9, $0x3;
	s11 =	rddreg [dreg:$0xa];
	s0 =	sor.u32 $0x1C02, s0  }
0x112: {  	[hbm:s11], [sflag:s0] =	dma.local [spmem:s1], $0x2780  }
0x113: {  	_ =	swait.ge [sflag:s28], $0x2780  }
0x114: {  	[sflag:s28] =	ssyncset.done $0x0  }
0x115: {  	[sflag:s28] =	ssyncadd.s32 $0xFFFFD880  }
0x116: {  	s12 =	simm.s32 $0x200;
	s11 =	simm.s32 $0x0;
	[bflag:$0x0] =	sbarrier.arrive $0xFFFF  }
.LBB2_8:
0x117: {  	p0 =	sne.s32 s12, $0x9E00;
	[tilespmem:s11+$0x8470] =	vst v2  }
0x118: {  	[tilespmem:s11+$0x8400] =	vst v2  }
0x119: {  	[tilespmem:s11+$0x8410] =	vst v2  }
.Ltmp3:
0x11a: {  	[tilespmem:s11+$0x8420] =	vst v2;
	(pc) =	sbr.rel @p0 .LBB2_8-.Ltmp3, $4  }
0x11b: {  	[tilespmem:s11+$0x8430] =	vst v2  }
0x11c: {  	[tilespmem:s11+$0x8440] =	vst v2  }
0x11d: {  	[tilespmem:s11+$0x8450] =	vst v2  }
0x11e: {  	[tilespmem:s11+$0x8460] =	vst v2;
	s11 =	sshra.s32 s12, $0x2;
	s12 =	sadd.s32 $0x200, s12  }
0x11f: {  	[tilespmem:s11+$0x8470] =	vst v2  }
0x120: {  	[tilespmem:s11+$0x8400] =	vst v2  }
0x121: {  	[tilespmem:s11+$0x8410] =	vst v2  }
0x122: {  	[tilespmem:s11+$0x8420] =	vst v2  }
0x123: {  	[tilespmem:s11+$0x8430] =	vst v2  }
0x124: {  	[tilespmem:s11+$0x8440] =	vst v2  }
0x125: {  	[tilespmem:s11+$0x8450] =	vst v2  }
0x126: {  	[tilespmem:s11+$0x8460] =	vst v2  }
0x127: {  	[spmem:s9] =	stream.linear.scatter [tilespmem:s26], [sflag:$0x2], $0x2800, $0x38;
	[tilespmem:$0x1E800] =	vst v63  }
0x128: {  	_ =	swait.ge [sflag:s28], $0x2800  }
0x129: {  	[sflag:s28] =	ssyncset.done $0x0  }
0x12a: {  	[sflag:s28] =	ssyncadd.s32 $0xFFFFD800  }
0x12b: {  	[spmem:s16] =	stream.linear.scatter [tilespmem:s26], [sflag:$0x2], $0x2800, $0x38;
	[tilespmem:$0x1E800] =	vst v63  }
0x12c: {  	_ =	swait.ge [sflag:s28], $0x2800  }
0x12d: {  	[sflag:s28] =	ssyncset.done $0x0  }
0x12e: {  	s14 =	rddreg [dreg:$0x4];
	[sflag:s28] =	ssyncadd.s32 $0xFFFFD800  }
0x12f: {  	[spmem:s14] =	stream.linear.scatter [tilespmem:s26], [sflag:$0x2], $0x2800, $0x38;
	[tilespmem:$0x1E800] =	vst v63  }
0x130: {  	_ =	swait.ge [sflag:s28], $0x2800  }
0x131: {  	[sflag:s28] =	ssyncset.done $0x0  }
0x132: {  	s15 =	rddreg [dreg:$0x5];
	[sflag:s28] =	ssyncadd.s32 $0xFFFFD800  }
0x133: {  	[spmem:s15] =	stream.linear.scatter [tilespmem:s26], [sflag:$0x2], $0x2800, $0x38;
	[tilespmem:$0x1E800] =	vst v63  }
0x134: {  	_ =	swait.ge [sflag:s28], $0x2800  }
0x135: {  	[sflag:s28] =	ssyncset.done $0x0  }
0x136: {  	s17 =	smov.u32 s16;
	s16 =	rddreg [dreg:$0x6];
	[sflag:s28] =	ssyncadd.s32 $0xFFFFD800  }
0x137: {  	[spmem:s16] =	stream.linear.scatter [tilespmem:s26], [sflag:$0x2], $0x2800, $0x38;
	[tilespmem:$0x1E800] =	vst v63  }
0x138: {  	_ =	swait.ge [sflag:s28], $0x2800  }
0x139: {  	[sflag:s28] =	ssyncset.done $0x0  }
0x13a: {  	s20 =	rddreg [dreg:$0x7];
	[sflag:s28] =	ssyncadd.s32 $0xFFFFD800  }
0x13b: {  	[spmem:s20] =	stream.linear.scatter [tilespmem:s26], [sflag:$0x2], $0x2800, $0x38;
	[tilespmem:$0x1E800] =	vst v63  }
0x13c: {  	_ =	swait.ge [sflag:s28], $0x2800  }
0x13d: {  	[sflag:s28] =	ssyncset.done $0x0  }
0x13e: {  	s22 =	rddreg [dreg:$0x8];
	[sflag:s28] =	ssyncadd.s32 $0xFFFFD800  }
0x13f: {  	[spmem:s22] =	stream.linear.scatter [tilespmem:s26], [sflag:$0x2], $0x2800, $0x38;
	[tilespmem:$0x1E800] =	vst v63  }
0x140: {  	_ =	swait.ge [sflag:s28], $0x2800  }
0x141: {  	[sflag:s28] =	ssyncset.done $0x0  }
0x142: {  	s23 =	rddreg [dreg:$0x9];
	[sflag:s28] =	ssyncadd.s32 $0xFFFFD800  }
0x143: {  	[spmem:s23] =	stream.linear.scatter [tilespmem:s26], [sflag:$0x2], $0x2400, $0x38;
	[tilespmem:$0x1E800] =	vst v63  }
0x144: {  	_ =	swait.ge [sflag:s28], $0x2400  }
0x145: {  	[sflag:s28] =	ssyncset.done $0x0  }
0x146: {  	s20 =	simm.s32 $0x0;
	[sflag:s28] =	ssyncadd.s32 $0xFFFFDC00  }
0x147: {  	s22 =	simm.s32 $0x0;
	s23 =	simm.s32 $0x0;
	[bflag:$0x0] =	sbarrier.arrive $0xFFFF  }
.LBB2_10:
0x148: {  	s11 =	sand.u32 $0x1F, s23  }
0x149: {  	p0 =	sne.s32 s11, $0x0  }
0x14a: {  	s12 =	sshll.u32 @!p0 s23, $0x7  }
0x14b: {  	s12 =	sadd.s32 @!p0 s25, s12  }
0x14c: {  	s12 =	sshrl.u32 @!p0 s12, $0x3  }
0x14d: {  	s14 =	simm.s32 @!p0 $0x0;
	s15 =	simm.s32 @!p0 $0x1000;
	s13 =	sadd.s32 @!p0 s7, s12  }
0x14e: {  	[tilespmem:s15], [sflag:$0x2] =	stream.linear.gather @!p0 [hbm4b:s13+s14], $0x1000, $0x38;
	[tilespmem:$0x1E800] =	vst v63  }
0x14f: {  	s13 =	simm.s32 @!p0 $0x2  }
0x150: {  	_ =	swait.ge @!p0 [sflag:s13], $0x1000  }
0x151: {  	s15 =	sand.u32 $0xF, s23;
	[sflag:s13] =	ssyncset.done @!p0 $0x0  }
0x152: {  	s12 =	sadd.s32 @!p0 s6, s12;
	p1 =	sne.s32 s15, $0x0;
	[sflag:s13] =	ssyncadd.s32 @!p0 $0xFFFFF000  }
0x153: {  	[tilespmem:s14], [sflag:$0x2] =	stream.linear.gather @!p0 [hbm4b:s12+s14], $0x1000, $0x38;
	[tilespmem:$0x1E800] =	vst v63  }
0x154: {  	s12 =	sshrl.u32 @!p1 s23, $0x4  }
0x155: {  	_ =	swait.ge @!p0 [sflag:s13], $0x1000;
	s12 =	smul.u32 @!p1 $0x280, s12  }
0x156: {  	s14 =	simm.s32 @!p1 $0x2000;
	[sflag:s13] =	ssyncset.done @!p0 $0x0  }
0x157: {  	[sflag:s13] =	ssyncadd.s32 @!p0 $0xFFFFF000;
	s12 =	sadd.s32 @!p1 s18, s12;
	s13 =	simm.s32 @!p1 $0x0  }
0x158: {  	[tilespmem:s14], [sflag:$0x2] =	stream.linear.gather @!p1 [hbm4b:s12+s13], $0x1400, $0x38;
	[tilespmem:$0x1E800] =	vst v63  }
0x159: {  	s16 =	smul.u32 $0x50, s23;
	s12 =	simm.s32 @!p1 $0x2  }
0x15a: {  	_ =	swait.ge @!p1 [sflag:s12], $0x1400  }
0x15b: {  	s13 =	sadd.s32 s24, s16;
	[sflag:s12] =	ssyncset.done @!p1 $0x0  }
0x15c: {  	s11 =	sshll.u32 s11, $0x7;
	s14 =	sshll.u32 s13, $0x7;
	[sflag:s12] =	ssyncadd.s32 @!p1 $0xFFFFEC00  }
0x15d: {  	[tilespmem:s29], [sflag:$0x1] =	stream.indirect.gather [hbm4b:s2+s10], $0x80, s11, s10, $0xb8;
	[tilespmem:$0x1E800] =	vst v63  }
0x15e: {  	s12 =	sadd.s32 s21, s14;
	_ =	swait.ge [sflag:s30], $0x2800  }
0x15f: {  	s12 =	sshrl.u32 s12, $0x3;
	[sflag:s30] =	ssyncset.done $0x0  }
0x160: {  	s15 =	sand.u32 $0xF, s22;
	s12 =	sadd.s32 s5, s12;
	[sflag:s30] =	ssyncadd.s32 $0xFFFFD800  }
0x161: {  	[tilespmem:s31], [sflag:$0x2] =	stream.linear.gather [hbm4b:s12+s20], $0x2800, $0x38;
	[tilespmem:$0x1E800] =	vst v63  }
0x162: {  	s13 =	smul.u32 $0x140, s15;
	_ =	swait.ge [sflag:s28], $0x2800  }
0x163: {  	[sflag:s28] =	ssyncset.done $0x0  }
0x164: {  	s16 =	sand.u32 $0x3FF0, s13;
	[sflag:s28] =	ssyncadd.s32 $0xFFFFD800  }
0x165: {  	s12 =	simm.s32 $0x0;
	v3 =	vld [tilespmem:s16+$0x2000]  }
0x166: {  	v4 =	vld.idx.msk [tilespmem:v1+s12+$0xFFFFFE70 ss:$0x1], $0xffff  }
0x167: {  	v5 =	vld [tilespmem:s12+$0x3400];
	_ =	sdelay $0x1  }
0x168: {  	v6 =	vld [tilespmem:s12+$0x3420];
	_ =	sdelay $0x2  }
0x169: {  	v7 =	vbroadcast v3, $0x0;
	v5 =	vmul.f32 v5, v4  }
0x16a: {  	v8 =	vbroadcast v3, $0x3  }
0x16b: {  	v4 =	vmul.f32 v6, v4;
	v5 =	vmul.f32 v5, v7  }
0x16c: {  	v6 =	vbroadcast v3, $0x1  }
0x16d: {  	v9 =	vmul.f32 v4, v8;
	[tilespmem:s12+$0x8400] =	vst v5;
	v5 =	vbroadcast v3, $0x2  }
0x16e: {  	v10 =	vmul.f32 v4, v6  }
0x16f: {  	[tilespmem:s12+$0x8460] =	vst v9;
	v4 =	vmul.f32 v4, v5  }
0x170: {  	[tilespmem:s12+$0x8420] =	vst v10  }
0x171: {  	v55 =	vld [tilespmem:s12+$0x3410];
	[tilespmem:s12+$0x8440] =	vst v4  }
0x172: {  	v4 =	vld.idx.msk [tilespmem:v1+s12+$0xFFFFFE80 ss:$0x1], $0xffff  }
0x173: {  	v11 =	vld [tilespmem:s12+$0x3430];
	_ =	sdelay $0x3  }
0x174: {  	v9 =	vmul.f32 v55, v4  }
0x175: {  	v4 =	vmul.f32 v11, v4  }
0x176: {  	v7 =	vmul.f32 v9, v7  }
0x177: {  	v8 =	vmul.f32 v4, v8  }
0x178: {  	v6 =	vmul.f32 v4, v6;
	[tilespmem:s12+$0x8410] =	vst v7  }
0x179: {  	v4 =	vmul.f32 v4, v5;
	[tilespmem:s12+$0x8470] =	vst v8  }
0x17a: {  	[tilespmem:s12+$0x8430] =	vst v6  }
0x17b: {  	v5 =	vld [tilespmem:s12+$0x3480];
	[tilespmem:s12+$0x8450] =	vst v4  }
0x17c: {  	v4 =	vld.idx.msk [tilespmem:v1+s12+$0xFFFFFEF0 ss:$0x1], $0xffff  }
0x17d: {  	v6 =	vld [tilespmem:s12+$0x34A0];
	_ =	sdelay $0x3  }
0x17e: {  	v7 =	vbroadcast v3, $0x4;
	v5 =	vmul.f32 v5, v4  }
0x17f: {  	v4 =	vmul.f32 v6, v4;
	v6 =	vbroadcast v3, $0x6  }
0x180: {  	v8 =	vbroadcast v3, $0x5;
	v5 =	vmul.f32 v5, v7  }
0x181: {  	v56 =	vbroadcast v3, $0x7;
	v57 =	vmul.f32 v4, v6  }
0x182: {  	v58 =	vmul.f32 v4, v8;
	[tilespmem:s12+$0x8480] =	vst v5  }
0x183: {  	v4 =	vmul.f32 v4, v56;
	[tilespmem:s12+$0x84C0] =	vst v57  }
0x184: {  	[tilespmem:s12+$0x84A0] =	vst v58  }
0x185: {  	[tilespmem:s12+$0x84E0] =	vst v4;
	v5 =	vld [tilespmem:s12+$0x3490]  }
0x186: {  	v4 =	vld.idx.msk [tilespmem:v1+s12+$0xFFFFFF00 ss:$0x1], $0xffff  }
0x187: {  	v59 =	vld [tilespmem:s12+$0x34B0];
	_ =	sdelay $0x3  }
0x188: {  	v5 =	vmul.f32 v5, v4  }
0x189: {  	v4 =	vmul.f32 v59, v4  }
0x18a: {  	v5 =	vmul.f32 v5, v7  }
0x18b: {  	v6 =	vmul.f32 v4, v6  }
0x18c: {  	v7 =	vmul.f32 v4, v8;
	[tilespmem:s12+$0x8490] =	vst v5  }
0x18d: {  	v4 =	vmul.f32 v4, v56;
	[tilespmem:s12+$0x84D0] =	vst v6  }
0x18e: {  	[tilespmem:s12+$0x84B0] =	vst v7  }
0x18f: {  	[tilespmem:s12+$0x84F0] =	vst v4;
	v5 =	vld [tilespmem:s12+$0x3500]  }
0x190: {  	v4 =	vld.idx.msk [tilespmem:v1+s12+$0xFFFFFF70 ss:$0x1], $0xffff  }
0x191: {  	v6 =	vld [tilespmem:s12+$0x3520];
	_ =	sdelay $0x3  }
0x192: {  	v7 =	vbroadcast v3, $0x8;
	v5 =	vmul.f32 v5, v4  }
0x193: {  	v8 =	vbroadcast v3, $0x9;
	v4 =	vmul.f32 v6, v4  }
0x194: {  	v60 =	vbroadcast v3, $0xB;
	v5 =	vmul.f32 v5, v7  }
0x195: {  	v6 =	vbroadcast v3, $0xA;
	v61 =	vmul.f32 v4, v8  }
0x196: {  	v62 =	vmul.f32 v4, v60;
	[tilespmem:s12+$0x8500] =	vst v5  }
0x197: {  	v4 =	vmul.f32 v4, v6;
	[tilespmem:s12+$0x8520] =	vst v61  }
0x198: {  	v63 =	vld [tilespmem:s12+$0x3510];
	[tilespmem:s12+$0x8560] =	vst v62  }
0x199: {  	[tilespmem:s12+$0x8540] =	vst v4;
	v4 =	vld [tilespmem:s12+$0x3530]  }
0x19a: {  	v5 =	vld.idx.msk [tilespmem:v1+s12+$0xFFFFFF80 ss:$0x1], $0xffff;
	_ =	sdelay $0x4  }
0x19b: {  	v10 =	vmul.f32 v63, v5;
	v5 =	vmul.f32 v4, v5;
	_ =	sdelay $0x1  }
0x19c: {  	v4 =	vmul.f32 v10, v7;
	v7 =	vmul.f32 v5, v8  }
0x19d: {  	s14 =	simm.s32 $0x800;
	v6 =	vmul.f32 v5, v6;
	v5 =	vmul.f32 v5, v60  }
.LBB2_11:
0x19e: {  	p0 =	sne.s32 s14, $0x9800  }
0x19f: {  	[tilespmem:s12+$0x8530] =	vst v7;
	s13 =	sadd.s32 $0x10, s13;
	s15 =	smov.u32 s14;
	s14 =	sadd.s32 $0x800, s14  }
0x1a0: {  	[tilespmem:s12+$0x8550] =	vst v6  }
0x1a1: {  	[tilespmem:s12+$0x8510] =	vst v4  }
0x1a2: {  	[tilespmem:s12+$0x8570] =	vst v5;
	v4 =	vld [tilespmem:s12+$0x35A0]  }
0x1a3: {  	v5 =	vld.idx.msk [tilespmem:v1+s12+$0xFFFFFFF0 ss:$0x1], $0xffff  }
0x1a4: {  	v6 =	vld [tilespmem:s12+$0x3580];
	_ =	sdelay $0x3  }
0x1a5: {  	v7 =	vbroadcast v3, $0xC;
	v8 =	vbroadcast v3, $0xD  }
0x1a6: {  	v4 =	vmul.f32 v4, v5;
	v6 =	vmul.f32 v6, v5  }
0x1a7: {  	v5 =	vbroadcast v3, $0xE;
	v3 =	vbroadcast v3, $0xF  }
0x1a8: {  	v9 =	vmul.f32 v4, v8;
	v6 =	vmul.f32 v6, v7  }
0x1a9: {  	v10 =	vmul.f32 v4, v5;
	v4 =	vmul.f32 v4, v3  }
0x1aa: {  	[tilespmem:s12+$0x8580] =	vst v6  }
0x1ab: {  	[tilespmem:s12+$0x85C0] =	vst v10  }
0x1ac: {  	[tilespmem:s12+$0x85E0] =	vst v4  }
0x1ad: {  	[tilespmem:s12+$0x85A0] =	vst v9;
	v4 =	vld [tilespmem:s12+$0x35B0]  }
0x1ae: {  	v6 =	vld.idx.msk [tilespmem:v1+s12+$0x0 ss:$0x1], $0xffff  }
0x1af: {  	v9 =	vld [tilespmem:s12+$0x3590];
	_ =	sdelay $0x4  }
0x1b0: {  	v4 =	vmul.f32 v4, v6;
	v9 =	vmul.f32 v9, v6  }
0x1b1: {  	s15 =	sshra.s32 s15, $0x2  }
0x1b2: {  	v6 =	vmul.f32 v9, v7;
	v7 =	vmul.f32 v4, v8  }
0x1b3: {  	v5 =	vmul.f32 v4, v5;
	v3 =	vmul.f32 v4, v3  }
0x1b4: {  	v4 =	vld [tilespmem:s15+$0x3420];
	[tilespmem:s12+$0x8590] =	vst v6  }
0x1b5: {  	[tilespmem:s12+$0x85B0] =	vst v7  }
0x1b6: {  	[tilespmem:s12+$0x85F0] =	vst v3  }
0x1b7: {  	s16 =	sand.u32 $0x3FF0, s13;
	[tilespmem:s12+$0x85D0] =	vst v5;
	s12 =	smov.u32 s15  }
0x1b8: {  	v3 =	vld [tilespmem:s16+$0x2000]  }
0x1b9: {  	v5 =	vld.idx.msk [tilespmem:v1+s12+$0xFFFFFE70 ss:$0x1], $0xffff  }
0x1ba: {  	v6 =	vld [tilespmem:s12+$0x3400];
	_ =	sdelay $0x2  }
0x1bb: {  	v7 =	vbroadcast v3, $0x0;
	v8 =	vbroadcast v3, $0x1  }
0x1bc: {  	v9 =	vbroadcast v3, $0x2;
	v10 =	vbroadcast v3, $0x3  }
0x1bd: {  	v4 =	vmul.f32 v4, v5;
	v6 =	vmul.f32 v6, v5;
	_ =	sdelay $0x1  }
0x1be: {  	v5 =	vmul.f32 v6, v7;
	v6 =	vmul.f32 v4, v8  }
0x1bf: {  	v11 =	vmul.f32 v4, v9;
	v4 =	vmul.f32 v4, v10  }
0x1c0: {  	[tilespmem:s12+$0x8400] =	vst v5;
	v5 =	vld [tilespmem:s12+$0x3430]  }
0x1c1: {  	[tilespmem:s12+$0x8460] =	vst v4  }
0x1c2: {  	[tilespmem:s12+$0x8420] =	vst v6;
	v4 =	vld [tilespmem:s12+$0x3410]  }
0x1c3: {  	[tilespmem:s12+$0x8440] =	vst v11  }
0x1c4: {  	v6 =	vld.idx.msk [tilespmem:v1+s12+$0xFFFFFE80 ss:$0x1], $0xffff;
	_ =	sdelay $0x5  }
0x1c5: {  	v4 =	vmul.f32 v4, v6;
	v5 =	vmul.f32 v5, v6;
	_ =	sdelay $0x1  }
0x1c6: {  	v4 =	vmul.f32 v4, v7;
	v6 =	vmul.f32 v5, v8  }
0x1c7: {  	v7 =	vmul.f32 v5, v9;
	v5 =	vmul.f32 v5, v10  }
0x1c8: {  	[tilespmem:s12+$0x8410] =	vst v4  }
0x1c9: {  	[tilespmem:s12+$0x8470] =	vst v5  }
0x1ca: {  	[tilespmem:s12+$0x8430] =	vst v6  }
0x1cb: {  	[tilespmem:s12+$0x8450] =	vst v7;
	v4 =	vld [tilespmem:s12+$0x34A0]  }
0x1cc: {  	v5 =	vld.idx.msk [tilespmem:v1+s12+$0xFFFFFEF0 ss:$0x1], $0xffff  }
0x1cd: {  	v6 =	vld [tilespmem:s12+$0x3480];
	_ =	sdelay $0x3  }
0x1ce: {  	v8 =	vbroadcast v3, $0x5;
	v7 =	vbroadcast v3, $0x4  }
0x1cf: {  	v4 =	vmul.f32 v4, v5;
	v6 =	vmul.f32 v6, v5  }
0x1d0: {  	v9 =	vbroadcast v3, $0x7;
	v5 =	vbroadcast v3, $0x6  }
0x1d1: {  	v10 =	vmul.f32 v4, v8;
	v6 =	vmul.f32 v6, v7  }
0x1d2: {  	v11 =	vmul.f32 v4, v5;
	v4 =	vmul.f32 v4, v9  }
0x1d3: {  	[tilespmem:s12+$0x8480] =	vst v6  }
0x1d4: {  	[tilespmem:s12+$0x84C0] =	vst v11  }
0x1d5: {  	[tilespmem:s12+$0x84A0] =	vst v10  }
0x1d6: {  	[tilespmem:s12+$0x84E0] =	vst v4;
	v4 =	vld [tilespmem:s12+$0x34B0]  }
0x1d7: {  	v6 =	vld.idx.msk [tilespmem:v1+s12+$0xFFFFFF00 ss:$0x1], $0xffff  }
0x1d8: {  	v10 =	vld [tilespmem:s12+$0x3490];
	_ =	sdelay $0x4  }
0x1d9: {  	v4 =	vmul.f32 v4, v6;
	v10 =	vmul.f32 v10, v6;
	_ =	sdelay $0x1  }
0x1da: {  	v6 =	vmul.f32 v10, v7;
	v7 =	vmul.f32 v4, v8  }
0x1db: {  	v5 =	vmul.f32 v4, v5;
	v4 =	vmul.f32 v4, v9  }
0x1dc: {  	[tilespmem:s12+$0x8490] =	vst v6  }
0x1dd: {  	[tilespmem:s12+$0x84D0] =	vst v5  }
0x1de: {  	[tilespmem:s12+$0x84B0] =	vst v7  }
0x1df: {  	[tilespmem:s12+$0x84F0] =	vst v4;
	v4 =	vld [tilespmem:s12+$0x3520]  }
0x1e0: {  	v5 =	vld.idx.msk [tilespmem:v1+s12+$0xFFFFFF70 ss:$0x1], $0xffff  }
0x1e1: {  	v6 =	vld [tilespmem:s12+$0x3500];
	_ =	sdelay $0x3  }
0x1e2: {  	v8 =	vbroadcast v3, $0x9;
	v7 =	vbroadcast v3, $0x8  }
0x1e3: {  	v4 =	vmul.f32 v4, v5;
	v6 =	vmul.f32 v6, v5  }
0x1e4: {  	v9 =	vbroadcast v3, $0xB;
	v5 =	vbroadcast v3, $0xA  }
0x1e5: {  	v10 =	vmul.f32 v4, v8;
	v6 =	vmul.f32 v6, v7  }
0x1e6: {  	v11 =	vmul.f32 v4, v5;
	v4 =	vmul.f32 v4, v9  }
0x1e7: {  	[tilespmem:s12+$0x8500] =	vst v6  }
0x1e8: {  	[tilespmem:s12+$0x8520] =	vst v10  }
0x1e9: {  	[tilespmem:s12+$0x8560] =	vst v4  }
0x1ea: {  	[tilespmem:s12+$0x8540] =	vst v11;
	v4 =	vld [tilespmem:s12+$0x3530]  }
0x1eb: {  	v6 =	vld.idx.msk [tilespmem:v1+s12+$0xFFFFFF80 ss:$0x1], $0xffff  }
0x1ec: {  	v10 =	vld [tilespmem:s12+$0x3510];
	_ =	sdelay $0x3  }
.Ltmp4:
0x1ed: {  	(pc) =	sbr.rel @p0 .LBB2_11-.Ltmp4, $3  }
0x1ee: {  	v11 =	vmul.f32 v4, v6;
	v10 =	vmul.f32 v10, v6;
	_ =	sdelay $0x1  }
0x1ef: {  	v4 =	vmul.f32 v10, v7;
	v7 =	vmul.f32 v11, v8  }
0x1f0: {  	v6 =	vmul.f32 v11, v5;
	v5 =	vmul.f32 v11, v9  }
0x1f1: {  	[tilespmem:s12+$0x8530] =	vst v7  }
0x1f2: {  	[tilespmem:s12+$0x8510] =	vst v4  }
0x1f3: {  	[tilespmem:s12+$0x8550] =	vst v6  }
0x1f4: {  	v57 =	vld [tilespmem:s12+$0x3580];
	[tilespmem:s12+$0x8570] =	vst v5  }
0x1f5: {  	v4 =	vld.idx.msk [tilespmem:v1+s12+$0xFFFFFFF0 ss:$0x1], $0xffff  }
0x1f6: {  	v58 =	vld [tilespmem:s12+$0x35A0];
	_ =	sdelay $0x3  }
0x1f7: {  	v59 =	vbroadcast v3, $0xC;
	v5 =	vmul.f32 v57, v4  }
0x1f8: {  	v60 =	vbroadcast v3, $0xE;
	v4 =	vmul.f32 v58, v4  }
0x1f9: {  	v8 =	vbroadcast v3, $0xF;
	v5 =	vmul.f32 v5, v59  }
0x1fa: {  	v3 =	vbroadcast v3, $0xD;
	v9 =	vmul.f32 v4, v60  }
0x1fb: {  	v10 =	vmul.f32 v4, v8;
	[tilespmem:s12+$0x8580] =	vst v5  }
0x1fc: {  	v4 =	vmul.f32 v4, v3;
	[tilespmem:s12+$0x85C0] =	vst v9  }
0x1fd: {  	[tilespmem:s12+$0x85E0] =	vst v10  }
0x1fe: {  	v61 =	vld [tilespmem:s12+$0x3590];
	[tilespmem:s12+$0x85A0] =	vst v4  }
0x1ff: {  	v4 =	vld.idx.msk [tilespmem:v1+s12+$0x0 ss:$0x1], $0xffff  }
0x200: {  	v62 =	vld [tilespmem:s12+$0x35B0];
	_ =	sdelay $0x3  }
0x201: {  	v5 =	vmul.f32 v61, v4  }
0x202: {  	v4 =	vmul.f32 v62, v4  }
0x203: {  	v5 =	vmul.f32 v5, v59  }
0x204: {  	v3 =	vmul.f32 v4, v3  }
0x205: {  	v63 =	vmul.f32 v4, v8;
	[tilespmem:s12+$0x8590] =	vst v5  }
0x206: {  	s23 =	sadd.s32 $0x1, s23;
	v4 =	vmul.f32 v4, v60;
	[tilespmem:s12+$0x85B0] =	vst v3  }
0x207: {  	p0 =	sne.s32 s23, s8;
	[tilespmem:s12+$0x85F0] =	vst v63  }
.Ltmp5:
0x208: {  	s11 =	sor.u32 $0x1000, s11;
	[tilespmem:s12+$0x85D0] =	vst v4;
	(pc) =	sbr.rel @p0 .LBB2_10-.Ltmp5, $4  }
0x209: {  	[spmem:s3] =	stream.indirect.scatter.add.f32 [tilespmem:s26], [sflag:$0x2], $0x80, s11, s10, $0xb8;
	[tilespmem:$0x1E800] =	vst v63  }
0x20a: {  	_ =	swait.ge [sflag:s28], $0x2800  }
0x20b: {  	[sflag:s28] =	ssyncset.done $0x0  }
0x20c: {  	s22 =	sadd.s32 $0x1, s22;
	[sflag:s28] =	ssyncadd.s32 $0xFFFFD800  }
0x20d: {  	[bflag:$0x0] =	sbarrier.arrive $0xFFFF  }
0x20e: {  	s11 =	rddreg [dreg:$0xb]  }
0x20f: {  	[hbm:s11], [sflag:s0] =	dma.local [spmem:s1], $0x2780  }
0x210: {  	_ =	swait.ge [sflag:s28], $0x2780  }
0x211: {  	s4 =	sadd.s32 $0x1, s4;
	s23 =	rddreg [dreg:$0xc]  }
0x212: {  	p0 =	sne.s32 s4, s23  }
.Ltmp6:
0x213: {  	_ = 	snop;
	(pc) =	sbr.rel @p0 .LBB2_1-.Ltmp6, $4  }
0x214: {  	[sflag:s28] =	ssyncset.done $0x0  }
0x215: {  	[sflag:s28] =	ssyncadd.s32 $0xFFFFD880  }
0x216: {  	[bflag:$0x0] =	sbarrier.arrive $0xFFFF  }
0x217: {  	s16 =	smov.u32 s17  }
0x218: {  	_ =	sfence.sel $0x180000  }
0x219: {  	[bflag:$0x0] =	sbarrier.arrive $0xFFFF  }
0x21a: {  	_ =	strace $0x90000047  }
0x21b: {  	s0 =	stileid.u32;
	[bflag:$0x2] =	sbarrier.arrive $0xFFFF  }
0x21c: {  	p0 =	sne.s32 s0, $0x0;
	s0 =	rddreg [dreg:$0x3]  }
0x21d: {  	s0 =	sadd.s32 @!p0 $0x100000, s0  }
0x21e: {  	[sflag:s0] =	ssyncadd.tile.s32 @!p0 $0x1;
	_ =	shalt  }
.Lfunc_end2:
_tile_overlayer_lowered:
.L_overlay_start_2:
0x21f: {  	(tag) =	ssettag $0x2  }
0x220: {  	s0 =	rddreg [dreg:$0x0];
	s2 =	stileid.u32  }
0x221: {  	s1 =	rddreg [dreg:$0x1];
	p0 =	sne.s32 s2, $0x0  }
0x222: {  	s3 =	rddreg [dreg:$0x2];
	[bflag:$0x3] =	sbarrier.arrive $0xFFFF;
	s2 =	simm.s32 @!p0 $0x1C02  }
0x223: {  	[timem:s3], [sflag:s2] =	dma.local @!p0 [hbm:s0], s1  }
0x224: {  	s0 =	simm.s32 @!p0 $0x2  }
0x225: {  	_ =	swait.ge @!p0 [sflag:s0], s1  }
0x226: {  	s1 =	ssub.s32 @!p0 $0x0, s1;
	[sflag:s0] =	ssyncset.done @!p0 $0x0  }
0x227: {  	[sflag:s0] =	ssyncadd.s32 @!p0 s1  }
0x228: {  	[bflag:$0x3] =	sbarrier.arrive $0xFFFF  }
0x229: {  	_ =	shalt  }

</sc_bundles>
